<compile_context>
chip_gen: v7x
topology: tpu7x:2x2x1
jax: 0.10.2.dev20260603
libtpu: 0.0.44.dev20260713+nightly
codegen_flags: <defaults>
</compile_context>

<pallas_src>
import functools

import jax
import jax.numpy as jnp
from jax import lax
from jax.experimental import pallas as pl
from jax.experimental.pallas import tpu as pltpu
from jax.experimental.pallas import tpu_sc as plsc

_BATCH = 16384
_DIM = 32
_DIML = 16
_ENTS = 1000000
_RELS = 1000
_LANES = 16
_NC = 2
_NS = 16
_NW = _NC * _NS
_BPW = _BATCH // _NS
_NOCC = 2 * _BPW
_BPW_B = _BATCH // _NW

_W_E = 16384
_NFULL = 61
_TAIL0 = _NFULL * _W_E
_TAIL = _ENTS - _TAIL0
_TAIL_A = 512
_TAIL_B = _TAIL - _TAIL_A
_TAIL_P = 640
_WWORDS = _DIML * _W_E


@functools.cache
def _build_scan_kernel():
    mesh = plsc.VectorSubcoreMesh(core_axis_name="c", subcore_axis_name="s")

    @functools.partial(
        pl.kernel,
        mesh=mesh,
        compiler_params=pltpu.CompilerParams(
            needs_layout_passes=False, use_tc_tiling_on_sc=True),
        out_type=(
            jax.ShapeDtypeStruct((_NC * _BATCH,), jnp.float32),
        ),
        scratch_types=(
            pltpu.VMEM((_NOCC,), jnp.int32),
            pltpu.VMEM((_BPW,), jnp.int32),
            pltpu.VMEM((_BPW,), jnp.float32),
            pltpu.VMEM((2 * _DIML * _BPW,), jnp.float32),
            pltpu.VMEM((_DIML * _RELS,), jnp.float32),
            pltpu.VMEM((_DIML * _TAIL_P,), jnp.float32),
            pltpu.VMEM((128,), jnp.int32),
            pltpu.VMEM((144,), jnp.int32),
            pltpu.VMEM((128,), jnp.int32),
            pltpu.VMEM((_LANES,), jnp.int32),
            pltpu.VMEM((_NOCC + 16,), jnp.int32),
            pltpu.VMEM((_DIML * _LANES,), jnp.int32),
            pltpu.VMEM((_DIML * _LANES,), jnp.float32),
            pltpu.VMEM_SHARED((_WWORDS,), jnp.float32),
            pltpu.VMEM_SHARED((_WWORDS,), jnp.float32),
            pltpu.SemaphoreType.DMA,
            pltpu.SemaphoreType.DMA,
            pltpu.SemaphoreType.DMA,
            pltpu.SemaphoreType.DMA,
        ),
    )
    def scan_sc(h_hbm, r_hbm, t_hbm, ent_hbm, rel_hbm, tl_hbm,
                pa_hbm,
                occ_v, ri_v, ac_v, ht_v, rel_v, tail_v, hist_v,
                base_v, next_v, tmp_v, wl_v, off_v, val_v,
                spm0, spm1, sem_a, sem_b, sem_g, sem_s):
        cidx = lax.axis_index("c")
        sidx = lax.axis_index("s")
        base = sidx * _BPW
        d0 = cidx * _DIML

        dg = d0 + sidx

        def fire_window(spm, sem, w0):
            pltpu.async_copy(
                ent_hbm.at[dg // 8, dg % 8, pl.ds(w0, _W_E)],
                spm.at[pl.ds(sidx * _W_E, _W_E)], sem)

        def drain_window(spm, sem):
            pltpu.make_async_copy(
                ent_hbm.at[dg // 8, dg % 8, pl.ds(0, _W_E)],
                spm.at[pl.ds(sidx * _W_E, _W_E)], sem).wait()

        stage = [
            pltpu.async_copy(h_hbm.at[pl.ds(base, _BPW)],
                             occ_v.at[pl.ds(0, _BPW)], sem_s),
            pltpu.async_copy(t_hbm.at[pl.ds(base, _BPW)],
                             occ_v.at[pl.ds(_BPW, _BPW)], sem_s),
            pltpu.async_copy(r_hbm.at[pl.ds(base, _BPW)], ri_v, sem_s),
            pltpu.async_copy(rel_hbm.at[pl.ds(cidx * _DIML * _RELS,
                                              _DIML * _RELS)],
                             rel_v, sem_s),
        ]
        for dl in range(_DIML):
            stage.append(pltpu.async_copy(
                ent_hbm.at[(d0 + dl) // 8, (d0 + dl) % 8,
                           pl.ds(_TAIL0, _TAIL_A)],
                tail_v.at[pl.ds(dl * _TAIL_P, _TAIL_A)], sem_s))
            stage.append(pltpu.async_copy(
                tl_hbm.at[pl.ds((d0 + dl) * _TAIL_B, _TAIL_B)],
                tail_v.at[pl.ds(dl * _TAIL_P + _TAIL_A, _TAIL_B)], sem_s))

        fire_window(spm0, sem_a, 0)
        fire_window(spm1, sem_b, _W_E)

        for c in stage:
            c.wait()

        iota16 = lax.iota(jnp.int32, _LANES)
        zeros16 = jnp.zeros((_LANES,), jnp.int32)
        ones16 = jnp.ones((_LANES,), jnp.int32)
        for q in range(8):
            hist_v[pl.ds(q * _LANES, _LANES)] = zeros16

        def hbody(k, _):
            e = occ_v[pl.ds(k * _LANES, _LANES)]
            plsc.addupdate_scatter(hist_v, [e >> 14], ones16)
            return 0

        lax.fori_loop(0, _NOCC // _LANES, hbody, 0)

        carry = jnp.int32(0)
        for q in range(8):
            c = hist_v[pl.ds(q * _LANES, _LANES)]
            cs = plsc.cumsum(c)
            b16 = cs - c + carry
            base_v[pl.ds(q * _LANES, _LANES)] = b16
            next_v[pl.ds(q * _LANES, _LANES)] = b16
            carry = carry + jnp.max(cs)

        def sbody(k, _):
            e = occ_v[pl.ds(k * _LANES, _LANES)]
            wv = e >> 14
            pv = ((e & (_W_E - 1)) << 11) | (k * _LANES + iota16)
            ws, ps = plsc.sort_key_val(wv, pv)
            tmp_v[...] = ws
            prev = plsc.load_gather(tmp_v, [jnp.maximum(iota16 - 1, 0)])
            s = (ws != prev) | (iota16 == 0)
            runid = plsc.cummax(jnp.where(s, iota16, 0))
            rank = iota16 - runid
            ocnt = plsc.load_gather(next_v, [ws])
            plsc.store_scatter(wl_v, [ocnt + rank], ps)
            plsc.addupdate_scatter(next_v, [ws], ones16)
            return 0

        lax.fori_loop(0, _NOCC // _LANES, sbody, 0)

        def extract(spm, w):
            sv = base_v[pl.ds(w, _LANES)]
            start = sv[0]
            stop = sv[1]

            def pbody(j, _):
                pos = start + j * _LANES
                pv = wl_v[pl.ds(pos, _LANES)]
                mm = (pos + iota16) < stop
                el = (pv >> 11) & (_W_E - 1)
                sl = pv & (_NOCC - 1)
                for dl in range(_DIML):
                    off_v[pl.ds(dl * _LANES, _LANES)] = el + dl * _W_E
                gs = [pltpu.async_copy(
                    spm.at[off_v.at[pl.ds(q * 128, 128)]],
                    val_v.at[pl.ds(q * 128, 128)], sem_g)
                    for q in range(_DIML * _LANES // 128)]
                for g in gs:
                    g.wait()
                sb = sl + jnp.where(sl >= _BPW,
                                    jnp.int32(_DIML * _BPW - _BPW),
                                    jnp.int32(0))
                for dl in range(_DIML):
                    v = val_v[pl.ds(dl * _LANES, _LANES)]
                    plsc.store_scatter(ht_v, [sb + dl * _BPW], v, mask=mm)
                return 0

            lax.fori_loop(0, (stop - start + _LANES - 1) // _LANES, pbody, 0)

        def wbody(i, _):
            drain_window(spm0, sem_a)
            plsc.subcore_barrier()
            extract(spm0, 2 * i)
            plsc.subcore_barrier()

            @pl.when(i < 30)
            def _():
                fire_window(spm0, sem_a, (2 * i + 2) * _W_E)
                drain_window(spm1, sem_b)

            @pl.when(i < 30)
            def _():
                plsc.subcore_barrier()
                extract(spm1, 2 * i + 1)
                plsc.subcore_barrier()

            @pl.when(i < 29)
            def _():
                fire_window(spm1, sem_b, (2 * i + 3) * _W_E)

            return 0

        lax.fori_loop(0, 31, wbody, 0)

        tv16 = base_v[pl.ds(_NFULL, _LANES)]
        tstart = tv16[0]
        tstop = tv16[1]

        def tbody(j, _):
            pos = tstart + j * _LANES
            pv = wl_v[pl.ds(pos, _LANES)]
            mm = (pos + iota16) < tstop
            el = jnp.minimum((pv >> 11) & (_W_E - 1), _TAIL - 1)
            sl = pv & (_NOCC - 1)
            sb = sl + jnp.where(sl >= _BPW,
                                jnp.int32(_DIML * _BPW - _BPW), jnp.int32(0))
            for dl in range(_DIML):
                v = plsc.load_gather(tail_v, [el + dl * _TAIL_P])
                plsc.store_scatter(ht_v, [sb + dl * _BPW], v, mask=mm)
            return 0

        lax.fori_loop(0, (tstop - tstart + _LANES - 1) // _LANES, tbody, 0)

        def group(g, _):
            off = g * _LANES
            ri = ri_v[pl.ds(off, _LANES)]
            acc = jnp.zeros((_LANES,), jnp.float32)
            for dl in range(_DIML):
                hv = ht_v[pl.ds(dl * _BPW + off, _LANES)]
                tv = ht_v[pl.ds(_DIML * _BPW + dl * _BPW + off, _LANES)]
                rv = plsc.load_gather(rel_v, [dl * _RELS + ri])
                acc = acc + hv * tv * rv
            ac_v[pl.ds(off, _LANES)] = acc
            return 0

        lax.fori_loop(0, _BPW // _LANES, group, 0)
        pltpu.sync_copy(ac_v, pa_hbm.at[pl.ds(cidx * _BATCH + base, _BPW)])

    return scan_sc


@functools.cache
def _build_combine_kernel():
    mesh = plsc.VectorSubcoreMesh(core_axis_name="c", subcore_axis_name="s")

    @functools.partial(
        pl.kernel,
        mesh=mesh,
        compiler_params=pltpu.CompilerParams(
            needs_layout_passes=False, use_tc_tiling_on_sc=True),
        out_type=(
            jax.ShapeDtypeStruct((_BATCH,), jnp.float32),
            jax.ShapeDtypeStruct((_NW * _LANES,), jnp.float32),
        ),
        scratch_types=(
            pltpu.VMEM((_BPW_B,), jnp.float32),
            pltpu.VMEM((_BPW_B,), jnp.float32),
            pltpu.VMEM((_BPW_B,), jnp.float32),
            pltpu.VMEM((_BPW_B,), jnp.float32),
            pltpu.VMEM((_LANES,), jnp.float32),
            pltpu.VMEM((_LANES,), jnp.float32),
            pltpu.VMEM((_LANES,), jnp.float32),
            pltpu.SemaphoreType.DMA,
        ),
    )
    def comb_sc(pa_hbm, s_hbm, w_hbm, b_hbm, preds_hbm, part_hbm,
                p0_v, p1_v, sc_v, pr_v, lp_v, w_v, b_v, sem):
        cidx = lax.axis_index("c")
        sidx = lax.axis_index("s")
        wid = sidx * _NC + cidx
        base = wid * _BPW_B
        stage = [
            pltpu.async_copy(pa_hbm.at[pl.ds(base, _BPW_B)], p0_v, sem),
            pltpu.async_copy(pa_hbm.at[pl.ds(_BATCH + base, _BPW_B)],
                             p1_v, sem),
            pltpu.async_copy(s_hbm.at[pl.ds(base, _BPW_B)], sc_v, sem),
            pltpu.async_copy(w_hbm, w_v, sem),
            pltpu.async_copy(b_hbm, b_v, sem),
        ]
        for c in stage:
            c.wait()
        w_vec = w_v[...]
        b_vec = b_v[...]

        def group(g, lacc):
            off = g * _LANES
            x = p0_v[pl.ds(off, _LANES)] + p1_v[pl.ds(off, _LANES)]
            z = w_vec * x + b_vec
            p = 1.0 / (1.0 + jnp.exp(-z))
            pr_v[pl.ds(off, _LANES)] = p
            err = p - sc_v[pl.ds(off, _LANES)]
            return lacc + err * err

        lacc = lax.fori_loop(0, _BPW_B // _LANES, group,
                             jnp.zeros((_LANES,), jnp.float32))
        lp_v[...] = lacc
        pltpu.sync_copy(pr_v, preds_hbm.at[pl.ds(base, _BPW_B)])
        pltpu.sync_copy(lp_v, part_hbm.at[pl.ds(wid * _LANES, _LANES)])

    return comb_sc


def kernel(h, r, t, scores, ent_emb, rel_emb, w, b):
    ka = _build_scan_kernel()
    kb = _build_combine_kernel()
    ent_t = ent_emb.T.reshape(_DIM // 8, 8, _ENTS)
    rel_f = rel_emb.T.reshape(-1)
    tail_f = ent_emb[_TAIL0 + _TAIL_A:].T.reshape(-1)
    w16 = jnp.broadcast_to(w.astype(jnp.float32).reshape(()), (_LANES,))
    b16 = jnp.broadcast_to(b.astype(jnp.float32).reshape(()), (_LANES,))
    h32 = h.astype(jnp.int32)
    r32 = r.astype(jnp.int32)
    t32 = t.astype(jnp.int32)
    pa = ka(h32, r32, t32, ent_t, rel_f, tail_f)
    if isinstance(pa, (tuple, list)):
        pa = pa[0]
    preds, partials = kb(pa, scores.astype(jnp.float32), w16, b16)
    loss = jnp.sum(partials) * (1.0 / _BATCH)
    return (preds, loss)

# --- scband reference (transcript-rebuilt; emitter-appended) ---
"""Pipeline reference for scband-ukge-17746804867858 (READ-ONLY COPY).

The authoritative reference and input builder live on the scoring server;
editing this copy changes nothing except your own understanding.
"""

import jax, jax.numpy as jnp
import numpy as np

NUM_ENTS = 1000000
NUM_RELS = 1000
NUM_DIM = 32
BATCH = 16384


def setup_inputs(seed: int = 0) -> dict:
    key = jax.random.key(seed)
    k1, k2, k3, k4, k5, k6 = jax.random.split(key, 6)
    h = jax.random.randint(k1, (BATCH,), 0, NUM_ENTS, dtype=jnp.int64 if jax.config.jax_enable_x64 else jnp.int32)
    r = jax.random.randint(k2, (BATCH,), 0, NUM_RELS, dtype=jnp.int64 if jax.config.jax_enable_x64 else jnp.int32)
    t = jax.random.randint(k3, (BATCH,), 0, NUM_ENTS, dtype=jnp.int64 if jax.config.jax_enable_x64 else jnp.int32)
    scores = jax.random.uniform(k4, (BATCH,), dtype=jnp.float32)
    ent_emb = jax.random.normal(k5, (NUM_ENTS, NUM_DIM), dtype=jnp.float32)
    rel_emb = jax.random.normal(k6, (NUM_RELS, NUM_DIM), dtype=jnp.float32)
    w = jnp.zeros((1,), dtype=jnp.float32)
    b = jnp.zeros((1,), dtype=jnp.float32)
    return {"h": h, "r": r, "t": t, "scores": scores, "ent_emb": ent_emb, "rel_emb": rel_emb, "w": w, "b": b}


def reference(h, r, t, scores, ent_emb, rel_emb, w, b):
    he = jnp.take(ent_emb, h, axis=0)
    te = jnp.take(ent_emb, t, axis=0)
    re = jnp.take(rel_emb, r, axis=0)
    x = (he * te * re).sum(axis=-1)
    # logistic mapping: 1 / (1 + e^{-(w*x + b)})
    preds = 1.0 / (1.0 + jnp.exp(-(w * x + b)))
    # MSE loss between preds and truth scores
    loss = jnp.mean((preds - scores) ** 2)
    return (preds, loss)

if __name__ == "__main__":
    import jax
    _d = setup_inputs()
    print(jax.jit(kernel)(*tuple(_d.values())))

</pallas_src>

<mosaic_0001>
#map = affine_map<(d0, d1) -> (0)>
module attributes {stable_mosaic.version = 14 : i64} {
  func.func @comb_sc(%arg0: i32, %arg1: i32, %arg2: memref<32768xf32, #tpu.memory_space<hbm>>, %arg3: memref<16384xf32, #tpu.memory_space<hbm>>, %arg4: memref<16xf32, #tpu.memory_space<hbm>>, %arg5: memref<16xf32, #tpu.memory_space<hbm>>, %arg6: memref<16384xf32, #tpu.memory_space<hbm>>, %arg7: memref<512xf32, #tpu.memory_space<hbm>>, %arg8: memref<512xf32, #tpu.memory_space<vmem>>, %arg9: memref<512xf32, #tpu.memory_space<vmem>>, %arg10: memref<512xf32, #tpu.memory_space<vmem>>, %arg11: memref<512xf32, #tpu.memory_space<vmem>>, %arg12: memref<16xf32, #tpu.memory_space<vmem>>, %arg13: memref<16xf32, #tpu.memory_space<vmem>>, %arg14: memref<16xf32, #tpu.memory_space<vmem>>, %arg15: memref<!tpu.dma_semaphore, #tpu.memory_space<semaphore_mem>>) attributes {dimension_semantics = [#tpu.dimension_semantics<core_parallel>, #tpu.dimension_semantics<subcore_parallel>], iteration_bounds = array<i64: 2, 16>, scalar_prefetch = 0 : i64, scratch_operands = 8 : i64, tpu.core_type = #tpu.core_type<sc_vector_subcore>, window_params = [{transform_indices = #map}, {transform_indices = #map}, {transform_indices = #map}, {transform_indices = #map}, {transform_indices = #map}, {transform_indices = #map}]} {
    %mul3A = arith.constant 2 : i32
    %mul3A_0 = arith.muli %arg1, %mul3A : i32
    %add3A = arith.addi %mul3A_0, %arg0 : i32
    %mul3A_1 = arith.constant 512 : i32
    %mul3A_2 = arith.muli %add3A, %mul3A_1 : i32
    %dma_start3A = tpu.memref_slice %arg2[%mul3A_2] : memref<32768xf32, #tpu.memory_space<hbm>> -> memref<512xf32, #tpu.memory_space<hbm>>
    %dma_start3A_3 = tpu.memref_slice %arg2[%mul3A_2] : memref<32768xf32, #tpu.memory_space<hbm>> -> memref<512xf32, #tpu.memory_space<hbm>>
    tpu.enqueue_dma source(%dma_start3A_3 : memref<512xf32, #tpu.memory_space<hbm>>) target(%arg8 : memref<512xf32, #tpu.memory_space<vmem>>) target_semaphore(%arg15 : memref<!tpu.dma_semaphore, #tpu.memory_space<semaphore_mem>>)
    %add3A_4 = arith.constant 16384 : i32
    %add3A_5 = arith.addi %add3A_4, %mul3A_2 : i32
    %dma_start3A_6 = tpu.memref_slice %arg2[%add3A_5] : memref<32768xf32, #tpu.memory_space<hbm>> -> memref<512xf32, #tpu.memory_space<hbm>>
    %dma_start3A_7 = tpu.memref_slice %arg2[%add3A_5] : memref<32768xf32, #tpu.memory_space<hbm>> -> memref<512xf32, #tpu.memory_space<hbm>>
    tpu.enqueue_dma source(%dma_start3A_7 : memref<512xf32, #tpu.memory_space<hbm>>) target(%arg9 : memref<512xf32, #tpu.memory_space<vmem>>) target_semaphore(%arg15 : memref<!tpu.dma_semaphore, #tpu.memory_space<semaphore_mem>>)
    %dma_start3A_8 = tpu.memref_slice %arg3[%mul3A_2] : memref<16384xf32, #tpu.memory_space<hbm>> -> memref<512xf32, #tpu.memory_space<hbm>>
    %dma_start3A_9 = tpu.memref_slice %arg3[%mul3A_2] : memref<16384xf32, #tpu.memory_space<hbm>> -> memref<512xf32, #tpu.memory_space<hbm>>
    tpu.enqueue_dma source(%dma_start3A_9 : memref<512xf32, #tpu.memory_space<hbm>>) target(%arg10 : memref<512xf32, #tpu.memory_space<vmem>>) target_semaphore(%arg15 : memref<!tpu.dma_semaphore, #tpu.memory_space<semaphore_mem>>)
    tpu.enqueue_dma source(%arg4 : memref<16xf32, #tpu.memory_space<hbm>>) target(%arg13 : memref<16xf32, #tpu.memory_space<vmem>>) target_semaphore(%arg15 : memref<!tpu.dma_semaphore, #tpu.memory_space<semaphore_mem>>)
    tpu.enqueue_dma source(%arg5 : memref<16xf32, #tpu.memory_space<hbm>>) target(%arg14 : memref<16xf32, #tpu.memory_space<vmem>>) target_semaphore(%arg15 : memref<!tpu.dma_semaphore, #tpu.memory_space<semaphore_mem>>)
    %dma_wait3A = tpu.memref_slice %arg2[%mul3A_2] : memref<32768xf32, #tpu.memory_space<hbm>> -> memref<512xf32, #tpu.memory_space<hbm>>
    %dma_wait3A_10 = tpu.memref_slice %arg2[%mul3A_2] : memref<32768xf32, #tpu.memory_space<hbm>> -> memref<512xf32, #tpu.memory_space<hbm>>
    tpu.wait_dma2 semaphore(%arg15 : memref<!tpu.dma_semaphore, #tpu.memory_space<semaphore_mem>>) src(%dma_wait3A_10 : memref<512xf32, #tpu.memory_space<hbm>>) dst(%arg8 : memref<512xf32, #tpu.memory_space<vmem>>)
    %dma_wait3A_11 = tpu.memref_slice %arg2[%add3A_5] : memref<32768xf32, #tpu.memory_space<hbm>> -> memref<512xf32, #tpu.memory_space<hbm>>
    %dma_wait3A_12 = tpu.memref_slice %arg2[%add3A_5] : memref<32768xf32, #tpu.memory_space<hbm>> -> memref<512xf32, #tpu.memory_space<hbm>>
    tpu.wait_dma2 semaphore(%arg15 : memref<!tpu.dma_semaphore, #tpu.memory_space<semaphore_mem>>) src(%dma_wait3A_12 : memref<512xf32, #tpu.memory_space<hbm>>) dst(%arg9 : memref<512xf32, #tpu.memory_space<vmem>>)
    %dma_wait3A_13 = tpu.memref_slice %arg3[%mul3A_2] : memref<16384xf32, #tpu.memory_space<hbm>> -> memref<512xf32, #tpu.memory_space<hbm>>
    %dma_wait3A_14 = tpu.memref_slice %arg3[%mul3A_2] : memref<16384xf32, #tpu.memory_space<hbm>> -> memref<512xf32, #tpu.memory_space<hbm>>
    tpu.wait_dma2 semaphore(%arg15 : memref<!tpu.dma_semaphore, #tpu.memory_space<semaphore_mem>>) src(%dma_wait3A_14 : memref<512xf32, #tpu.memory_space<hbm>>) dst(%arg10 : memref<512xf32, #tpu.memory_space<vmem>>)
    tpu.wait_dma2 semaphore(%arg15 : memref<!tpu.dma_semaphore, #tpu.memory_space<semaphore_mem>>) src(%arg4 : memref<16xf32, #tpu.memory_space<hbm>>) dst(%arg13 : memref<16xf32, #tpu.memory_space<vmem>>)
    tpu.wait_dma2 semaphore(%arg15 : memref<!tpu.dma_semaphore, #tpu.memory_space<semaphore_mem>>) src(%arg5 : memref<16xf32, #tpu.memory_space<hbm>>) dst(%arg14 : memref<16xf32, #tpu.memory_space<vmem>>)
    %get3A = arith.constant 0 : index
    %get3A_15 = tpu.vector_load %arg13[%get3A] {strides = array<i32>} : memref<16xf32, #tpu.memory_space<vmem>>, vector<16xf32>,
    %get3A_16 = arith.constant 0 : index
    %get3A_17 = tpu.vector_load %arg14[%get3A_16] {strides = array<i32>} : memref<16xf32, #tpu.memory_space<vmem>>, vector<16xf32>,
    %broadcast_in_dim3A = arith.constant 0.000000e+00 : f32
    %broadcast_in_dim3A_18 = vector.broadcast %broadcast_in_dim3A : f32 to vector<16xf32>
    %scan3A = arith.constant 0 : i32
    %scan3A_19 = arith.constant 32 : i32
    %scan3A_20 = arith.addi %scan3A, %scan3A_19 : i32
    %scan3A_21 = arith.constant 1 : i32
    %scan3A_22 = scf.for %scan3A_27 = %scan3A to %scan3A_20 step %scan3A_21 iter_args(%scan3A_28 = %broadcast_in_dim3A_18) -> (vector<16xf32>)  : i32 {
      %mul3A_29 = arith.constant 16 : i32
      %mul3A_30 = arith.muli %scan3A_27, %mul3A_29 : i32
      %get3A_31 = arith.index_cast %mul3A_30 : i32 to index
      %get3A_32 = tpu.vector_load %arg8[%get3A_31] {strides = array<i32>} : memref<512xf32, #tpu.memory_space<vmem>>, vector<16xf32>,
      %get3A_33 = arith.index_cast %mul3A_30 : i32 to index
      %get3A_34 = tpu.vector_load %arg9[%get3A_33] {strides = array<i32>} : memref<512xf32, #tpu.memory_space<vmem>>, vector<16xf32>,
      %add3A_35 = arith.addf %get3A_32, %get3A_34 : vector<16xf32>
      %mul3A_36 = arith.mulf %get3A_15, %add3A_35 : vector<16xf32>
      %add3A_37 = arith.addf %mul3A_36, %get3A_17 : vector<16xf32>
      %neg3A = arith.constant 0.000000e+00 : f32
      %neg3A_38 = vector.broadcast %neg3A : f32 to vector<16xf32>
      %neg3A_39 = arith.subf %neg3A_38, %add3A_37 : vector<16xf32>
      %exp3A = math.exp %neg3A_39 : vector<16xf32>
      %add3A_40 = arith.constant 1.000000e+00 : f32
      %add3A_41 = vector.broadcast %add3A_40 : f32 to vector<16xf32>
      %add3A_42 = arith.addf %add3A_41, %exp3A : vector<16xf32>
      %div3A = arith.constant 1.000000e+00 : f32
      %div3A_43 = vector.broadcast %div3A : f32 to vector<16xf32>
      %div3A_44 = arith.divf %div3A_43, %add3A_42 : vector<16xf32>
      %swap3A_45 = arith.index_cast %mul3A_30 : i32 to index
      %swap3A_46 = tpu.vector_load %arg11[%swap3A_45] {strides = array<i32>} : memref<512xf32, #tpu.memory_space<vmem>>, vector<16xf32>,
      tpu.vector_store %arg11[%swap3A_45], %div3A_44 {strides = array<i32>} : memref<512xf32, #tpu.memory_space<vmem>>, vector<16xf32>,
      %get3A_47 = arith.index_cast %mul3A_30 : i32 to index
      %get3A_48 = tpu.vector_load %arg10[%get3A_47] {strides = array<i32>} : memref<512xf32, #tpu.memory_space<vmem>>, vector<16xf32>,
      %sub3A = arith.subf %div3A_44, %get3A_48 : vector<16xf32>
      %mul3A_49 = arith.mulf %sub3A, %sub3A : vector<16xf32>
      %add3A_50 = arith.addf %scan3A_28, %mul3A_49 : vector<16xf32>
      scf.yield %add3A_50 : vector<16xf32>
    }
    %scan3A_23 = arith.constant 32 : i32
    %swap3A = arith.constant 0 : index
    %swap3A_24 = tpu.vector_load %arg12[%swap3A] {strides = array<i32>} : memref<16xf32, #tpu.memory_space<vmem>>, vector<16xf32>,
    tpu.vector_store %arg12[%swap3A], %scan3A_22 {strides = array<i32>} : memref<16xf32, #tpu.memory_space<vmem>>, vector<16xf32>,
    "tpu.region"() ({
      %run_scoped3A = tpu.sem_alloc : memref<!tpu.dma_semaphore, #tpu.memory_space<semaphore_mem>>
      %dma_start3A_27 = tpu.memref_slice %arg6[%mul3A_2] : memref<16384xf32, #tpu.memory_space<hbm>> -> memref<512xf32, #tpu.memory_space<hbm>>
      %dma_start3A_28 = tpu.memref_slice %arg6[%mul3A_2] : memref<16384xf32, #tpu.memory_space<hbm>> -> memref<512xf32, #tpu.memory_space<hbm>>
      tpu.enqueue_dma source(%arg11 : memref<512xf32, #tpu.memory_space<vmem>>) target(%dma_start3A_28 : memref<512xf32, #tpu.memory_space<hbm>>) target_semaphore(%run_scoped3A : memref<!tpu.dma_semaphore, #tpu.memory_space<semaphore_mem>>)
      %dma_wait3A_29 = tpu.memref_slice %arg6[%mul3A_2] : memref<16384xf32, #tpu.memory_space<hbm>> -> memref<512xf32, #tpu.memory_space<hbm>>
      %dma_wait3A_30 = tpu.memref_slice %arg6[%mul3A_2] : memref<16384xf32, #tpu.memory_space<hbm>> -> memref<512xf32, #tpu.memory_space<hbm>>
      tpu.wait_dma2 semaphore(%run_scoped3A : memref<!tpu.dma_semaphore, #tpu.memory_space<semaphore_mem>>) src(%arg11 : memref<512xf32, #tpu.memory_space<vmem>>) dst(%dma_wait3A_30 : memref<512xf32, #tpu.memory_space<hbm>>)
      tpu.yield
    }) : () -> ()
    %mul3A_25 = arith.constant 16 : i32
    %mul3A_26 = arith.muli %add3A, %mul3A_25 : i32
    "tpu.region"() ({
      %run_scoped3A = tpu.sem_alloc : memref<!tpu.dma_semaphore, #tpu.memory_space<semaphore_mem>>
      %dma_start3A_27 = tpu.memref_slice %arg7[%mul3A_26] : memref<512xf32, #tpu.memory_space<hbm>> -> memref<16xf32, #tpu.memory_space<hbm>>
      %dma_start3A_28 = tpu.memref_slice %arg7[%mul3A_26] : memref<512xf32, #tpu.memory_space<hbm>> -> memref<16xf32, #tpu.memory_space<hbm>>
      tpu.enqueue_dma source(%arg12 : memref<16xf32, #tpu.memory_space<vmem>>) target(%dma_start3A_28 : memref<16xf32, #tpu.memory_space<hbm>>) target_semaphore(%run_scoped3A : memref<!tpu.dma_semaphore, #tpu.memory_space<semaphore_mem>>)
      %dma_wait3A_29 = tpu.memref_slice %arg7[%mul3A_26] : memref<512xf32, #tpu.memory_space<hbm>> -> memref<16xf32, #tpu.memory_space<hbm>>
      %dma_wait3A_30 = tpu.memref_slice %arg7[%mul3A_26] : memref<512xf32, #tpu.memory_space<hbm>> -> memref<16xf32, #tpu.memory_space<hbm>>
      tpu.wait_dma2 semaphore(%run_scoped3A : memref<!tpu.dma_semaphore, #tpu.memory_space<semaphore_mem>>) src(%arg12 : memref<16xf32, #tpu.memory_space<vmem>>) dst(%dma_wait3A_30 : memref<16xf32, #tpu.memory_space<hbm>>)
      tpu.yield
    }) : () -> ()
    return
  }
}

#map = affine_map<(d0, d1) -> (0)>
#map1 = affine_map<(d0, d1) -> (0, 0, 0)>
module attributes {stable_mosaic.version = 14 : i64} {
  func.func @scan_sc(%arg0: i32, %arg1: i32, %arg2: memref<16384xi32, #tpu.memory_space<hbm>>, %arg3: memref<16384xi32, #tpu.memory_space<hbm>>, %arg4: memref<16384xi32, #tpu.memory_space<hbm>>, %arg5: memref<4x8x1000000xf32, #tpu.memory_space<hbm>>, %arg6: memref<32000xf32, #tpu.memory_space<hbm>>, %arg7: memref<2048xf32, #tpu.memory_space<hbm>>, %arg8: memref<32768xf32, #tpu.memory_space<hbm>>, %arg9: memref<2048xi32, #tpu.memory_space<vmem>>, %arg10: memref<1024xi32, #tpu.memory_space<vmem>>, %arg11: memref<1024xf32, #tpu.memory_space<vmem>>, %arg12: memref<32768xf32, #tpu.memory_space<vmem>>, %arg13: memref<16000xf32, #tpu.memory_space<vmem>>, %arg14: memref<10240xf32, #tpu.memory_space<vmem>>, %arg15: memref<128xi32, #tpu.memory_space<vmem>>, %arg16: memref<144xi32, #tpu.memory_space<vmem>>, %arg17: memref<128xi32, #tpu.memory_space<vmem>>, %arg18: memref<16xi32, #tpu.memory_space<vmem>>, %arg19: memref<2064xi32, #tpu.memory_space<vmem>>, %arg20: memref<256xi32, #tpu.memory_space<vmem>>, %arg21: memref<256xf32, #tpu.memory_space<vmem>>, %arg22: memref<262144xf32, #tpu.memory_space<vmem_shared>>, %arg23: memref<262144xf32, #tpu.memory_space<vmem_shared>>, %arg24: memref<!tpu.dma_semaphore, #tpu.memory_space<semaphore_mem>>, %arg25: memref<!tpu.dma_semaphore, #tpu.memory_space<semaphore_mem>>, %arg26: memref<!tpu.dma_semaphore, #tpu.memory_space<semaphore_mem>>, %arg27: memref<!tpu.dma_semaphore, #tpu.memory_space<semaphore_mem>>) attributes {dimension_semantics = [#tpu.dimension_semantics<core_parallel>, #tpu.dimension_semantics<subcore_parallel>], iteration_bounds = array<i64: 2, 16>, scalar_prefetch = 0 : i64, scratch_operands = 19 : i64, tpu.core_type = #tpu.core_type<sc_vector_subcore>, window_params = [{transform_indices = #map}, {transform_indices = #map}, {transform_indices = #map}, {transform_indices = #map1}, {transform_indices = #map}, {transform_indices = #map}, {transform_indices = #map}]} {
    %mul3A = arith.constant 1024 : i32
    %mul3A_0 = arith.muli %arg1, %mul3A : i32
    %mul3A_1 = arith.constant 16 : i32
    %mul3A_2 = arith.muli %arg0, %mul3A_1 : i32
    %add3A = arith.addi %mul3A_2, %arg1 : i32
    %dma_start3A = arith.constant 0 : i32
    %dma_start3A_3 = tpu.memref_slice %arg9[%dma_start3A] : memref<2048xi32, #tpu.memory_space<vmem>> -> memref<1024xi32, #tpu.memory_space<vmem>>
    %dma_start3A_4 = tpu.memref_slice %arg2[%mul3A_0] : memref<16384xi32, #tpu.memory_space<hbm>> -> memref<1024xi32, #tpu.memory_space<hbm>>
    %dma_start3A_5 = arith.constant 0 : i32
    %dma_start3A_6 = tpu.memref_slice %arg9[%dma_start3A_5] : memref<2048xi32, #tpu.memory_space<vmem>> -> memref<1024xi32, #tpu.memory_space<vmem>>
    %dma_start3A_7 = tpu.memref_slice %arg2[%mul3A_0] : memref<16384xi32, #tpu.memory_space<hbm>> -> memref<1024xi32, #tpu.memory_space<hbm>>
    tpu.enqueue_dma source(%dma_start3A_7 : memref<1024xi32, #tpu.memory_space<hbm>>) target(%dma_start3A_6 : memref<1024xi32, #tpu.memory_space<vmem>>) target_semaphore(%arg27 : memref<!tpu.dma_semaphore, #tpu.memory_space<semaphore_mem>>)
    %dma_start3A_8 = arith.constant 1024 : i32
    %dma_start3A_9 = tpu.memref_slice %arg9[%dma_start3A_8] : memref<2048xi32, #tpu.memory_space<vmem>> -> memref<1024xi32, #tpu.memory_space<vmem>>
    %dma_start3A_10 = tpu.memref_slice %arg4[%mul3A_0] : memref<16384xi32, #tpu.memory_space<hbm>> -> memref<1024xi32, #tpu.memory_space<hbm>>
    %dma_start3A_11 = arith.constant 1024 : i32
    %dma_start3A_12 = tpu.memref_slice %arg9[%dma_start3A_11] : memref<2048xi32, #tpu.memory_space<vmem>> -> memref<1024xi32, #tpu.memory_space<vmem>>
    %dma_start3A_13 = tpu.memref_slice %arg4[%mul3A_0] : memref<16384xi32, #tpu.memory_space<hbm>> -> memref<1024xi32, #tpu.memory_space<hbm>>
    tpu.enqueue_dma source(%dma_start3A_13 : memref<1024xi32, #tpu.memory_space<hbm>>) target(%dma_start3A_12 : memref<1024xi32, #tpu.memory_space<vmem>>) target_semaphore(%arg27 : memref<!tpu.dma_semaphore, #tpu.memory_space<semaphore_mem>>)
    %dma_start3A_14 = tpu.memref_slice %arg3[%mul3A_0] : memref<16384xi32, #tpu.memory_space<hbm>> -> memref<1024xi32, #tpu.memory_space<hbm>>
    %dma_start3A_15 = tpu.memref_slice %arg3[%mul3A_0] : memref<16384xi32, #tpu.memory_space<hbm>> -> memref<1024xi32, #tpu.memory_space<hbm>>
    tpu.enqueue_dma source(%dma_start3A_15 : memref<1024xi32, #tpu.memory_space<hbm>>) target(%arg10 : memref<1024xi32, #tpu.memory_space<vmem>>) target_semaphore(%arg27 : memref<!tpu.dma_semaphore, #tpu.memory_space<semaphore_mem>>)
    %mul3A_16 = arith.constant 16 : i32
    %mul3A_17 = arith.muli %arg0, %mul3A_16 : i32
    %mul3A_18 = arith.constant 1000 : i32
    %mul3A_19 = arith.muli %mul3A_17, %mul3A_18 : i32
    %dma_start3A_20 = tpu.memref_slice %arg6[%mul3A_19] : memref<32000xf32, #tpu.memory_space<hbm>> -> memref<16000xf32, #tpu.memory_space<hbm>>
    %dma_start3A_21 = tpu.memref_slice %arg6[%mul3A_19] : memref<32000xf32, #tpu.memory_space<hbm>> -> memref<16000xf32, #tpu.memory_space<hbm>>
    tpu.enqueue_dma source(%dma_start3A_21 : memref<16000xf32, #tpu.memory_space<hbm>>) target(%arg13 : memref<16000xf32, #tpu.memory_space<vmem>>) target_semaphore(%arg27 : memref<!tpu.dma_semaphore, #tpu.memory_space<semaphore_mem>>)
    %add3A_22 = arith.constant 0 : i32
    %add3A_23 = arith.addi %mul3A_2, %add3A_22 : i32
    %jit3A = arith.constant 8 : i32
    %div3A = arith.divsi %add3A_23, %jit3A : i32
    %sign3A = arith.constant 0 : i32
    %sign3A_24 = arith.cmpi sgt, %add3A_23, %sign3A : i32
    %sign3A_25 = arith.extui %sign3A_24 : i1 to i32
    %sign3A_26 = arith.constant 0 : i32
    %sign3A_27 = arith.cmpi slt, %add3A_23, %sign3A_26 : i32
    %sign3A_28 = arith.extui %sign3A_27 : i1 to i32
    %sign3A_29 = arith.subi %sign3A_25, %sign3A_28 : i32
    %sign3A_30 = arith.constant 0 : i32
    %sign3A_31 = arith.cmpi sgt, %jit3A, %sign3A_30 : i32
    %sign3A_32 = arith.extui %sign3A_31 : i1 to i32
    %sign3A_33 = arith.constant 0 : i32
    %sign3A_34 = arith.cmpi slt, %jit3A, %sign3A_33 : i32
    %sign3A_35 = arith.extui %sign3A_34 : i1 to i32
    %sign3A_36 = arith.subi %sign3A_32, %sign3A_35 : i32
    %ne3A = arith.cmpi ne, %sign3A_29, %sign3A_36 : i32
    %rem3A = arith.remsi %add3A_23, %jit3A : i32
    %ne3A_37 = arith.constant 0 : i32
    %ne3A_38 = arith.cmpi ne, %rem3A, %ne3A_37 : i32
    %and3A = arith.andi %ne3A, %ne3A_38 : i1
    %sub3A = arith.constant 1 : i32
    %sub3A_39 = arith.subi %div3A, %sub3A : i32
    %select_n3A = arith.select %and3A, %sub3A_39, %div3A : i32
    %add3A_40 = arith.constant 0 : i32
    %add3A_41 = arith.addi %mul3A_2, %add3A_40 : i32
    %jit3A_42 = arith.constant 8 : i32
    %eq3A = arith.constant 0 : i32
    %eq3A_43 = arith.cmpi eq, %jit3A_42, %eq3A : i32
    %jit3A_44 = arith.constant 1 : i32
    %select_n3A_45 = arith.select %eq3A_43, %jit3A_44, %jit3A_42 : i32
    %rem3A_46 = arith.remsi %add3A_41, %select_n3A_45 : i32
    %ne3A_47 = arith.constant 0 : i32
    %ne3A_48 = arith.cmpi ne, %rem3A_46, %ne3A_47 : i32
    %lt3A = arith.constant 0 : i32
    %lt3A_49 = arith.cmpi slt, %rem3A_46, %lt3A : i32
    %lt3A_50 = arith.constant 0 : i32
    %lt3A_51 = arith.cmpi slt, %select_n3A_45, %lt3A_50 : i32
    %ne3A_52 = arith.xori %lt3A_49, %lt3A_51 : i1
    %and3A_53 = arith.andi %ne3A_52, %ne3A_48 : i1
    %add3A_54 = arith.addi %rem3A_46, %select_n3A_45 : i32
    %select_n3A_55 = arith.select %and3A_53, %add3A_54, %rem3A_46 : i32
    %dma_start3A_56 = arith.constant 0 : i32
    %dma_start3A_57 = tpu.memref_slice %arg14[%dma_start3A_56] : memref<10240xf32, #tpu.memory_space<vmem>> -> memref<512xf32, #tpu.memory_space<vmem>>
    %dma_start3A_58 = arith.constant 999424 : i32
    %dma_start3A_59 = tpu.memref_slice %arg5[%select_n3A, %select_n3A_55, %dma_start3A_58] : memref<4x8x1000000xf32, #tpu.memory_space<hbm>> -> memref<1x1x512xf32, #tpu.memory_space<hbm>>
    %dma_start3A_60 = tpu.memref_squeeze %dma_start3A_59 : memref<1x1x512xf32, #tpu.memory_space<hbm>> -> memref<512xf32, #tpu.memory_space<hbm>>
    %dma_start3A_61 = arith.constant 0 : i32
    %dma_start3A_62 = tpu.memref_slice %arg14[%dma_start3A_61] : memref<10240xf32, #tpu.memory_space<vmem>> -> memref<512xf32, #tpu.memory_space<vmem>>
    %dma_start3A_63 = arith.constant 999424 : i32
    %dma_start3A_64 = tpu.memref_slice %arg5[%select_n3A, %select_n3A_55, %dma_start3A_63] : memref<4x8x1000000xf32, #tpu.memory_space<hbm>> -> memref<1x1x512xf32, #tpu.memory_space<hbm>>
    %dma_start3A_65 = tpu.memref_squeeze %dma_start3A_64 : memref<1x1x512xf32, #tpu.memory_space<hbm>> -> memref<512xf32, #tpu.memory_space<hbm>>
    tpu.enqueue_dma source(%dma_start3A_65 : memref<512xf32, #tpu.memory_space<hbm>>) target(%dma_start3A_62 : memref<512xf32, #tpu.memory_space<vmem>>) target_semaphore(%arg27 : memref<!tpu.dma_semaphore, #tpu.memory_space<semaphore_mem>>)
    %add3A_66 = arith.constant 0 : i32
    %add3A_67 = arith.addi %mul3A_2, %add3A_66 : i32
    %mul3A_68 = arith.constant 64 : i32
    %mul3A_69 = arith.muli %add3A_67, %mul3A_68 : i32
    %dma_start3A_70 = arith.constant 512 : i32
    %dma_start3A_71 = tpu.memref_slice %arg14[%dma_start3A_70] : memref<10240xf32, #tpu.memory_space<vmem>> -> memref<64xf32, #tpu.memory_space<vmem>>
    %dma_start3A_72 = tpu.memref_slice %arg7[%mul3A_69] : memref<2048xf32, #tpu.memory_space<hbm>> -> memref<64xf32, #tpu.memory_space<hbm>>
    %dma_start3A_73 = arith.constant 512 : i32
    %dma_start3A_74 = tpu.memref_slice %arg14[%dma_start3A_73] : memref<10240xf32, #tpu.memory_space<vmem>> -> memref<64xf32, #tpu.memory_space<vmem>>
    %dma_start3A_75 = tpu.memref_slice %arg7[%mul3A_69] : memref<2048xf32, #tpu.memory_space<hbm>> -> memref<64xf32, #tpu.memory_space<hbm>>
    tpu.enqueue_dma source(%dma_start3A_75 : memref<64xf32, #tpu.memory_space<hbm>>) target(%dma_start3A_74 : memref<64xf32, #tpu.memory_space<vmem>>) target_semaphore(%arg27 : memref<!tpu.dma_semaphore, #tpu.memory_space<semaphore_mem>>)
    %add3A_76 = arith.constant 1 : i32
    %add3A_77 = arith.addi %mul3A_2, %add3A_76 : i32
    %jit3A_78 = arith.constant 8 : i32
    %div3A_79 = arith.divsi %add3A_77, %jit3A_78 : i32
    %sign3A_80 = arith.constant 0 : i32
    %sign3A_81 = arith.cmpi sgt, %add3A_77, %sign3A_80 : i32
    %sign3A_82 = arith.extui %sign3A_81 : i1 to i32
    %sign3A_83 = arith.constant 0 : i32
    %sign3A_84 = arith.cmpi slt, %add3A_77, %sign3A_83 : i32
    %sign3A_85 = arith.extui %sign3A_84 : i1 to i32
    %sign3A_86 = arith.subi %sign3A_82, %sign3A_85 : i32
    %sign3A_87 = arith.constant 0 : i32
    %sign3A_88 = arith.cmpi sgt, %jit3A_78, %sign3A_87 : i32
    %sign3A_89 = arith.extui %sign3A_88 : i1 to i32
    %sign3A_90 = arith.constant 0 : i32
    %sign3A_91 = arith.cmpi slt, %jit3A_78, %sign3A_90 : i32
    %sign3A_92 = arith.extui %sign3A_91 : i1 to i32
    %sign3A_93 = arith.subi %sign3A_89, %sign3A_92 : i32
    %ne3A_94 = arith.cmpi ne, %sign3A_86, %sign3A_93 : i32
    %rem3A_95 = arith.remsi %add3A_77, %jit3A_78 : i32
    %ne3A_96 = arith.constant 0 : i32
    %ne3A_97 = arith.cmpi ne, %rem3A_95, %ne3A_96 : i32
    %and3A_98 = arith.andi %ne3A_94, %ne3A_97 : i1
    %sub3A_99 = arith.constant 1 : i32
    %sub3A_100 = arith.subi %div3A_79, %sub3A_99 : i32
    %select_n3A_101 = arith.select %and3A_98, %sub3A_100, %div3A_79 : i32
    %add3A_102 = arith.constant 1 : i32
    %add3A_103 = arith.addi %mul3A_2, %add3A_102 : i32
    %jit3A_104 = arith.constant 8 : i32
    %eq3A_105 = arith.constant 0 : i32
    %eq3A_106 = arith.cmpi eq, %jit3A_104, %eq3A_105 : i32
    %jit3A_107 = arith.constant 1 : i32
    %select_n3A_108 = arith.select %eq3A_106, %jit3A_107, %jit3A_104 : i32
    %rem3A_109 = arith.remsi %add3A_103, %select_n3A_108 : i32
    %ne3A_110 = arith.constant 0 : i32
    %ne3A_111 = arith.cmpi ne, %rem3A_109, %ne3A_110 : i32
    %lt3A_112 = arith.constant 0 : i32
    %lt3A_113 = arith.cmpi slt, %rem3A_109, %lt3A_112 : i32
    %lt3A_114 = arith.constant 0 : i32
    %lt3A_115 = arith.cmpi slt, %select_n3A_108, %lt3A_114 : i32
    %ne3A_116 = arith.xori %lt3A_113, %lt3A_115 : i1
    %and3A_117 = arith.andi %ne3A_116, %ne3A_111 : i1
    %add3A_118 = arith.addi %rem3A_109, %select_n3A_108 : i32
    %select_n3A_119 = arith.select %and3A_117, %add3A_118, %rem3A_109 : i32
    %dma_start3A_120 = arith.constant 640 : i32
    %dma_start3A_121 = tpu.memref_slice %arg14[%dma_start3A_120] : memref<10240xf32, #tpu.memory_space<vmem>> -> memref<512xf32, #tpu.memory_space<vmem>>
    %dma_start3A_122 = arith.constant 999424 : i32
    %dma_start3A_123 = tpu.memref_slice %arg5[%select_n3A_101, %select_n3A_119, %dma_start3A_122] : memref<4x8x1000000xf32, #tpu.memory_space<hbm>> -> memref<1x1x512xf32, #tpu.memory_space<hbm>>
    %dma_start3A_124 = tpu.memref_squeeze %dma_start3A_123 : memref<1x1x512xf32, #tpu.memory_space<hbm>> -> memref<512xf32, #tpu.memory_space<hbm>>
    %dma_start3A_125 = arith.constant 640 : i32
    %dma_start3A_126 = tpu.memref_slice %arg14[%dma_start3A_125] : memref<10240xf32, #tpu.memory_space<vmem>> -> memref<512xf32, #tpu.memory_space<vmem>>
    %dma_start3A_127 = arith.constant 999424 : i32
    %dma_start3A_128 = tpu.memref_slice %arg5[%select_n3A_101, %select_n3A_119, %dma_start3A_127] : memref<4x8x1000000xf32, #tpu.memory_space<hbm>> -> memref<1x1x512xf32, #tpu.memory_space<hbm>>
    %dma_start3A_129 = tpu.memref_squeeze %dma_start3A_128 : memref<1x1x512xf32, #tpu.memory_space<hbm>> -> memref<512xf32, #tpu.memory_space<hbm>>
    tpu.enqueue_dma source(%dma_start3A_129 : memref<512xf32, #tpu.memory_space<hbm>>) target(%dma_start3A_126 : memref<512xf32, #tpu.memory_space<vmem>>) target_semaphore(%arg27 : memref<!tpu.dma_semaphore, #tpu.memory_space<semaphore_mem>>)
    %add3A_130 = arith.constant 1 : i32
    %add3A_131 = arith.addi %mul3A_2, %add3A_130 : i32
    %mul3A_132 = arith.constant 64 : i32
    %mul3A_133 = arith.muli %add3A_131, %mul3A_132 : i32
    %dma_start3A_134 = arith.constant 1152 : i32
    %dma_start3A_135 = tpu.memref_slice %arg14[%dma_start3A_134] : memref<10240xf32, #tpu.memory_space<vmem>> -> memref<64xf32, #tpu.memory_space<vmem>>
    %dma_start3A_136 = tpu.memref_slice %arg7[%mul3A_133] : memref<2048xf32, #tpu.memory_space<hbm>> -> memref<64xf32, #tpu.memory_space<hbm>>
    %dma_start3A_137 = arith.constant 1152 : i32
    %dma_start3A_138 = tpu.memref_slice %arg14[%dma_start3A_137] : memref<10240xf32, #tpu.memory_space<vmem>> -> memref<64xf32, #tpu.memory_space<vmem>>
    %dma_start3A_139 = tpu.memref_slice %arg7[%mul3A_133] : memref<2048xf32, #tpu.memory_space<hbm>> -> memref<64xf32, #tpu.memory_space<hbm>>
    tpu.enqueue_dma source(%dma_start3A_139 : memref<64xf32, #tpu.memory_space<hbm>>) target(%dma_start3A_138 : memref<64xf32, #tpu.memory_space<vmem>>) target_semaphore(%arg27 : memref<!tpu.dma_semaphore, #tpu.memory_space<semaphore_mem>>)
    %add3A_140 = arith.constant 2 : i32
    %add3A_141 = arith.addi %mul3A_2, %add3A_140 : i32
    %jit3A_142 = arith.constant 8 : i32
    %div3A_143 = arith.divsi %add3A_141, %jit3A_142 : i32
    %sign3A_144 = arith.constant 0 : i32
    %sign3A_145 = arith.cmpi sgt, %add3A_141, %sign3A_144 : i32
    %sign3A_146 = arith.extui %sign3A_145 : i1 to i32
    %sign3A_147 = arith.constant 0 : i32
    %sign3A_148 = arith.cmpi slt, %add3A_141, %sign3A_147 : i32
    %sign3A_149 = arith.extui %sign3A_148 : i1 to i32
    %sign3A_150 = arith.subi %sign3A_146, %sign3A_149 : i32
    %sign3A_151 = arith.constant 0 : i32
    %sign3A_152 = arith.cmpi sgt, %jit3A_142, %sign3A_151 : i32
    %sign3A_153 = arith.extui %sign3A_152 : i1 to i32
    %sign3A_154 = arith.constant 0 : i32
    %sign3A_155 = arith.cmpi slt, %jit3A_142, %sign3A_154 : i32
    %sign3A_156 = arith.extui %sign3A_155 : i1 to i32
    %sign3A_157 = arith.subi %sign3A_153, %sign3A_156 : i32
    %ne3A_158 = arith.cmpi ne, %sign3A_150, %sign3A_157 : i32
    %rem3A_159 = arith.remsi %add3A_141, %jit3A_142 : i32
    %ne3A_160 = arith.constant 0 : i32
    %ne3A_161 = arith.cmpi ne, %rem3A_159, %ne3A_160 : i32
    %and3A_162 = arith.andi %ne3A_158, %ne3A_161 : i1
    %sub3A_163 = arith.constant 1 : i32
    %sub3A_164 = arith.subi %div3A_143, %sub3A_163 : i32
    %select_n3A_165 = arith.select %and3A_162, %sub3A_164, %div3A_143 : i32
    %add3A_166 = arith.constant 2 : i32
    %add3A_167 = arith.addi %mul3A_2, %add3A_166 : i32
    %jit3A_168 = arith.constant 8 : i32
    %eq3A_169 = arith.constant 0 : i32
    %eq3A_170 = arith.cmpi eq, %jit3A_168, %eq3A_169 : i32
    %jit3A_171 = arith.constant 1 : i32
    %select_n3A_172 = arith.select %eq3A_170, %jit3A_171, %jit3A_168 : i32
    %rem3A_173 = arith.remsi %add3A_167, %select_n3A_172 : i32
    %ne3A_174 = arith.constant 0 : i32
    %ne3A_175 = arith.cmpi ne, %rem3A_173, %ne3A_174 : i32
    %lt3A_176 = arith.constant 0 : i32
    %lt3A_177 = arith.cmpi slt, %rem3A_173, %lt3A_176 : i32
    %lt3A_178 = arith.constant 0 : i32
    %lt3A_179 = arith.cmpi slt, %select_n3A_172, %lt3A_178 : i32
    %ne3A_180 = arith.xori %lt3A_177, %lt3A_179 : i1
    %and3A_181 = arith.andi %ne3A_180, %ne3A_175 : i1
    %add3A_182 = arith.addi %rem3A_173, %select_n3A_172 : i32
    %select_n3A_183 = arith.select %and3A_181, %add3A_182, %rem3A_173 : i32
    %dma_start3A_184 = arith.constant 1280 : i32
    %dma_start3A_185 = tpu.memref_slice %arg14[%dma_start3A_184] : memref<10240xf32, #tpu.memory_space<vmem>> -> memref<512xf32, #tpu.memory_space<vmem>>
    %dma_start3A_186 = arith.constant 999424 : i32
    %dma_start3A_187 = tpu.memref_slice %arg5[%select_n3A_165, %select_n3A_183, %dma_start3A_186] : memref<4x8x1000000xf32, #tpu.memory_space<hbm>> -> memref<1x1x512xf32, #tpu.memory_space<hbm>>
    %dma_start3A_188 = tpu.memref_squeeze %dma_start3A_187 : memref<1x1x512xf32, #tpu.memory_space<hbm>> -> memref<512xf32, #tpu.memory_space<hbm>>
    %dma_start3A_189 = arith.constant 1280 : i32
    %dma_start3A_190 = tpu.memref_slice %arg14[%dma_start3A_189] : memref<10240xf32, #tpu.memory_space<vmem>> -> memref<512xf32, #tpu.memory_space<vmem>>
    %dma_start3A_191 = arith.constant 999424 : i32
    %dma_start3A_192 = tpu.memref_slice %arg5[%select_n3A_165, %select_n3A_183, %dma_start3A_191] : memref<4x8x1000000xf32, #tpu.memory_space<hbm>> -> memref<1x1x512xf32, #tpu.memory_space<hbm>>
    %dma_start3A_193 = tpu.memref_squeeze %dma_start3A_192 : memref<1x1x512xf32, #tpu.memory_space<hbm>> -> memref<512xf32, #tpu.memory_space<hbm>>
    tpu.enqueue_dma source(%dma_start3A_193 : memref<512xf32, #tpu.memory_space<hbm>>) target(%dma_start3A_190 : memref<512xf32, #tpu.memory_space<vmem>>) target_semaphore(%arg27 : memref<!tpu.dma_semaphore, #tpu.memory_space<semaphore_mem>>)
    %add3A_194 = arith.constant 2 : i32
    %add3A_195 = arith.addi %mul3A_2, %add3A_194 : i32
    %mul3A_196 = arith.constant 64 : i32
    %mul3A_197 = arith.muli %add3A_195, %mul3A_196 : i32
    %dma_start3A_198 = arith.constant 1792 : i32
    %dma_start3A_199 = tpu.memref_slice %arg14[%dma_start3A_198] : memref<10240xf32, #tpu.memory_space<vmem>> -> memref<64xf32, #tpu.memory_space<vmem>>
    %dma_start3A_200 = tpu.memref_slice %arg7[%mul3A_197] : memref<2048xf32, #tpu.memory_space<hbm>> -> memref<64xf32, #tpu.memory_space<hbm>>
    %dma_start3A_201 = arith.constant 1792 : i32
    %dma_start3A_202 = tpu.memref_slice %arg14[%dma_start3A_201] : memref<10240xf32, #tpu.memory_space<vmem>> -> memref<64xf32, #tpu.memory_space<vmem>>
    %dma_start3A_203 = tpu.memref_slice %arg7[%mul3A_197] : memref<2048xf32, #tpu.memory_space<hbm>> -> memref<64xf32, #tpu.memory_space<hbm>>
    tpu.enqueue_dma source(%dma_start3A_203 : memref<64xf32, #tpu.memory_space<hbm>>) target(%dma_start3A_202 : memref<64xf32, #tpu.memory_space<vmem>>) target_semaphore(%arg27 : memref<!tpu.dma_semaphore, #tpu.memory_space<semaphore_mem>>)
    %add3A_204 = arith.constant 3 : i32
    %add3A_205 = arith.addi %mul3A_2, %add3A_204 : i32
    %jit3A_206 = arith.constant 8 : i32
    %div3A_207 = arith.divsi %add3A_205, %jit3A_206 : i32
    %sign3A_208 = arith.constant 0 : i32
    %sign3A_209 = arith.cmpi sgt, %add3A_205, %sign3A_208 : i32
    %sign3A_210 = arith.extui %sign3A_209 : i1 to i32
    %sign3A_211 = arith.constant 0 : i32
    %sign3A_212 = arith.cmpi slt, %add3A_205, %sign3A_211 : i32
    %sign3A_213 = arith.extui %sign3A_212 : i1 to i32
    %sign3A_214 = arith.subi %sign3A_210, %sign3A_213 : i32
    %sign3A_215 = arith.constant 0 : i32
    %sign3A_216 = arith.cmpi sgt, %jit3A_206, %sign3A_215 : i32
    %sign3A_217 = arith.extui %sign3A_216 : i1 to i32
    %sign3A_218 = arith.constant 0 : i32
    %sign3A_219 = arith.cmpi slt, %jit3A_206, %sign3A_218 : i32
    %sign3A_220 = arith.extui %sign3A_219 : i1 to i32
    %sign3A_221 = arith.subi %sign3A_217, %sign3A_220 : i32
    %ne3A_222 = arith.cmpi ne, %sign3A_214, %sign3A_221 : i32
    %rem3A_223 = arith.remsi %add3A_205, %jit3A_206 : i32
    %ne3A_224 = arith.constant 0 : i32
    %ne3A_225 = arith.cmpi ne, %rem3A_223, %ne3A_224 : i32
    %and3A_226 = arith.andi %ne3A_222, %ne3A_225 : i1
    %sub3A_227 = arith.constant 1 : i32
    %sub3A_228 = arith.subi %div3A_207, %sub3A_227 : i32
    %select_n3A_229 = arith.select %and3A_226, %sub3A_228, %div3A_207 : i32
    %add3A_230 = arith.constant 3 : i32
    %add3A_231 = arith.addi %mul3A_2, %add3A_230 : i32
    %jit3A_232 = arith.constant 8 : i32
    %eq3A_233 = arith.constant 0 : i32
    %eq3A_234 = arith.cmpi eq, %jit3A_232, %eq3A_233 : i32
    %jit3A_235 = arith.constant 1 : i32
    %select_n3A_236 = arith.select %eq3A_234, %jit3A_235, %jit3A_232 : i32
    %rem3A_237 = arith.remsi %add3A_231, %select_n3A_236 : i32
    %ne3A_238 = arith.constant 0 : i32
    %ne3A_239 = arith.cmpi ne, %rem3A_237, %ne3A_238 : i32
    %lt3A_240 = arith.constant 0 : i32
    %lt3A_241 = arith.cmpi slt, %rem3A_237, %lt3A_240 : i32
    %lt3A_242 = arith.constant 0 : i32
    %lt3A_243 = arith.cmpi slt, %select_n3A_236, %lt3A_242 : i32
    %ne3A_244 = arith.xori %lt3A_241, %lt3A_243 : i1
    %and3A_245 = arith.andi %ne3A_244, %ne3A_239 : i1
    %add3A_246 = arith.addi %rem3A_237, %select_n3A_236 : i32
    %select_n3A_247 = arith.select %and3A_245, %add3A_246, %rem3A_237 : i32
    %dma_start3A_248 = arith.constant 1920 : i32
    %dma_start3A_249 = tpu.memref_slice %arg14[%dma_start3A_248] : memref<10240xf32, #tpu.memory_space<vmem>> -> memref<512xf32, #tpu.memory_space<vmem>>
    %dma_start3A_250 = arith.constant 999424 : i32
    %dma_start3A_251 = tpu.memref_slice %arg5[%select_n3A_229, %select_n3A_247, %dma_start3A_250] : memref<4x8x1000000xf32, #tpu.memory_space<hbm>> -> memref<1x1x512xf32, #tpu.memory_space<hbm>>
    %dma_start3A_252 = tpu.memref_squeeze %dma_start3A_251 : memref<1x1x512xf32, #tpu.memory_space<hbm>> -> memref<512xf32, #tpu.memory_space<hbm>>
    %dma_start3A_253 = arith.constant 1920 : i32
    %dma_start3A_254 = tpu.memref_slice %arg14[%dma_start3A_253] : memref<10240xf32, #tpu.memory_space<vmem>> -> memref<512xf32, #tpu.memory_space<vmem>>
    %dma_start3A_255 = arith.constant 999424 : i32
    %dma_start3A_256 = tpu.memref_slice %arg5[%select_n3A_229, %select_n3A_247, %dma_start3A_255] : memref<4x8x1000000xf32, #tpu.memory_space<hbm>> -> memref<1x1x512xf32, #tpu.memory_space<hbm>>
    %dma_start3A_257 = tpu.memref_squeeze %dma_start3A_256 : memref<1x1x512xf32, #tpu.memory_space<hbm>> -> memref<512xf32, #tpu.memory_space<hbm>>
    tpu.enqueue_dma source(%dma_start3A_257 : memref<512xf32, #tpu.memory_space<hbm>>) target(%dma_start3A_254 : memref<512xf32, #tpu.memory_space<vmem>>) target_semaphore(%arg27 : memref<!tpu.dma_semaphore, #tpu.memory_space<semaphore_mem>>)
    %add3A_258 = arith.constant 3 : i32
    %add3A_259 = arith.addi %mul3A_2, %add3A_258 : i32
    %mul3A_260 = arith.constant 64 : i32
    %mul3A_261 = arith.muli %add3A_259, %mul3A_260 : i32
    %dma_start3A_262 = arith.constant 2432 : i32
    %dma_start3A_263 = tpu.memref_slice %arg14[%dma_start3A_262] : memref<10240xf32, #tpu.memory_space<vmem>> -> memref<64xf32, #tpu.memory_space<vmem>>
    %dma_start3A_264 = tpu.memref_slice %arg7[%mul3A_261] : memref<2048xf32, #tpu.memory_space<hbm>> -> memref<64xf32, #tpu.memory_space<hbm>>
    %dma_start3A_265 = arith.constant 2432 : i32
    %dma_start3A_266 = tpu.memref_slice %arg14[%dma_start3A_265] : memref<10240xf32, #tpu.memory_space<vmem>> -> memref<64xf32, #tpu.memory_space<vmem>>
    %dma_start3A_267 = tpu.memref_slice %arg7[%mul3A_261] : memref<2048xf32, #tpu.memory_space<hbm>> -> memref<64xf32, #tpu.memory_space<hbm>>
    tpu.enqueue_dma source(%dma_start3A_267 : memref<64xf32, #tpu.memory_space<hbm>>) target(%dma_start3A_266 : memref<64xf32, #tpu.memory_space<vmem>>) target_semaphore(%arg27 : memref<!tpu.dma_semaphore, #tpu.memory_space<semaphore_mem>>)
    %add3A_268 = arith.constant 4 : i32
    %add3A_269 = arith.addi %mul3A_2, %add3A_268 : i32
    %jit3A_270 = arith.constant 8 : i32
    %div3A_271 = arith.divsi %add3A_269, %jit3A_270 : i32
    %sign3A_272 = arith.constant 0 : i32
    %sign3A_273 = arith.cmpi sgt, %add3A_269, %sign3A_272 : i32
    %sign3A_274 = arith.extui %sign3A_273 : i1 to i32
    %sign3A_275 = arith.constant 0 : i32
    %sign3A_276 = arith.cmpi slt, %add3A_269, %sign3A_275 : i32
    %sign3A_277 = arith.extui %sign3A_276 : i1 to i32
    %sign3A_278 = arith.subi %sign3A_274, %sign3A_277 : i32
    %sign3A_279 = arith.constant 0 : i32
    %sign3A_280 = arith.cmpi sgt, %jit3A_270, %sign3A_279 : i32
    %sign3A_281 = arith.extui %sign3A_280 : i1 to i32
    %sign3A_282 = arith.constant 0 : i32
    %sign3A_283 = arith.cmpi slt, %jit3A_270, %sign3A_282 : i32
    %sign3A_284 = arith.extui %sign3A_283 : i1 to i32
    %sign3A_285 = arith.subi %sign3A_281, %sign3A_284 : i32
    %ne3A_286 = arith.cmpi ne, %sign3A_278, %sign3A_285 : i32
    %rem3A_287 = arith.remsi %add3A_269, %jit3A_270 : i32
    %ne3A_288 = arith.constant 0 : i32
    %ne3A_289 = arith.cmpi ne, %rem3A_287, %ne3A_288 : i32
    %and3A_290 = arith.andi %ne3A_286, %ne3A_289 : i1
    %sub3A_291 = arith.constant 1 : i32
    %sub3A_292 = arith.subi %div3A_271, %sub3A_291 : i32
    %select_n3A_293 = arith.select %and3A_290, %sub3A_292, %div3A_271 : i32
    %add3A_294 = arith.constant 4 : i32
    %add3A_295 = arith.addi %mul3A_2, %add3A_294 : i32
    %jit3A_296 = arith.constant 8 : i32
    %eq3A_297 = arith.constant 0 : i32
    %eq3A_298 = arith.cmpi eq, %jit3A_296, %eq3A_297 : i32
    %jit3A_299 = arith.constant 1 : i32
    %select_n3A_300 = arith.select %eq3A_298, %jit3A_299, %jit3A_296 : i32
    %rem3A_301 = arith.remsi %add3A_295, %select_n3A_300 : i32
    %ne3A_302 = arith.constant 0 : i32
    %ne3A_303 = arith.cmpi ne, %rem3A_301, %ne3A_302 : i32
    %lt3A_304 = arith.constant 0 : i32
    %lt3A_305 = arith.cmpi slt, %rem3A_301, %lt3A_304 : i32
    %lt3A_306 = arith.constant 0 : i32
    %lt3A_307 = arith.cmpi slt, %select_n3A_300, %lt3A_306 : i32
    %ne3A_308 = arith.xori %lt3A_305, %lt3A_307 : i1
    %and3A_309 = arith.andi %ne3A_308, %ne3A_303 : i1
    %add3A_310 = arith.addi %rem3A_301, %select_n3A_300 : i32
    %select_n3A_311 = arith.select %and3A_309, %add3A_310, %rem3A_301 : i32
    %dma_start3A_312 = arith.constant 2560 : i32
    %dma_start3A_313 = tpu.memref_slice %arg14[%dma_start3A_312] : memref<10240xf32, #tpu.memory_space<vmem>> -> memref<512xf32, #tpu.memory_space<vmem>>
    %dma_start3A_314 = arith.constant 999424 : i32
    %dma_start3A_315 = tpu.memref_slice %arg5[%select_n3A_293, %select_n3A_311, %dma_start3A_314] : memref<4x8x1000000xf32, #tpu.memory_space<hbm>> -> memref<1x1x512xf32, #tpu.memory_space<hbm>>
    %dma_start3A_316 = tpu.memref_squeeze %dma_start3A_315 : memref<1x1x512xf32, #tpu.memory_space<hbm>> -> memref<512xf32, #tpu.memory_space<hbm>>
    %dma_start3A_317 = arith.constant 2560 : i32
    %dma_start3A_318 = tpu.memref_slice %arg14[%dma_start3A_317] : memref<10240xf32, #tpu.memory_space<vmem>> -> memref<512xf32, #tpu.memory_space<vmem>>
    %dma_start3A_319 = arith.constant 999424 : i32
    %dma_start3A_320 = tpu.memref_slice %arg5[%select_n3A_293, %select_n3A_311, %dma_start3A_319] : memref<4x8x1000000xf32, #tpu.memory_space<hbm>> -> memref<1x1x512xf32, #tpu.memory_space<hbm>>
    %dma_start3A_321 = tpu.memref_squeeze %dma_start3A_320 : memref<1x1x512xf32, #tpu.memory_space<hbm>> -> memref<512xf32, #tpu.memory_space<hbm>>
    tpu.enqueue_dma source(%dma_start3A_321 : memref<512xf32, #tpu.memory_space<hbm>>) target(%dma_start3A_318 : memref<512xf32, #tpu.memory_space<vmem>>) target_semaphore(%arg27 : memref<!tpu.dma_semaphore, #tpu.memory_space<semaphore_mem>>)
    %add3A_322 = arith.constant 4 : i32
    %add3A_323 = arith.addi %mul3A_2, %add3A_322 : i32
    %mul3A_324 = arith.constant 64 : i32
    %mul3A_325 = arith.muli %add3A_323, %mul3A_324 : i32
    %dma_start3A_326 = arith.constant 3072 : i32
    %dma_start3A_327 = tpu.memref_slice %arg14[%dma_start3A_326] : memref<10240xf32, #tpu.memory_space<vmem>> -> memref<64xf32, #tpu.memory_space<vmem>>
    %dma_start3A_328 = tpu.memref_slice %arg7[%mul3A_325] : memref<2048xf32, #tpu.memory_space<hbm>> -> memref<64xf32, #tpu.memory_space<hbm>>
    %dma_start3A_329 = arith.constant 3072 : i32
    %dma_start3A_330 = tpu.memref_slice %arg14[%dma_start3A_329] : memref<10240xf32, #tpu.memory_space<vmem>> -> memref<64xf32, #tpu.memory_space<vmem>>
    %dma_start3A_331 = tpu.memref_slice %arg7[%mul3A_325] : memref<2048xf32, #tpu.memory_space<hbm>> -> memref<64xf32, #tpu.memory_space<hbm>>
    tpu.enqueue_dma source(%dma_start3A_331 : memref<64xf32, #tpu.memory_space<hbm>>) target(%dma_start3A_330 : memref<64xf32, #tpu.memory_space<vmem>>) target_semaphore(%arg27 : memref<!tpu.dma_semaphore, #tpu.memory_space<semaphore_mem>>)
    %add3A_332 = arith.constant 5 : i32
    %add3A_333 = arith.addi %mul3A_2, %add3A_332 : i32
    %jit3A_334 = arith.constant 8 : i32
    %div3A_335 = arith.divsi %add3A_333, %jit3A_334 : i32
    %sign3A_336 = arith.constant 0 : i32
    %sign3A_337 = arith.cmpi sgt, %add3A_333, %sign3A_336 : i32
    %sign3A_338 = arith.extui %sign3A_337 : i1 to i32
    %sign3A_339 = arith.constant 0 : i32
    %sign3A_340 = arith.cmpi slt, %add3A_333, %sign3A_339 : i32
    %sign3A_341 = arith.extui %sign3A_340 : i1 to i32
    %sign3A_342 = arith.subi %sign3A_338, %sign3A_341 : i32
    %sign3A_343 = arith.constant 0 : i32
    %sign3A_344 = arith.cmpi sgt, %jit3A_334, %sign3A_343 : i32
    %sign3A_345 = arith.extui %sign3A_344 : i1 to i32
    %sign3A_346 = arith.constant 0 : i32
    %sign3A_347 = arith.cmpi slt, %jit3A_334, %sign3A_346 : i32
    %sign3A_348 = arith.extui %sign3A_347 : i1 to i32
    %sign3A_349 = arith.subi %sign3A_345, %sign3A_348 : i32
    %ne3A_350 = arith.cmpi ne, %sign3A_342, %sign3A_349 : i32
    %rem3A_351 = arith.remsi %add3A_333, %jit3A_334 : i32
    %ne3A_352 = arith.constant 0 : i32
    %ne3A_353 = arith.cmpi ne, %rem3A_351, %ne3A_352 : i32
    %and3A_354 = arith.andi %ne3A_350, %ne3A_353 : i1
    %sub3A_355 = arith.constant 1 : i32
    %sub3A_356 = arith.subi %div3A_335, %sub3A_355 : i32
    %select_n3A_357 = arith.select %and3A_354, %sub3A_356, %div3A_335 : i32
    %add3A_358 = arith.constant 5 : i32
    %add3A_359 = arith.addi %mul3A_2, %add3A_358 : i32
    %jit3A_360 = arith.constant 8 : i32
    %eq3A_361 = arith.constant 0 : i32
    %eq3A_362 = arith.cmpi eq, %jit3A_360, %eq3A_361 : i32
    %jit3A_363 = arith.constant 1 : i32
    %select_n3A_364 = arith.select %eq3A_362, %jit3A_363, %jit3A_360 : i32
    %rem3A_365 = arith.remsi %add3A_359, %select_n3A_364 : i32
    %ne3A_366 = arith.constant 0 : i32
    %ne3A_367 = arith.cmpi ne, %rem3A_365, %ne3A_366 : i32
    %lt3A_368 = arith.constant 0 : i32
    %lt3A_369 = arith.cmpi slt, %rem3A_365, %lt3A_368 : i32
    %lt3A_370 = arith.constant 0 : i32
    %lt3A_371 = arith.cmpi slt, %select_n3A_364, %lt3A_370 : i32
    %ne3A_372 = arith.xori %lt3A_369, %lt3A_371 : i1
    %and3A_373 = arith.andi %ne3A_372, %ne3A_367 : i1
    %add3A_374 = arith.addi %rem3A_365, %select_n3A_364 : i32
    %select_n3A_375 = arith.select %and3A_373, %add3A_374, %rem3A_365 : i32
    %dma_start3A_376 = arith.constant 3200 : i32
    %dma_start3A_377 = tpu.memref_slice %arg14[%dma_start3A_376] : memref<10240xf32, #tpu.memory_space<vmem>> -> memref<512xf32, #tpu.memory_space<vmem>>
    %dma_start3A_378 = arith.constant 999424 : i32
    %dma_start3A_379 = tpu.memref_slice %arg5[%select_n3A_357, %select_n3A_375, %dma_start3A_378] : memref<4x8x1000000xf32, #tpu.memory_space<hbm>> -> memref<1x1x512xf32, #tpu.memory_space<hbm>>
    %dma_start3A_380 = tpu.memref_squeeze %dma_start3A_379 : memref<1x1x512xf32, #tpu.memory_space<hbm>> -> memref<512xf32, #tpu.memory_space<hbm>>
    %dma_start3A_381 = arith.constant 3200 : i32
    %dma_start3A_382 = tpu.memref_slice %arg14[%dma_start3A_381] : memref<10240xf32, #tpu.memory_space<vmem>> -> memref<512xf32, #tpu.memory_space<vmem>>
    %dma_start3A_383 = arith.constant 999424 : i32
    %dma_start3A_384 = tpu.memref_slice %arg5[%select_n3A_357, %select_n3A_375, %dma_start3A_383] : memref<4x8x1000000xf32, #tpu.memory_space<hbm>> -> memref<1x1x512xf32, #tpu.memory_space<hbm>>
    %dma_start3A_385 = tpu.memref_squeeze %dma_start3A_384 : memref<1x1x512xf32, #tpu.memory_space<hbm>> -> memref<512xf32, #tpu.memory_space<hbm>>
    tpu.enqueue_dma source(%dma_start3A_385 : memref<512xf32, #tpu.memory_space<hbm>>) target(%dma_start3A_382 : memref<512xf32, #tpu.memory_space<vmem>>) target_semaphore(%arg27 : memref<!tpu.dma_semaphore, #tpu.memory_space<semaphore_mem>>)
    %add3A_386 = arith.constant 5 : i32
    %add3A_387 = arith.addi %mul3A_2, %add3A_386 : i32
    %mul3A_388 = arith.constant 64 : i32
    %mul3A_389 = arith.muli %add3A_387, %mul3A_388 : i32
    %dma_start3A_390 = arith.constant 3712 : i32
    %dma_start3A_391 = tpu.memref_slice %arg14[%dma_start3A_390] : memref<10240xf32, #tpu.memory_space<vmem>> -> memref<64xf32, #tpu.memory_space<vmem>>
    %dma_start3A_392 = tpu.memref_slice %arg7[%mul3A_389] : memref<2048xf32, #tpu.memory_space<hbm>> -> memref<64xf32, #tpu.memory_space<hbm>>
    %dma_start3A_393 = arith.constant 3712 : i32
    %dma_start3A_394 = tpu.memref_slice %arg14[%dma_start3A_393] : memref<10240xf32, #tpu.memory_space<vmem>> -> memref<64xf32, #tpu.memory_space<vmem>>
    %dma_start3A_395 = tpu.memref_slice %arg7[%mul3A_389] : memref<2048xf32, #tpu.memory_space<hbm>> -> memref<64xf32, #tpu.memory_space<hbm>>
    tpu.enqueue_dma source(%dma_start3A_395 : memref<64xf32, #tpu.memory_space<hbm>>) target(%dma_start3A_394 : memref<64xf32, #tpu.memory_space<vmem>>) target_semaphore(%arg27 : memref<!tpu.dma_semaphore, #tpu.memory_space<semaphore_mem>>)
    %add3A_396 = arith.constant 6 : i32
    %add3A_397 = arith.addi %mul3A_2, %add3A_396 : i32
    %jit3A_398 = arith.constant 8 : i32
    %div3A_399 = arith.divsi %add3A_397, %jit3A_398 : i32
    %sign3A_400 = arith.constant 0 : i32
    %sign3A_401 = arith.cmpi sgt, %add3A_397, %sign3A_400 : i32
    %sign3A_402 = arith.extui %sign3A_401 : i1 to i32
    %sign3A_403 = arith.constant 0 : i32
    %sign3A_404 = arith.cmpi slt, %add3A_397, %sign3A_403 : i32
    %sign3A_405 = arith.extui %sign3A_404 : i1 to i32
    %sign3A_406 = arith.subi %sign3A_402, %sign3A_405 : i32
    %sign3A_407 = arith.constant 0 : i32
    %sign3A_408 = arith.cmpi sgt, %jit3A_398, %sign3A_407 : i32
    %sign3A_409 = arith.extui %sign3A_408 : i1 to i32
    %sign3A_410 = arith.constant 0 : i32
    %sign3A_411 = arith.cmpi slt, %jit3A_398, %sign3A_410 : i32
    %sign3A_412 = arith.extui %sign3A_411 : i1 to i32
    %sign3A_413 = arith.subi %sign3A_409, %sign3A_412 : i32
    %ne3A_414 = arith.cmpi ne, %sign3A_406, %sign3A_413 : i32
    %rem3A_415 = arith.remsi %add3A_397, %jit3A_398 : i32
    %ne3A_416 = arith.constant 0 : i32
    %ne3A_417 = arith.cmpi ne, %rem3A_415, %ne3A_416 : i32
    %and3A_418 = arith.andi %ne3A_414, %ne3A_417 : i1
    %sub3A_419 = arith.constant 1 : i32
    %sub3A_420 = arith.subi %div3A_399, %sub3A_419 : i32
    %select_n3A_421 = arith.select %and3A_418, %sub3A_420, %div3A_399 : i32
    %add3A_422 = arith.constant 6 : i32
    %add3A_423 = arith.addi %mul3A_2, %add3A_422 : i32
    %jit3A_424 = arith.constant 8 : i32
    %eq3A_425 = arith.constant 0 : i32
    %eq3A_426 = arith.cmpi eq, %jit3A_424, %eq3A_425 : i32
    %jit3A_427 = arith.constant 1 : i32
    %select_n3A_428 = arith.select %eq3A_426, %jit3A_427, %jit3A_424 : i32
    %rem3A_429 = arith.remsi %add3A_423, %select_n3A_428 : i32
    %ne3A_430 = arith.constant 0 : i32
    %ne3A_431 = arith.cmpi ne, %rem3A_429, %ne3A_430 : i32
    %lt3A_432 = arith.constant 0 : i32
    %lt3A_433 = arith.cmpi slt, %rem3A_429, %lt3A_432 : i32
    %lt3A_434 = arith.constant 0 : i32
    %lt3A_435 = arith.cmpi slt, %select_n3A_428, %lt3A_434 : i32
    %ne3A_436 = arith.xori %lt3A_433, %lt3A_435 : i1
    %and3A_437 = arith.andi %ne3A_436, %ne3A_431 : i1
    %add3A_438 = arith.addi %rem3A_429, %select_n3A_428 : i32
    %select_n3A_439 = arith.select %and3A_437, %add3A_438, %rem3A_429 : i32
    %dma_start3A_440 = arith.constant 3840 : i32
    %dma_start3A_441 = tpu.memref_slice %arg14[%dma_start3A_440] : memref<10240xf32, #tpu.memory_space<vmem>> -> memref<512xf32, #tpu.memory_space<vmem>>
    %dma_start3A_442 = arith.constant 999424 : i32
    %dma_start3A_443 = tpu.memref_slice %arg5[%select_n3A_421, %select_n3A_439, %dma_start3A_442] : memref<4x8x1000000xf32, #tpu.memory_space<hbm>> -> memref<1x1x512xf32, #tpu.memory_space<hbm>>
    %dma_start3A_444 = tpu.memref_squeeze %dma_start3A_443 : memref<1x1x512xf32, #tpu.memory_space<hbm>> -> memref<512xf32, #tpu.memory_space<hbm>>
    %dma_start3A_445 = arith.constant 3840 : i32
    %dma_start3A_446 = tpu.memref_slice %arg14[%dma_start3A_445] : memref<10240xf32, #tpu.memory_space<vmem>> -> memref<512xf32, #tpu.memory_space<vmem>>
    %dma_start3A_447 = arith.constant 999424 : i32
    %dma_start3A_448 = tpu.memref_slice %arg5[%select_n3A_421, %select_n3A_439, %dma_start3A_447] : memref<4x8x1000000xf32, #tpu.memory_space<hbm>> -> memref<1x1x512xf32, #tpu.memory_space<hbm>>
    %dma_start3A_449 = tpu.memref_squeeze %dma_start3A_448 : memref<1x1x512xf32, #tpu.memory_space<hbm>> -> memref<512xf32, #tpu.memory_space<hbm>>
    tpu.enqueue_dma source(%dma_start3A_449 : memref<512xf32, #tpu.memory_space<hbm>>) target(%dma_start3A_446 : memref<512xf32, #tpu.memory_space<vmem>>) target_semaphore(%arg27 : memref<!tpu.dma_semaphore, #tpu.memory_space<semaphore_mem>>)
    %add3A_450 = arith.constant 6 : i32
    %add3A_451 = arith.addi %mul3A_2, %add3A_450 : i32
    %mul3A_452 = arith.constant 64 : i32
    %mul3A_453 = arith.muli %add3A_451, %mul3A_452 : i32
    %dma_start3A_454 = arith.constant 4352 : i32
    %dma_start3A_455 = tpu.memref_slice %arg14[%dma_start3A_454] : memref<10240xf32, #tpu.memory_space<vmem>> -> memref<64xf32, #tpu.memory_space<vmem>>
    %dma_start3A_456 = tpu.memref_slice %arg7[%mul3A_453] : memref<2048xf32, #tpu.memory_space<hbm>> -> memref<64xf32, #tpu.memory_space<hbm>>
    %dma_start3A_457 = arith.constant 4352 : i32
    %dma_start3A_458 = tpu.memref_slice %arg14[%dma_start3A_457] : memref<10240xf32, #tpu.memory_space<vmem>> -> memref<64xf32, #tpu.memory_space<vmem>>
    %dma_start3A_459 = tpu.memref_slice %arg7[%mul3A_453] : memref<2048xf32, #tpu.memory_space<hbm>> -> memref<64xf32, #tpu.memory_space<hbm>>
    tpu.enqueue_dma source(%dma_start3A_459 : memref<64xf32, #tpu.memory_space<hbm>>) target(%dma_start3A_458 : memref<64xf32, #tpu.memory_space<vmem>>) target_semaphore(%arg27 : memref<!tpu.dma_semaphore, #tpu.memory_space<semaphore_mem>>)
    %add3A_460 = arith.constant 7 : i32
    %add3A_461 = arith.addi %mul3A_2, %add3A_460 : i32
    %jit3A_462 = arith.constant 8 : i32
    %div3A_463 = arith.divsi %add3A_461, %jit3A_462 : i32
    %sign3A_464 = arith.constant 0 : i32
    %sign3A_465 = arith.cmpi sgt, %add3A_461, %sign3A_464 : i32
    %sign3A_466 = arith.extui %sign3A_465 : i1 to i32
    %sign3A_467 = arith.constant 0 : i32
    %sign3A_468 = arith.cmpi slt, %add3A_461, %sign3A_467 : i32
    %sign3A_469 = arith.extui %sign3A_468 : i1 to i32
    %sign3A_470 = arith.subi %sign3A_466, %sign3A_469 : i32
    %sign3A_471 = arith.constant 0 : i32
    %sign3A_472 = arith.cmpi sgt, %jit3A_462, %sign3A_471 : i32
    %sign3A_473 = arith.extui %sign3A_472 : i1 to i32
    %sign3A_474 = arith.constant 0 : i32
    %sign3A_475 = arith.cmpi slt, %jit3A_462, %sign3A_474 : i32
    %sign3A_476 = arith.extui %sign3A_475 : i1 to i32
    %sign3A_477 = arith.subi %sign3A_473, %sign3A_476 : i32
    %ne3A_478 = arith.cmpi ne, %sign3A_470, %sign3A_477 : i32
    %rem3A_479 = arith.remsi %add3A_461, %jit3A_462 : i32
    %ne3A_480 = arith.constant 0 : i32
    %ne3A_481 = arith.cmpi ne, %rem3A_479, %ne3A_480 : i32
    %and3A_482 = arith.andi %ne3A_478, %ne3A_481 : i1
    %sub3A_483 = arith.constant 1 : i32
    %sub3A_484 = arith.subi %div3A_463, %sub3A_483 : i32
    %select_n3A_485 = arith.select %and3A_482, %sub3A_484, %div3A_463 : i32
    %add3A_486 = arith.constant 7 : i32
    %add3A_487 = arith.addi %mul3A_2, %add3A_486 : i32
    %jit3A_488 = arith.constant 8 : i32
    %eq3A_489 = arith.constant 0 : i32
    %eq3A_490 = arith.cmpi eq, %jit3A_488, %eq3A_489 : i32
    %jit3A_491 = arith.constant 1 : i32
    %select_n3A_492 = arith.select %eq3A_490, %jit3A_491, %jit3A_488 : i32
    %rem3A_493 = arith.remsi %add3A_487, %select_n3A_492 : i32
    %ne3A_494 = arith.constant 0 : i32
    %ne3A_495 = arith.cmpi ne, %rem3A_493, %ne3A_494 : i32
    %lt3A_496 = arith.constant 0 : i32
    %lt3A_497 = arith.cmpi slt, %rem3A_493, %lt3A_496 : i32
    %lt3A_498 = arith.constant 0 : i32
    %lt3A_499 = arith.cmpi slt, %select_n3A_492, %lt3A_498 : i32
    %ne3A_500 = arith.xori %lt3A_497, %lt3A_499 : i1
    %and3A_501 = arith.andi %ne3A_500, %ne3A_495 : i1
    %add3A_502 = arith.addi %rem3A_493, %select_n3A_492 : i32
    %select_n3A_503 = arith.select %and3A_501, %add3A_502, %rem3A_493 : i32
    %dma_start3A_504 = arith.constant 4480 : i32
    %dma_start3A_505 = tpu.memref_slice %arg14[%dma_start3A_504] : memref<10240xf32, #tpu.memory_space<vmem>> -> memref<512xf32, #tpu.memory_space<vmem>>
    %dma_start3A_506 = arith.constant 999424 : i32
    %dma_start3A_507 = tpu.memref_slice %arg5[%select_n3A_485, %select_n3A_503, %dma_start3A_506] : memref<4x8x1000000xf32, #tpu.memory_space<hbm>> -> memref<1x1x512xf32, #tpu.memory_space<hbm>>
    %dma_start3A_508 = tpu.memref_squeeze %dma_start3A_507 : memref<1x1x512xf32, #tpu.memory_space<hbm>> -> memref<512xf32, #tpu.memory_space<hbm>>
    %dma_start3A_509 = arith.constant 4480 : i32
    %dma_start3A_510 = tpu.memref_slice %arg14[%dma_start3A_509] : memref<10240xf32, #tpu.memory_space<vmem>> -> memref<512xf32, #tpu.memory_space<vmem>>
    %dma_start3A_511 = arith.constant 999424 : i32
    %dma_start3A_512 = tpu.memref_slice %arg5[%select_n3A_485, %select_n3A_503, %dma_start3A_511] : memref<4x8x1000000xf32, #tpu.memory_space<hbm>> -> memref<1x1x512xf32, #tpu.memory_space<hbm>>
    %dma_start3A_513 = tpu.memref_squeeze %dma_start3A_512 : memref<1x1x512xf32, #tpu.memory_space<hbm>> -> memref<512xf32, #tpu.memory_space<hbm>>
    tpu.enqueue_dma source(%dma_start3A_513 : memref<512xf32, #tpu.memory_space<hbm>>) target(%dma_start3A_510 : memref<512xf32, #tpu.memory_space<vmem>>) target_semaphore(%arg27 : memref<!tpu.dma_semaphore, #tpu.memory_space<semaphore_mem>>)
    %add3A_514 = arith.constant 7 : i32
    %add3A_515 = arith.addi %mul3A_2, %add3A_514 : i32
    %mul3A_516 = arith.constant 64 : i32
    %mul3A_517 = arith.muli %add3A_515, %mul3A_516 : i32
    %dma_start3A_518 = arith.constant 4992 : i32
    %dma_start3A_519 = tpu.memref_slice %arg14[%dma_start3A_518] : memref<10240xf32, #tpu.memory_space<vmem>> -> memref<64xf32, #tpu.memory_space<vmem>>
    %dma_start3A_520 = tpu.memref_slice %arg7[%mul3A_517] : memref<2048xf32, #tpu.memory_space<hbm>> -> memref<64xf32, #tpu.memory_space<hbm>>
    %dma_start3A_521 = arith.constant 4992 : i32
    %dma_start3A_522 = tpu.memref_slice %arg14[%dma_start3A_521] : memref<10240xf32, #tpu.memory_space<vmem>> -> memref<64xf32, #tpu.memory_space<vmem>>
    %dma_start3A_523 = tpu.memref_slice %arg7[%mul3A_517] : memref<2048xf32, #tpu.memory_space<hbm>> -> memref<64xf32, #tpu.memory_space<hbm>>
    tpu.enqueue_dma source(%dma_start3A_523 : memref<64xf32, #tpu.memory_space<hbm>>) target(%dma_start3A_522 : memref<64xf32, #tpu.memory_space<vmem>>) target_semaphore(%arg27 : memref<!tpu.dma_semaphore, #tpu.memory_space<semaphore_mem>>)
    %add3A_524 = arith.constant 8 : i32
    %add3A_525 = arith.addi %mul3A_2, %add3A_524 : i32
    %jit3A_526 = arith.constant 8 : i32
    %div3A_527 = arith.divsi %add3A_525, %jit3A_526 : i32
    %sign3A_528 = arith.constant 0 : i32
    %sign3A_529 = arith.cmpi sgt, %add3A_525, %sign3A_528 : i32
    %sign3A_530 = arith.extui %sign3A_529 : i1 to i32
    %sign3A_531 = arith.constant 0 : i32
    %sign3A_532 = arith.cmpi slt, %add3A_525, %sign3A_531 : i32
    %sign3A_533 = arith.extui %sign3A_532 : i1 to i32
    %sign3A_534 = arith.subi %sign3A_530, %sign3A_533 : i32
    %sign3A_535 = arith.constant 0 : i32
    %sign3A_536 = arith.cmpi sgt, %jit3A_526, %sign3A_535 : i32
    %sign3A_537 = arith.extui %sign3A_536 : i1 to i32
    %sign3A_538 = arith.constant 0 : i32
    %sign3A_539 = arith.cmpi slt, %jit3A_526, %sign3A_538 : i32
    %sign3A_540 = arith.extui %sign3A_539 : i1 to i32
    %sign3A_541 = arith.subi %sign3A_537, %sign3A_540 : i32
    %ne3A_542 = arith.cmpi ne, %sign3A_534, %sign3A_541 : i32
    %rem3A_543 = arith.remsi %add3A_525, %jit3A_526 : i32
    %ne3A_544 = arith.constant 0 : i32
    %ne3A_545 = arith.cmpi ne, %rem3A_543, %ne3A_544 : i32
    %and3A_546 = arith.andi %ne3A_542, %ne3A_545 : i1
    %sub3A_547 = arith.constant 1 : i32
    %sub3A_548 = arith.subi %div3A_527, %sub3A_547 : i32
    %select_n3A_549 = arith.select %and3A_546, %sub3A_548, %div3A_527 : i32
    %add3A_550 = arith.constant 8 : i32
    %add3A_551 = arith.addi %mul3A_2, %add3A_550 : i32
    %jit3A_552 = arith.constant 8 : i32
    %eq3A_553 = arith.constant 0 : i32
    %eq3A_554 = arith.cmpi eq, %jit3A_552, %eq3A_553 : i32
    %jit3A_555 = arith.constant 1 : i32
    %select_n3A_556 = arith.select %eq3A_554, %jit3A_555, %jit3A_552 : i32
    %rem3A_557 = arith.remsi %add3A_551, %select_n3A_556 : i32
    %ne3A_558 = arith.constant 0 : i32
    %ne3A_559 = arith.cmpi ne, %rem3A_557, %ne3A_558 : i32
    %lt3A_560 = arith.constant 0 : i32
    %lt3A_561 = arith.cmpi slt, %rem3A_557, %lt3A_560 : i32
    %lt3A_562 = arith.constant 0 : i32
    %lt3A_563 = arith.cmpi slt, %select_n3A_556, %lt3A_562 : i32
    %ne3A_564 = arith.xori %lt3A_561, %lt3A_563 : i1
    %and3A_565 = arith.andi %ne3A_564, %ne3A_559 : i1
    %add3A_566 = arith.addi %rem3A_557, %select_n3A_556 : i32
    %select_n3A_567 = arith.select %and3A_565, %add3A_566, %rem3A_557 : i32
    %dma_start3A_568 = arith.constant 5120 : i32
    %dma_start3A_569 = tpu.memref_slice %arg14[%dma_start3A_568] : memref<10240xf32, #tpu.memory_space<vmem>> -> memref<512xf32, #tpu.memory_space<vmem>>
    %dma_start3A_570 = arith.constant 999424 : i32
    %dma_start3A_571 = tpu.memref_slice %arg5[%select_n3A_549, %select_n3A_567, %dma_start3A_570] : memref<4x8x1000000xf32, #tpu.memory_space<hbm>> -> memref<1x1x512xf32, #tpu.memory_space<hbm>>
    %dma_start3A_572 = tpu.memref_squeeze %dma_start3A_571 : memref<1x1x512xf32, #tpu.memory_space<hbm>> -> memref<512xf32, #tpu.memory_space<hbm>>
    %dma_start3A_573 = arith.constant 5120 : i32
    %dma_start3A_574 = tpu.memref_slice %arg14[%dma_start3A_573] : memref<10240xf32, #tpu.memory_space<vmem>> -> memref<512xf32, #tpu.memory_space<vmem>>
    %dma_start3A_575 = arith.constant 999424 : i32
    %dma_start3A_576 = tpu.memref_slice %arg5[%select_n3A_549, %select_n3A_567, %dma_start3A_575] : memref<4x8x1000000xf32, #tpu.memory_space<hbm>> -> memref<1x1x512xf32, #tpu.memory_space<hbm>>
    %dma_start3A_577 = tpu.memref_squeeze %dma_start3A_576 : memref<1x1x512xf32, #tpu.memory_space<hbm>> -> memref<512xf32, #tpu.memory_space<hbm>>
    tpu.enqueue_dma source(%dma_start3A_577 : memref<512xf32, #tpu.memory_space<hbm>>) target(%dma_start3A_574 : memref<512xf32, #tpu.memory_space<vmem>>) target_semaphore(%arg27 : memref<!tpu.dma_semaphore, #tpu.memory_space<semaphore_mem>>)
    %add3A_578 = arith.constant 8 : i32
    %add3A_579 = arith.addi %mul3A_2, %add3A_578 : i32
    %mul3A_580 = arith.constant 64 : i32
    %mul3A_581 = arith.muli %add3A_579, %mul3A_580 : i32
    %dma_start3A_582 = arith.constant 5632 : i32
    %dma_start3A_583 = tpu.memref_slice %arg14[%dma_start3A_582] : memref<10240xf32, #tpu.memory_space<vmem>> -> memref<64xf32, #tpu.memory_space<vmem>>
    %dma_start3A_584 = tpu.memref_slice %arg7[%mul3A_581] : memref<2048xf32, #tpu.memory_space<hbm>> -> memref<64xf32, #tpu.memory_space<hbm>>
    %dma_start3A_585 = arith.constant 5632 : i32
    %dma_start3A_586 = tpu.memref_slice %arg14[%dma_start3A_585] : memref<10240xf32, #tpu.memory_space<vmem>> -> memref<64xf32, #tpu.memory_space<vmem>>
    %dma_start3A_587 = tpu.memref_slice %arg7[%mul3A_581] : memref<2048xf32, #tpu.memory_space<hbm>> -> memref<64xf32, #tpu.memory_space<hbm>>
    tpu.enqueue_dma source(%dma_start3A_587 : memref<64xf32, #tpu.memory_space<hbm>>) target(%dma_start3A_586 : memref<64xf32, #tpu.memory_space<vmem>>) target_semaphore(%arg27 : memref<!tpu.dma_semaphore, #tpu.memory_space<semaphore_mem>>)
    %add3A_588 = arith.constant 9 : i32
    %add3A_589 = arith.addi %mul3A_2, %add3A_588 : i32
    %jit3A_590 = arith.constant 8 : i32
    %div3A_591 = arith.divsi %add3A_589, %jit3A_590 : i32
    %sign3A_592 = arith.constant 0 : i32
    %sign3A_593 = arith.cmpi sgt, %add3A_589, %sign3A_592 : i32
    %sign3A_594 = arith.extui %sign3A_593 : i1 to i32
    %sign3A_595 = arith.constant 0 : i32
    %sign3A_596 = arith.cmpi slt, %add3A_589, %sign3A_595 : i32
    %sign3A_597 = arith.extui %sign3A_596 : i1 to i32
    %sign3A_598 = arith.subi %sign3A_594, %sign3A_597 : i32
    %sign3A_599 = arith.constant 0 : i32
    %sign3A_600 = arith.cmpi sgt, %jit3A_590, %sign3A_599 : i32
    %sign3A_601 = arith.extui %sign3A_600 : i1 to i32
    %sign3A_602 = arith.constant 0 : i32
    %sign3A_603 = arith.cmpi slt, %jit3A_590, %sign3A_602 : i32
    %sign3A_604 = arith.extui %sign3A_603 : i1 to i32
    %sign3A_605 = arith.subi %sign3A_601, %sign3A_604 : i32
    %ne3A_606 = arith.cmpi ne, %sign3A_598, %sign3A_605 : i32
    %rem3A_607 = arith.remsi %add3A_589, %jit3A_590 : i32
    %ne3A_608 = arith.constant 0 : i32
    %ne3A_609 = arith.cmpi ne, %rem3A_607, %ne3A_608 : i32
    %and3A_610 = arith.andi %ne3A_606, %ne3A_609 : i1
    %sub3A_611 = arith.constant 1 : i32
    %sub3A_612 = arith.subi %div3A_591, %sub3A_611 : i32
    %select_n3A_613 = arith.select %and3A_610, %sub3A_612, %div3A_591 : i32
    %add3A_614 = arith.constant 9 : i32
    %add3A_615 = arith.addi %mul3A_2, %add3A_614 : i32
    %jit3A_616 = arith.constant 8 : i32
    %eq3A_617 = arith.constant 0 : i32
    %eq3A_618 = arith.cmpi eq, %jit3A_616, %eq3A_617 : i32
    %jit3A_619 = arith.constant 1 : i32
    %select_n3A_620 = arith.select %eq3A_618, %jit3A_619, %jit3A_616 : i32
    %rem3A_621 = arith.remsi %add3A_615, %select_n3A_620 : i32
    %ne3A_622 = arith.constant 0 : i32
    %ne3A_623 = arith.cmpi ne, %rem3A_621, %ne3A_622 : i32
    %lt3A_624 = arith.constant 0 : i32
    %lt3A_625 = arith.cmpi slt, %rem3A_621, %lt3A_624 : i32
    %lt3A_626 = arith.constant 0 : i32
    %lt3A_627 = arith.cmpi slt, %select_n3A_620, %lt3A_626 : i32
    %ne3A_628 = arith.xori %lt3A_625, %lt3A_627 : i1
    %and3A_629 = arith.andi %ne3A_628, %ne3A_623 : i1
    %add3A_630 = arith.addi %rem3A_621, %select_n3A_620 : i32
    %select_n3A_631 = arith.select %and3A_629, %add3A_630, %rem3A_621 : i32
    %dma_start3A_632 = arith.constant 5760 : i32
    %dma_start3A_633 = tpu.memref_slice %arg14[%dma_start3A_632] : memref<10240xf32, #tpu.memory_space<vmem>> -> memref<512xf32, #tpu.memory_space<vmem>>
    %dma_start3A_634 = arith.constant 999424 : i32
    %dma_start3A_635 = tpu.memref_slice %arg5[%select_n3A_613, %select_n3A_631, %dma_start3A_634] : memref<4x8x1000000xf32, #tpu.memory_space<hbm>> -> memref<1x1x512xf32, #tpu.memory_space<hbm>>
    %dma_start3A_636 = tpu.memref_squeeze %dma_start3A_635 : memref<1x1x512xf32, #tpu.memory_space<hbm>> -> memref<512xf32, #tpu.memory_space<hbm>>
    %dma_start3A_637 = arith.constant 5760 : i32
    %dma_start3A_638 = tpu.memref_slice %arg14[%dma_start3A_637] : memref<10240xf32, #tpu.memory_space<vmem>> -> memref<512xf32, #tpu.memory_space<vmem>>
    %dma_start3A_639 = arith.constant 999424 : i32
    %dma_start3A_640 = tpu.memref_slice %arg5[%select_n3A_613, %select_n3A_631, %dma_start3A_639] : memref<4x8x1000000xf32, #tpu.memory_space<hbm>> -> memref<1x1x512xf32, #tpu.memory_space<hbm>>
    %dma_start3A_641 = tpu.memref_squeeze %dma_start3A_640 : memref<1x1x512xf32, #tpu.memory_space<hbm>> -> memref<512xf32, #tpu.memory_space<hbm>>
    tpu.enqueue_dma source(%dma_start3A_641 : memref<512xf32, #tpu.memory_space<hbm>>) target(%dma_start3A_638 : memref<512xf32, #tpu.memory_space<vmem>>) target_semaphore(%arg27 : memref<!tpu.dma_semaphore, #tpu.memory_space<semaphore_mem>>)
    %add3A_642 = arith.constant 9 : i32
    %add3A_643 = arith.addi %mul3A_2, %add3A_642 : i32
    %mul3A_644 = arith.constant 64 : i32
    %mul3A_645 = arith.muli %add3A_643, %mul3A_644 : i32
    %dma_start3A_646 = arith.constant 6272 : i32
    %dma_start3A_647 = tpu.memref_slice %arg14[%dma_start3A_646] : memref<10240xf32, #tpu.memory_space<vmem>> -> memref<64xf32, #tpu.memory_space<vmem>>
    %dma_start3A_648 = tpu.memref_slice %arg7[%mul3A_645] : memref<2048xf32, #tpu.memory_space<hbm>> -> memref<64xf32, #tpu.memory_space<hbm>>
    %dma_start3A_649 = arith.constant 6272 : i32
    %dma_start3A_650 = tpu.memref_slice %arg14[%dma_start3A_649] : memref<10240xf32, #tpu.memory_space<vmem>> -> memref<64xf32, #tpu.memory_space<vmem>>
    %dma_start3A_651 = tpu.memref_slice %arg7[%mul3A_645] : memref<2048xf32, #tpu.memory_space<hbm>> -> memref<64xf32, #tpu.memory_space<hbm>>
    tpu.enqueue_dma source(%dma_start3A_651 : memref<64xf32, #tpu.memory_space<hbm>>) target(%dma_start3A_650 : memref<64xf32, #tpu.memory_space<vmem>>) target_semaphore(%arg27 : memref<!tpu.dma_semaphore, #tpu.memory_space<semaphore_mem>>)
    %add3A_652 = arith.constant 10 : i32
    %add3A_653 = arith.addi %mul3A_2, %add3A_652 : i32
    %jit3A_654 = arith.constant 8 : i32
    %div3A_655 = arith.divsi %add3A_653, %jit3A_654 : i32
    %sign3A_656 = arith.constant 0 : i32
    %sign3A_657 = arith.cmpi sgt, %add3A_653, %sign3A_656 : i32
    %sign3A_658 = arith.extui %sign3A_657 : i1 to i32
    %sign3A_659 = arith.constant 0 : i32
    %sign3A_660 = arith.cmpi slt, %add3A_653, %sign3A_659 : i32
    %sign3A_661 = arith.extui %sign3A_660 : i1 to i32
    %sign3A_662 = arith.subi %sign3A_658, %sign3A_661 : i32
    %sign3A_663 = arith.constant 0 : i32
    %sign3A_664 = arith.cmpi sgt, %jit3A_654, %sign3A_663 : i32
    %sign3A_665 = arith.extui %sign3A_664 : i1 to i32
    %sign3A_666 = arith.constant 0 : i32
    %sign3A_667 = arith.cmpi slt, %jit3A_654, %sign3A_666 : i32
    %sign3A_668 = arith.extui %sign3A_667 : i1 to i32
    %sign3A_669 = arith.subi %sign3A_665, %sign3A_668 : i32
    %ne3A_670 = arith.cmpi ne, %sign3A_662, %sign3A_669 : i32
    %rem3A_671 = arith.remsi %add3A_653, %jit3A_654 : i32
    %ne3A_672 = arith.constant 0 : i32
    %ne3A_673 = arith.cmpi ne, %rem3A_671, %ne3A_672 : i32
    %and3A_674 = arith.andi %ne3A_670, %ne3A_673 : i1
    %sub3A_675 = arith.constant 1 : i32
    %sub3A_676 = arith.subi %div3A_655, %sub3A_675 : i32
    %select_n3A_677 = arith.select %and3A_674, %sub3A_676, %div3A_655 : i32
    %add3A_678 = arith.constant 10 : i32
    %add3A_679 = arith.addi %mul3A_2, %add3A_678 : i32
    %jit3A_680 = arith.constant 8 : i32
    %eq3A_681 = arith.constant 0 : i32
    %eq3A_682 = arith.cmpi eq, %jit3A_680, %eq3A_681 : i32
    %jit3A_683 = arith.constant 1 : i32
    %select_n3A_684 = arith.select %eq3A_682, %jit3A_683, %jit3A_680 : i32
    %rem3A_685 = arith.remsi %add3A_679, %select_n3A_684 : i32
    %ne3A_686 = arith.constant 0 : i32
    %ne3A_687 = arith.cmpi ne, %rem3A_685, %ne3A_686 : i32
    %lt3A_688 = arith.constant 0 : i32
    %lt3A_689 = arith.cmpi slt, %rem3A_685, %lt3A_688 : i32
    %lt3A_690 = arith.constant 0 : i32
    %lt3A_691 = arith.cmpi slt, %select_n3A_684, %lt3A_690 : i32
    %ne3A_692 = arith.xori %lt3A_689, %lt3A_691 : i1
    %and3A_693 = arith.andi %ne3A_692, %ne3A_687 : i1
    %add3A_694 = arith.addi %rem3A_685, %select_n3A_684 : i32
    %select_n3A_695 = arith.select %and3A_693, %add3A_694, %rem3A_685 : i32
    %dma_start3A_696 = arith.constant 6400 : i32
    %dma_start3A_697 = tpu.memref_slice %arg14[%dma_start3A_696] : memref<10240xf32, #tpu.memory_space<vmem>> -> memref<512xf32, #tpu.memory_space<vmem>>
    %dma_start3A_698 = arith.constant 999424 : i32
    %dma_start3A_699 = tpu.memref_slice %arg5[%select_n3A_677, %select_n3A_695, %dma_start3A_698] : memref<4x8x1000000xf32, #tpu.memory_space<hbm>> -> memref<1x1x512xf32, #tpu.memory_space<hbm>>
    %dma_start3A_700 = tpu.memref_squeeze %dma_start3A_699 : memref<1x1x512xf32, #tpu.memory_space<hbm>> -> memref<512xf32, #tpu.memory_space<hbm>>
    %dma_start3A_701 = arith.constant 6400 : i32
    %dma_start3A_702 = tpu.memref_slice %arg14[%dma_start3A_701] : memref<10240xf32, #tpu.memory_space<vmem>> -> memref<512xf32, #tpu.memory_space<vmem>>
    %dma_start3A_703 = arith.constant 999424 : i32
    %dma_start3A_704 = tpu.memref_slice %arg5[%select_n3A_677, %select_n3A_695, %dma_start3A_703] : memref<4x8x1000000xf32, #tpu.memory_space<hbm>> -> memref<1x1x512xf32, #tpu.memory_space<hbm>>
    %dma_start3A_705 = tpu.memref_squeeze %dma_start3A_704 : memref<1x1x512xf32, #tpu.memory_space<hbm>> -> memref<512xf32, #tpu.memory_space<hbm>>
    tpu.enqueue_dma source(%dma_start3A_705 : memref<512xf32, #tpu.memory_space<hbm>>) target(%dma_start3A_702 : memref<512xf32, #tpu.memory_space<vmem>>) target_semaphore(%arg27 : memref<!tpu.dma_semaphore, #tpu.memory_space<semaphore_mem>>)
    %add3A_706 = arith.constant 10 : i32
    %add3A_707 = arith.addi %mul3A_2, %add3A_706 : i32
    %mul3A_708 = arith.constant 64 : i32
    %mul3A_709 = arith.muli %add3A_707, %mul3A_708 : i32
    %dma_start3A_710 = arith.constant 6912 : i32
    %dma_start3A_711 = tpu.memref_slice %arg14[%dma_start3A_710] : memref<10240xf32, #tpu.memory_space<vmem>> -> memref<64xf32, #tpu.memory_space<vmem>>
    %dma_start3A_712 = tpu.memref_slice %arg7[%mul3A_709] : memref<2048xf32, #tpu.memory_space<hbm>> -> memref<64xf32, #tpu.memory_space<hbm>>
    %dma_start3A_713 = arith.constant 6912 : i32
    %dma_start3A_714 = tpu.memref_slice %arg14[%dma_start3A_713] : memref<10240xf32, #tpu.memory_space<vmem>> -> memref<64xf32, #tpu.memory_space<vmem>>
    %dma_start3A_715 = tpu.memref_slice %arg7[%mul3A_709] : memref<2048xf32, #tpu.memory_space<hbm>> -> memref<64xf32, #tpu.memory_space<hbm>>
    tpu.enqueue_dma source(%dma_start3A_715 : memref<64xf32, #tpu.memory_space<hbm>>) target(%dma_start3A_714 : memref<64xf32, #tpu.memory_space<vmem>>) target_semaphore(%arg27 : memref<!tpu.dma_semaphore, #tpu.memory_space<semaphore_mem>>)
    %add3A_716 = arith.constant 11 : i32
    %add3A_717 = arith.addi %mul3A_2, %add3A_716 : i32
    %jit3A_718 = arith.constant 8 : i32
    %div3A_719 = arith.divsi %add3A_717, %jit3A_718 : i32
    %sign3A_720 = arith.constant 0 : i32
    %sign3A_721 = arith.cmpi sgt, %add3A_717, %sign3A_720 : i32
    %sign3A_722 = arith.extui %sign3A_721 : i1 to i32
    %sign3A_723 = arith.constant 0 : i32
    %sign3A_724 = arith.cmpi slt, %add3A_717, %sign3A_723 : i32
    %sign3A_725 = arith.extui %sign3A_724 : i1 to i32
    %sign3A_726 = arith.subi %sign3A_722, %sign3A_725 : i32
    %sign3A_727 = arith.constant 0 : i32
    %sign3A_728 = arith.cmpi sgt, %jit3A_718, %sign3A_727 : i32
    %sign3A_729 = arith.extui %sign3A_728 : i1 to i32
    %sign3A_730 = arith.constant 0 : i32
    %sign3A_731 = arith.cmpi slt, %jit3A_718, %sign3A_730 : i32
    %sign3A_732 = arith.extui %sign3A_731 : i1 to i32
    %sign3A_733 = arith.subi %sign3A_729, %sign3A_732 : i32
    %ne3A_734 = arith.cmpi ne, %sign3A_726, %sign3A_733 : i32
    %rem3A_735 = arith.remsi %add3A_717, %jit3A_718 : i32
    %ne3A_736 = arith.constant 0 : i32
    %ne3A_737 = arith.cmpi ne, %rem3A_735, %ne3A_736 : i32
    %and3A_738 = arith.andi %ne3A_734, %ne3A_737 : i1
    %sub3A_739 = arith.constant 1 : i32
    %sub3A_740 = arith.subi %div3A_719, %sub3A_739 : i32
    %select_n3A_741 = arith.select %and3A_738, %sub3A_740, %div3A_719 : i32
    %add3A_742 = arith.constant 11 : i32
    %add3A_743 = arith.addi %mul3A_2, %add3A_742 : i32
    %jit3A_744 = arith.constant 8 : i32
    %eq3A_745 = arith.constant 0 : i32
    %eq3A_746 = arith.cmpi eq, %jit3A_744, %eq3A_745 : i32
    %jit3A_747 = arith.constant 1 : i32
    %select_n3A_748 = arith.select %eq3A_746, %jit3A_747, %jit3A_744 : i32
    %rem3A_749 = arith.remsi %add3A_743, %select_n3A_748 : i32
    %ne3A_750 = arith.constant 0 : i32
    %ne3A_751 = arith.cmpi ne, %rem3A_749, %ne3A_750 : i32
    %lt3A_752 = arith.constant 0 : i32
    %lt3A_753 = arith.cmpi slt, %rem3A_749, %lt3A_752 : i32
    %lt3A_754 = arith.constant 0 : i32
    %lt3A_755 = arith.cmpi slt, %select_n3A_748, %lt3A_754 : i32
    %ne3A_756 = arith.xori %lt3A_753, %lt3A_755 : i1
    %and3A_757 = arith.andi %ne3A_756, %ne3A_751 : i1
    %add3A_758 = arith.addi %rem3A_749, %select_n3A_748 : i32
    %select_n3A_759 = arith.select %and3A_757, %add3A_758, %rem3A_749 : i32
    %dma_start3A_760 = arith.constant 7040 : i32
    %dma_start3A_761 = tpu.memref_slice %arg14[%dma_start3A_760] : memref<10240xf32, #tpu.memory_space<vmem>> -> memref<512xf32, #tpu.memory_space<vmem>>
    %dma_start3A_762 = arith.constant 999424 : i32
    %dma_start3A_763 = tpu.memref_slice %arg5[%select_n3A_741, %select_n3A_759, %dma_start3A_762] : memref<4x8x1000000xf32, #tpu.memory_space<hbm>> -> memref<1x1x512xf32, #tpu.memory_space<hbm>>
    %dma_start3A_764 = tpu.memref_squeeze %dma_start3A_763 : memref<1x1x512xf32, #tpu.memory_space<hbm>> -> memref<512xf32, #tpu.memory_space<hbm>>
    %dma_start3A_765 = arith.constant 7040 : i32
    %dma_start3A_766 = tpu.memref_slice %arg14[%dma_start3A_765] : memref<10240xf32, #tpu.memory_space<vmem>> -> memref<512xf32, #tpu.memory_space<vmem>>
    %dma_start3A_767 = arith.constant 999424 : i32
    %dma_start3A_768 = tpu.memref_slice %arg5[%select_n3A_741, %select_n3A_759, %dma_start3A_767] : memref<4x8x1000000xf32, #tpu.memory_space<hbm>> -> memref<1x1x512xf32, #tpu.memory_space<hbm>>
    %dma_start3A_769 = tpu.memref_squeeze %dma_start3A_768 : memref<1x1x512xf32, #tpu.memory_space<hbm>> -> memref<512xf32, #tpu.memory_space<hbm>>
    tpu.enqueue_dma source(%dma_start3A_769 : memref<512xf32, #tpu.memory_space<hbm>>) target(%dma_start3A_766 : memref<512xf32, #tpu.memory_space<vmem>>) target_semaphore(%arg27 : memref<!tpu.dma_semaphore, #tpu.memory_space<semaphore_mem>>)
    %add3A_770 = arith.constant 11 : i32
    %add3A_771 = arith.addi %mul3A_2, %add3A_770 : i32
    %mul3A_772 = arith.constant 64 : i32
    %mul3A_773 = arith.muli %add3A_771, %mul3A_772 : i32
    %dma_start3A_774 = arith.constant 7552 : i32
    %dma_start3A_775 = tpu.memref_slice %arg14[%dma_start3A_774] : memref<10240xf32, #tpu.memory_space<vmem>> -> memref<64xf32, #tpu.memory_space<vmem>>
    %dma_start3A_776 = tpu.memref_slice %arg7[%mul3A_773] : memref<2048xf32, #tpu.memory_space<hbm>> -> memref<64xf32, #tpu.memory_space<hbm>>
    %dma_start3A_777 = arith.constant 7552 : i32
    %dma_start3A_778 = tpu.memref_slice %arg14[%dma_start3A_777] : memref<10240xf32, #tpu.memory_space<vmem>> -> memref<64xf32, #tpu.memory_space<vmem>>
    %dma_start3A_779 = tpu.memref_slice %arg7[%mul3A_773] : memref<2048xf32, #tpu.memory_space<hbm>> -> memref<64xf32, #tpu.memory_space<hbm>>
    tpu.enqueue_dma source(%dma_start3A_779 : memref<64xf32, #tpu.memory_space<hbm>>) target(%dma_start3A_778 : memref<64xf32, #tpu.memory_space<vmem>>) target_semaphore(%arg27 : memref<!tpu.dma_semaphore, #tpu.memory_space<semaphore_mem>>)
    %add3A_780 = arith.constant 12 : i32
    %add3A_781 = arith.addi %mul3A_2, %add3A_780 : i32
    %jit3A_782 = arith.constant 8 : i32
    %div3A_783 = arith.divsi %add3A_781, %jit3A_782 : i32
    %sign3A_784 = arith.constant 0 : i32
    %sign3A_785 = arith.cmpi sgt, %add3A_781, %sign3A_784 : i32
    %sign3A_786 = arith.extui %sign3A_785 : i1 to i32
    %sign3A_787 = arith.constant 0 : i32
    %sign3A_788 = arith.cmpi slt, %add3A_781, %sign3A_787 : i32
    %sign3A_789 = arith.extui %sign3A_788 : i1 to i32
    %sign3A_790 = arith.subi %sign3A_786, %sign3A_789 : i32
    %sign3A_791 = arith.constant 0 : i32
    %sign3A_792 = arith.cmpi sgt, %jit3A_782, %sign3A_791 : i32
    %sign3A_793 = arith.extui %sign3A_792 : i1 to i32
    %sign3A_794 = arith.constant 0 : i32
    %sign3A_795 = arith.cmpi slt, %jit3A_782, %sign3A_794 : i32
    %sign3A_796 = arith.extui %sign3A_795 : i1 to i32
    %sign3A_797 = arith.subi %sign3A_793, %sign3A_796 : i32
    %ne3A_798 = arith.cmpi ne, %sign3A_790, %sign3A_797 : i32
    %rem3A_799 = arith.remsi %add3A_781, %jit3A_782 : i32
    %ne3A_800 = arith.constant 0 : i32
    %ne3A_801 = arith.cmpi ne, %rem3A_799, %ne3A_800 : i32
    %and3A_802 = arith.andi %ne3A_798, %ne3A_801 : i1
    %sub3A_803 = arith.constant 1 : i32
    %sub3A_804 = arith.subi %div3A_783, %sub3A_803 : i32
    %select_n3A_805 = arith.select %and3A_802, %sub3A_804, %div3A_783 : i32
    %add3A_806 = arith.constant 12 : i32
    %add3A_807 = arith.addi %mul3A_2, %add3A_806 : i32
    %jit3A_808 = arith.constant 8 : i32
    %eq3A_809 = arith.constant 0 : i32
    %eq3A_810 = arith.cmpi eq, %jit3A_808, %eq3A_809 : i32
    %jit3A_811 = arith.constant 1 : i32
    %select_n3A_812 = arith.select %eq3A_810, %jit3A_811, %jit3A_808 : i32
    %rem3A_813 = arith.remsi %add3A_807, %select_n3A_812 : i32
    %ne3A_814 = arith.constant 0 : i32
    %ne3A_815 = arith.cmpi ne, %rem3A_813, %ne3A_814 : i32
    %lt3A_816 = arith.constant 0 : i32
    %lt3A_817 = arith.cmpi slt, %rem3A_813, %lt3A_816 : i32
    %lt3A_818 = arith.constant 0 : i32
    %lt3A_819 = arith.cmpi slt, %select_n3A_812, %lt3A_818 : i32
    %ne3A_820 = arith.xori %lt3A_817, %lt3A_819 : i1
    %and3A_821 = arith.andi %ne3A_820, %ne3A_815 : i1
    %add3A_822 = arith.addi %rem3A_813, %select_n3A_812 : i32
    %select_n3A_823 = arith.select %and3A_821, %add3A_822, %rem3A_813 : i32
    %dma_start3A_824 = arith.constant 7680 : i32
    %dma_start3A_825 = tpu.memref_slice %arg14[%dma_start3A_824] : memref<10240xf32, #tpu.memory_space<vmem>> -> memref<512xf32, #tpu.memory_space<vmem>>
    %dma_start3A_826 = arith.constant 999424 : i32
    %dma_start3A_827 = tpu.memref_slice %arg5[%select_n3A_805, %select_n3A_823, %dma_start3A_826] : memref<4x8x1000000xf32, #tpu.memory_space<hbm>> -> memref<1x1x512xf32, #tpu.memory_space<hbm>>
    %dma_start3A_828 = tpu.memref_squeeze %dma_start3A_827 : memref<1x1x512xf32, #tpu.memory_space<hbm>> -> memref<512xf32, #tpu.memory_space<hbm>>
    %dma_start3A_829 = arith.constant 7680 : i32
    %dma_start3A_830 = tpu.memref_slice %arg14[%dma_start3A_829] : memref<10240xf32, #tpu.memory_space<vmem>> -> memref<512xf32, #tpu.memory_space<vmem>>
    %dma_start3A_831 = arith.constant 999424 : i32
    %dma_start3A_832 = tpu.memref_slice %arg5[%select_n3A_805, %select_n3A_823, %dma_start3A_831] : memref<4x8x1000000xf32, #tpu.memory_space<hbm>> -> memref<1x1x512xf32, #tpu.memory_space<hbm>>
    %dma_start3A_833 = tpu.memref_squeeze %dma_start3A_832 : memref<1x1x512xf32, #tpu.memory_space<hbm>> -> memref<512xf32, #tpu.memory_space<hbm>>
    tpu.enqueue_dma source(%dma_start3A_833 : memref<512xf32, #tpu.memory_space<hbm>>) target(%dma_start3A_830 : memref<512xf32, #tpu.memory_space<vmem>>) target_semaphore(%arg27 : memref<!tpu.dma_semaphore, #tpu.memory_space<semaphore_mem>>)
    %add3A_834 = arith.constant 12 : i32
    %add3A_835 = arith.addi %mul3A_2, %add3A_834 : i32
    %mul3A_836 = arith.constant 64 : i32
    %mul3A_837 = arith.muli %add3A_835, %mul3A_836 : i32
    %dma_start3A_838 = arith.constant 8192 : i32
    %dma_start3A_839 = tpu.memref_slice %arg14[%dma_start3A_838] : memref<10240xf32, #tpu.memory_space<vmem>> -> memref<64xf32, #tpu.memory_space<vmem>>
    %dma_start3A_840 = tpu.memref_slice %arg7[%mul3A_837] : memref<2048xf32, #tpu.memory_space<hbm>> -> memref<64xf32, #tpu.memory_space<hbm>>
    %dma_start3A_841 = arith.constant 8192 : i32
    %dma_start3A_842 = tpu.memref_slice %arg14[%dma_start3A_841] : memref<10240xf32, #tpu.memory_space<vmem>> -> memref<64xf32, #tpu.memory_space<vmem>>
    %dma_start3A_843 = tpu.memref_slice %arg7[%mul3A_837] : memref<2048xf32, #tpu.memory_space<hbm>> -> memref<64xf32, #tpu.memory_space<hbm>>
    tpu.enqueue_dma source(%dma_start3A_843 : memref<64xf32, #tpu.memory_space<hbm>>) target(%dma_start3A_842 : memref<64xf32, #tpu.memory_space<vmem>>) target_semaphore(%arg27 : memref<!tpu.dma_semaphore, #tpu.memory_space<semaphore_mem>>)
    %add3A_844 = arith.constant 13 : i32
    %add3A_845 = arith.addi %mul3A_2, %add3A_844 : i32
    %jit3A_846 = arith.constant 8 : i32
    %div3A_847 = arith.divsi %add3A_845, %jit3A_846 : i32
    %sign3A_848 = arith.constant 0 : i32
    %sign3A_849 = arith.cmpi sgt, %add3A_845, %sign3A_848 : i32
    %sign3A_850 = arith.extui %sign3A_849 : i1 to i32
    %sign3A_851 = arith.constant 0 : i32
    %sign3A_852 = arith.cmpi slt, %add3A_845, %sign3A_851 : i32
    %sign3A_853 = arith.extui %sign3A_852 : i1 to i32
    %sign3A_854 = arith.subi %sign3A_850, %sign3A_853 : i32
    %sign3A_855 = arith.constant 0 : i32
    %sign3A_856 = arith.cmpi sgt, %jit3A_846, %sign3A_855 : i32
    %sign3A_857 = arith.extui %sign3A_856 : i1 to i32
    %sign3A_858 = arith.constant 0 : i32
    %sign3A_859 = arith.cmpi slt, %jit3A_846, %sign3A_858 : i32
    %sign3A_860 = arith.extui %sign3A_859 : i1 to i32
    %sign3A_861 = arith.subi %sign3A_857, %sign3A_860 : i32
    %ne3A_862 = arith.cmpi ne, %sign3A_854, %sign3A_861 : i32
    %rem3A_863 = arith.remsi %add3A_845, %jit3A_846 : i32
    %ne3A_864 = arith.constant 0 : i32
    %ne3A_865 = arith.cmpi ne, %rem3A_863, %ne3A_864 : i32
    %and3A_866 = arith.andi %ne3A_862, %ne3A_865 : i1
    %sub3A_867 = arith.constant 1 : i32
    %sub3A_868 = arith.subi %div3A_847, %sub3A_867 : i32
    %select_n3A_869 = arith.select %and3A_866, %sub3A_868, %div3A_847 : i32
    %add3A_870 = arith.constant 13 : i32
    %add3A_871 = arith.addi %mul3A_2, %add3A_870 : i32
    %jit3A_872 = arith.constant 8 : i32
    %eq3A_873 = arith.constant 0 : i32
    %eq3A_874 = arith.cmpi eq, %jit3A_872, %eq3A_873 : i32
    %jit3A_875 = arith.constant 1 : i32
    %select_n3A_876 = arith.select %eq3A_874, %jit3A_875, %jit3A_872 : i32
    %rem3A_877 = arith.remsi %add3A_871, %select_n3A_876 : i32
    %ne3A_878 = arith.constant 0 : i32
    %ne3A_879 = arith.cmpi ne, %rem3A_877, %ne3A_878 : i32
    %lt3A_880 = arith.constant 0 : i32
    %lt3A_881 = arith.cmpi slt, %rem3A_877, %lt3A_880 : i32
    %lt3A_882 = arith.constant 0 : i32
    %lt3A_883 = arith.cmpi slt, %select_n3A_876, %lt3A_882 : i32
    %ne3A_884 = arith.xori %lt3A_881, %lt3A_883 : i1
    %and3A_885 = arith.andi %ne3A_884, %ne3A_879 : i1
    %add3A_886 = arith.addi %rem3A_877, %select_n3A_876 : i32
    %select_n3A_887 = arith.select %and3A_885, %add3A_886, %rem3A_877 : i32
    %dma_start3A_888 = arith.constant 8320 : i32
    %dma_start3A_889 = tpu.memref_slice %arg14[%dma_start3A_888] : memref<10240xf32, #tpu.memory_space<vmem>> -> memref<512xf32, #tpu.memory_space<vmem>>
    %dma_start3A_890 = arith.constant 999424 : i32
    %dma_start3A_891 = tpu.memref_slice %arg5[%select_n3A_869, %select_n3A_887, %dma_start3A_890] : memref<4x8x1000000xf32, #tpu.memory_space<hbm>> -> memref<1x1x512xf32, #tpu.memory_space<hbm>>
    %dma_start3A_892 = tpu.memref_squeeze %dma_start3A_891 : memref<1x1x512xf32, #tpu.memory_space<hbm>> -> memref<512xf32, #tpu.memory_space<hbm>>
    %dma_start3A_893 = arith.constant 8320 : i32
    %dma_start3A_894 = tpu.memref_slice %arg14[%dma_start3A_893] : memref<10240xf32, #tpu.memory_space<vmem>> -> memref<512xf32, #tpu.memory_space<vmem>>
    %dma_start3A_895 = arith.constant 999424 : i32
    %dma_start3A_896 = tpu.memref_slice %arg5[%select_n3A_869, %select_n3A_887, %dma_start3A_895] : memref<4x8x1000000xf32, #tpu.memory_space<hbm>> -> memref<1x1x512xf32, #tpu.memory_space<hbm>>
    %dma_start3A_897 = tpu.memref_squeeze %dma_start3A_896 : memref<1x1x512xf32, #tpu.memory_space<hbm>> -> memref<512xf32, #tpu.memory_space<hbm>>
    tpu.enqueue_dma source(%dma_start3A_897 : memref<512xf32, #tpu.memory_space<hbm>>) target(%dma_start3A_894 : memref<512xf32, #tpu.memory_space<vmem>>) target_semaphore(%arg27 : memref<!tpu.dma_semaphore, #tpu.memory_space<semaphore_mem>>)
    %add3A_898 = arith.constant 13 : i32
    %add3A_899 = arith.addi %mul3A_2, %add3A_898 : i32
    %mul3A_900 = arith.constant 64 : i32
    %mul3A_901 = arith.muli %add3A_899, %mul3A_900 : i32
    %dma_start3A_902 = arith.constant 8832 : i32
    %dma_start3A_903 = tpu.memref_slice %arg14[%dma_start3A_902] : memref<10240xf32, #tpu.memory_space<vmem>> -> memref<64xf32, #tpu.memory_space<vmem>>
    %dma_start3A_904 = tpu.memref_slice %arg7[%mul3A_901] : memref<2048xf32, #tpu.memory_space<hbm>> -> memref<64xf32, #tpu.memory_space<hbm>>
    %dma_start3A_905 = arith.constant 8832 : i32
    %dma_start3A_906 = tpu.memref_slice %arg14[%dma_start3A_905] : memref<10240xf32, #tpu.memory_space<vmem>> -> memref<64xf32, #tpu.memory_space<vmem>>
    %dma_start3A_907 = tpu.memref_slice %arg7[%mul3A_901] : memref<2048xf32, #tpu.memory_space<hbm>> -> memref<64xf32, #tpu.memory_space<hbm>>
    tpu.enqueue_dma source(%dma_start3A_907 : memref<64xf32, #tpu.memory_space<hbm>>) target(%dma_start3A_906 : memref<64xf32, #tpu.memory_space<vmem>>) target_semaphore(%arg27 : memref<!tpu.dma_semaphore, #tpu.memory_space<semaphore_mem>>)
    %add3A_908 = arith.constant 14 : i32
    %add3A_909 = arith.addi %mul3A_2, %add3A_908 : i32
    %jit3A_910 = arith.constant 8 : i32
    %div3A_911 = arith.divsi %add3A_909, %jit3A_910 : i32
    %sign3A_912 = arith.constant 0 : i32
    %sign3A_913 = arith.cmpi sgt, %add3A_909, %sign3A_912 : i32
    %sign3A_914 = arith.extui %sign3A_913 : i1 to i32
    %sign3A_915 = arith.constant 0 : i32
    %sign3A_916 = arith.cmpi slt, %add3A_909, %sign3A_915 : i32
    %sign3A_917 = arith.extui %sign3A_916 : i1 to i32
    %sign3A_918 = arith.subi %sign3A_914, %sign3A_917 : i32
    %sign3A_919 = arith.constant 0 : i32
    %sign3A_920 = arith.cmpi sgt, %jit3A_910, %sign3A_919 : i32
    %sign3A_921 = arith.extui %sign3A_920 : i1 to i32
    %sign3A_922 = arith.constant 0 : i32
    %sign3A_923 = arith.cmpi slt, %jit3A_910, %sign3A_922 : i32
    %sign3A_924 = arith.extui %sign3A_923 : i1 to i32
    %sign3A_925 = arith.subi %sign3A_921, %sign3A_924 : i32
    %ne3A_926 = arith.cmpi ne, %sign3A_918, %sign3A_925 : i32
    %rem3A_927 = arith.remsi %add3A_909, %jit3A_910 : i32
    %ne3A_928 = arith.constant 0 : i32
    %ne3A_929 = arith.cmpi ne, %rem3A_927, %ne3A_928 : i32
    %and3A_930 = arith.andi %ne3A_926, %ne3A_929 : i1
    %sub3A_931 = arith.constant 1 : i32
    %sub3A_932 = arith.subi %div3A_911, %sub3A_931 : i32
    %select_n3A_933 = arith.select %and3A_930, %sub3A_932, %div3A_911 : i32
    %add3A_934 = arith.constant 14 : i32
    %add3A_935 = arith.addi %mul3A_2, %add3A_934 : i32
    %jit3A_936 = arith.constant 8 : i32
    %eq3A_937 = arith.constant 0 : i32
    %eq3A_938 = arith.cmpi eq, %jit3A_936, %eq3A_937 : i32
    %jit3A_939 = arith.constant 1 : i32
    %select_n3A_940 = arith.select %eq3A_938, %jit3A_939, %jit3A_936 : i32
    %rem3A_941 = arith.remsi %add3A_935, %select_n3A_940 : i32
    %ne3A_942 = arith.constant 0 : i32
    %ne3A_943 = arith.cmpi ne, %rem3A_941, %ne3A_942 : i32
    %lt3A_944 = arith.constant 0 : i32
    %lt3A_945 = arith.cmpi slt, %rem3A_941, %lt3A_944 : i32
    %lt3A_946 = arith.constant 0 : i32
    %lt3A_947 = arith.cmpi slt, %select_n3A_940, %lt3A_946 : i32
    %ne3A_948 = arith.xori %lt3A_945, %lt3A_947 : i1
    %and3A_949 = arith.andi %ne3A_948, %ne3A_943 : i1
    %add3A_950 = arith.addi %rem3A_941, %select_n3A_940 : i32
    %select_n3A_951 = arith.select %and3A_949, %add3A_950, %rem3A_941 : i32
    %dma_start3A_952 = arith.constant 8960 : i32
    %dma_start3A_953 = tpu.memref_slice %arg14[%dma_start3A_952] : memref<10240xf32, #tpu.memory_space<vmem>> -> memref<512xf32, #tpu.memory_space<vmem>>
    %dma_start3A_954 = arith.constant 999424 : i32
    %dma_start3A_955 = tpu.memref_slice %arg5[%select_n3A_933, %select_n3A_951, %dma_start3A_954] : memref<4x8x1000000xf32, #tpu.memory_space<hbm>> -> memref<1x1x512xf32, #tpu.memory_space<hbm>>
    %dma_start3A_956 = tpu.memref_squeeze %dma_start3A_955 : memref<1x1x512xf32, #tpu.memory_space<hbm>> -> memref<512xf32, #tpu.memory_space<hbm>>
    %dma_start3A_957 = arith.constant 8960 : i32
    %dma_start3A_958 = tpu.memref_slice %arg14[%dma_start3A_957] : memref<10240xf32, #tpu.memory_space<vmem>> -> memref<512xf32, #tpu.memory_space<vmem>>
    %dma_start3A_959 = arith.constant 999424 : i32
    %dma_start3A_960 = tpu.memref_slice %arg5[%select_n3A_933, %select_n3A_951, %dma_start3A_959] : memref<4x8x1000000xf32, #tpu.memory_space<hbm>> -> memref<1x1x512xf32, #tpu.memory_space<hbm>>
    %dma_start3A_961 = tpu.memref_squeeze %dma_start3A_960 : memref<1x1x512xf32, #tpu.memory_space<hbm>> -> memref<512xf32, #tpu.memory_space<hbm>>
    tpu.enqueue_dma source(%dma_start3A_961 : memref<512xf32, #tpu.memory_space<hbm>>) target(%dma_start3A_958 : memref<512xf32, #tpu.memory_space<vmem>>) target_semaphore(%arg27 : memref<!tpu.dma_semaphore, #tpu.memory_space<semaphore_mem>>)
    %add3A_962 = arith.constant 14 : i32
    %add3A_963 = arith.addi %mul3A_2, %add3A_962 : i32
    %mul3A_964 = arith.constant 64 : i32
    %mul3A_965 = arith.muli %add3A_963, %mul3A_964 : i32
    %dma_start3A_966 = arith.constant 9472 : i32
    %dma_start3A_967 = tpu.memref_slice %arg14[%dma_start3A_966] : memref<10240xf32, #tpu.memory_space<vmem>> -> memref<64xf32, #tpu.memory_space<vmem>>
    %dma_start3A_968 = tpu.memref_slice %arg7[%mul3A_965] : memref<2048xf32, #tpu.memory_space<hbm>> -> memref<64xf32, #tpu.memory_space<hbm>>
    %dma_start3A_969 = arith.constant 9472 : i32
    %dma_start3A_970 = tpu.memref_slice %arg14[%dma_start3A_969] : memref<10240xf32, #tpu.memory_space<vmem>> -> memref<64xf32, #tpu.memory_space<vmem>>
    %dma_start3A_971 = tpu.memref_slice %arg7[%mul3A_965] : memref<2048xf32, #tpu.memory_space<hbm>> -> memref<64xf32, #tpu.memory_space<hbm>>
    tpu.enqueue_dma source(%dma_start3A_971 : memref<64xf32, #tpu.memory_space<hbm>>) target(%dma_start3A_970 : memref<64xf32, #tpu.memory_space<vmem>>) target_semaphore(%arg27 : memref<!tpu.dma_semaphore, #tpu.memory_space<semaphore_mem>>)
    %add3A_972 = arith.constant 15 : i32
    %add3A_973 = arith.addi %mul3A_2, %add3A_972 : i32
    %jit3A_974 = arith.constant 8 : i32
    %div3A_975 = arith.divsi %add3A_973, %jit3A_974 : i32
    %sign3A_976 = arith.constant 0 : i32
    %sign3A_977 = arith.cmpi sgt, %add3A_973, %sign3A_976 : i32
    %sign3A_978 = arith.extui %sign3A_977 : i1 to i32
    %sign3A_979 = arith.constant 0 : i32
    %sign3A_980 = arith.cmpi slt, %add3A_973, %sign3A_979 : i32
    %sign3A_981 = arith.extui %sign3A_980 : i1 to i32
    %sign3A_982 = arith.subi %sign3A_978, %sign3A_981 : i32
    %sign3A_983 = arith.constant 0 : i32
    %sign3A_984 = arith.cmpi sgt, %jit3A_974, %sign3A_983 : i32
    %sign3A_985 = arith.extui %sign3A_984 : i1 to i32
    %sign3A_986 = arith.constant 0 : i32
    %sign3A_987 = arith.cmpi slt, %jit3A_974, %sign3A_986 : i32
    %sign3A_988 = arith.extui %sign3A_987 : i1 to i32
    %sign3A_989 = arith.subi %sign3A_985, %sign3A_988 : i32
    %ne3A_990 = arith.cmpi ne, %sign3A_982, %sign3A_989 : i32
    %rem3A_991 = arith.remsi %add3A_973, %jit3A_974 : i32
    %ne3A_992 = arith.constant 0 : i32
    %ne3A_993 = arith.cmpi ne, %rem3A_991, %ne3A_992 : i32
    %and3A_994 = arith.andi %ne3A_990, %ne3A_993 : i1
    %sub3A_995 = arith.constant 1 : i32
    %sub3A_996 = arith.subi %div3A_975, %sub3A_995 : i32
    %select_n3A_997 = arith.select %and3A_994, %sub3A_996, %div3A_975 : i32
    %add3A_998 = arith.constant 15 : i32
    %add3A_999 = arith.addi %mul3A_2, %add3A_998 : i32
    %jit3A_1000 = arith.constant 8 : i32
    %eq3A_1001 = arith.constant 0 : i32
    %eq3A_1002 = arith.cmpi eq, %jit3A_1000, %eq3A_1001 : i32
    %jit3A_1003 = arith.constant 1 : i32
    %select_n3A_1004 = arith.select %eq3A_1002, %jit3A_1003, %jit3A_1000 : i32
    %rem3A_1005 = arith.remsi %add3A_999, %select_n3A_1004 : i32
    %ne3A_1006 = arith.constant 0 : i32
    %ne3A_1007 = arith.cmpi ne, %rem3A_1005, %ne3A_1006 : i32
    %lt3A_1008 = arith.constant 0 : i32
    %lt3A_1009 = arith.cmpi slt, %rem3A_1005, %lt3A_1008 : i32
    %lt3A_1010 = arith.constant 0 : i32
    %lt3A_1011 = arith.cmpi slt, %select_n3A_1004, %lt3A_1010 : i32
    %ne3A_1012 = arith.xori %lt3A_1009, %lt3A_1011 : i1
    %and3A_1013 = arith.andi %ne3A_1012, %ne3A_1007 : i1
    %add3A_1014 = arith.addi %rem3A_1005, %select_n3A_1004 : i32
    %select_n3A_1015 = arith.select %and3A_1013, %add3A_1014, %rem3A_1005 : i32
    %dma_start3A_1016 = arith.constant 9600 : i32
    %dma_start3A_1017 = tpu.memref_slice %arg14[%dma_start3A_1016] : memref<10240xf32, #tpu.memory_space<vmem>> -> memref<512xf32, #tpu.memory_space<vmem>>
    %dma_start3A_1018 = arith.constant 999424 : i32
    %dma_start3A_1019 = tpu.memref_slice %arg5[%select_n3A_997, %select_n3A_1015, %dma_start3A_1018] : memref<4x8x1000000xf32, #tpu.memory_space<hbm>> -> memref<1x1x512xf32, #tpu.memory_space<hbm>>
    %dma_start3A_1020 = tpu.memref_squeeze %dma_start3A_1019 : memref<1x1x512xf32, #tpu.memory_space<hbm>> -> memref<512xf32, #tpu.memory_space<hbm>>
    %dma_start3A_1021 = arith.constant 9600 : i32
    %dma_start3A_1022 = tpu.memref_slice %arg14[%dma_start3A_1021] : memref<10240xf32, #tpu.memory_space<vmem>> -> memref<512xf32, #tpu.memory_space<vmem>>
    %dma_start3A_1023 = arith.constant 999424 : i32
    %dma_start3A_1024 = tpu.memref_slice %arg5[%select_n3A_997, %select_n3A_1015, %dma_start3A_1023] : memref<4x8x1000000xf32, #tpu.memory_space<hbm>> -> memref<1x1x512xf32, #tpu.memory_space<hbm>>
    %dma_start3A_1025 = tpu.memref_squeeze %dma_start3A_1024 : memref<1x1x512xf32, #tpu.memory_space<hbm>> -> memref<512xf32, #tpu.memory_space<hbm>>
    tpu.enqueue_dma source(%dma_start3A_1025 : memref<512xf32, #tpu.memory_space<hbm>>) target(%dma_start3A_1022 : memref<512xf32, #tpu.memory_space<vmem>>) target_semaphore(%arg27 : memref<!tpu.dma_semaphore, #tpu.memory_space<semaphore_mem>>)
    %add3A_1026 = arith.constant 15 : i32
    %add3A_1027 = arith.addi %mul3A_2, %add3A_1026 : i32
    %mul3A_1028 = arith.constant 64 : i32
    %mul3A_1029 = arith.muli %add3A_1027, %mul3A_1028 : i32
    %dma_start3A_1030 = arith.constant 10112 : i32
    %dma_start3A_1031 = tpu.memref_slice %arg14[%dma_start3A_1030] : memref<10240xf32, #tpu.memory_space<vmem>> -> memref<64xf32, #tpu.memory_space<vmem>>
    %dma_start3A_1032 = tpu.memref_slice %arg7[%mul3A_1029] : memref<2048xf32, #tpu.memory_space<hbm>> -> memref<64xf32, #tpu.memory_space<hbm>>
    %dma_start3A_1033 = arith.constant 10112 : i32
    %dma_start3A_1034 = tpu.memref_slice %arg14[%dma_start3A_1033] : memref<10240xf32, #tpu.memory_space<vmem>> -> memref<64xf32, #tpu.memory_space<vmem>>
    %dma_start3A_1035 = tpu.memref_slice %arg7[%mul3A_1029] : memref<2048xf32, #tpu.memory_space<hbm>> -> memref<64xf32, #tpu.memory_space<hbm>>
    tpu.enqueue_dma source(%dma_start3A_1035 : memref<64xf32, #tpu.memory_space<hbm>>) target(%dma_start3A_1034 : memref<64xf32, #tpu.memory_space<vmem>>) target_semaphore(%arg27 : memref<!tpu.dma_semaphore, #tpu.memory_space<semaphore_mem>>)
    %jit3A_1036 = arith.constant 8 : i32
    %div3A_1037 = arith.divsi %add3A, %jit3A_1036 : i32
    %sign3A_1038 = arith.constant 0 : i32
    %sign3A_1039 = arith.cmpi sgt, %add3A, %sign3A_1038 : i32
    %sign3A_1040 = arith.extui %sign3A_1039 : i1 to i32
    %sign3A_1041 = arith.constant 0 : i32
    %sign3A_1042 = arith.cmpi slt, %add3A, %sign3A_1041 : i32
    %sign3A_1043 = arith.extui %sign3A_1042 : i1 to i32
    %sign3A_1044 = arith.subi %sign3A_1040, %sign3A_1043 : i32
    %sign3A_1045 = arith.constant 0 : i32
    %sign3A_1046 = arith.cmpi sgt, %jit3A_1036, %sign3A_1045 : i32
    %sign3A_1047 = arith.extui %sign3A_1046 : i1 to i32
    %sign3A_1048 = arith.constant 0 : i32
    %sign3A_1049 = arith.cmpi slt, %jit3A_1036, %sign3A_1048 : i32
    %sign3A_1050 = arith.extui %sign3A_1049 : i1 to i32
    %sign3A_1051 = arith.subi %sign3A_1047, %sign3A_1050 : i32
    %ne3A_1052 = arith.cmpi ne, %sign3A_1044, %sign3A_1051 : i32
    %rem3A_1053 = arith.remsi %add3A, %jit3A_1036 : i32
    %ne3A_1054 = arith.constant 0 : i32
    %ne3A_1055 = arith.cmpi ne, %rem3A_1053, %ne3A_1054 : i32
    %and3A_1056 = arith.andi %ne3A_1052, %ne3A_1055 : i1
    %sub3A_1057 = arith.constant 1 : i32
    %sub3A_1058 = arith.subi %div3A_1037, %sub3A_1057 : i32
    %select_n3A_1059 = arith.select %and3A_1056, %sub3A_1058, %div3A_1037 : i32
    %jit3A_1060 = arith.constant 8 : i32
    %eq3A_1061 = arith.constant 0 : i32
    %eq3A_1062 = arith.cmpi eq, %jit3A_1060, %eq3A_1061 : i32
    %jit3A_1063 = arith.constant 1 : i32
    %select_n3A_1064 = arith.select %eq3A_1062, %jit3A_1063, %jit3A_1060 : i32
    %rem3A_1065 = arith.remsi %add3A, %select_n3A_1064 : i32
    %ne3A_1066 = arith.constant 0 : i32
    %ne3A_1067 = arith.cmpi ne, %rem3A_1065, %ne3A_1066 : i32
    %lt3A_1068 = arith.constant 0 : i32
    %lt3A_1069 = arith.cmpi slt, %rem3A_1065, %lt3A_1068 : i32
    %lt3A_1070 = arith.constant 0 : i32
    %lt3A_1071 = arith.cmpi slt, %select_n3A_1064, %lt3A_1070 : i32
    %ne3A_1072 = arith.xori %lt3A_1069, %lt3A_1071 : i1
    %and3A_1073 = arith.andi %ne3A_1072, %ne3A_1067 : i1
    %add3A_1074 = arith.addi %rem3A_1065, %select_n3A_1064 : i32
    %select_n3A_1075 = arith.select %and3A_1073, %add3A_1074, %rem3A_1065 : i32
    %mul3A_1076 = arith.constant 16384 : i32
    %mul3A_1077 = arith.muli %arg1, %mul3A_1076 : i32
    %dma_start3A_1078 = tpu.memref_slice %arg22[%mul3A_1077] : memref<262144xf32, #tpu.memory_space<vmem_shared>> -> memref<16384xf32, #tpu.memory_space<vmem_shared>>
    %dma_start3A_1079 = arith.constant 0 : i32
    %dma_start3A_1080 = tpu.memref_slice %arg5[%select_n3A_1059, %select_n3A_1075, %dma_start3A_1079] : memref<4x8x1000000xf32, #tpu.memory_space<hbm>> -> memref<1x1x16384xf32, #tpu.memory_space<hbm>>
    %dma_start3A_1081 = tpu.memref_squeeze %dma_start3A_1080 : memref<1x1x16384xf32, #tpu.memory_space<hbm>> -> memref<16384xf32, #tpu.memory_space<hbm>>
    tpu.enqueue_dma source(%dma_start3A_1081 : memref<16384xf32, #tpu.memory_space<hbm>>) target(%dma_start3A_1078 : memref<16384xf32, #tpu.memory_space<vmem_shared>>) target_semaphore(%arg24 : memref<!tpu.dma_semaphore, #tpu.memory_space<semaphore_mem>>)
    %jit3A_1082 = arith.constant 8 : i32
    %div3A_1083 = arith.divsi %add3A, %jit3A_1082 : i32
    %sign3A_1084 = arith.constant 0 : i32
    %sign3A_1085 = arith.cmpi sgt, %add3A, %sign3A_1084 : i32
    %sign3A_1086 = arith.extui %sign3A_1085 : i1 to i32
    %sign3A_1087 = arith.constant 0 : i32
    %sign3A_1088 = arith.cmpi slt, %add3A, %sign3A_1087 : i32
    %sign3A_1089 = arith.extui %sign3A_1088 : i1 to i32
    %sign3A_1090 = arith.subi %sign3A_1086, %sign3A_1089 : i32
    %sign3A_1091 = arith.constant 0 : i32
    %sign3A_1092 = arith.cmpi sgt, %jit3A_1082, %sign3A_1091 : i32
    %sign3A_1093 = arith.extui %sign3A_1092 : i1 to i32
    %sign3A_1094 = arith.constant 0 : i32
    %sign3A_1095 = arith.cmpi slt, %jit3A_1082, %sign3A_1094 : i32
    %sign3A_1096 = arith.extui %sign3A_1095 : i1 to i32
    %sign3A_1097 = arith.subi %sign3A_1093, %sign3A_1096 : i32
    %ne3A_1098 = arith.cmpi ne, %sign3A_1090, %sign3A_1097 : i32
    %rem3A_1099 = arith.remsi %add3A, %jit3A_1082 : i32
    %ne3A_1100 = arith.constant 0 : i32
    %ne3A_1101 = arith.cmpi ne, %rem3A_1099, %ne3A_1100 : i32
    %and3A_1102 = arith.andi %ne3A_1098, %ne3A_1101 : i1
    %sub3A_1103 = arith.constant 1 : i32
    %sub3A_1104 = arith.subi %div3A_1083, %sub3A_1103 : i32
    %select_n3A_1105 = arith.select %and3A_1102, %sub3A_1104, %div3A_1083 : i32
    %jit3A_1106 = arith.constant 8 : i32
    %eq3A_1107 = arith.constant 0 : i32
    %eq3A_1108 = arith.cmpi eq, %jit3A_1106, %eq3A_1107 : i32
    %jit3A_1109 = arith.constant 1 : i32
    %select_n3A_1110 = arith.select %eq3A_1108, %jit3A_1109, %jit3A_1106 : i32
    %rem3A_1111 = arith.remsi %add3A, %select_n3A_1110 : i32
    %ne3A_1112 = arith.constant 0 : i32
    %ne3A_1113 = arith.cmpi ne, %rem3A_1111, %ne3A_1112 : i32
    %lt3A_1114 = arith.constant 0 : i32
    %lt3A_1115 = arith.cmpi slt, %rem3A_1111, %lt3A_1114 : i32
    %lt3A_1116 = arith.constant 0 : i32
    %lt3A_1117 = arith.cmpi slt, %select_n3A_1110, %lt3A_1116 : i32
    %ne3A_1118 = arith.xori %lt3A_1115, %lt3A_1117 : i1
    %and3A_1119 = arith.andi %ne3A_1118, %ne3A_1113 : i1
    %add3A_1120 = arith.addi %rem3A_1111, %select_n3A_1110 : i32
    %select_n3A_1121 = arith.select %and3A_1119, %add3A_1120, %rem3A_1111 : i32
    %mul3A_1122 = arith.constant 16384 : i32
    %mul3A_1123 = arith.muli %arg1, %mul3A_1122 : i32
    %dma_start3A_1124 = tpu.memref_slice %arg23[%mul3A_1123] : memref<262144xf32, #tpu.memory_space<vmem_shared>> -> memref<16384xf32, #tpu.memory_space<vmem_shared>>
    %dma_start3A_1125 = arith.constant 16384 : i32
    %dma_start3A_1126 = tpu.memref_slice %arg5[%select_n3A_1105, %select_n3A_1121, %dma_start3A_1125] : memref<4x8x1000000xf32, #tpu.memory_space<hbm>> -> memref<1x1x16384xf32, #tpu.memory_space<hbm>>
    %dma_start3A_1127 = tpu.memref_squeeze %dma_start3A_1126 : memref<1x1x16384xf32, #tpu.memory_space<hbm>> -> memref<16384xf32, #tpu.memory_space<hbm>>
    tpu.enqueue_dma source(%dma_start3A_1127 : memref<16384xf32, #tpu.memory_space<hbm>>) target(%dma_start3A_1124 : memref<16384xf32, #tpu.memory_space<vmem_shared>>) target_semaphore(%arg25 : memref<!tpu.dma_semaphore, #tpu.memory_space<semaphore_mem>>)
    %dma_wait3A = arith.constant 0 : i32
    %dma_wait3A_1128 = tpu.memref_slice %arg9[%dma_wait3A] : memref<2048xi32, #tpu.memory_space<vmem>> -> memref<1024xi32, #tpu.memory_space<vmem>>
    %dma_wait3A_1129 = tpu.memref_slice %arg2[%mul3A_0] : memref<16384xi32, #tpu.memory_space<hbm>> -> memref<1024xi32, #tpu.memory_space<hbm>>
    %dma_wait3A_1130 = arith.constant 0 : i32
    %dma_wait3A_1131 = tpu.memref_slice %arg9[%dma_wait3A_1130] : memref<2048xi32, #tpu.memory_space<vmem>> -> memref<1024xi32, #tpu.memory_space<vmem>>
    %dma_wait3A_1132 = tpu.memref_slice %arg2[%mul3A_0] : memref<16384xi32, #tpu.memory_space<hbm>> -> memref<1024xi32, #tpu.memory_space<hbm>>
    tpu.wait_dma2 semaphore(%arg27 : memref<!tpu.dma_semaphore, #tpu.memory_space<semaphore_mem>>) src(%dma_wait3A_1132 : memref<1024xi32, #tpu.memory_space<hbm>>) dst(%dma_wait3A_1131 : memref<1024xi32, #tpu.memory_space<vmem>>)
    %dma_wait3A_1133 = arith.constant 1024 : i32
    %dma_wait3A_1134 = tpu.memref_slice %arg9[%dma_wait3A_1133] : memref<2048xi32, #tpu.memory_space<vmem>> -> memref<1024xi32, #tpu.memory_space<vmem>>
    %dma_wait3A_1135 = tpu.memref_slice %arg4[%mul3A_0] : memref<16384xi32, #tpu.memory_space<hbm>> -> memref<1024xi32, #tpu.memory_space<hbm>>
    %dma_wait3A_1136 = arith.constant 1024 : i32
    %dma_wait3A_1137 = tpu.memref_slice %arg9[%dma_wait3A_1136] : memref<2048xi32, #tpu.memory_space<vmem>> -> memref<1024xi32, #tpu.memory_space<vmem>>
    %dma_wait3A_1138 = tpu.memref_slice %arg4[%mul3A_0] : memref<16384xi32, #tpu.memory_space<hbm>> -> memref<1024xi32, #tpu.memory_space<hbm>>
    tpu.wait_dma2 semaphore(%arg27 : memref<!tpu.dma_semaphore, #tpu.memory_space<semaphore_mem>>) src(%dma_wait3A_1138 : memref<1024xi32, #tpu.memory_space<hbm>>) dst(%dma_wait3A_1137 : memref<1024xi32, #tpu.memory_space<vmem>>)
    %dma_wait3A_1139 = tpu.memref_slice %arg3[%mul3A_0] : memref<16384xi32, #tpu.memory_space<hbm>> -> memref<1024xi32, #tpu.memory_space<hbm>>
    %dma_wait3A_1140 = tpu.memref_slice %arg3[%mul3A_0] : memref<16384xi32, #tpu.memory_space<hbm>> -> memref<1024xi32, #tpu.memory_space<hbm>>
    tpu.wait_dma2 semaphore(%arg27 : memref<!tpu.dma_semaphore, #tpu.memory_space<semaphore_mem>>) src(%dma_wait3A_1140 : memref<1024xi32, #tpu.memory_space<hbm>>) dst(%arg10 : memref<1024xi32, #tpu.memory_space<vmem>>)
    %dma_wait3A_1141 = tpu.memref_slice %arg6[%mul3A_19] : memref<32000xf32, #tpu.memory_space<hbm>> -> memref<16000xf32, #tpu.memory_space<hbm>>
    %dma_wait3A_1142 = tpu.memref_slice %arg6[%mul3A_19] : memref<32000xf32, #tpu.memory_space<hbm>> -> memref<16000xf32, #tpu.memory_space<hbm>>
    tpu.wait_dma2 semaphore(%arg27 : memref<!tpu.dma_semaphore, #tpu.memory_space<semaphore_mem>>) src(%dma_wait3A_1142 : memref<16000xf32, #tpu.memory_space<hbm>>) dst(%arg13 : memref<16000xf32, #tpu.memory_space<vmem>>)
    %dma_wait3A_1143 = arith.constant 0 : i32
    %dma_wait3A_1144 = tpu.memref_slice %arg14[%dma_wait3A_1143] : memref<10240xf32, #tpu.memory_space<vmem>> -> memref<512xf32, #tpu.memory_space<vmem>>
    %dma_wait3A_1145 = arith.constant 999424 : i32
    %dma_wait3A_1146 = tpu.memref_slice %arg5[%select_n3A, %select_n3A_55, %dma_wait3A_1145] : memref<4x8x1000000xf32, #tpu.memory_space<hbm>> -> memref<1x1x512xf32, #tpu.memory_space<hbm>>
    %dma_wait3A_1147 = tpu.memref_squeeze %dma_wait3A_1146 : memref<1x1x512xf32, #tpu.memory_space<hbm>> -> memref<512xf32, #tpu.memory_space<hbm>>
    %dma_wait3A_1148 = arith.constant 0 : i32
    %dma_wait3A_1149 = tpu.memref_slice %arg14[%dma_wait3A_1148] : memref<10240xf32, #tpu.memory_space<vmem>> -> memref<512xf32, #tpu.memory_space<vmem>>
    %dma_wait3A_1150 = arith.constant 999424 : i32
    %dma_wait3A_1151 = tpu.memref_slice %arg5[%select_n3A, %select_n3A_55, %dma_wait3A_1150] : memref<4x8x1000000xf32, #tpu.memory_space<hbm>> -> memref<1x1x512xf32, #tpu.memory_space<hbm>>
    %dma_wait3A_1152 = tpu.memref_squeeze %dma_wait3A_1151 : memref<1x1x512xf32, #tpu.memory_space<hbm>> -> memref<512xf32, #tpu.memory_space<hbm>>
    tpu.wait_dma2 semaphore(%arg27 : memref<!tpu.dma_semaphore, #tpu.memory_space<semaphore_mem>>) src(%dma_wait3A_1152 : memref<512xf32, #tpu.memory_space<hbm>>) dst(%dma_wait3A_1149 : memref<512xf32, #tpu.memory_space<vmem>>)
    %dma_wait3A_1153 = arith.constant 512 : i32
    %dma_wait3A_1154 = tpu.memref_slice %arg14[%dma_wait3A_1153] : memref<10240xf32, #tpu.memory_space<vmem>> -> memref<64xf32, #tpu.memory_space<vmem>>
    %dma_wait3A_1155 = tpu.memref_slice %arg7[%mul3A_69] : memref<2048xf32, #tpu.memory_space<hbm>> -> memref<64xf32, #tpu.memory_space<hbm>>
    %dma_wait3A_1156 = arith.constant 512 : i32
    %dma_wait3A_1157 = tpu.memref_slice %arg14[%dma_wait3A_1156] : memref<10240xf32, #tpu.memory_space<vmem>> -> memref<64xf32, #tpu.memory_space<vmem>>
    %dma_wait3A_1158 = tpu.memref_slice %arg7[%mul3A_69] : memref<2048xf32, #tpu.memory_space<hbm>> -> memref<64xf32, #tpu.memory_space<hbm>>
    tpu.wait_dma2 semaphore(%arg27 : memref<!tpu.dma_semaphore, #tpu.memory_space<semaphore_mem>>) src(%dma_wait3A_1158 : memref<64xf32, #tpu.memory_space<hbm>>) dst(%dma_wait3A_1157 : memref<64xf32, #tpu.memory_space<vmem>>)
    %dma_wait3A_1159 = arith.constant 640 : i32
    %dma_wait3A_1160 = tpu.memref_slice %arg14[%dma_wait3A_1159] : memref<10240xf32, #tpu.memory_space<vmem>> -> memref<512xf32, #tpu.memory_space<vmem>>
    %dma_wait3A_1161 = arith.constant 999424 : i32
    %dma_wait3A_1162 = tpu.memref_slice %arg5[%select_n3A_101, %select_n3A_119, %dma_wait3A_1161] : memref<4x8x1000000xf32, #tpu.memory_space<hbm>> -> memref<1x1x512xf32, #tpu.memory_space<hbm>>
    %dma_wait3A_1163 = tpu.memref_squeeze %dma_wait3A_1162 : memref<1x1x512xf32, #tpu.memory_space<hbm>> -> memref<512xf32, #tpu.memory_space<hbm>>
    %dma_wait3A_1164 = arith.constant 640 : i32
    %dma_wait3A_1165 = tpu.memref_slice %arg14[%dma_wait3A_1164] : memref<10240xf32, #tpu.memory_space<vmem>> -> memref<512xf32, #tpu.memory_space<vmem>>
    %dma_wait3A_1166 = arith.constant 999424 : i32
    %dma_wait3A_1167 = tpu.memref_slice %arg5[%select_n3A_101, %select_n3A_119, %dma_wait3A_1166] : memref<4x8x1000000xf32, #tpu.memory_space<hbm>> -> memref<1x1x512xf32, #tpu.memory_space<hbm>>
    %dma_wait3A_1168 = tpu.memref_squeeze %dma_wait3A_1167 : memref<1x1x512xf32, #tpu.memory_space<hbm>> -> memref<512xf32, #tpu.memory_space<hbm>>
    tpu.wait_dma2 semaphore(%arg27 : memref<!tpu.dma_semaphore, #tpu.memory_space<semaphore_mem>>) src(%dma_wait3A_1168 : memref<512xf32, #tpu.memory_space<hbm>>) dst(%dma_wait3A_1165 : memref<512xf32, #tpu.memory_space<vmem>>)
    %dma_wait3A_1169 = arith.constant 1152 : i32
    %dma_wait3A_1170 = tpu.memref_slice %arg14[%dma_wait3A_1169] : memref<10240xf32, #tpu.memory_space<vmem>> -> memref<64xf32, #tpu.memory_space<vmem>>
    %dma_wait3A_1171 = tpu.memref_slice %arg7[%mul3A_133] : memref<2048xf32, #tpu.memory_space<hbm>> -> memref<64xf32, #tpu.memory_space<hbm>>
    %dma_wait3A_1172 = arith.constant 1152 : i32
    %dma_wait3A_1173 = tpu.memref_slice %arg14[%dma_wait3A_1172] : memref<10240xf32, #tpu.memory_space<vmem>> -> memref<64xf32, #tpu.memory_space<vmem>>
    %dma_wait3A_1174 = tpu.memref_slice %arg7[%mul3A_133] : memref<2048xf32, #tpu.memory_space<hbm>> -> memref<64xf32, #tpu.memory_space<hbm>>
    tpu.wait_dma2 semaphore(%arg27 : memref<!tpu.dma_semaphore, #tpu.memory_space<semaphore_mem>>) src(%dma_wait3A_1174 : memref<64xf32, #tpu.memory_space<hbm>>) dst(%dma_wait3A_1173 : memref<64xf32, #tpu.memory_space<vmem>>)
    %dma_wait3A_1175 = arith.constant 1280 : i32
    %dma_wait3A_1176 = tpu.memref_slice %arg14[%dma_wait3A_1175] : memref<10240xf32, #tpu.memory_space<vmem>> -> memref<512xf32, #tpu.memory_space<vmem>>
    %dma_wait3A_1177 = arith.constant 999424 : i32
    %dma_wait3A_1178 = tpu.memref_slice %arg5[%select_n3A_165, %select_n3A_183, %dma_wait3A_1177] : memref<4x8x1000000xf32, #tpu.memory_space<hbm>> -> memref<1x1x512xf32, #tpu.memory_space<hbm>>
    %dma_wait3A_1179 = tpu.memref_squeeze %dma_wait3A_1178 : memref<1x1x512xf32, #tpu.memory_space<hbm>> -> memref<512xf32, #tpu.memory_space<hbm>>
    %dma_wait3A_1180 = arith.constant 1280 : i32
    %dma_wait3A_1181 = tpu.memref_slice %arg14[%dma_wait3A_1180] : memref<10240xf32, #tpu.memory_space<vmem>> -> memref<512xf32, #tpu.memory_space<vmem>>
    %dma_wait3A_1182 = arith.constant 999424 : i32
    %dma_wait3A_1183 = tpu.memref_slice %arg5[%select_n3A_165, %select_n3A_183, %dma_wait3A_1182] : memref<4x8x1000000xf32, #tpu.memory_space<hbm>> -> memref<1x1x512xf32, #tpu.memory_space<hbm>>
    %dma_wait3A_1184 = tpu.memref_squeeze %dma_wait3A_1183 : memref<1x1x512xf32, #tpu.memory_space<hbm>> -> memref<512xf32, #tpu.memory_space<hbm>>
    tpu.wait_dma2 semaphore(%arg27 : memref<!tpu.dma_semaphore, #tpu.memory_space<semaphore_mem>>) src(%dma_wait3A_1184 : memref<512xf32, #tpu.memory_space<hbm>>) dst(%dma_wait3A_1181 : memref<512xf32, #tpu.memory_space<vmem>>)
    %dma_wait3A_1185 = arith.constant 1792 : i32
    %dma_wait3A_1186 = tpu.memref_slice %arg14[%dma_wait3A_1185] : memref<10240xf32, #tpu.memory_space<vmem>> -> memref<64xf32, #tpu.memory_space<vmem>>
    %dma_wait3A_1187 = tpu.memref_slice %arg7[%mul3A_197] : memref<2048xf32, #tpu.memory_space<hbm>> -> memref<64xf32, #tpu.memory_space<hbm>>
    %dma_wait3A_1188 = arith.constant 1792 : i32
    %dma_wait3A_1189 = tpu.memref_slice %arg14[%dma_wait3A_1188] : memref<10240xf32, #tpu.memory_space<vmem>> -> memref<64xf32, #tpu.memory_space<vmem>>
    %dma_wait3A_1190 = tpu.memref_slice %arg7[%mul3A_197] : memref<2048xf32, #tpu.memory_space<hbm>> -> memref<64xf32, #tpu.memory_space<hbm>>
    tpu.wait_dma2 semaphore(%arg27 : memref<!tpu.dma_semaphore, #tpu.memory_space<semaphore_mem>>) src(%dma_wait3A_1190 : memref<64xf32, #tpu.memory_space<hbm>>) dst(%dma_wait3A_1189 : memref<64xf32, #tpu.memory_space<vmem>>)
    %dma_wait3A_1191 = arith.constant 1920 : i32
    %dma_wait3A_1192 = tpu.memref_slice %arg14[%dma_wait3A_1191] : memref<10240xf32, #tpu.memory_space<vmem>> -> memref<512xf32, #tpu.memory_space<vmem>>
    %dma_wait3A_1193 = arith.constant 999424 : i32
    %dma_wait3A_1194 = tpu.memref_slice %arg5[%select_n3A_229, %select_n3A_247, %dma_wait3A_1193] : memref<4x8x1000000xf32, #tpu.memory_space<hbm>> -> memref<1x1x512xf32, #tpu.memory_space<hbm>>
    %dma_wait3A_1195 = tpu.memref_squeeze %dma_wait3A_1194 : memref<1x1x512xf32, #tpu.memory_space<hbm>> -> memref<512xf32, #tpu.memory_space<hbm>>
    %dma_wait3A_1196 = arith.constant 1920 : i32
    %dma_wait3A_1197 = tpu.memref_slice %arg14[%dma_wait3A_1196] : memref<10240xf32, #tpu.memory_space<vmem>> -> memref<512xf32, #tpu.memory_space<vmem>>
    %dma_wait3A_1198 = arith.constant 999424 : i32
    %dma_wait3A_1199 = tpu.memref_slice %arg5[%select_n3A_229, %select_n3A_247, %dma_wait3A_1198] : memref<4x8x1000000xf32, #tpu.memory_space<hbm>> -> memref<1x1x512xf32, #tpu.memory_space<hbm>>
    %dma_wait3A_1200 = tpu.memref_squeeze %dma_wait3A_1199 : memref<1x1x512xf32, #tpu.memory_space<hbm>> -> memref<512xf32, #tpu.memory_space<hbm>>
    tpu.wait_dma2 semaphore(%arg27 : memref<!tpu.dma_semaphore, #tpu.memory_space<semaphore_mem>>) src(%dma_wait3A_1200 : memref<512xf32, #tpu.memory_space<hbm>>) dst(%dma_wait3A_1197 : memref<512xf32, #tpu.memory_space<vmem>>)
    %dma_wait3A_1201 = arith.constant 2432 : i32
    %dma_wait3A_1202 = tpu.memref_slice %arg14[%dma_wait3A_1201] : memref<10240xf32, #tpu.memory_space<vmem>> -> memref<64xf32, #tpu.memory_space<vmem>>
    %dma_wait3A_1203 = tpu.memref_slice %arg7[%mul3A_261] : memref<2048xf32, #tpu.memory_space<hbm>> -> memref<64xf32, #tpu.memory_space<hbm>>
    %dma_wait3A_1204 = arith.constant 2432 : i32
    %dma_wait3A_1205 = tpu.memref_slice %arg14[%dma_wait3A_1204] : memref<10240xf32, #tpu.memory_space<vmem>> -> memref<64xf32, #tpu.memory_space<vmem>>
    %dma_wait3A_1206 = tpu.memref_slice %arg7[%mul3A_261] : memref<2048xf32, #tpu.memory_space<hbm>> -> memref<64xf32, #tpu.memory_space<hbm>>
    tpu.wait_dma2 semaphore(%arg27 : memref<!tpu.dma_semaphore, #tpu.memory_space<semaphore_mem>>) src(%dma_wait3A_1206 : memref<64xf32, #tpu.memory_space<hbm>>) dst(%dma_wait3A_1205 : memref<64xf32, #tpu.memory_space<vmem>>)
    %dma_wait3A_1207 = arith.constant 2560 : i32
    %dma_wait3A_1208 = tpu.memref_slice %arg14[%dma_wait3A_1207] : memref<10240xf32, #tpu.memory_space<vmem>> -> memref<512xf32, #tpu.memory_space<vmem>>
    %dma_wait3A_1209 = arith.constant 999424 : i32
    %dma_wait3A_1210 = tpu.memref_slice %arg5[%select_n3A_293, %select_n3A_311, %dma_wait3A_1209] : memref<4x8x1000000xf32, #tpu.memory_space<hbm>> -> memref<1x1x512xf32, #tpu.memory_space<hbm>>
    %dma_wait3A_1211 = tpu.memref_squeeze %dma_wait3A_1210 : memref<1x1x512xf32, #tpu.memory_space<hbm>> -> memref<512xf32, #tpu.memory_space<hbm>>
    %dma_wait3A_1212 = arith.constant 2560 : i32
    %dma_wait3A_1213 = tpu.memref_slice %arg14[%dma_wait3A_1212] : memref<10240xf32, #tpu.memory_space<vmem>> -> memref<512xf32, #tpu.memory_space<vmem>>
    %dma_wait3A_1214 = arith.constant 999424 : i32
    %dma_wait3A_1215 = tpu.memref_slice %arg5[%select_n3A_293, %select_n3A_311, %dma_wait3A_1214] : memref<4x8x1000000xf32, #tpu.memory_space<hbm>> -> memref<1x1x512xf32, #tpu.memory_space<hbm>>
    %dma_wait3A_1216 = tpu.memref_squeeze %dma_wait3A_1215 : memref<1x1x512xf32, #tpu.memory_space<hbm>> -> memref<512xf32, #tpu.memory_space<hbm>>
    tpu.wait_dma2 semaphore(%arg27 : memref<!tpu.dma_semaphore, #tpu.memory_space<semaphore_mem>>) src(%dma_wait3A_1216 : memref<512xf32, #tpu.memory_space<hbm>>) dst(%dma_wait3A_1213 : memref<512xf32, #tpu.memory_space<vmem>>)
    %dma_wait3A_1217 = arith.constant 3072 : i32
    %dma_wait3A_1218 = tpu.memref_slice %arg14[%dma_wait3A_1217] : memref<10240xf32, #tpu.memory_space<vmem>> -> memref<64xf32, #tpu.memory_space<vmem>>
    %dma_wait3A_1219 = tpu.memref_slice %arg7[%mul3A_325] : memref<2048xf32, #tpu.memory_space<hbm>> -> memref<64xf32, #tpu.memory_space<hbm>>
    %dma_wait3A_1220 = arith.constant 3072 : i32
    %dma_wait3A_1221 = tpu.memref_slice %arg14[%dma_wait3A_1220] : memref<10240xf32, #tpu.memory_space<vmem>> -> memref<64xf32, #tpu.memory_space<vmem>>
    %dma_wait3A_1222 = tpu.memref_slice %arg7[%mul3A_325] : memref<2048xf32, #tpu.memory_space<hbm>> -> memref<64xf32, #tpu.memory_space<hbm>>
    tpu.wait_dma2 semaphore(%arg27 : memref<!tpu.dma_semaphore, #tpu.memory_space<semaphore_mem>>) src(%dma_wait3A_1222 : memref<64xf32, #tpu.memory_space<hbm>>) dst(%dma_wait3A_1221 : memref<64xf32, #tpu.memory_space<vmem>>)
    %dma_wait3A_1223 = arith.constant 3200 : i32
    %dma_wait3A_1224 = tpu.memref_slice %arg14[%dma_wait3A_1223] : memref<10240xf32, #tpu.memory_space<vmem>> -> memref<512xf32, #tpu.memory_space<vmem>>
    %dma_wait3A_1225 = arith.constant 999424 : i32
    %dma_wait3A_1226 = tpu.memref_slice %arg5[%select_n3A_357, %select_n3A_375, %dma_wait3A_1225] : memref<4x8x1000000xf32, #tpu.memory_space<hbm>> -> memref<1x1x512xf32, #tpu.memory_space<hbm>>
    %dma_wait3A_1227 = tpu.memref_squeeze %dma_wait3A_1226 : memref<1x1x512xf32, #tpu.memory_space<hbm>> -> memref<512xf32, #tpu.memory_space<hbm>>
    %dma_wait3A_1228 = arith.constant 3200 : i32
    %dma_wait3A_1229 = tpu.memref_slice %arg14[%dma_wait3A_1228] : memref<10240xf32, #tpu.memory_space<vmem>> -> memref<512xf32, #tpu.memory_space<vmem>>
    %dma_wait3A_1230 = arith.constant 999424 : i32
    %dma_wait3A_1231 = tpu.memref_slice %arg5[%select_n3A_357, %select_n3A_375, %dma_wait3A_1230] : memref<4x8x1000000xf32, #tpu.memory_space<hbm>> -> memref<1x1x512xf32, #tpu.memory_space<hbm>>
    %dma_wait3A_1232 = tpu.memref_squeeze %dma_wait3A_1231 : memref<1x1x512xf32, #tpu.memory_space<hbm>> -> memref<512xf32, #tpu.memory_space<hbm>>
    tpu.wait_dma2 semaphore(%arg27 : memref<!tpu.dma_semaphore, #tpu.memory_space<semaphore_mem>>) src(%dma_wait3A_1232 : memref<512xf32, #tpu.memory_space<hbm>>) dst(%dma_wait3A_1229 : memref<512xf32, #tpu.memory_space<vmem>>)
    %dma_wait3A_1233 = arith.constant 3712 : i32
    %dma_wait3A_1234 = tpu.memref_slice %arg14[%dma_wait3A_1233] : memref<10240xf32, #tpu.memory_space<vmem>> -> memref<64xf32, #tpu.memory_space<vmem>>
    %dma_wait3A_1235 = tpu.memref_slice %arg7[%mul3A_389] : memref<2048xf32, #tpu.memory_space<hbm>> -> memref<64xf32, #tpu.memory_space<hbm>>
    %dma_wait3A_1236 = arith.constant 3712 : i32
    %dma_wait3A_1237 = tpu.memref_slice %arg14[%dma_wait3A_1236] : memref<10240xf32, #tpu.memory_space<vmem>> -> memref<64xf32, #tpu.memory_space<vmem>>
    %dma_wait3A_1238 = tpu.memref_slice %arg7[%mul3A_389] : memref<2048xf32, #tpu.memory_space<hbm>> -> memref<64xf32, #tpu.memory_space<hbm>>
    tpu.wait_dma2 semaphore(%arg27 : memref<!tpu.dma_semaphore, #tpu.memory_space<semaphore_mem>>) src(%dma_wait3A_1238 : memref<64xf32, #tpu.memory_space<hbm>>) dst(%dma_wait3A_1237 : memref<64xf32, #tpu.memory_space<vmem>>)
    %dma_wait3A_1239 = arith.constant 3840 : i32
    %dma_wait3A_1240 = tpu.memref_slice %arg14[%dma_wait3A_1239] : memref<10240xf32, #tpu.memory_space<vmem>> -> memref<512xf32, #tpu.memory_space<vmem>>
    %dma_wait3A_1241 = arith.constant 999424 : i32
    %dma_wait3A_1242 = tpu.memref_slice %arg5[%select_n3A_421, %select_n3A_439, %dma_wait3A_1241] : memref<4x8x1000000xf32, #tpu.memory_space<hbm>> -> memref<1x1x512xf32, #tpu.memory_space<hbm>>
    %dma_wait3A_1243 = tpu.memref_squeeze %dma_wait3A_1242 : memref<1x1x512xf32, #tpu.memory_space<hbm>> -> memref<512xf32, #tpu.memory_space<hbm>>
    %dma_wait3A_1244 = arith.constant 3840 : i32
    %dma_wait3A_1245 = tpu.memref_slice %arg14[%dma_wait3A_1244] : memref<10240xf32, #tpu.memory_space<vmem>> -> memref<512xf32, #tpu.memory_space<vmem>>
    %dma_wait3A_1246 = arith.constant 999424 : i32
    %dma_wait3A_1247 = tpu.memref_slice %arg5[%select_n3A_421, %select_n3A_439, %dma_wait3A_1246] : memref<4x8x1000000xf32, #tpu.memory_space<hbm>> -> memref<1x1x512xf32, #tpu.memory_space<hbm>>
    %dma_wait3A_1248 = tpu.memref_squeeze %dma_wait3A_1247 : memref<1x1x512xf32, #tpu.memory_space<hbm>> -> memref<512xf32, #tpu.memory_space<hbm>>
    tpu.wait_dma2 semaphore(%arg27 : memref<!tpu.dma_semaphore, #tpu.memory_space<semaphore_mem>>) src(%dma_wait3A_1248 : memref<512xf32, #tpu.memory_space<hbm>>) dst(%dma_wait3A_1245 : memref<512xf32, #tpu.memory_space<vmem>>)
    %dma_wait3A_1249 = arith.constant 4352 : i32
    %dma_wait3A_1250 = tpu.memref_slice %arg14[%dma_wait3A_1249] : memref<10240xf32, #tpu.memory_space<vmem>> -> memref<64xf32, #tpu.memory_space<vmem>>
    %dma_wait3A_1251 = tpu.memref_slice %arg7[%mul3A_453] : memref<2048xf32, #tpu.memory_space<hbm>> -> memref<64xf32, #tpu.memory_space<hbm>>
    %dma_wait3A_1252 = arith.constant 4352 : i32
    %dma_wait3A_1253 = tpu.memref_slice %arg14[%dma_wait3A_1252] : memref<10240xf32, #tpu.memory_space<vmem>> -> memref<64xf32, #tpu.memory_space<vmem>>
    %dma_wait3A_1254 = tpu.memref_slice %arg7[%mul3A_453] : memref<2048xf32, #tpu.memory_space<hbm>> -> memref<64xf32, #tpu.memory_space<hbm>>
    tpu.wait_dma2 semaphore(%arg27 : memref<!tpu.dma_semaphore, #tpu.memory_space<semaphore_mem>>) src(%dma_wait3A_1254 : memref<64xf32, #tpu.memory_space<hbm>>) dst(%dma_wait3A_1253 : memref<64xf32, #tpu.memory_space<vmem>>)
    %dma_wait3A_1255 = arith.constant 4480 : i32
    %dma_wait3A_1256 = tpu.memref_slice %arg14[%dma_wait3A_1255] : memref<10240xf32, #tpu.memory_space<vmem>> -> memref<512xf32, #tpu.memory_space<vmem>>
    %dma_wait3A_1257 = arith.constant 999424 : i32
    %dma_wait3A_1258 = tpu.memref_slice %arg5[%select_n3A_485, %select_n3A_503, %dma_wait3A_1257] : memref<4x8x1000000xf32, #tpu.memory_space<hbm>> -> memref<1x1x512xf32, #tpu.memory_space<hbm>>
    %dma_wait3A_1259 = tpu.memref_squeeze %dma_wait3A_1258 : memref<1x1x512xf32, #tpu.memory_space<hbm>> -> memref<512xf32, #tpu.memory_space<hbm>>
    %dma_wait3A_1260 = arith.constant 4480 : i32
    %dma_wait3A_1261 = tpu.memref_slice %arg14[%dma_wait3A_1260] : memref<10240xf32, #tpu.memory_space<vmem>> -> memref<512xf32, #tpu.memory_space<vmem>>
    %dma_wait3A_1262 = arith.constant 999424 : i32
    %dma_wait3A_1263 = tpu.memref_slice %arg5[%select_n3A_485, %select_n3A_503, %dma_wait3A_1262] : memref<4x8x1000000xf32, #tpu.memory_space<hbm>> -> memref<1x1x512xf32, #tpu.memory_space<hbm>>
    %dma_wait3A_1264 = tpu.memref_squeeze %dma_wait3A_1263 : memref<1x1x512xf32, #tpu.memory_space<hbm>> -> memref<512xf32, #tpu.memory_space<hbm>>
    tpu.wait_dma2 semaphore(%arg27 : memref<!tpu.dma_semaphore, #tpu.memory_space<semaphore_mem>>) src(%dma_wait3A_1264 : memref<512xf32, #tpu.memory_space<hbm>>) dst(%dma_wait3A_1261 : memref<512xf32, #tpu.memory_space<vmem>>)
    %dma_wait3A_1265 = arith.constant 4992 : i32
    %dma_wait3A_1266 = tpu.memref_slice %arg14[%dma_wait3A_1265] : memref<10240xf32, #tpu.memory_space<vmem>> -> memref<64xf32, #tpu.memory_space<vmem>>
    %dma_wait3A_1267 = tpu.memref_slice %arg7[%mul3A_517] : memref<2048xf32, #tpu.memory_space<hbm>> -> memref<64xf32, #tpu.memory_space<hbm>>
    %dma_wait3A_1268 = arith.constant 4992 : i32
    %dma_wait3A_1269 = tpu.memref_slice %arg14[%dma_wait3A_1268] : memref<10240xf32, #tpu.memory_space<vmem>> -> memref<64xf32, #tpu.memory_space<vmem>>
    %dma_wait3A_1270 = tpu.memref_slice %arg7[%mul3A_517] : memref<2048xf32, #tpu.memory_space<hbm>> -> memref<64xf32, #tpu.memory_space<hbm>>
    tpu.wait_dma2 semaphore(%arg27 : memref<!tpu.dma_semaphore, #tpu.memory_space<semaphore_mem>>) src(%dma_wait3A_1270 : memref<64xf32, #tpu.memory_space<hbm>>) dst(%dma_wait3A_1269 : memref<64xf32, #tpu.memory_space<vmem>>)
    %dma_wait3A_1271 = arith.constant 5120 : i32
    %dma_wait3A_1272 = tpu.memref_slice %arg14[%dma_wait3A_1271] : memref<10240xf32, #tpu.memory_space<vmem>> -> memref<512xf32, #tpu.memory_space<vmem>>
    %dma_wait3A_1273 = arith.constant 999424 : i32
    %dma_wait3A_1274 = tpu.memref_slice %arg5[%select_n3A_549, %select_n3A_567, %dma_wait3A_1273] : memref<4x8x1000000xf32, #tpu.memory_space<hbm>> -> memref<1x1x512xf32, #tpu.memory_space<hbm>>
    %dma_wait3A_1275 = tpu.memref_squeeze %dma_wait3A_1274 : memref<1x1x512xf32, #tpu.memory_space<hbm>> -> memref<512xf32, #tpu.memory_space<hbm>>
    %dma_wait3A_1276 = arith.constant 5120 : i32
    %dma_wait3A_1277 = tpu.memref_slice %arg14[%dma_wait3A_1276] : memref<10240xf32, #tpu.memory_space<vmem>> -> memref<512xf32, #tpu.memory_space<vmem>>
    %dma_wait3A_1278 = arith.constant 999424 : i32
    %dma_wait3A_1279 = tpu.memref_slice %arg5[%select_n3A_549, %select_n3A_567, %dma_wait3A_1278] : memref<4x8x1000000xf32, #tpu.memory_space<hbm>> -> memref<1x1x512xf32, #tpu.memory_space<hbm>>
    %dma_wait3A_1280 = tpu.memref_squeeze %dma_wait3A_1279 : memref<1x1x512xf32, #tpu.memory_space<hbm>> -> memref<512xf32, #tpu.memory_space<hbm>>
    tpu.wait_dma2 semaphore(%arg27 : memref<!tpu.dma_semaphore, #tpu.memory_space<semaphore_mem>>) src(%dma_wait3A_1280 : memref<512xf32, #tpu.memory_space<hbm>>) dst(%dma_wait3A_1277 : memref<512xf32, #tpu.memory_space<vmem>>)
    %dma_wait3A_1281 = arith.constant 5632 : i32
    %dma_wait3A_1282 = tpu.memref_slice %arg14[%dma_wait3A_1281] : memref<10240xf32, #tpu.memory_space<vmem>> -> memref<64xf32, #tpu.memory_space<vmem>>
    %dma_wait3A_1283 = tpu.memref_slice %arg7[%mul3A_581] : memref<2048xf32, #tpu.memory_space<hbm>> -> memref<64xf32, #tpu.memory_space<hbm>>
    %dma_wait3A_1284 = arith.constant 5632 : i32
    %dma_wait3A_1285 = tpu.memref_slice %arg14[%dma_wait3A_1284] : memref<10240xf32, #tpu.memory_space<vmem>> -> memref<64xf32, #tpu.memory_space<vmem>>
    %dma_wait3A_1286 = tpu.memref_slice %arg7[%mul3A_581] : memref<2048xf32, #tpu.memory_space<hbm>> -> memref<64xf32, #tpu.memory_space<hbm>>
    tpu.wait_dma2 semaphore(%arg27 : memref<!tpu.dma_semaphore, #tpu.memory_space<semaphore_mem>>) src(%dma_wait3A_1286 : memref<64xf32, #tpu.memory_space<hbm>>) dst(%dma_wait3A_1285 : memref<64xf32, #tpu.memory_space<vmem>>)
    %dma_wait3A_1287 = arith.constant 5760 : i32
    %dma_wait3A_1288 = tpu.memref_slice %arg14[%dma_wait3A_1287] : memref<10240xf32, #tpu.memory_space<vmem>> -> memref<512xf32, #tpu.memory_space<vmem>>
    %dma_wait3A_1289 = arith.constant 999424 : i32
    %dma_wait3A_1290 = tpu.memref_slice %arg5[%select_n3A_613, %select_n3A_631, %dma_wait3A_1289] : memref<4x8x1000000xf32, #tpu.memory_space<hbm>> -> memref<1x1x512xf32, #tpu.memory_space<hbm>>
    %dma_wait3A_1291 = tpu.memref_squeeze %dma_wait3A_1290 : memref<1x1x512xf32, #tpu.memory_space<hbm>> -> memref<512xf32, #tpu.memory_space<hbm>>
    %dma_wait3A_1292 = arith.constant 5760 : i32
    %dma_wait3A_1293 = tpu.memref_slice %arg14[%dma_wait3A_1292] : memref<10240xf32, #tpu.memory_space<vmem>> -> memref<512xf32, #tpu.memory_space<vmem>>
    %dma_wait3A_1294 = arith.constant 999424 : i32
    %dma_wait3A_1295 = tpu.memref_slice %arg5[%select_n3A_613, %select_n3A_631, %dma_wait3A_1294] : memref<4x8x1000000xf32, #tpu.memory_space<hbm>> -> memref<1x1x512xf32, #tpu.memory_space<hbm>>
    %dma_wait3A_1296 = tpu.memref_squeeze %dma_wait3A_1295 : memref<1x1x512xf32, #tpu.memory_space<hbm>> -> memref<512xf32, #tpu.memory_space<hbm>>
    tpu.wait_dma2 semaphore(%arg27 : memref<!tpu.dma_semaphore, #tpu.memory_space<semaphore_mem>>) src(%dma_wait3A_1296 : memref<512xf32, #tpu.memory_space<hbm>>) dst(%dma_wait3A_1293 : memref<512xf32, #tpu.memory_space<vmem>>)
    %dma_wait3A_1297 = arith.constant 6272 : i32
    %dma_wait3A_1298 = tpu.memref_slice %arg14[%dma_wait3A_1297] : memref<10240xf32, #tpu.memory_space<vmem>> -> memref<64xf32, #tpu.memory_space<vmem>>
    %dma_wait3A_1299 = tpu.memref_slice %arg7[%mul3A_645] : memref<2048xf32, #tpu.memory_space<hbm>> -> memref<64xf32, #tpu.memory_space<hbm>>
    %dma_wait3A_1300 = arith.constant 6272 : i32
    %dma_wait3A_1301 = tpu.memref_slice %arg14[%dma_wait3A_1300] : memref<10240xf32, #tpu.memory_space<vmem>> -> memref<64xf32, #tpu.memory_space<vmem>>
    %dma_wait3A_1302 = tpu.memref_slice %arg7[%mul3A_645] : memref<2048xf32, #tpu.memory_space<hbm>> -> memref<64xf32, #tpu.memory_space<hbm>>
    tpu.wait_dma2 semaphore(%arg27 : memref<!tpu.dma_semaphore, #tpu.memory_space<semaphore_mem>>) src(%dma_wait3A_1302 : memref<64xf32, #tpu.memory_space<hbm>>) dst(%dma_wait3A_1301 : memref<64xf32, #tpu.memory_space<vmem>>)
    %dma_wait3A_1303 = arith.constant 6400 : i32
    %dma_wait3A_1304 = tpu.memref_slice %arg14[%dma_wait3A_1303] : memref<10240xf32, #tpu.memory_space<vmem>> -> memref<512xf32, #tpu.memory_space<vmem>>
    %dma_wait3A_1305 = arith.constant 999424 : i32
    %dma_wait3A_1306 = tpu.memref_slice %arg5[%select_n3A_677, %select_n3A_695, %dma_wait3A_1305] : memref<4x8x1000000xf32, #tpu.memory_space<hbm>> -> memref<1x1x512xf32, #tpu.memory_space<hbm>>
    %dma_wait3A_1307 = tpu.memref_squeeze %dma_wait3A_1306 : memref<1x1x512xf32, #tpu.memory_space<hbm>> -> memref<512xf32, #tpu.memory_space<hbm>>
    %dma_wait3A_1308 = arith.constant 6400 : i32
    %dma_wait3A_1309 = tpu.memref_slice %arg14[%dma_wait3A_1308] : memref<10240xf32, #tpu.memory_space<vmem>> -> memref<512xf32, #tpu.memory_space<vmem>>
    %dma_wait3A_1310 = arith.constant 999424 : i32
    %dma_wait3A_1311 = tpu.memref_slice %arg5[%select_n3A_677, %select_n3A_695, %dma_wait3A_1310] : memref<4x8x1000000xf32, #tpu.memory_space<hbm>> -> memref<1x1x512xf32, #tpu.memory_space<hbm>>
    %dma_wait3A_1312 = tpu.memref_squeeze %dma_wait3A_1311 : memref<1x1x512xf32, #tpu.memory_space<hbm>> -> memref<512xf32, #tpu.memory_space<hbm>>
    tpu.wait_dma2 semaphore(%arg27 : memref<!tpu.dma_semaphore, #tpu.memory_space<semaphore_mem>>) src(%dma_wait3A_1312 : memref<512xf32, #tpu.memory_space<hbm>>) dst(%dma_wait3A_1309 : memref<512xf32, #tpu.memory_space<vmem>>)
    %dma_wait3A_1313 = arith.constant 6912 : i32
    %dma_wait3A_1314 = tpu.memref_slice %arg14[%dma_wait3A_1313] : memref<10240xf32, #tpu.memory_space<vmem>> -> memref<64xf32, #tpu.memory_space<vmem>>
    %dma_wait3A_1315 = tpu.memref_slice %arg7[%mul3A_709] : memref<2048xf32, #tpu.memory_space<hbm>> -> memref<64xf32, #tpu.memory_space<hbm>>
    %dma_wait3A_1316 = arith.constant 6912 : i32
    %dma_wait3A_1317 = tpu.memref_slice %arg14[%dma_wait3A_1316] : memref<10240xf32, #tpu.memory_space<vmem>> -> memref<64xf32, #tpu.memory_space<vmem>>
    %dma_wait3A_1318 = tpu.memref_slice %arg7[%mul3A_709] : memref<2048xf32, #tpu.memory_space<hbm>> -> memref<64xf32, #tpu.memory_space<hbm>>
    tpu.wait_dma2 semaphore(%arg27 : memref<!tpu.dma_semaphore, #tpu.memory_space<semaphore_mem>>) src(%dma_wait3A_1318 : memref<64xf32, #tpu.memory_space<hbm>>) dst(%dma_wait3A_1317 : memref<64xf32, #tpu.memory_space<vmem>>)
    %dma_wait3A_1319 = arith.constant 7040 : i32
    %dma_wait3A_1320 = tpu.memref_slice %arg14[%dma_wait3A_1319] : memref<10240xf32, #tpu.memory_space<vmem>> -> memref<512xf32, #tpu.memory_space<vmem>>
    %dma_wait3A_1321 = arith.constant 999424 : i32
    %dma_wait3A_1322 = tpu.memref_slice %arg5[%select_n3A_741, %select_n3A_759, %dma_wait3A_1321] : memref<4x8x1000000xf32, #tpu.memory_space<hbm>> -> memref<1x1x512xf32, #tpu.memory_space<hbm>>
    %dma_wait3A_1323 = tpu.memref_squeeze %dma_wait3A_1322 : memref<1x1x512xf32, #tpu.memory_space<hbm>> -> memref<512xf32, #tpu.memory_space<hbm>>
    %dma_wait3A_1324 = arith.constant 7040 : i32
    %dma_wait3A_1325 = tpu.memref_slice %arg14[%dma_wait3A_1324] : memref<10240xf32, #tpu.memory_space<vmem>> -> memref<512xf32, #tpu.memory_space<vmem>>
    %dma_wait3A_1326 = arith.constant 999424 : i32
    %dma_wait3A_1327 = tpu.memref_slice %arg5[%select_n3A_741, %select_n3A_759, %dma_wait3A_1326] : memref<4x8x1000000xf32, #tpu.memory_space<hbm>> -> memref<1x1x512xf32, #tpu.memory_space<hbm>>
    %dma_wait3A_1328 = tpu.memref_squeeze %dma_wait3A_1327 : memref<1x1x512xf32, #tpu.memory_space<hbm>> -> memref<512xf32, #tpu.memory_space<hbm>>
    tpu.wait_dma2 semaphore(%arg27 : memref<!tpu.dma_semaphore, #tpu.memory_space<semaphore_mem>>) src(%dma_wait3A_1328 : memref<512xf32, #tpu.memory_space<hbm>>) dst(%dma_wait3A_1325 : memref<512xf32, #tpu.memory_space<vmem>>)
    %dma_wait3A_1329 = arith.constant 7552 : i32
    %dma_wait3A_1330 = tpu.memref_slice %arg14[%dma_wait3A_1329] : memref<10240xf32, #tpu.memory_space<vmem>> -> memref<64xf32, #tpu.memory_space<vmem>>
    %dma_wait3A_1331 = tpu.memref_slice %arg7[%mul3A_773] : memref<2048xf32, #tpu.memory_space<hbm>> -> memref<64xf32, #tpu.memory_space<hbm>>
    %dma_wait3A_1332 = arith.constant 7552 : i32
    %dma_wait3A_1333 = tpu.memref_slice %arg14[%dma_wait3A_1332] : memref<10240xf32, #tpu.memory_space<vmem>> -> memref<64xf32, #tpu.memory_space<vmem>>
    %dma_wait3A_1334 = tpu.memref_slice %arg7[%mul3A_773] : memref<2048xf32, #tpu.memory_space<hbm>> -> memref<64xf32, #tpu.memory_space<hbm>>
    tpu.wait_dma2 semaphore(%arg27 : memref<!tpu.dma_semaphore, #tpu.memory_space<semaphore_mem>>) src(%dma_wait3A_1334 : memref<64xf32, #tpu.memory_space<hbm>>) dst(%dma_wait3A_1333 : memref<64xf32, #tpu.memory_space<vmem>>)
    %dma_wait3A_1335 = arith.constant 7680 : i32
    %dma_wait3A_1336 = tpu.memref_slice %arg14[%dma_wait3A_1335] : memref<10240xf32, #tpu.memory_space<vmem>> -> memref<512xf32, #tpu.memory_space<vmem>>
    %dma_wait3A_1337 = arith.constant 999424 : i32
    %dma_wait3A_1338 = tpu.memref_slice %arg5[%select_n3A_805, %select_n3A_823, %dma_wait3A_1337] : memref<4x8x1000000xf32, #tpu.memory_space<hbm>> -> memref<1x1x512xf32, #tpu.memory_space<hbm>>
    %dma_wait3A_1339 = tpu.memref_squeeze %dma_wait3A_1338 : memref<1x1x512xf32, #tpu.memory_space<hbm>> -> memref<512xf32, #tpu.memory_space<hbm>>
    %dma_wait3A_1340 = arith.constant 7680 : i32
    %dma_wait3A_1341 = tpu.memref_slice %arg14[%dma_wait3A_1340] : memref<10240xf32, #tpu.memory_space<vmem>> -> memref<512xf32, #tpu.memory_space<vmem>>
    %dma_wait3A_1342 = arith.constant 999424 : i32
    %dma_wait3A_1343 = tpu.memref_slice %arg5[%select_n3A_805, %select_n3A_823, %dma_wait3A_1342] : memref<4x8x1000000xf32, #tpu.memory_space<hbm>> -> memref<1x1x512xf32, #tpu.memory_space<hbm>>
    %dma_wait3A_1344 = tpu.memref_squeeze %dma_wait3A_1343 : memref<1x1x512xf32, #tpu.memory_space<hbm>> -> memref<512xf32, #tpu.memory_space<hbm>>
    tpu.wait_dma2 semaphore(%arg27 : memref<!tpu.dma_semaphore, #tpu.memory_space<semaphore_mem>>) src(%dma_wait3A_1344 : memref<512xf32, #tpu.memory_space<hbm>>) dst(%dma_wait3A_1341 : memref<512xf32, #tpu.memory_space<vmem>>)
    %dma_wait3A_1345 = arith.constant 8192 : i32
    %dma_wait3A_1346 = tpu.memref_slice %arg14[%dma_wait3A_1345] : memref<10240xf32, #tpu.memory_space<vmem>> -> memref<64xf32, #tpu.memory_space<vmem>>
    %dma_wait3A_1347 = tpu.memref_slice %arg7[%mul3A_837] : memref<2048xf32, #tpu.memory_space<hbm>> -> memref<64xf32, #tpu.memory_space<hbm>>
    %dma_wait3A_1348 = arith.constant 8192 : i32
    %dma_wait3A_1349 = tpu.memref_slice %arg14[%dma_wait3A_1348] : memref<10240xf32, #tpu.memory_space<vmem>> -> memref<64xf32, #tpu.memory_space<vmem>>
    %dma_wait3A_1350 = tpu.memref_slice %arg7[%mul3A_837] : memref<2048xf32, #tpu.memory_space<hbm>> -> memref<64xf32, #tpu.memory_space<hbm>>
    tpu.wait_dma2 semaphore(%arg27 : memref<!tpu.dma_semaphore, #tpu.memory_space<semaphore_mem>>) src(%dma_wait3A_1350 : memref<64xf32, #tpu.memory_space<hbm>>) dst(%dma_wait3A_1349 : memref<64xf32, #tpu.memory_space<vmem>>)
    %dma_wait3A_1351 = arith.constant 8320 : i32
    %dma_wait3A_1352 = tpu.memref_slice %arg14[%dma_wait3A_1351] : memref<10240xf32, #tpu.memory_space<vmem>> -> memref<512xf32, #tpu.memory_space<vmem>>
    %dma_wait3A_1353 = arith.constant 999424 : i32
    %dma_wait3A_1354 = tpu.memref_slice %arg5[%select_n3A_869, %select_n3A_887, %dma_wait3A_1353] : memref<4x8x1000000xf32, #tpu.memory_space<hbm>> -> memref<1x1x512xf32, #tpu.memory_space<hbm>>
    %dma_wait3A_1355 = tpu.memref_squeeze %dma_wait3A_1354 : memref<1x1x512xf32, #tpu.memory_space<hbm>> -> memref<512xf32, #tpu.memory_space<hbm>>
    %dma_wait3A_1356 = arith.constant 8320 : i32
    %dma_wait3A_1357 = tpu.memref_slice %arg14[%dma_wait3A_1356] : memref<10240xf32, #tpu.memory_space<vmem>> -> memref<512xf32, #tpu.memory_space<vmem>>
    %dma_wait3A_1358 = arith.constant 999424 : i32
    %dma_wait3A_1359 = tpu.memref_slice %arg5[%select_n3A_869, %select_n3A_887, %dma_wait3A_1358] : memref<4x8x1000000xf32, #tpu.memory_space<hbm>> -> memref<1x1x512xf32, #tpu.memory_space<hbm>>
    %dma_wait3A_1360 = tpu.memref_squeeze %dma_wait3A_1359 : memref<1x1x512xf32, #tpu.memory_space<hbm>> -> memref<512xf32, #tpu.memory_space<hbm>>
    tpu.wait_dma2 semaphore(%arg27 : memref<!tpu.dma_semaphore, #tpu.memory_space<semaphore_mem>>) src(%dma_wait3A_1360 : memref<512xf32, #tpu.memory_space<hbm>>) dst(%dma_wait3A_1357 : memref<512xf32, #tpu.memory_space<vmem>>)
    %dma_wait3A_1361 = arith.constant 8832 : i32
    %dma_wait3A_1362 = tpu.memref_slice %arg14[%dma_wait3A_1361] : memref<10240xf32, #tpu.memory_space<vmem>> -> memref<64xf32, #tpu.memory_space<vmem>>
    %dma_wait3A_1363 = tpu.memref_slice %arg7[%mul3A_901] : memref<2048xf32, #tpu.memory_space<hbm>> -> memref<64xf32, #tpu.memory_space<hbm>>
    %dma_wait3A_1364 = arith.constant 8832 : i32
    %dma_wait3A_1365 = tpu.memref_slice %arg14[%dma_wait3A_1364] : memref<10240xf32, #tpu.memory_space<vmem>> -> memref<64xf32, #tpu.memory_space<vmem>>
    %dma_wait3A_1366 = tpu.memref_slice %arg7[%mul3A_901] : memref<2048xf32, #tpu.memory_space<hbm>> -> memref<64xf32, #tpu.memory_space<hbm>>
    tpu.wait_dma2 semaphore(%arg27 : memref<!tpu.dma_semaphore, #tpu.memory_space<semaphore_mem>>) src(%dma_wait3A_1366 : memref<64xf32, #tpu.memory_space<hbm>>) dst(%dma_wait3A_1365 : memref<64xf32, #tpu.memory_space<vmem>>)
    %dma_wait3A_1367 = arith.constant 8960 : i32
    %dma_wait3A_1368 = tpu.memref_slice %arg14[%dma_wait3A_1367] : memref<10240xf32, #tpu.memory_space<vmem>> -> memref<512xf32, #tpu.memory_space<vmem>>
    %dma_wait3A_1369 = arith.constant 999424 : i32
    %dma_wait3A_1370 = tpu.memref_slice %arg5[%select_n3A_933, %select_n3A_951, %dma_wait3A_1369] : memref<4x8x1000000xf32, #tpu.memory_space<hbm>> -> memref<1x1x512xf32, #tpu.memory_space<hbm>>
    %dma_wait3A_1371 = tpu.memref_squeeze %dma_wait3A_1370 : memref<1x1x512xf32, #tpu.memory_space<hbm>> -> memref<512xf32, #tpu.memory_space<hbm>>
    %dma_wait3A_1372 = arith.constant 8960 : i32
    %dma_wait3A_1373 = tpu.memref_slice %arg14[%dma_wait3A_1372] : memref<10240xf32, #tpu.memory_space<vmem>> -> memref<512xf32, #tpu.memory_space<vmem>>
    %dma_wait3A_1374 = arith.constant 999424 : i32
    %dma_wait3A_1375 = tpu.memref_slice %arg5[%select_n3A_933, %select_n3A_951, %dma_wait3A_1374] : memref<4x8x1000000xf32, #tpu.memory_space<hbm>> -> memref<1x1x512xf32, #tpu.memory_space<hbm>>
    %dma_wait3A_1376 = tpu.memref_squeeze %dma_wait3A_1375 : memref<1x1x512xf32, #tpu.memory_space<hbm>> -> memref<512xf32, #tpu.memory_space<hbm>>
    tpu.wait_dma2 semaphore(%arg27 : memref<!tpu.dma_semaphore, #tpu.memory_space<semaphore_mem>>) src(%dma_wait3A_1376 : memref<512xf32, #tpu.memory_space<hbm>>) dst(%dma_wait3A_1373 : memref<512xf32, #tpu.memory_space<vmem>>)
    %dma_wait3A_1377 = arith.constant 9472 : i32
    %dma_wait3A_1378 = tpu.memref_slice %arg14[%dma_wait3A_1377] : memref<10240xf32, #tpu.memory_space<vmem>> -> memref<64xf32, #tpu.memory_space<vmem>>
    %dma_wait3A_1379 = tpu.memref_slice %arg7[%mul3A_965] : memref<2048xf32, #tpu.memory_space<hbm>> -> memref<64xf32, #tpu.memory_space<hbm>>
    %dma_wait3A_1380 = arith.constant 9472 : i32
    %dma_wait3A_1381 = tpu.memref_slice %arg14[%dma_wait3A_1380] : memref<10240xf32, #tpu.memory_space<vmem>> -> memref<64xf32, #tpu.memory_space<vmem>>
    %dma_wait3A_1382 = tpu.memref_slice %arg7[%mul3A_965] : memref<2048xf32, #tpu.memory_space<hbm>> -> memref<64xf32, #tpu.memory_space<hbm>>
    tpu.wait_dma2 semaphore(%arg27 : memref<!tpu.dma_semaphore, #tpu.memory_space<semaphore_mem>>) src(%dma_wait3A_1382 : memref<64xf32, #tpu.memory_space<hbm>>) dst(%dma_wait3A_1381 : memref<64xf32, #tpu.memory_space<vmem>>)
    %dma_wait3A_1383 = arith.constant 9600 : i32
    %dma_wait3A_1384 = tpu.memref_slice %arg14[%dma_wait3A_1383] : memref<10240xf32, #tpu.memory_space<vmem>> -> memref<512xf32, #tpu.memory_space<vmem>>
    %dma_wait3A_1385 = arith.constant 999424 : i32
    %dma_wait3A_1386 = tpu.memref_slice %arg5[%select_n3A_997, %select_n3A_1015, %dma_wait3A_1385] : memref<4x8x1000000xf32, #tpu.memory_space<hbm>> -> memref<1x1x512xf32, #tpu.memory_space<hbm>>
    %dma_wait3A_1387 = tpu.memref_squeeze %dma_wait3A_1386 : memref<1x1x512xf32, #tpu.memory_space<hbm>> -> memref<512xf32, #tpu.memory_space<hbm>>
    %dma_wait3A_1388 = arith.constant 9600 : i32
    %dma_wait3A_1389 = tpu.memref_slice %arg14[%dma_wait3A_1388] : memref<10240xf32, #tpu.memory_space<vmem>> -> memref<512xf32, #tpu.memory_space<vmem>>
    %dma_wait3A_1390 = arith.constant 999424 : i32
    %dma_wait3A_1391 = tpu.memref_slice %arg5[%select_n3A_997, %select_n3A_1015, %dma_wait3A_1390] : memref<4x8x1000000xf32, #tpu.memory_space<hbm>> -> memref<1x1x512xf32, #tpu.memory_space<hbm>>
    %dma_wait3A_1392 = tpu.memref_squeeze %dma_wait3A_1391 : memref<1x1x512xf32, #tpu.memory_space<hbm>> -> memref<512xf32, #tpu.memory_space<hbm>>
    tpu.wait_dma2 semaphore(%arg27 : memref<!tpu.dma_semaphore, #tpu.memory_space<semaphore_mem>>) src(%dma_wait3A_1392 : memref<512xf32, #tpu.memory_space<hbm>>) dst(%dma_wait3A_1389 : memref<512xf32, #tpu.memory_space<vmem>>)
    %dma_wait3A_1393 = arith.constant 10112 : i32
    %dma_wait3A_1394 = tpu.memref_slice %arg14[%dma_wait3A_1393] : memref<10240xf32, #tpu.memory_space<vmem>> -> memref<64xf32, #tpu.memory_space<vmem>>
    %dma_wait3A_1395 = tpu.memref_slice %arg7[%mul3A_1029] : memref<2048xf32, #tpu.memory_space<hbm>> -> memref<64xf32, #tpu.memory_space<hbm>>
    %dma_wait3A_1396 = arith.constant 10112 : i32
    %dma_wait3A_1397 = tpu.memref_slice %arg14[%dma_wait3A_1396] : memref<10240xf32, #tpu.memory_space<vmem>> -> memref<64xf32, #tpu.memory_space<vmem>>
    %dma_wait3A_1398 = tpu.memref_slice %arg7[%mul3A_1029] : memref<2048xf32, #tpu.memory_space<hbm>> -> memref<64xf32, #tpu.memory_space<hbm>>
    tpu.wait_dma2 semaphore(%arg27 : memref<!tpu.dma_semaphore, #tpu.memory_space<semaphore_mem>>) src(%dma_wait3A_1398 : memref<64xf32, #tpu.memory_space<hbm>>) dst(%dma_wait3A_1397 : memref<64xf32, #tpu.memory_space<vmem>>)
    %iota3A = tpu.iota {dimensions = array<i32: 0>} : vector<16xi32>
    %broadcast_in_dim3A = arith.constant 0 : i32
    %broadcast_in_dim3A_1399 = vector.broadcast %broadcast_in_dim3A : i32 to vector<16xi32>
    %broadcast_in_dim3A_1400 = arith.constant 1 : i32
    %broadcast_in_dim3A_1401 = vector.broadcast %broadcast_in_dim3A_1400 : i32 to vector<16xi32>
    %swap3A = arith.constant 0 : index
    %swap3A_1402 = tpu.vector_load %arg15[%swap3A] {strides = array<i32>} : memref<128xi32, #tpu.memory_space<vmem>>, vector<16xi32>,
    tpu.vector_store %arg15[%swap3A], %broadcast_in_dim3A_1399 {strides = array<i32>} : memref<128xi32, #tpu.memory_space<vmem>>, vector<16xi32>,
    %swap3A_1403 = arith.constant 16 : index
    %swap3A_1404 = tpu.vector_load %arg15[%swap3A_1403] {strides = array<i32>} : memref<128xi32, #tpu.memory_space<vmem>>, vector<16xi32>,
    tpu.vector_store %arg15[%swap3A_1403], %broadcast_in_dim3A_1399 {strides = array<i32>} : memref<128xi32, #tpu.memory_space<vmem>>, vector<16xi32>,
    %swap3A_1405 = arith.constant 32 : index
    %swap3A_1406 = tpu.vector_load %arg15[%swap3A_1405] {strides = array<i32>} : memref<128xi32, #tpu.memory_space<vmem>>, vector<16xi32>,
    tpu.vector_store %arg15[%swap3A_1405], %broadcast_in_dim3A_1399 {strides = array<i32>} : memref<128xi32, #tpu.memory_space<vmem>>, vector<16xi32>,
    %swap3A_1407 = arith.constant 48 : index
    %swap3A_1408 = tpu.vector_load %arg15[%swap3A_1407] {strides = array<i32>} : memref<128xi32, #tpu.memory_space<vmem>>, vector<16xi32>,
    tpu.vector_store %arg15[%swap3A_1407], %broadcast_in_dim3A_1399 {strides = array<i32>} : memref<128xi32, #tpu.memory_space<vmem>>, vector<16xi32>,
    %swap3A_1409 = arith.constant 64 : index
    %swap3A_1410 = tpu.vector_load %arg15[%swap3A_1409] {strides = array<i32>} : memref<128xi32, #tpu.memory_space<vmem>>, vector<16xi32>,
    tpu.vector_store %arg15[%swap3A_1409], %broadcast_in_dim3A_1399 {strides = array<i32>} : memref<128xi32, #tpu.memory_space<vmem>>, vector<16xi32>,
    %swap3A_1411 = arith.constant 80 : index
    %swap3A_1412 = tpu.vector_load %arg15[%swap3A_1411] {strides = array<i32>} : memref<128xi32, #tpu.memory_space<vmem>>, vector<16xi32>,
    tpu.vector_store %arg15[%swap3A_1411], %broadcast_in_dim3A_1399 {strides = array<i32>} : memref<128xi32, #tpu.memory_space<vmem>>, vector<16xi32>,
    %swap3A_1413 = arith.constant 96 : index
    %swap3A_1414 = tpu.vector_load %arg15[%swap3A_1413] {strides = array<i32>} : memref<128xi32, #tpu.memory_space<vmem>>, vector<16xi32>,
    tpu.vector_store %arg15[%swap3A_1413], %broadcast_in_dim3A_1399 {strides = array<i32>} : memref<128xi32, #tpu.memory_space<vmem>>, vector<16xi32>,
    %swap3A_1415 = arith.constant 112 : index
    %swap3A_1416 = tpu.vector_load %arg15[%swap3A_1415] {strides = array<i32>} : memref<128xi32, #tpu.memory_space<vmem>>, vector<16xi32>,
    tpu.vector_store %arg15[%swap3A_1415], %broadcast_in_dim3A_1399 {strides = array<i32>} : memref<128xi32, #tpu.memory_space<vmem>>, vector<16xi32>,
    %scan3A = arith.constant 0 : i32
    %scan3A_1417 = arith.constant 0 : i32
    %scan3A_1418 = arith.constant 128 : i32
    %scan3A_1419 = arith.addi %scan3A_1417, %scan3A_1418 : i32
    %scan3A_1420 = arith.constant 1 : i32
    %scan3A_1421 = scf.for %scan3A_1658 = %scan3A_1417 to %scan3A_1419 step %scan3A_1420 iter_args(%scan3A_1659 = %scan3A) -> (i32)  : i32 {
      %mul3A_1660 = arith.constant 16 : i32
      %mul3A_1661 = arith.muli %scan3A_1658, %mul3A_1660 : i32
      %get3A_1662 = arith.index_cast %mul3A_1661 : i32 to index
      %get3A_1663 = tpu.vector_load %arg9[%get3A_1662] {strides = array<i32>} : memref<2048xi32, #tpu.memory_space<vmem>>, vector<16xi32>,
      %shift_right_arithmetic3A = arith.constant 14 : i32
      %shift_right_arithmetic3A_1664 = vector.broadcast %shift_right_arithmetic3A : i32 to vector<16xi32>
      %shift_right_arithmetic3A_1665 = arith.shrsi %get3A_1663, %shift_right_arithmetic3A_1664 : vector<16xi32>
      tpu.vector_store_idx %arg15[%shift_right_arithmetic3A_1665], %broadcast_in_dim3A_1401 {add = true} : memref<128xi32, #tpu.memory_space<vmem>>[vector<16xi32>], vector<16xi32>,
      %scan3A_1666 = arith.constant 0 : i32
      scf.yield %scan3A_1666 : i32
    }
    %scan3A_1422 = arith.constant 128 : i32
    %get3A = arith.constant 0 : index
    %get3A_1423 = tpu.vector_load %arg15[%get3A] {strides = array<i32>} : memref<128xi32, #tpu.memory_space<vmem>>, vector<16xi32>,
    %broadcast_in_dim3A_1424 = arith.constant true
    %broadcast_in_dim3A_1425 = vector.broadcast %broadcast_in_dim3A_1424 : i1 to vector<16xi1>
    %masked_cumsum3A = tpu.scan <sum>, %get3A_1423 masked %broadcast_in_dim3A_1425 : vector<16xi32>, vector<16xi1> -> vector<16xi32>
    %sub3A_1426 = arith.subi %masked_cumsum3A, %get3A_1423 : vector<16xi32>
    %add3A_1427 = arith.constant 0 : i32
    %add3A_1428 = vector.broadcast %add3A_1427 : i32 to vector<16xi32>
    %add3A_1429 = arith.addi %sub3A_1426, %add3A_1428 : vector<16xi32>
    %swap3A_1430 = arith.constant 0 : index
    %swap3A_1431 = tpu.vector_load %arg16[%swap3A_1430] {strides = array<i32>} : memref<144xi32, #tpu.memory_space<vmem>>, vector<16xi32>,
    tpu.vector_store %arg16[%swap3A_1430], %add3A_1429 {strides = array<i32>} : memref<144xi32, #tpu.memory_space<vmem>>, vector<16xi32>,
    %swap3A_1432 = arith.constant 0 : index
    %swap3A_1433 = tpu.vector_load %arg17[%swap3A_1432] {strides = array<i32>} : memref<128xi32, #tpu.memory_space<vmem>>, vector<16xi32>,
    tpu.vector_store %arg17[%swap3A_1432], %add3A_1429 {strides = array<i32>} : memref<128xi32, #tpu.memory_space<vmem>>, vector<16xi32>,
    %reduce_max3A = arith.constant true
    %reduce_max3A_1434 = vector.broadcast %reduce_max3A : i1 to vector<16xi1>
    %reduce_max3A_1435 = arith.constant -2147483648 : i32
    %reduce_max3A_1436 = vector.broadcast %reduce_max3A_1435 : i32 to vector<16xi32>
    %reduce_max3A_1437 = arith.xori %masked_cumsum3A, %reduce_max3A_1436 : vector<16xi32>
    %reduce_max3A_1438 = tpu.scan <max>, %reduce_max3A_1437 masked %reduce_max3A_1434 : vector<16xi32>, vector<16xi1> -> vector<16xi32>
    %reduce_max3A_1439 = arith.xori %reduce_max3A_1438, %reduce_max3A_1436 : vector<16xi32>
    %reduce_max3A_1440 = vector.extract %reduce_max3A_1439[15] : i32 from vector<16xi32>
    %add3A_1441 = arith.constant 0 : i32
    %add3A_1442 = arith.addi %add3A_1441, %reduce_max3A_1440 : i32
    %get3A_1443 = arith.constant 16 : index
    %get3A_1444 = tpu.vector_load %arg15[%get3A_1443] {strides = array<i32>} : memref<128xi32, #tpu.memory_space<vmem>>, vector<16xi32>,
    %broadcast_in_dim3A_1445 = arith.constant true
    %broadcast_in_dim3A_1446 = vector.broadcast %broadcast_in_dim3A_1445 : i1 to vector<16xi1>
    %masked_cumsum3A_1447 = tpu.scan <sum>, %get3A_1444 masked %broadcast_in_dim3A_1446 : vector<16xi32>, vector<16xi1> -> vector<16xi32>
    %sub3A_1448 = arith.subi %masked_cumsum3A_1447, %get3A_1444 : vector<16xi32>
    %add3A_1449 = vector.broadcast %add3A_1442 : i32 to vector<16xi32>
    %add3A_1450 = arith.addi %sub3A_1448, %add3A_1449 : vector<16xi32>
    %swap3A_1451 = arith.constant 16 : index
    %swap3A_1452 = tpu.vector_load %arg16[%swap3A_1451] {strides = array<i32>} : memref<144xi32, #tpu.memory_space<vmem>>, vector<16xi32>,
    tpu.vector_store %arg16[%swap3A_1451], %add3A_1450 {strides = array<i32>} : memref<144xi32, #tpu.memory_space<vmem>>, vector<16xi32>,
    %swap3A_1453 = arith.constant 16 : index
    %swap3A_1454 = tpu.vector_load %arg17[%swap3A_1453] {strides = array<i32>} : memref<128xi32, #tpu.memory_space<vmem>>, vector<16xi32>,
    tpu.vector_store %arg17[%swap3A_1453], %add3A_1450 {strides = array<i32>} : memref<128xi32, #tpu.memory_space<vmem>>, vector<16xi32>,
    %reduce_max3A_1455 = arith.constant true
    %reduce_max3A_1456 = vector.broadcast %reduce_max3A_1455 : i1 to vector<16xi1>
    %reduce_max3A_1457 = arith.constant -2147483648 : i32
    %reduce_max3A_1458 = vector.broadcast %reduce_max3A_1457 : i32 to vector<16xi32>
    %reduce_max3A_1459 = arith.xori %masked_cumsum3A_1447, %reduce_max3A_1458 : vector<16xi32>
    %reduce_max3A_1460 = tpu.scan <max>, %reduce_max3A_1459 masked %reduce_max3A_1456 : vector<16xi32>, vector<16xi1> -> vector<16xi32>
    %reduce_max3A_1461 = arith.xori %reduce_max3A_1460, %reduce_max3A_1458 : vector<16xi32>
    %reduce_max3A_1462 = vector.extract %reduce_max3A_1461[15] : i32 from vector<16xi32>
    %add3A_1463 = arith.addi %add3A_1442, %reduce_max3A_1462 : i32
    %get3A_1464 = arith.constant 32 : index
    %get3A_1465 = tpu.vector_load %arg15[%get3A_1464] {strides = array<i32>} : memref<128xi32, #tpu.memory_space<vmem>>, vector<16xi32>,
    %broadcast_in_dim3A_1466 = arith.constant true
    %broadcast_in_dim3A_1467 = vector.broadcast %broadcast_in_dim3A_1466 : i1 to vector<16xi1>
    %masked_cumsum3A_1468 = tpu.scan <sum>, %get3A_1465 masked %broadcast_in_dim3A_1467 : vector<16xi32>, vector<16xi1> -> vector<16xi32>
    %sub3A_1469 = arith.subi %masked_cumsum3A_1468, %get3A_1465 : vector<16xi32>
    %add3A_1470 = vector.broadcast %add3A_1463 : i32 to vector<16xi32>
    %add3A_1471 = arith.addi %sub3A_1469, %add3A_1470 : vector<16xi32>
    %swap3A_1472 = arith.constant 32 : index
    %swap3A_1473 = tpu.vector_load %arg16[%swap3A_1472] {strides = array<i32>} : memref<144xi32, #tpu.memory_space<vmem>>, vector<16xi32>,
    tpu.vector_store %arg16[%swap3A_1472], %add3A_1471 {strides = array<i32>} : memref<144xi32, #tpu.memory_space<vmem>>, vector<16xi32>,
    %swap3A_1474 = arith.constant 32 : index
    %swap3A_1475 = tpu.vector_load %arg17[%swap3A_1474] {strides = array<i32>} : memref<128xi32, #tpu.memory_space<vmem>>, vector<16xi32>,
    tpu.vector_store %arg17[%swap3A_1474], %add3A_1471 {strides = array<i32>} : memref<128xi32, #tpu.memory_space<vmem>>, vector<16xi32>,
    %reduce_max3A_1476 = arith.constant true
    %reduce_max3A_1477 = vector.broadcast %reduce_max3A_1476 : i1 to vector<16xi1>
    %reduce_max3A_1478 = arith.constant -2147483648 : i32
    %reduce_max3A_1479 = vector.broadcast %reduce_max3A_1478 : i32 to vector<16xi32>
    %reduce_max3A_1480 = arith.xori %masked_cumsum3A_1468, %reduce_max3A_1479 : vector<16xi32>
    %reduce_max3A_1481 = tpu.scan <max>, %reduce_max3A_1480 masked %reduce_max3A_1477 : vector<16xi32>, vector<16xi1> -> vector<16xi32>
    %reduce_max3A_1482 = arith.xori %reduce_max3A_1481, %reduce_max3A_1479 : vector<16xi32>
    %reduce_max3A_1483 = vector.extract %reduce_max3A_1482[15] : i32 from vector<16xi32>
    %add3A_1484 = arith.addi %add3A_1463, %reduce_max3A_1483 : i32
    %get3A_1485 = arith.constant 48 : index
    %get3A_1486 = tpu.vector_load %arg15[%get3A_1485] {strides = array<i32>} : memref<128xi32, #tpu.memory_space<vmem>>, vector<16xi32>,
    %broadcast_in_dim3A_1487 = arith.constant true
    %broadcast_in_dim3A_1488 = vector.broadcast %broadcast_in_dim3A_1487 : i1 to vector<16xi1>
    %masked_cumsum3A_1489 = tpu.scan <sum>, %get3A_1486 masked %broadcast_in_dim3A_1488 : vector<16xi32>, vector<16xi1> -> vector<16xi32>
    %sub3A_1490 = arith.subi %masked_cumsum3A_1489, %get3A_1486 : vector<16xi32>
    %add3A_1491 = vector.broadcast %add3A_1484 : i32 to vector<16xi32>
    %add3A_1492 = arith.addi %sub3A_1490, %add3A_1491 : vector<16xi32>
    %swap3A_1493 = arith.constant 48 : index
    %swap3A_1494 = tpu.vector_load %arg16[%swap3A_1493] {strides = array<i32>} : memref<144xi32, #tpu.memory_space<vmem>>, vector<16xi32>,
    tpu.vector_store %arg16[%swap3A_1493], %add3A_1492 {strides = array<i32>} : memref<144xi32, #tpu.memory_space<vmem>>, vector<16xi32>,
    %swap3A_1495 = arith.constant 48 : index
    %swap3A_1496 = tpu.vector_load %arg17[%swap3A_1495] {strides = array<i32>} : memref<128xi32, #tpu.memory_space<vmem>>, vector<16xi32>,
    tpu.vector_store %arg17[%swap3A_1495], %add3A_1492 {strides = array<i32>} : memref<128xi32, #tpu.memory_space<vmem>>, vector<16xi32>,
    %reduce_max3A_1497 = arith.constant true
    %reduce_max3A_1498 = vector.broadcast %reduce_max3A_1497 : i1 to vector<16xi1>
    %reduce_max3A_1499 = arith.constant -2147483648 : i32
    %reduce_max3A_1500 = vector.broadcast %reduce_max3A_1499 : i32 to vector<16xi32>
    %reduce_max3A_1501 = arith.xori %masked_cumsum3A_1489, %reduce_max3A_1500 : vector<16xi32>
    %reduce_max3A_1502 = tpu.scan <max>, %reduce_max3A_1501 masked %reduce_max3A_1498 : vector<16xi32>, vector<16xi1> -> vector<16xi32>
    %reduce_max3A_1503 = arith.xori %reduce_max3A_1502, %reduce_max3A_1500 : vector<16xi32>
    %reduce_max3A_1504 = vector.extract %reduce_max3A_1503[15] : i32 from vector<16xi32>
    %add3A_1505 = arith.addi %add3A_1484, %reduce_max3A_1504 : i32
    %get3A_1506 = arith.constant 64 : index
    %get3A_1507 = tpu.vector_load %arg15[%get3A_1506] {strides = array<i32>} : memref<128xi32, #tpu.memory_space<vmem>>, vector<16xi32>,
    %broadcast_in_dim3A_1508 = arith.constant true
    %broadcast_in_dim3A_1509 = vector.broadcast %broadcast_in_dim3A_1508 : i1 to vector<16xi1>
    %masked_cumsum3A_1510 = tpu.scan <sum>, %get3A_1507 masked %broadcast_in_dim3A_1509 : vector<16xi32>, vector<16xi1> -> vector<16xi32>
    %sub3A_1511 = arith.subi %masked_cumsum3A_1510, %get3A_1507 : vector<16xi32>
    %add3A_1512 = vector.broadcast %add3A_1505 : i32 to vector<16xi32>
    %add3A_1513 = arith.addi %sub3A_1511, %add3A_1512 : vector<16xi32>
    %swap3A_1514 = arith.constant 64 : index
    %swap3A_1515 = tpu.vector_load %arg16[%swap3A_1514] {strides = array<i32>} : memref<144xi32, #tpu.memory_space<vmem>>, vector<16xi32>,
    tpu.vector_store %arg16[%swap3A_1514], %add3A_1513 {strides = array<i32>} : memref<144xi32, #tpu.memory_space<vmem>>, vector<16xi32>,
    %swap3A_1516 = arith.constant 64 : index
    %swap3A_1517 = tpu.vector_load %arg17[%swap3A_1516] {strides = array<i32>} : memref<128xi32, #tpu.memory_space<vmem>>, vector<16xi32>,
    tpu.vector_store %arg17[%swap3A_1516], %add3A_1513 {strides = array<i32>} : memref<128xi32, #tpu.memory_space<vmem>>, vector<16xi32>,
    %reduce_max3A_1518 = arith.constant true
    %reduce_max3A_1519 = vector.broadcast %reduce_max3A_1518 : i1 to vector<16xi1>
    %reduce_max3A_1520 = arith.constant -2147483648 : i32
    %reduce_max3A_1521 = vector.broadcast %reduce_max3A_1520 : i32 to vector<16xi32>
    %reduce_max3A_1522 = arith.xori %masked_cumsum3A_1510, %reduce_max3A_1521 : vector<16xi32>
    %reduce_max3A_1523 = tpu.scan <max>, %reduce_max3A_1522 masked %reduce_max3A_1519 : vector<16xi32>, vector<16xi1> -> vector<16xi32>
    %reduce_max3A_1524 = arith.xori %reduce_max3A_1523, %reduce_max3A_1521 : vector<16xi32>
    %reduce_max3A_1525 = vector.extract %reduce_max3A_1524[15] : i32 from vector<16xi32>
    %add3A_1526 = arith.addi %add3A_1505, %reduce_max3A_1525 : i32
    %get3A_1527 = arith.constant 80 : index
    %get3A_1528 = tpu.vector_load %arg15[%get3A_1527] {strides = array<i32>} : memref<128xi32, #tpu.memory_space<vmem>>, vector<16xi32>,
    %broadcast_in_dim3A_1529 = arith.constant true
    %broadcast_in_dim3A_1530 = vector.broadcast %broadcast_in_dim3A_1529 : i1 to vector<16xi1>
    %masked_cumsum3A_1531 = tpu.scan <sum>, %get3A_1528 masked %broadcast_in_dim3A_1530 : vector<16xi32>, vector<16xi1> -> vector<16xi32>
    %sub3A_1532 = arith.subi %masked_cumsum3A_1531, %get3A_1528 : vector<16xi32>
    %add3A_1533 = vector.broadcast %add3A_1526 : i32 to vector<16xi32>
    %add3A_1534 = arith.addi %sub3A_1532, %add3A_1533 : vector<16xi32>
    %swap3A_1535 = arith.constant 80 : index
    %swap3A_1536 = tpu.vector_load %arg16[%swap3A_1535] {strides = array<i32>} : memref<144xi32, #tpu.memory_space<vmem>>, vector<16xi32>,
    tpu.vector_store %arg16[%swap3A_1535], %add3A_1534 {strides = array<i32>} : memref<144xi32, #tpu.memory_space<vmem>>, vector<16xi32>,
    %swap3A_1537 = arith.constant 80 : index
    %swap3A_1538 = tpu.vector_load %arg17[%swap3A_1537] {strides = array<i32>} : memref<128xi32, #tpu.memory_space<vmem>>, vector<16xi32>,
    tpu.vector_store %arg17[%swap3A_1537], %add3A_1534 {strides = array<i32>} : memref<128xi32, #tpu.memory_space<vmem>>, vector<16xi32>,
    %reduce_max3A_1539 = arith.constant true
    %reduce_max3A_1540 = vector.broadcast %reduce_max3A_1539 : i1 to vector<16xi1>
    %reduce_max3A_1541 = arith.constant -2147483648 : i32
    %reduce_max3A_1542 = vector.broadcast %reduce_max3A_1541 : i32 to vector<16xi32>
    %reduce_max3A_1543 = arith.xori %masked_cumsum3A_1531, %reduce_max3A_1542 : vector<16xi32>
    %reduce_max3A_1544 = tpu.scan <max>, %reduce_max3A_1543 masked %reduce_max3A_1540 : vector<16xi32>, vector<16xi1> -> vector<16xi32>
    %reduce_max3A_1545 = arith.xori %reduce_max3A_1544, %reduce_max3A_1542 : vector<16xi32>
    %reduce_max3A_1546 = vector.extract %reduce_max3A_1545[15] : i32 from vector<16xi32>
    %add3A_1547 = arith.addi %add3A_1526, %reduce_max3A_1546 : i32
    %get3A_1548 = arith.constant 96 : index
    %get3A_1549 = tpu.vector_load %arg15[%get3A_1548] {strides = array<i32>} : memref<128xi32, #tpu.memory_space<vmem>>, vector<16xi32>,
    %broadcast_in_dim3A_1550 = arith.constant true
    %broadcast_in_dim3A_1551 = vector.broadcast %broadcast_in_dim3A_1550 : i1 to vector<16xi1>
    %masked_cumsum3A_1552 = tpu.scan <sum>, %get3A_1549 masked %broadcast_in_dim3A_1551 : vector<16xi32>, vector<16xi1> -> vector<16xi32>
    %sub3A_1553 = arith.subi %masked_cumsum3A_1552, %get3A_1549 : vector<16xi32>
    %add3A_1554 = vector.broadcast %add3A_1547 : i32 to vector<16xi32>
    %add3A_1555 = arith.addi %sub3A_1553, %add3A_1554 : vector<16xi32>
    %swap3A_1556 = arith.constant 96 : index
    %swap3A_1557 = tpu.vector_load %arg16[%swap3A_1556] {strides = array<i32>} : memref<144xi32, #tpu.memory_space<vmem>>, vector<16xi32>,
    tpu.vector_store %arg16[%swap3A_1556], %add3A_1555 {strides = array<i32>} : memref<144xi32, #tpu.memory_space<vmem>>, vector<16xi32>,
    %swap3A_1558 = arith.constant 96 : index
    %swap3A_1559 = tpu.vector_load %arg17[%swap3A_1558] {strides = array<i32>} : memref<128xi32, #tpu.memory_space<vmem>>, vector<16xi32>,
    tpu.vector_store %arg17[%swap3A_1558], %add3A_1555 {strides = array<i32>} : memref<128xi32, #tpu.memory_space<vmem>>, vector<16xi32>,
    %reduce_max3A_1560 = arith.constant true
    %reduce_max3A_1561 = vector.broadcast %reduce_max3A_1560 : i1 to vector<16xi1>
    %reduce_max3A_1562 = arith.constant -2147483648 : i32
    %reduce_max3A_1563 = vector.broadcast %reduce_max3A_1562 : i32 to vector<16xi32>
    %reduce_max3A_1564 = arith.xori %masked_cumsum3A_1552, %reduce_max3A_1563 : vector<16xi32>
    %reduce_max3A_1565 = tpu.scan <max>, %reduce_max3A_1564 masked %reduce_max3A_1561 : vector<16xi32>, vector<16xi1> -> vector<16xi32>
    %reduce_max3A_1566 = arith.xori %reduce_max3A_1565, %reduce_max3A_1563 : vector<16xi32>
    %reduce_max3A_1567 = vector.extract %reduce_max3A_1566[15] : i32 from vector<16xi32>
    %add3A_1568 = arith.addi %add3A_1547, %reduce_max3A_1567 : i32
    %get3A_1569 = arith.constant 112 : index
    %get3A_1570 = tpu.vector_load %arg15[%get3A_1569] {strides = array<i32>} : memref<128xi32, #tpu.memory_space<vmem>>, vector<16xi32>,
    %broadcast_in_dim3A_1571 = arith.constant true
    %broadcast_in_dim3A_1572 = vector.broadcast %broadcast_in_dim3A_1571 : i1 to vector<16xi1>
    %masked_cumsum3A_1573 = tpu.scan <sum>, %get3A_1570 masked %broadcast_in_dim3A_1572 : vector<16xi32>, vector<16xi1> -> vector<16xi32>
    %sub3A_1574 = arith.subi %masked_cumsum3A_1573, %get3A_1570 : vector<16xi32>
    %add3A_1575 = vector.broadcast %add3A_1568 : i32 to vector<16xi32>
    %add3A_1576 = arith.addi %sub3A_1574, %add3A_1575 : vector<16xi32>
    %swap3A_1577 = arith.constant 112 : index
    %swap3A_1578 = tpu.vector_load %arg16[%swap3A_1577] {strides = array<i32>} : memref<144xi32, #tpu.memory_space<vmem>>, vector<16xi32>,
    tpu.vector_store %arg16[%swap3A_1577], %add3A_1576 {strides = array<i32>} : memref<144xi32, #tpu.memory_space<vmem>>, vector<16xi32>,
    %swap3A_1579 = arith.constant 112 : index
    %swap3A_1580 = tpu.vector_load %arg17[%swap3A_1579] {strides = array<i32>} : memref<128xi32, #tpu.memory_space<vmem>>, vector<16xi32>,
    tpu.vector_store %arg17[%swap3A_1579], %add3A_1576 {strides = array<i32>} : memref<128xi32, #tpu.memory_space<vmem>>, vector<16xi32>,
    %reduce_max3A_1581 = arith.constant true
    %reduce_max3A_1582 = vector.broadcast %reduce_max3A_1581 : i1 to vector<16xi1>
    %reduce_max3A_1583 = arith.constant -2147483648 : i32
    %reduce_max3A_1584 = vector.broadcast %reduce_max3A_1583 : i32 to vector<16xi32>
    %reduce_max3A_1585 = arith.xori %masked_cumsum3A_1573, %reduce_max3A_1584 : vector<16xi32>
    %reduce_max3A_1586 = tpu.scan <max>, %reduce_max3A_1585 masked %reduce_max3A_1582 : vector<16xi32>, vector<16xi1> -> vector<16xi32>
    %reduce_max3A_1587 = arith.xori %reduce_max3A_1586, %reduce_max3A_1584 : vector<16xi32>
    %reduce_max3A_1588 = vector.extract %reduce_max3A_1587[15] : i32 from vector<16xi32>
    %add3A_1589 = arith.addi %add3A_1568, %reduce_max3A_1588 : i32
    %scan3A_1590 = arith.constant 0 : i32
    %scan3A_1591 = arith.constant 0 : i32
    %scan3A_1592 = arith.constant 128 : i32
    %scan3A_1593 = arith.addi %scan3A_1591, %scan3A_1592 : i32
    %scan3A_1594 = arith.constant 1 : i32
    %scan3A_1595 = scf.for %scan3A_1658 = %scan3A_1591 to %scan3A_1593 step %scan3A_1594 iter_args(%scan3A_1659 = %scan3A_1590) -> (i32)  : i32 {
      %mul3A_1660 = arith.constant 16 : i32
      %mul3A_1661 = arith.muli %scan3A_1658, %mul3A_1660 : i32
      %get3A_1662 = arith.index_cast %mul3A_1661 : i32 to index
      %get3A_1663 = tpu.vector_load %arg9[%get3A_1662] {strides = array<i32>} : memref<2048xi32, #tpu.memory_space<vmem>>, vector<16xi32>,
      %shift_right_arithmetic3A = arith.constant 14 : i32
      %shift_right_arithmetic3A_1664 = vector.broadcast %shift_right_arithmetic3A : i32 to vector<16xi32>
      %shift_right_arithmetic3A_1665 = arith.shrsi %get3A_1663, %shift_right_arithmetic3A_1664 : vector<16xi32>
      %and3A_1666 = arith.constant 16383 : i32
      %and3A_1667 = vector.broadcast %and3A_1666 : i32 to vector<16xi32>
      %and3A_1668 = arith.andi %get3A_1663, %and3A_1667 : vector<16xi32>
      %shift_left3A = arith.constant 11 : i32
      %shift_left3A_1669 = vector.broadcast %shift_left3A : i32 to vector<16xi32>
      %shift_left3A_1670 = arith.shli %and3A_1668, %shift_left3A_1669 : vector<16xi32>
      %mul3A_1671 = arith.constant 16 : i32
      %mul3A_1672 = arith.muli %scan3A_1658, %mul3A_1671 : i32
      %add3A_1673 = vector.broadcast %mul3A_1672 : i32 to vector<16xi32>
      %add3A_1674 = arith.addi %add3A_1673, %iota3A : vector<16xi32>
      %or3A = arith.ori %shift_left3A_1670, %add3A_1674 : vector<16xi32>
      %masked_sort3A = arith.constant dense<true> : vector<16xi1>
      %masked_sort3A_1675 = arith.constant -2147483648 : i32
      %masked_sort3A_1676 = vector.broadcast %masked_sort3A_1675 : i32 to vector<16xi32>
      %masked_sort3A_1677 = arith.xori %shift_right_arithmetic3A_1665, %masked_sort3A_1676 : vector<16xi32>
      %masked_sort3A_1678, %masked_sort3A_1679, %masked_sort3A_1680 = tpu.sort %masked_sort3A_1677, %or3A masked %masked_sort3A : (vector<16xi32>, vector<16xi32>, vector<16xi1>) -> (vector<16xi1>, vector<16xi32>, vector<16xi32>)
      %masked_sort3A_1681 = arith.xori %masked_sort3A_1679, %masked_sort3A_1676 : vector<16xi32>
      %swap3A_1682 = arith.constant 0 : index
      %swap3A_1683 = tpu.vector_load %arg18[%swap3A_1682] {strides = array<i32>} : memref<16xi32, #tpu.memory_space<vmem>>, vector<16xi32>,
      tpu.vector_store %arg18[%swap3A_1682], %masked_sort3A_1681 {strides = array<i32>} : memref<16xi32, #tpu.memory_space<vmem>>, vector<16xi32>,
      %sub3A_1684 = arith.constant 1 : i32
      %sub3A_1685 = vector.broadcast %sub3A_1684 : i32 to vector<16xi32>
      %sub3A_1686 = arith.subi %iota3A, %sub3A_1685 : vector<16xi32>
      %max3A = arith.constant 0 : i32
      %max3A_1687 = vector.broadcast %max3A : i32 to vector<16xi32>
      %max3A_1688 = arith.maxsi %sub3A_1686, %max3A_1687 : vector<16xi32>
      %gather3A = tpu.vector_load_idx %arg18[%max3A_1688] : memref<16xi32, #tpu.memory_space<vmem>>[vector<16xi32>], vector<16xi32>,
      %ne3A_1689 = arith.cmpi ne, %masked_sort3A_1681, %gather3A : vector<16xi32>
      %eq3A_1690 = arith.constant 0 : i32
      %eq3A_1691 = vector.broadcast %eq3A_1690 : i32 to vector<16xi32>
      %eq3A_1692 = arith.cmpi eq, %iota3A, %eq3A_1691 : vector<16xi32>
      %or3A_1693 = arith.ori %ne3A_1689, %eq3A_1692 : vector<16xi1>
      %jit3A_1694 = arith.constant 0 : i32
      %broadcast_in_dim3A_1695 = vector.broadcast %jit3A_1694 : i32 to vector<16xi32>
      %select_n3A_1696 = arith.select %or3A_1693, %iota3A, %broadcast_in_dim3A_1695 : vector<16xi1>, vector<16xi32>
      %broadcast_in_dim3A_1697 = arith.constant true
      %broadcast_in_dim3A_1698 = vector.broadcast %broadcast_in_dim3A_1697 : i1 to vector<16xi1>
      %masked_cummax3A = arith.constant -2147483648 : i32
      %masked_cummax3A_1699 = vector.broadcast %masked_cummax3A : i32 to vector<16xi32>
      %masked_cummax3A_1700 = arith.xori %select_n3A_1696, %masked_cummax3A_1699 : vector<16xi32>
      %masked_cummax3A_1701 = tpu.scan <max>, %masked_cummax3A_1700 masked %broadcast_in_dim3A_1698 : vector<16xi32>, vector<16xi1> -> vector<16xi32>
      %masked_cummax3A_1702 = arith.xori %masked_cummax3A_1701, %masked_cummax3A_1699 : vector<16xi32>
      %sub3A_1703 = arith.subi %iota3A, %masked_cummax3A_1702 : vector<16xi32>
      %gather3A_1704 = tpu.vector_load_idx %arg17[%masked_sort3A_1681] : memref<128xi32, #tpu.memory_space<vmem>>[vector<16xi32>], vector<16xi32>,
      %add3A_1705 = arith.addi %gather3A_1704, %sub3A_1703 : vector<16xi32>
      tpu.vector_store_idx %arg19[%add3A_1705], %masked_sort3A_1680 : memref<2064xi32, #tpu.memory_space<vmem>>[vector<16xi32>], vector<16xi32>,
      tpu.vector_store_idx %arg17[%masked_sort3A_1681], %broadcast_in_dim3A_1401 {add = true} : memref<128xi32, #tpu.memory_space<vmem>>[vector<16xi32>], vector<16xi32>,
      %scan3A_1706 = arith.constant 0 : i32
      scf.yield %scan3A_1706 : i32
    }
    %scan3A_1596 = arith.constant 128 : i32
    %scan3A_1597 = arith.constant 0 : i32
    %scan3A_1598 = arith.constant 0 : i32
    %scan3A_1599 = arith.constant 31 : i32
    %scan3A_1600 = arith.addi %scan3A_1598, %scan3A_1599 : i32
    %scan3A_1601 = arith.constant 1 : i32
    %scan3A_1602 = scf.for %scan3A_1658 = %scan3A_1598 to %scan3A_1600 step %scan3A_1601 iter_args(%scan3A_1659 = %scan3A_1597) -> (i32)  : i32 {
      %jit3A_1660 = arith.constant 8 : i32
      %div3A_1661 = arith.divsi %add3A, %jit3A_1660 : i32
      %sign3A_1662 = arith.constant 0 : i32
      %sign3A_1663 = arith.cmpi sgt, %add3A, %sign3A_1662 : i32
      %sign3A_1664 = arith.extui %sign3A_1663 : i1 to i32
      %sign3A_1665 = arith.constant 0 : i32
      %sign3A_1666 = arith.cmpi slt, %add3A, %sign3A_1665 : i32
      %sign3A_1667 = arith.extui %sign3A_1666 : i1 to i32
      %sign3A_1668 = arith.subi %sign3A_1664, %sign3A_1667 : i32
      %sign3A_1669 = arith.constant 0 : i32
      %sign3A_1670 = arith.cmpi sgt, %jit3A_1660, %sign3A_1669 : i32
      %sign3A_1671 = arith.extui %sign3A_1670 : i1 to i32
      %sign3A_1672 = arith.constant 0 : i32
      %sign3A_1673 = arith.cmpi slt, %jit3A_1660, %sign3A_1672 : i32
      %sign3A_1674 = arith.extui %sign3A_1673 : i1 to i32
      %sign3A_1675 = arith.subi %sign3A_1671, %sign3A_1674 : i32
      %ne3A_1676 = arith.cmpi ne, %sign3A_1668, %sign3A_1675 : i32
      %rem3A_1677 = arith.remsi %add3A, %jit3A_1660 : i32
      %ne3A_1678 = arith.constant 0 : i32
      %ne3A_1679 = arith.cmpi ne, %rem3A_1677, %ne3A_1678 : i32
      %and3A_1680 = arith.andi %ne3A_1676, %ne3A_1679 : i1
      %sub3A_1681 = arith.constant 1 : i32
      %sub3A_1682 = arith.subi %div3A_1661, %sub3A_1681 : i32
      %select_n3A_1683 = arith.select %and3A_1680, %sub3A_1682, %div3A_1661 : i32
      %jit3A_1684 = arith.constant 8 : i32
      %eq3A_1685 = arith.constant 0 : i32
      %eq3A_1686 = arith.cmpi eq, %jit3A_1684, %eq3A_1685 : i32
      %jit3A_1687 = arith.constant 1 : i32
      %select_n3A_1688 = arith.select %eq3A_1686, %jit3A_1687, %jit3A_1684 : i32
      %rem3A_1689 = arith.remsi %add3A, %select_n3A_1688 : i32
      %ne3A_1690 = arith.constant 0 : i32
      %ne3A_1691 = arith.cmpi ne, %rem3A_1689, %ne3A_1690 : i32
      %lt3A_1692 = arith.constant 0 : i32
      %lt3A_1693 = arith.cmpi slt, %rem3A_1689, %lt3A_1692 : i32
      %lt3A_1694 = arith.constant 0 : i32
      %lt3A_1695 = arith.cmpi slt, %select_n3A_1688, %lt3A_1694 : i32
      %ne3A_1696 = arith.xori %lt3A_1693, %lt3A_1695 : i1
      %and3A_1697 = arith.andi %ne3A_1696, %ne3A_1691 : i1
      %add3A_1698 = arith.addi %rem3A_1689, %select_n3A_1688 : i32
      %select_n3A_1699 = arith.select %and3A_1697, %add3A_1698, %rem3A_1689 : i32
      %mul3A_1700 = arith.constant 16384 : i32
      %mul3A_1701 = arith.muli %arg1, %mul3A_1700 : i32
      %dma_wait3A_1702 = tpu.memref_slice %arg22[%mul3A_1701] : memref<262144xf32, #tpu.memory_space<vmem_shared>> -> memref<16384xf32, #tpu.memory_space<vmem_shared>>
      %dma_wait3A_1703 = arith.constant 0 : i32
      %dma_wait3A_1704 = tpu.memref_slice %arg5[%select_n3A_1683, %select_n3A_1699, %dma_wait3A_1703] : memref<4x8x1000000xf32, #tpu.memory_space<hbm>> -> memref<1x1x16384xf32, #tpu.memory_space<hbm>>
      %dma_wait3A_1705 = tpu.memref_squeeze %dma_wait3A_1704 : memref<1x1x16384xf32, #tpu.memory_space<hbm>> -> memref<16384xf32, #tpu.memory_space<hbm>>
      tpu.wait_dma2 semaphore(%arg24 : memref<!tpu.dma_semaphore, #tpu.memory_space<semaphore_mem>>) src(%dma_wait3A_1705 : memref<16384xf32, #tpu.memory_space<hbm>>) dst(%dma_wait3A_1702 : memref<16384xf32, #tpu.memory_space<vmem_shared>>)
      %barrier3A = arith.constant 0 : index
      tpu.barrier barrier_id(%barrier3A)
      %mul3A_1706 = arith.constant 2 : i32
      %mul3A_1707 = arith.muli %mul3A_1706, %scan3A_1658 : i32
      %get3A_1708 = arith.index_cast %mul3A_1707 : i32 to index
      %get3A_1709 = tpu.vector_load %arg16[%get3A_1708] {strides = array<i32>} : memref<144xi32, #tpu.memory_space<vmem>>, vector<16xi32>,
      %slice3A_1710 = vector.extract_strided_slice %get3A_1709 {offsets = [0], sizes = [1], strides = [1]} : vector<16xi32> to vector<1xi32>
      %squeeze3A_1711 = vector.extract %slice3A_1710[0] : i32 from vector<1xi32>
      %slice3A_1712 = vector.extract_strided_slice %get3A_1709 {offsets = [1], sizes = [1], strides = [1]} : vector<16xi32> to vector<1xi32>
      %squeeze3A_1713 = vector.extract %slice3A_1712[0] : i32 from vector<1xi32>
      %sub3A_1714 = arith.subi %squeeze3A_1713, %squeeze3A_1711 : i32
      %add3A_1715 = arith.constant 16 : i32
      %add3A_1716 = arith.addi %sub3A_1714, %add3A_1715 : i32
      %sub3A_1717 = arith.constant 1 : i32
      %sub3A_1718 = arith.subi %add3A_1716, %sub3A_1717 : i32
      %jit3A_1719 = arith.constant 16 : i32
      %div3A_1720 = arith.divsi %sub3A_1718, %jit3A_1719 : i32
      %sign3A_1721 = arith.constant 0 : i32
      %sign3A_1722 = arith.cmpi sgt, %sub3A_1718, %sign3A_1721 : i32
      %sign3A_1723 = arith.extui %sign3A_1722 : i1 to i32
      %sign3A_1724 = arith.constant 0 : i32
      %sign3A_1725 = arith.cmpi slt, %sub3A_1718, %sign3A_1724 : i32
      %sign3A_1726 = arith.extui %sign3A_1725 : i1 to i32
      %sign3A_1727 = arith.subi %sign3A_1723, %sign3A_1726 : i32
      %sign3A_1728 = arith.constant 0 : i32
      %sign3A_1729 = arith.cmpi sgt, %jit3A_1719, %sign3A_1728 : i32
      %sign3A_1730 = arith.extui %sign3A_1729 : i1 to i32
      %sign3A_1731 = arith.constant 0 : i32
      %sign3A_1732 = arith.cmpi slt, %jit3A_1719, %sign3A_1731 : i32
      %sign3A_1733 = arith.extui %sign3A_1732 : i1 to i32
      %sign3A_1734 = arith.subi %sign3A_1730, %sign3A_1733 : i32
      %ne3A_1735 = arith.cmpi ne, %sign3A_1727, %sign3A_1734 : i32
      %rem3A_1736 = arith.remsi %sub3A_1718, %jit3A_1719 : i32
      %ne3A_1737 = arith.constant 0 : i32
      %ne3A_1738 = arith.cmpi ne, %rem3A_1736, %ne3A_1737 : i32
      %and3A_1739 = arith.andi %ne3A_1735, %ne3A_1738 : i1
      %sub3A_1740 = arith.constant 1 : i32
      %sub3A_1741 = arith.subi %div3A_1720, %sub3A_1740 : i32
      %select_n3A_1742 = arith.select %and3A_1739, %sub3A_1741, %div3A_1720 : i32
      %while3A_1743 = arith.constant 0 : i32
      %while3A_1744 = arith.constant 0 : i32
      %while3A_1745 = arith.subi %select_n3A_1742, %while3A_1743 : i32
      %while3A_1746 = arith.addi %while3A_1743, %while3A_1745 : i32
      %while3A_1747 = arith.constant 1 : i32
      %while3A_1748 = arith.divsi %while3A_1745, %while3A_1747 : i32
      %while3A_1749 = arith.muli %while3A_1748, %while3A_1747 : i32
      %while3A_1750 = arith.addi %while3A_1743, %while3A_1749 : i32
      %while3A_1751 = arith.constant 1 : i32
      %while3A_1752 = scf.for %while3A_1770 = %while3A_1743 to %while3A_1750 step %while3A_1751 iter_args(%while3A_1771 = %while3A_1744) -> (i32)  : i32 {
        %mul3A_1772 = arith.constant 16 : i32
        %mul3A_1773 = arith.muli %while3A_1770, %mul3A_1772 : i32
        %add3A_1774 = arith.addi %squeeze3A_1711, %mul3A_1773 : i32
        %get3A_1775 = arith.index_cast %add3A_1774 : i32 to index
        %get3A_1776 = tpu.vector_load %arg19[%get3A_1775] {strides = array<i32>} : memref<2064xi32, #tpu.memory_space<vmem>>, vector<16xi32>,
        %add3A_1777 = vector.broadcast %add3A_1774 : i32 to vector<16xi32>
        %add3A_1778 = arith.addi %add3A_1777, %iota3A : vector<16xi32>
        %lt3A_1779 = vector.broadcast %squeeze3A_1713 : i32 to vector<16xi32>
        %lt3A_1780 = arith.cmpi slt, %add3A_1778, %lt3A_1779 : vector<16xi32>
        %shift_right_arithmetic3A = arith.constant 11 : i32
        %shift_right_arithmetic3A_1781 = vector.broadcast %shift_right_arithmetic3A : i32 to vector<16xi32>
        %shift_right_arithmetic3A_1782 = arith.shrsi %get3A_1776, %shift_right_arithmetic3A_1781 : vector<16xi32>
        %and3A_1783 = arith.constant 16383 : i32
        %and3A_1784 = vector.broadcast %and3A_1783 : i32 to vector<16xi32>
        %and3A_1785 = arith.andi %shift_right_arithmetic3A_1782, %and3A_1784 : vector<16xi32>
        %and3A_1786 = arith.constant 2047 : i32
        %and3A_1787 = vector.broadcast %and3A_1786 : i32 to vector<16xi32>
        %and3A_1788 = arith.andi %get3A_1776, %and3A_1787 : vector<16xi32>
        %add3A_1789 = arith.constant 0 : i32
        %add3A_1790 = vector.broadcast %add3A_1789 : i32 to vector<16xi32>
        %add3A_1791 = arith.addi %and3A_1785, %add3A_1790 : vector<16xi32>
        %swap3A_1792 = arith.constant 0 : index
        %swap3A_1793 = tpu.vector_load %arg20[%swap3A_1792] {strides = array<i32>} : memref<256xi32, #tpu.memory_space<vmem>>, vector<16xi32>,
        tpu.vector_store %arg20[%swap3A_1792], %add3A_1791 {strides = array<i32>} : memref<256xi32, #tpu.memory_space<vmem>>, vector<16xi32>,
        %add3A_1794 = arith.constant 16384 : i32
        %add3A_1795 = vector.broadcast %add3A_1794 : i32 to vector<16xi32>
        %add3A_1796 = arith.addi %and3A_1785, %add3A_1795 : vector<16xi32>
        %swap3A_1797 = arith.constant 16 : index
        %swap3A_1798 = tpu.vector_load %arg20[%swap3A_1797] {strides = array<i32>} : memref<256xi32, #tpu.memory_space<vmem>>, vector<16xi32>,
        tpu.vector_store %arg20[%swap3A_1797], %add3A_1796 {strides = array<i32>} : memref<256xi32, #tpu.memory_space<vmem>>, vector<16xi32>,
        %add3A_1799 = arith.constant 32768 : i32
        %add3A_1800 = vector.broadcast %add3A_1799 : i32 to vector<16xi32>
        %add3A_1801 = arith.addi %and3A_1785, %add3A_1800 : vector<16xi32>
        %swap3A_1802 = arith.constant 32 : index
        %swap3A_1803 = tpu.vector_load %arg20[%swap3A_1802] {strides = array<i32>} : memref<256xi32, #tpu.memory_space<vmem>>, vector<16xi32>,
        tpu.vector_store %arg20[%swap3A_1802], %add3A_1801 {strides = array<i32>} : memref<256xi32, #tpu.memory_space<vmem>>, vector<16xi32>,
        %add3A_1804 = arith.constant 49152 : i32
        %add3A_1805 = vector.broadcast %add3A_1804 : i32 to vector<16xi32>
        %add3A_1806 = arith.addi %and3A_1785, %add3A_1805 : vector<16xi32>
        %swap3A_1807 = arith.constant 48 : index
        %swap3A_1808 = tpu.vector_load %arg20[%swap3A_1807] {strides = array<i32>} : memref<256xi32, #tpu.memory_space<vmem>>, vector<16xi32>,
        tpu.vector_store %arg20[%swap3A_1807], %add3A_1806 {strides = array<i32>} : memref<256xi32, #tpu.memory_space<vmem>>, vector<16xi32>,
        %add3A_1809 = arith.constant 65536 : i32
        %add3A_1810 = vector.broadcast %add3A_1809 : i32 to vector<16xi32>
        %add3A_1811 = arith.addi %and3A_1785, %add3A_1810 : vector<16xi32>
        %swap3A_1812 = arith.constant 64 : index
        %swap3A_1813 = tpu.vector_load %arg20[%swap3A_1812] {strides = array<i32>} : memref<256xi32, #tpu.memory_space<vmem>>, vector<16xi32>,
        tpu.vector_store %arg20[%swap3A_1812], %add3A_1811 {strides = array<i32>} : memref<256xi32, #tpu.memory_space<vmem>>, vector<16xi32>,
        %add3A_1814 = arith.constant 81920 : i32
        %add3A_1815 = vector.broadcast %add3A_1814 : i32 to vector<16xi32>
        %add3A_1816 = arith.addi %and3A_1785, %add3A_1815 : vector<16xi32>
        %swap3A_1817 = arith.constant 80 : index
        %swap3A_1818 = tpu.vector_load %arg20[%swap3A_1817] {strides = array<i32>} : memref<256xi32, #tpu.memory_space<vmem>>, vector<16xi32>,
        tpu.vector_store %arg20[%swap3A_1817], %add3A_1816 {strides = array<i32>} : memref<256xi32, #tpu.memory_space<vmem>>, vector<16xi32>,
        %add3A_1819 = arith.constant 98304 : i32
        %add3A_1820 = vector.broadcast %add3A_1819 : i32 to vector<16xi32>
        %add3A_1821 = arith.addi %and3A_1785, %add3A_1820 : vector<16xi32>
        %swap3A_1822 = arith.constant 96 : index
        %swap3A_1823 = tpu.vector_load %arg20[%swap3A_1822] {strides = array<i32>} : memref<256xi32, #tpu.memory_space<vmem>>, vector<16xi32>,
        tpu.vector_store %arg20[%swap3A_1822], %add3A_1821 {strides = array<i32>} : memref<256xi32, #tpu.memory_space<vmem>>, vector<16xi32>,
        %add3A_1824 = arith.constant 114688 : i32
        %add3A_1825 = vector.broadcast %add3A_1824 : i32 to vector<16xi32>
        %add3A_1826 = arith.addi %and3A_1785, %add3A_1825 : vector<16xi32>
        %swap3A_1827 = arith.constant 112 : index
        %swap3A_1828 = tpu.vector_load %arg20[%swap3A_1827] {strides = array<i32>} : memref<256xi32, #tpu.memory_space<vmem>>, vector<16xi32>,
        tpu.vector_store %arg20[%swap3A_1827], %add3A_1826 {strides = array<i32>} : memref<256xi32, #tpu.memory_space<vmem>>, vector<16xi32>,
        %add3A_1829 = arith.constant 131072 : i32
        %add3A_1830 = vector.broadcast %add3A_1829 : i32 to vector<16xi32>
        %add3A_1831 = arith.addi %and3A_1785, %add3A_1830 : vector<16xi32>
        %swap3A_1832 = arith.constant 128 : index
        %swap3A_1833 = tpu.vector_load %arg20[%swap3A_1832] {strides = array<i32>} : memref<256xi32, #tpu.memory_space<vmem>>, vector<16xi32>,
        tpu.vector_store %arg20[%swap3A_1832], %add3A_1831 {strides = array<i32>} : memref<256xi32, #tpu.memory_space<vmem>>, vector<16xi32>,
        %add3A_1834 = arith.constant 147456 : i32
        %add3A_1835 = vector.broadcast %add3A_1834 : i32 to vector<16xi32>
        %add3A_1836 = arith.addi %and3A_1785, %add3A_1835 : vector<16xi32>
        %swap3A_1837 = arith.constant 144 : index
        %swap3A_1838 = tpu.vector_load %arg20[%swap3A_1837] {strides = array<i32>} : memref<256xi32, #tpu.memory_space<vmem>>, vector<16xi32>,
        tpu.vector_store %arg20[%swap3A_1837], %add3A_1836 {strides = array<i32>} : memref<256xi32, #tpu.memory_space<vmem>>, vector<16xi32>,
        %add3A_1839 = arith.constant 163840 : i32
        %add3A_1840 = vector.broadcast %add3A_1839 : i32 to vector<16xi32>
        %add3A_1841 = arith.addi %and3A_1785, %add3A_1840 : vector<16xi32>
        %swap3A_1842 = arith.constant 160 : index
        %swap3A_1843 = tpu.vector_load %arg20[%swap3A_1842] {strides = array<i32>} : memref<256xi32, #tpu.memory_space<vmem>>, vector<16xi32>,
        tpu.vector_store %arg20[%swap3A_1842], %add3A_1841 {strides = array<i32>} : memref<256xi32, #tpu.memory_space<vmem>>, vector<16xi32>,
        %add3A_1844 = arith.constant 180224 : i32
        %add3A_1845 = vector.broadcast %add3A_1844 : i32 to vector<16xi32>
        %add3A_1846 = arith.addi %and3A_1785, %add3A_1845 : vector<16xi32>
        %swap3A_1847 = arith.constant 176 : index
        %swap3A_1848 = tpu.vector_load %arg20[%swap3A_1847] {strides = array<i32>} : memref<256xi32, #tpu.memory_space<vmem>>, vector<16xi32>,
        tpu.vector_store %arg20[%swap3A_1847], %add3A_1846 {strides = array<i32>} : memref<256xi32, #tpu.memory_space<vmem>>, vector<16xi32>,
        %add3A_1849 = arith.constant 196608 : i32
        %add3A_1850 = vector.broadcast %add3A_1849 : i32 to vector<16xi32>
        %add3A_1851 = arith.addi %and3A_1785, %add3A_1850 : vector<16xi32>
        %swap3A_1852 = arith.constant 192 : index
        %swap3A_1853 = tpu.vector_load %arg20[%swap3A_1852] {strides = array<i32>} : memref<256xi32, #tpu.memory_space<vmem>>, vector<16xi32>,
        tpu.vector_store %arg20[%swap3A_1852], %add3A_1851 {strides = array<i32>} : memref<256xi32, #tpu.memory_space<vmem>>, vector<16xi32>,
        %add3A_1854 = arith.constant 212992 : i32
        %add3A_1855 = vector.broadcast %add3A_1854 : i32 to vector<16xi32>
        %add3A_1856 = arith.addi %and3A_1785, %add3A_1855 : vector<16xi32>
        %swap3A_1857 = arith.constant 208 : index
        %swap3A_1858 = tpu.vector_load %arg20[%swap3A_1857] {strides = array<i32>} : memref<256xi32, #tpu.memory_space<vmem>>, vector<16xi32>,
        tpu.vector_store %arg20[%swap3A_1857], %add3A_1856 {strides = array<i32>} : memref<256xi32, #tpu.memory_space<vmem>>, vector<16xi32>,
        %add3A_1859 = arith.constant 229376 : i32
        %add3A_1860 = vector.broadcast %add3A_1859 : i32 to vector<16xi32>
        %add3A_1861 = arith.addi %and3A_1785, %add3A_1860 : vector<16xi32>
        %swap3A_1862 = arith.constant 224 : index
        %swap3A_1863 = tpu.vector_load %arg20[%swap3A_1862] {strides = array<i32>} : memref<256xi32, #tpu.memory_space<vmem>>, vector<16xi32>,
        tpu.vector_store %arg20[%swap3A_1862], %add3A_1861 {strides = array<i32>} : memref<256xi32, #tpu.memory_space<vmem>>, vector<16xi32>,
        %add3A_1864 = arith.constant 245760 : i32
        %add3A_1865 = vector.broadcast %add3A_1864 : i32 to vector<16xi32>
        %add3A_1866 = arith.addi %and3A_1785, %add3A_1865 : vector<16xi32>
        %swap3A_1867 = arith.constant 240 : index
        %swap3A_1868 = tpu.vector_load %arg20[%swap3A_1867] {strides = array<i32>} : memref<256xi32, #tpu.memory_space<vmem>>, vector<16xi32>,
        tpu.vector_store %arg20[%swap3A_1867], %add3A_1866 {strides = array<i32>} : memref<256xi32, #tpu.memory_space<vmem>>, vector<16xi32>,
        %dma_start3A_1869 = arith.constant 0 : i32
        %dma_start3A_1870 = tpu.memref_slice %arg21[%dma_start3A_1869] : memref<256xf32, #tpu.memory_space<vmem>> -> memref<128xf32, #tpu.memory_space<vmem>>
        %dma_start3A_1871 = arith.constant 0 : i32
        %dma_start3A_1872 = tpu.memref_slice %arg20[%dma_start3A_1871] : memref<256xi32, #tpu.memory_space<vmem>> -> memref<128xi32, #tpu.memory_space<vmem>>
        %dma_start3A_1873 = arith.constant 0 : i32
        %dma_start3A_1874 = tpu.memref_slice %arg22[%dma_start3A_1873] : memref<262144xf32, #tpu.memory_space<vmem_shared>> -> memref<262144xf32, #tpu.memory_space<vmem_shared>>
        tpu.enqueue_indirect_dma source(%dma_start3A_1874 : memref<262144xf32, #tpu.memory_space<vmem_shared>>) target(%dma_start3A_1870 : memref<128xf32, #tpu.memory_space<vmem>>) offsets(%dma_start3A_1872 : memref<128xi32, #tpu.memory_space<vmem>>) semaphore(%arg26 : memref<!tpu.dma_semaphore, #tpu.memory_space<semaphore_mem>>)
        %dma_start3A_1875 = arith.constant 128 : i32
        %dma_start3A_1876 = tpu.memref_slice %arg21[%dma_start3A_1875] : memref<256xf32, #tpu.memory_space<vmem>> -> memref<128xf32, #tpu.memory_space<vmem>>
        %dma_start3A_1877 = arith.constant 128 : i32
        %dma_start3A_1878 = tpu.memref_slice %arg20[%dma_start3A_1877] : memref<256xi32, #tpu.memory_space<vmem>> -> memref<128xi32, #tpu.memory_space<vmem>>
        %dma_start3A_1879 = arith.constant 0 : i32
        %dma_start3A_1880 = tpu.memref_slice %arg22[%dma_start3A_1879] : memref<262144xf32, #tpu.memory_space<vmem_shared>> -> memref<262144xf32, #tpu.memory_space<vmem_shared>>
        tpu.enqueue_indirect_dma source(%dma_start3A_1880 : memref<262144xf32, #tpu.memory_space<vmem_shared>>) target(%dma_start3A_1876 : memref<128xf32, #tpu.memory_space<vmem>>) offsets(%dma_start3A_1878 : memref<128xi32, #tpu.memory_space<vmem>>) semaphore(%arg26 : memref<!tpu.dma_semaphore, #tpu.memory_space<semaphore_mem>>)
        %dma_wait3A_1881 = arith.constant 0 : i32
        %dma_wait3A_1882 = tpu.memref_slice %arg21[%dma_wait3A_1881] : memref<256xf32, #tpu.memory_space<vmem>> -> memref<128xf32, #tpu.memory_space<vmem>>
        %dma_wait3A_1883 = arith.constant 0 : i32
        %dma_wait3A_1884 = tpu.memref_slice %arg20[%dma_wait3A_1883] : memref<256xi32, #tpu.memory_space<vmem>> -> memref<128xi32, #tpu.memory_space<vmem>>
        %dma_wait3A_1885 = arith.constant 0 : i32
        %dma_wait3A_1886 = tpu.memref_slice %arg22[%dma_wait3A_1885] : memref<262144xf32, #tpu.memory_space<vmem_shared>> -> memref<262144xf32, #tpu.memory_space<vmem_shared>>
        tpu.wait_indirect_dma semaphore(%arg26 : memref<!tpu.dma_semaphore, #tpu.memory_space<semaphore_mem>>) src(%dma_wait3A_1886 : memref<262144xf32, #tpu.memory_space<vmem_shared>>) dst(%dma_wait3A_1882 : memref<128xf32, #tpu.memory_space<vmem>>)
        %dma_wait3A_1887 = arith.constant 128 : i32
        %dma_wait3A_1888 = tpu.memref_slice %arg21[%dma_wait3A_1887] : memref<256xf32, #tpu.memory_space<vmem>> -> memref<128xf32, #tpu.memory_space<vmem>>
        %dma_wait3A_1889 = arith.constant 128 : i32
        %dma_wait3A_1890 = tpu.memref_slice %arg20[%dma_wait3A_1889] : memref<256xi32, #tpu.memory_space<vmem>> -> memref<128xi32, #tpu.memory_space<vmem>>
        %dma_wait3A_1891 = arith.constant 0 : i32
        %dma_wait3A_1892 = tpu.memref_slice %arg22[%dma_wait3A_1891] : memref<262144xf32, #tpu.memory_space<vmem_shared>> -> memref<262144xf32, #tpu.memory_space<vmem_shared>>
        tpu.wait_indirect_dma semaphore(%arg26 : memref<!tpu.dma_semaphore, #tpu.memory_space<semaphore_mem>>) src(%dma_wait3A_1892 : memref<262144xf32, #tpu.memory_space<vmem_shared>>) dst(%dma_wait3A_1888 : memref<128xf32, #tpu.memory_space<vmem>>)
        %ge3A = arith.constant 1024 : i32
        %ge3A_1893 = vector.broadcast %ge3A : i32 to vector<16xi32>
        %ge3A_1894 = arith.cmpi sge, %and3A_1788, %ge3A_1893 : vector<16xi32>
        %jit3A_1895 = arith.constant 15360 : i32
        %jit3A_1896 = arith.constant 0 : i32
        %broadcast_in_dim3A_1897 = vector.broadcast %jit3A_1895 : i32 to vector<16xi32>
        %broadcast_in_dim3A_1898 = vector.broadcast %jit3A_1896 : i32 to vector<16xi32>
        %select_n3A_1899 = arith.select %ge3A_1894, %broadcast_in_dim3A_1897, %broadcast_in_dim3A_1898 : vector<16xi1>, vector<16xi32>
        %add3A_1900 = arith.addi %and3A_1788, %select_n3A_1899 : vector<16xi32>
        %get3A_1901 = arith.constant 0 : index
        %get3A_1902 = tpu.vector_load %arg21[%get3A_1901] {strides = array<i32>} : memref<256xf32, #tpu.memory_space<vmem>>, vector<16xf32>,
        %add3A_1903 = arith.constant 0 : i32
        %add3A_1904 = vector.broadcast %add3A_1903 : i32 to vector<16xi32>
        %add3A_1905 = arith.addi %add3A_1900, %add3A_1904 : vector<16xi32>
        tpu.vector_store_idx %arg12[%add3A_1905], %get3A_1902 masked %lt3A_1780 : memref<32768xf32, #tpu.memory_space<vmem>>[vector<16xi32>], vector<16xf32>, vector<16xi1>
        %get3A_1906 = arith.constant 16 : index
        %get3A_1907 = tpu.vector_load %arg21[%get3A_1906] {strides = array<i32>} : memref<256xf32, #tpu.memory_space<vmem>>, vector<16xf32>,
        %add3A_1908 = arith.constant 1024 : i32
        %add3A_1909 = vector.broadcast %add3A_1908 : i32 to vector<16xi32>
        %add3A_1910 = arith.addi %add3A_1900, %add3A_1909 : vector<16xi32>
        tpu.vector_store_idx %arg12[%add3A_1910], %get3A_1907 masked %lt3A_1780 : memref<32768xf32, #tpu.memory_space<vmem>>[vector<16xi32>], vector<16xf32>, vector<16xi1>
        %get3A_1911 = arith.constant 32 : index
        %get3A_1912 = tpu.vector_load %arg21[%get3A_1911] {strides = array<i32>} : memref<256xf32, #tpu.memory_space<vmem>>, vector<16xf32>,
        %add3A_1913 = arith.constant 2048 : i32
        %add3A_1914 = vector.broadcast %add3A_1913 : i32 to vector<16xi32>
        %add3A_1915 = arith.addi %add3A_1900, %add3A_1914 : vector<16xi32>
        tpu.vector_store_idx %arg12[%add3A_1915], %get3A_1912 masked %lt3A_1780 : memref<32768xf32, #tpu.memory_space<vmem>>[vector<16xi32>], vector<16xf32>, vector<16xi1>
        %get3A_1916 = arith.constant 48 : index
        %get3A_1917 = tpu.vector_load %arg21[%get3A_1916] {strides = array<i32>} : memref<256xf32, #tpu.memory_space<vmem>>, vector<16xf32>,
        %add3A_1918 = arith.constant 3072 : i32
        %add3A_1919 = vector.broadcast %add3A_1918 : i32 to vector<16xi32>
        %add3A_1920 = arith.addi %add3A_1900, %add3A_1919 : vector<16xi32>
        tpu.vector_store_idx %arg12[%add3A_1920], %get3A_1917 masked %lt3A_1780 : memref<32768xf32, #tpu.memory_space<vmem>>[vector<16xi32>], vector<16xf32>, vector<16xi1>
        %get3A_1921 = arith.constant 64 : index
        %get3A_1922 = tpu.vector_load %arg21[%get3A_1921] {strides = array<i32>} : memref<256xf32, #tpu.memory_space<vmem>>, vector<16xf32>,
        %add3A_1923 = arith.constant 4096 : i32
        %add3A_1924 = vector.broadcast %add3A_1923 : i32 to vector<16xi32>
        %add3A_1925 = arith.addi %add3A_1900, %add3A_1924 : vector<16xi32>
        tpu.vector_store_idx %arg12[%add3A_1925], %get3A_1922 masked %lt3A_1780 : memref<32768xf32, #tpu.memory_space<vmem>>[vector<16xi32>], vector<16xf32>, vector<16xi1>
        %get3A_1926 = arith.constant 80 : index
        %get3A_1927 = tpu.vector_load %arg21[%get3A_1926] {strides = array<i32>} : memref<256xf32, #tpu.memory_space<vmem>>, vector<16xf32>,
        %add3A_1928 = arith.constant 5120 : i32
        %add3A_1929 = vector.broadcast %add3A_1928 : i32 to vector<16xi32>
        %add3A_1930 = arith.addi %add3A_1900, %add3A_1929 : vector<16xi32>
        tpu.vector_store_idx %arg12[%add3A_1930], %get3A_1927 masked %lt3A_1780 : memref<32768xf32, #tpu.memory_space<vmem>>[vector<16xi32>], vector<16xf32>, vector<16xi1>
        %get3A_1931 = arith.constant 96 : index
        %get3A_1932 = tpu.vector_load %arg21[%get3A_1931] {strides = array<i32>} : memref<256xf32, #tpu.memory_space<vmem>>, vector<16xf32>,
        %add3A_1933 = arith.constant 6144 : i32
        %add3A_1934 = vector.broadcast %add3A_1933 : i32 to vector<16xi32>
        %add3A_1935 = arith.addi %add3A_1900, %add3A_1934 : vector<16xi32>
        tpu.vector_store_idx %arg12[%add3A_1935], %get3A_1932 masked %lt3A_1780 : memref<32768xf32, #tpu.memory_space<vmem>>[vector<16xi32>], vector<16xf32>, vector<16xi1>
        %get3A_1936 = arith.constant 112 : index
        %get3A_1937 = tpu.vector_load %arg21[%get3A_1936] {strides = array<i32>} : memref<256xf32, #tpu.memory_space<vmem>>, vector<16xf32>,
        %add3A_1938 = arith.constant 7168 : i32
        %add3A_1939 = vector.broadcast %add3A_1938 : i32 to vector<16xi32>
        %add3A_1940 = arith.addi %add3A_1900, %add3A_1939 : vector<16xi32>
        tpu.vector_store_idx %arg12[%add3A_1940], %get3A_1937 masked %lt3A_1780 : memref<32768xf32, #tpu.memory_space<vmem>>[vector<16xi32>], vector<16xf32>, vector<16xi1>
        %get3A_1941 = arith.constant 128 : index
        %get3A_1942 = tpu.vector_load %arg21[%get3A_1941] {strides = array<i32>} : memref<256xf32, #tpu.memory_space<vmem>>, vector<16xf32>,
        %add3A_1943 = arith.constant 8192 : i32
        %add3A_1944 = vector.broadcast %add3A_1943 : i32 to vector<16xi32>
        %add3A_1945 = arith.addi %add3A_1900, %add3A_1944 : vector<16xi32>
        tpu.vector_store_idx %arg12[%add3A_1945], %get3A_1942 masked %lt3A_1780 : memref<32768xf32, #tpu.memory_space<vmem>>[vector<16xi32>], vector<16xf32>, vector<16xi1>
        %get3A_1946 = arith.constant 144 : index
        %get3A_1947 = tpu.vector_load %arg21[%get3A_1946] {strides = array<i32>} : memref<256xf32, #tpu.memory_space<vmem>>, vector<16xf32>,
        %add3A_1948 = arith.constant 9216 : i32
        %add3A_1949 = vector.broadcast %add3A_1948 : i32 to vector<16xi32>
        %add3A_1950 = arith.addi %add3A_1900, %add3A_1949 : vector<16xi32>
        tpu.vector_store_idx %arg12[%add3A_1950], %get3A_1947 masked %lt3A_1780 : memref<32768xf32, #tpu.memory_space<vmem>>[vector<16xi32>], vector<16xf32>, vector<16xi1>
        %get3A_1951 = arith.constant 160 : index
        %get3A_1952 = tpu.vector_load %arg21[%get3A_1951] {strides = array<i32>} : memref<256xf32, #tpu.memory_space<vmem>>, vector<16xf32>,
        %add3A_1953 = arith.constant 10240 : i32
        %add3A_1954 = vector.broadcast %add3A_1953 : i32 to vector<16xi32>
        %add3A_1955 = arith.addi %add3A_1900, %add3A_1954 : vector<16xi32>
        tpu.vector_store_idx %arg12[%add3A_1955], %get3A_1952 masked %lt3A_1780 : memref<32768xf32, #tpu.memory_space<vmem>>[vector<16xi32>], vector<16xf32>, vector<16xi1>
        %get3A_1956 = arith.constant 176 : index
        %get3A_1957 = tpu.vector_load %arg21[%get3A_1956] {strides = array<i32>} : memref<256xf32, #tpu.memory_space<vmem>>, vector<16xf32>,
        %add3A_1958 = arith.constant 11264 : i32
        %add3A_1959 = vector.broadcast %add3A_1958 : i32 to vector<16xi32>
        %add3A_1960 = arith.addi %add3A_1900, %add3A_1959 : vector<16xi32>
        tpu.vector_store_idx %arg12[%add3A_1960], %get3A_1957 masked %lt3A_1780 : memref<32768xf32, #tpu.memory_space<vmem>>[vector<16xi32>], vector<16xf32>, vector<16xi1>
        %get3A_1961 = arith.constant 192 : index
        %get3A_1962 = tpu.vector_load %arg21[%get3A_1961] {strides = array<i32>} : memref<256xf32, #tpu.memory_space<vmem>>, vector<16xf32>,
        %add3A_1963 = arith.constant 12288 : i32
        %add3A_1964 = vector.broadcast %add3A_1963 : i32 to vector<16xi32>
        %add3A_1965 = arith.addi %add3A_1900, %add3A_1964 : vector<16xi32>
        tpu.vector_store_idx %arg12[%add3A_1965], %get3A_1962 masked %lt3A_1780 : memref<32768xf32, #tpu.memory_space<vmem>>[vector<16xi32>], vector<16xf32>, vector<16xi1>
        %get3A_1966 = arith.constant 208 : index
        %get3A_1967 = tpu.vector_load %arg21[%get3A_1966] {strides = array<i32>} : memref<256xf32, #tpu.memory_space<vmem>>, vector<16xf32>,
        %add3A_1968 = arith.constant 13312 : i32
        %add3A_1969 = vector.broadcast %add3A_1968 : i32 to vector<16xi32>
        %add3A_1970 = arith.addi %add3A_1900, %add3A_1969 : vector<16xi32>
        tpu.vector_store_idx %arg12[%add3A_1970], %get3A_1967 masked %lt3A_1780 : memref<32768xf32, #tpu.memory_space<vmem>>[vector<16xi32>], vector<16xf32>, vector<16xi1>
        %get3A_1971 = arith.constant 224 : index
        %get3A_1972 = tpu.vector_load %arg21[%get3A_1971] {strides = array<i32>} : memref<256xf32, #tpu.memory_space<vmem>>, vector<16xf32>,
        %add3A_1973 = arith.constant 14336 : i32
        %add3A_1974 = vector.broadcast %add3A_1973 : i32 to vector<16xi32>
        %add3A_1975 = arith.addi %add3A_1900, %add3A_1974 : vector<16xi32>
        tpu.vector_store_idx %arg12[%add3A_1975], %get3A_1972 masked %lt3A_1780 : memref<32768xf32, #tpu.memory_space<vmem>>[vector<16xi32>], vector<16xf32>, vector<16xi1>
        %get3A_1976 = arith.constant 240 : index
        %get3A_1977 = tpu.vector_load %arg21[%get3A_1976] {strides = array<i32>} : memref<256xf32, #tpu.memory_space<vmem>>, vector<16xf32>,
        %add3A_1978 = arith.constant 15360 : i32
        %add3A_1979 = vector.broadcast %add3A_1978 : i32 to vector<16xi32>
        %add3A_1980 = arith.addi %add3A_1900, %add3A_1979 : vector<16xi32>
        tpu.vector_store_idx %arg12[%add3A_1980], %get3A_1977 masked %lt3A_1780 : memref<32768xf32, #tpu.memory_space<vmem>>[vector<16xi32>], vector<16xf32>, vector<16xi1>
        %while3A_1981 = arith.constant 0 : i32
        scf.yield %while3A_1981 : i32
      }
      %while3A_1753 = arith.constant 1 : i32
      %while3A_1754 = scf.for %while3A_1770 = %while3A_1750 to %while3A_1746 step %while3A_1753 iter_args(%while3A_1771 = %while3A_1752) -> (i32)  : i32 {
        %mul3A_1772 = arith.constant 16 : i32
        %mul3A_1773 = arith.muli %while3A_1770, %mul3A_1772 : i32
        %add3A_1774 = arith.addi %squeeze3A_1711, %mul3A_1773 : i32
        %get3A_1775 = arith.index_cast %add3A_1774 : i32 to index
        %get3A_1776 = tpu.vector_load %arg19[%get3A_1775] {strides = array<i32>} : memref<2064xi32, #tpu.memory_space<vmem>>, vector<16xi32>,
        %add3A_1777 = vector.broadcast %add3A_1774 : i32 to vector<16xi32>
        %add3A_1778 = arith.addi %add3A_1777, %iota3A : vector<16xi32>
        %lt3A_1779 = vector.broadcast %squeeze3A_1713 : i32 to vector<16xi32>
        %lt3A_1780 = arith.cmpi slt, %add3A_1778, %lt3A_1779 : vector<16xi32>
        %shift_right_arithmetic3A = arith.constant 11 : i32
        %shift_right_arithmetic3A_1781 = vector.broadcast %shift_right_arithmetic3A : i32 to vector<16xi32>
        %shift_right_arithmetic3A_1782 = arith.shrsi %get3A_1776, %shift_right_arithmetic3A_1781 : vector<16xi32>
        %and3A_1783 = arith.constant 16383 : i32
        %and3A_1784 = vector.broadcast %and3A_1783 : i32 to vector<16xi32>
        %and3A_1785 = arith.andi %shift_right_arithmetic3A_1782, %and3A_1784 : vector<16xi32>
        %and3A_1786 = arith.constant 2047 : i32
        %and3A_1787 = vector.broadcast %and3A_1786 : i32 to vector<16xi32>
        %and3A_1788 = arith.andi %get3A_1776, %and3A_1787 : vector<16xi32>
        %add3A_1789 = arith.constant 0 : i32
        %add3A_1790 = vector.broadcast %add3A_1789 : i32 to vector<16xi32>
        %add3A_1791 = arith.addi %and3A_1785, %add3A_1790 : vector<16xi32>
        %swap3A_1792 = arith.constant 0 : index
        %swap3A_1793 = tpu.vector_load %arg20[%swap3A_1792] {strides = array<i32>} : memref<256xi32, #tpu.memory_space<vmem>>, vector<16xi32>,
        tpu.vector_store %arg20[%swap3A_1792], %add3A_1791 {strides = array<i32>} : memref<256xi32, #tpu.memory_space<vmem>>, vector<16xi32>,
        %add3A_1794 = arith.constant 16384 : i32
        %add3A_1795 = vector.broadcast %add3A_1794 : i32 to vector<16xi32>
        %add3A_1796 = arith.addi %and3A_1785, %add3A_1795 : vector<16xi32>
        %swap3A_1797 = arith.constant 16 : index
        %swap3A_1798 = tpu.vector_load %arg20[%swap3A_1797] {strides = array<i32>} : memref<256xi32, #tpu.memory_space<vmem>>, vector<16xi32>,
        tpu.vector_store %arg20[%swap3A_1797], %add3A_1796 {strides = array<i32>} : memref<256xi32, #tpu.memory_space<vmem>>, vector<16xi32>,
        %add3A_1799 = arith.constant 32768 : i32
        %add3A_1800 = vector.broadcast %add3A_1799 : i32 to vector<16xi32>
        %add3A_1801 = arith.addi %and3A_1785, %add3A_1800 : vector<16xi32>
        %swap3A_1802 = arith.constant 32 : index
        %swap3A_1803 = tpu.vector_load %arg20[%swap3A_1802] {strides = array<i32>} : memref<256xi32, #tpu.memory_space<vmem>>, vector<16xi32>,
        tpu.vector_store %arg20[%swap3A_1802], %add3A_1801 {strides = array<i32>} : memref<256xi32, #tpu.memory_space<vmem>>, vector<16xi32>,
        %add3A_1804 = arith.constant 49152 : i32
        %add3A_1805 = vector.broadcast %add3A_1804 : i32 to vector<16xi32>
        %add3A_1806 = arith.addi %and3A_1785, %add3A_1805 : vector<16xi32>
        %swap3A_1807 = arith.constant 48 : index
        %swap3A_1808 = tpu.vector_load %arg20[%swap3A_1807] {strides = array<i32>} : memref<256xi32, #tpu.memory_space<vmem>>, vector<16xi32>,
        tpu.vector_store %arg20[%swap3A_1807], %add3A_1806 {strides = array<i32>} : memref<256xi32, #tpu.memory_space<vmem>>, vector<16xi32>,
        %add3A_1809 = arith.constant 65536 : i32
        %add3A_1810 = vector.broadcast %add3A_1809 : i32 to vector<16xi32>
        %add3A_1811 = arith.addi %and3A_1785, %add3A_1810 : vector<16xi32>
        %swap3A_1812 = arith.constant 64 : index
        %swap3A_1813 = tpu.vector_load %arg20[%swap3A_1812] {strides = array<i32>} : memref<256xi32, #tpu.memory_space<vmem>>, vector<16xi32>,
        tpu.vector_store %arg20[%swap3A_1812], %add3A_1811 {strides = array<i32>} : memref<256xi32, #tpu.memory_space<vmem>>, vector<16xi32>,
        %add3A_1814 = arith.constant 81920 : i32
        %add3A_1815 = vector.broadcast %add3A_1814 : i32 to vector<16xi32>
        %add3A_1816 = arith.addi %and3A_1785, %add3A_1815 : vector<16xi32>
        %swap3A_1817 = arith.constant 80 : index
        %swap3A_1818 = tpu.vector_load %arg20[%swap3A_1817] {strides = array<i32>} : memref<256xi32, #tpu.memory_space<vmem>>, vector<16xi32>,
        tpu.vector_store %arg20[%swap3A_1817], %add3A_1816 {strides = array<i32>} : memref<256xi32, #tpu.memory_space<vmem>>, vector<16xi32>,
        %add3A_1819 = arith.constant 98304 : i32
        %add3A_1820 = vector.broadcast %add3A_1819 : i32 to vector<16xi32>
        %add3A_1821 = arith.addi %and3A_1785, %add3A_1820 : vector<16xi32>
        %swap3A_1822 = arith.constant 96 : index
        %swap3A_1823 = tpu.vector_load %arg20[%swap3A_1822] {strides = array<i32>} : memref<256xi32, #tpu.memory_space<vmem>>, vector<16xi32>,
        tpu.vector_store %arg20[%swap3A_1822], %add3A_1821 {strides = array<i32>} : memref<256xi32, #tpu.memory_space<vmem>>, vector<16xi32>,
        %add3A_1824 = arith.constant 114688 : i32
        %add3A_1825 = vector.broadcast %add3A_1824 : i32 to vector<16xi32>
        %add3A_1826 = arith.addi %and3A_1785, %add3A_1825 : vector<16xi32>
        %swap3A_1827 = arith.constant 112 : index
        %swap3A_1828 = tpu.vector_load %arg20[%swap3A_1827] {strides = array<i32>} : memref<256xi32, #tpu.memory_space<vmem>>, vector<16xi32>,
        tpu.vector_store %arg20[%swap3A_1827], %add3A_1826 {strides = array<i32>} : memref<256xi32, #tpu.memory_space<vmem>>, vector<16xi32>,
        %add3A_1829 = arith.constant 131072 : i32
        %add3A_1830 = vector.broadcast %add3A_1829 : i32 to vector<16xi32>
        %add3A_1831 = arith.addi %and3A_1785, %add3A_1830 : vector<16xi32>
        %swap3A_1832 = arith.constant 128 : index
        %swap3A_1833 = tpu.vector_load %arg20[%swap3A_1832] {strides = array<i32>} : memref<256xi32, #tpu.memory_space<vmem>>, vector<16xi32>,
        tpu.vector_store %arg20[%swap3A_1832], %add3A_1831 {strides = array<i32>} : memref<256xi32, #tpu.memory_space<vmem>>, vector<16xi32>,
        %add3A_1834 = arith.constant 147456 : i32
        %add3A_1835 = vector.broadcast %add3A_1834 : i32 to vector<16xi32>
        %add3A_1836 = arith.addi %and3A_1785, %add3A_1835 : vector<16xi32>
        %swap3A_1837 = arith.constant 144 : index
        %swap3A_1838 = tpu.vector_load %arg20[%swap3A_1837] {strides = array<i32>} : memref<256xi32, #tpu.memory_space<vmem>>, vector<16xi32>,
        tpu.vector_store %arg20[%swap3A_1837], %add3A_1836 {strides = array<i32>} : memref<256xi32, #tpu.memory_space<vmem>>, vector<16xi32>,
        %add3A_1839 = arith.constant 163840 : i32
        %add3A_1840 = vector.broadcast %add3A_1839 : i32 to vector<16xi32>
        %add3A_1841 = arith.addi %and3A_1785, %add3A_1840 : vector<16xi32>
        %swap3A_1842 = arith.constant 160 : index
        %swap3A_1843 = tpu.vector_load %arg20[%swap3A_1842] {strides = array<i32>} : memref<256xi32, #tpu.memory_space<vmem>>, vector<16xi32>,
        tpu.vector_store %arg20[%swap3A_1842], %add3A_1841 {strides = array<i32>} : memref<256xi32, #tpu.memory_space<vmem>>, vector<16xi32>,
        %add3A_1844 = arith.constant 180224 : i32
        %add3A_1845 = vector.broadcast %add3A_1844 : i32 to vector<16xi32>
        %add3A_1846 = arith.addi %and3A_1785, %add3A_1845 : vector<16xi32>
        %swap3A_1847 = arith.constant 176 : index
        %swap3A_1848 = tpu.vector_load %arg20[%swap3A_1847] {strides = array<i32>} : memref<256xi32, #tpu.memory_space<vmem>>, vector<16xi32>,
        tpu.vector_store %arg20[%swap3A_1847], %add3A_1846 {strides = array<i32>} : memref<256xi32, #tpu.memory_space<vmem>>, vector<16xi32>,
        %add3A_1849 = arith.constant 196608 : i32
        %add3A_1850 = vector.broadcast %add3A_1849 : i32 to vector<16xi32>
        %add3A_1851 = arith.addi %and3A_1785, %add3A_1850 : vector<16xi32>
        %swap3A_1852 = arith.constant 192 : index
        %swap3A_1853 = tpu.vector_load %arg20[%swap3A_1852] {strides = array<i32>} : memref<256xi32, #tpu.memory_space<vmem>>, vector<16xi32>,
        tpu.vector_store %arg20[%swap3A_1852], %add3A_1851 {strides = array<i32>} : memref<256xi32, #tpu.memory_space<vmem>>, vector<16xi32>,
        %add3A_1854 = arith.constant 212992 : i32
        %add3A_1855 = vector.broadcast %add3A_1854 : i32 to vector<16xi32>
        %add3A_1856 = arith.addi %and3A_1785, %add3A_1855 : vector<16xi32>
        %swap3A_1857 = arith.constant 208 : index
        %swap3A_1858 = tpu.vector_load %arg20[%swap3A_1857] {strides = array<i32>} : memref<256xi32, #tpu.memory_space<vmem>>, vector<16xi32>,
        tpu.vector_store %arg20[%swap3A_1857], %add3A_1856 {strides = array<i32>} : memref<256xi32, #tpu.memory_space<vmem>>, vector<16xi32>,
        %add3A_1859 = arith.constant 229376 : i32
        %add3A_1860 = vector.broadcast %add3A_1859 : i32 to vector<16xi32>
        %add3A_1861 = arith.addi %and3A_1785, %add3A_1860 : vector<16xi32>
        %swap3A_1862 = arith.constant 224 : index
        %swap3A_1863 = tpu.vector_load %arg20[%swap3A_1862] {strides = array<i32>} : memref<256xi32, #tpu.memory_space<vmem>>, vector<16xi32>,
        tpu.vector_store %arg20[%swap3A_1862], %add3A_1861 {strides = array<i32>} : memref<256xi32, #tpu.memory_space<vmem>>, vector<16xi32>,
        %add3A_1864 = arith.constant 245760 : i32
        %add3A_1865 = vector.broadcast %add3A_1864 : i32 to vector<16xi32>
        %add3A_1866 = arith.addi %and3A_1785, %add3A_1865 : vector<16xi32>
        %swap3A_1867 = arith.constant 240 : index
        %swap3A_1868 = tpu.vector_load %arg20[%swap3A_1867] {strides = array<i32>} : memref<256xi32, #tpu.memory_space<vmem>>, vector<16xi32>,
        tpu.vector_store %arg20[%swap3A_1867], %add3A_1866 {strides = array<i32>} : memref<256xi32, #tpu.memory_space<vmem>>, vector<16xi32>,
        %dma_start3A_1869 = arith.constant 0 : i32
        %dma_start3A_1870 = tpu.memref_slice %arg21[%dma_start3A_1869] : memref<256xf32, #tpu.memory_space<vmem>> -> memref<128xf32, #tpu.memory_space<vmem>>
        %dma_start3A_1871 = arith.constant 0 : i32
        %dma_start3A_1872 = tpu.memref_slice %arg20[%dma_start3A_1871] : memref<256xi32, #tpu.memory_space<vmem>> -> memref<128xi32, #tpu.memory_space<vmem>>
        %dma_start3A_1873 = arith.constant 0 : i32
        %dma_start3A_1874 = tpu.memref_slice %arg22[%dma_start3A_1873] : memref<262144xf32, #tpu.memory_space<vmem_shared>> -> memref<262144xf32, #tpu.memory_space<vmem_shared>>
        tpu.enqueue_indirect_dma source(%dma_start3A_1874 : memref<262144xf32, #tpu.memory_space<vmem_shared>>) target(%dma_start3A_1870 : memref<128xf32, #tpu.memory_space<vmem>>) offsets(%dma_start3A_1872 : memref<128xi32, #tpu.memory_space<vmem>>) semaphore(%arg26 : memref<!tpu.dma_semaphore, #tpu.memory_space<semaphore_mem>>)
        %dma_start3A_1875 = arith.constant 128 : i32
        %dma_start3A_1876 = tpu.memref_slice %arg21[%dma_start3A_1875] : memref<256xf32, #tpu.memory_space<vmem>> -> memref<128xf32, #tpu.memory_space<vmem>>
        %dma_start3A_1877 = arith.constant 128 : i32
        %dma_start3A_1878 = tpu.memref_slice %arg20[%dma_start3A_1877] : memref<256xi32, #tpu.memory_space<vmem>> -> memref<128xi32, #tpu.memory_space<vmem>>
        %dma_start3A_1879 = arith.constant 0 : i32
        %dma_start3A_1880 = tpu.memref_slice %arg22[%dma_start3A_1879] : memref<262144xf32, #tpu.memory_space<vmem_shared>> -> memref<262144xf32, #tpu.memory_space<vmem_shared>>
        tpu.enqueue_indirect_dma source(%dma_start3A_1880 : memref<262144xf32, #tpu.memory_space<vmem_shared>>) target(%dma_start3A_1876 : memref<128xf32, #tpu.memory_space<vmem>>) offsets(%dma_start3A_1878 : memref<128xi32, #tpu.memory_space<vmem>>) semaphore(%arg26 : memref<!tpu.dma_semaphore, #tpu.memory_space<semaphore_mem>>)
        %dma_wait3A_1881 = arith.constant 0 : i32
        %dma_wait3A_1882 = tpu.memref_slice %arg21[%dma_wait3A_1881] : memref<256xf32, #tpu.memory_space<vmem>> -> memref<128xf32, #tpu.memory_space<vmem>>
        %dma_wait3A_1883 = arith.constant 0 : i32
        %dma_wait3A_1884 = tpu.memref_slice %arg20[%dma_wait3A_1883] : memref<256xi32, #tpu.memory_space<vmem>> -> memref<128xi32, #tpu.memory_space<vmem>>
        %dma_wait3A_1885 = arith.constant 0 : i32
        %dma_wait3A_1886 = tpu.memref_slice %arg22[%dma_wait3A_1885] : memref<262144xf32, #tpu.memory_space<vmem_shared>> -> memref<262144xf32, #tpu.memory_space<vmem_shared>>
        tpu.wait_indirect_dma semaphore(%arg26 : memref<!tpu.dma_semaphore, #tpu.memory_space<semaphore_mem>>) src(%dma_wait3A_1886 : memref<262144xf32, #tpu.memory_space<vmem_shared>>) dst(%dma_wait3A_1882 : memref<128xf32, #tpu.memory_space<vmem>>)
        %dma_wait3A_1887 = arith.constant 128 : i32
        %dma_wait3A_1888 = tpu.memref_slice %arg21[%dma_wait3A_1887] : memref<256xf32, #tpu.memory_space<vmem>> -> memref<128xf32, #tpu.memory_space<vmem>>
        %dma_wait3A_1889 = arith.constant 128 : i32
        %dma_wait3A_1890 = tpu.memref_slice %arg20[%dma_wait3A_1889] : memref<256xi32, #tpu.memory_space<vmem>> -> memref<128xi32, #tpu.memory_space<vmem>>
        %dma_wait3A_1891 = arith.constant 0 : i32
        %dma_wait3A_1892 = tpu.memref_slice %arg22[%dma_wait3A_1891] : memref<262144xf32, #tpu.memory_space<vmem_shared>> -> memref<262144xf32, #tpu.memory_space<vmem_shared>>
        tpu.wait_indirect_dma semaphore(%arg26 : memref<!tpu.dma_semaphore, #tpu.memory_space<semaphore_mem>>) src(%dma_wait3A_1892 : memref<262144xf32, #tpu.memory_space<vmem_shared>>) dst(%dma_wait3A_1888 : memref<128xf32, #tpu.memory_space<vmem>>)
        %ge3A = arith.constant 1024 : i32
        %ge3A_1893 = vector.broadcast %ge3A : i32 to vector<16xi32>
        %ge3A_1894 = arith.cmpi sge, %and3A_1788, %ge3A_1893 : vector<16xi32>
        %jit3A_1895 = arith.constant 15360 : i32
        %jit3A_1896 = arith.constant 0 : i32
        %broadcast_in_dim3A_1897 = vector.broadcast %jit3A_1895 : i32 to vector<16xi32>
        %broadcast_in_dim3A_1898 = vector.broadcast %jit3A_1896 : i32 to vector<16xi32>
        %select_n3A_1899 = arith.select %ge3A_1894, %broadcast_in_dim3A_1897, %broadcast_in_dim3A_1898 : vector<16xi1>, vector<16xi32>
        %add3A_1900 = arith.addi %and3A_1788, %select_n3A_1899 : vector<16xi32>
        %get3A_1901 = arith.constant 0 : index
        %get3A_1902 = tpu.vector_load %arg21[%get3A_1901] {strides = array<i32>} : memref<256xf32, #tpu.memory_space<vmem>>, vector<16xf32>,
        %add3A_1903 = arith.constant 0 : i32
        %add3A_1904 = vector.broadcast %add3A_1903 : i32 to vector<16xi32>
        %add3A_1905 = arith.addi %add3A_1900, %add3A_1904 : vector<16xi32>
        tpu.vector_store_idx %arg12[%add3A_1905], %get3A_1902 masked %lt3A_1780 : memref<32768xf32, #tpu.memory_space<vmem>>[vector<16xi32>], vector<16xf32>, vector<16xi1>
        %get3A_1906 = arith.constant 16 : index
        %get3A_1907 = tpu.vector_load %arg21[%get3A_1906] {strides = array<i32>} : memref<256xf32, #tpu.memory_space<vmem>>, vector<16xf32>,
        %add3A_1908 = arith.constant 1024 : i32
        %add3A_1909 = vector.broadcast %add3A_1908 : i32 to vector<16xi32>
        %add3A_1910 = arith.addi %add3A_1900, %add3A_1909 : vector<16xi32>
        tpu.vector_store_idx %arg12[%add3A_1910], %get3A_1907 masked %lt3A_1780 : memref<32768xf32, #tpu.memory_space<vmem>>[vector<16xi32>], vector<16xf32>, vector<16xi1>
        %get3A_1911 = arith.constant 32 : index
        %get3A_1912 = tpu.vector_load %arg21[%get3A_1911] {strides = array<i32>} : memref<256xf32, #tpu.memory_space<vmem>>, vector<16xf32>,
        %add3A_1913 = arith.constant 2048 : i32
        %add3A_1914 = vector.broadcast %add3A_1913 : i32 to vector<16xi32>
        %add3A_1915 = arith.addi %add3A_1900, %add3A_1914 : vector<16xi32>
        tpu.vector_store_idx %arg12[%add3A_1915], %get3A_1912 masked %lt3A_1780 : memref<32768xf32, #tpu.memory_space<vmem>>[vector<16xi32>], vector<16xf32>, vector<16xi1>
        %get3A_1916 = arith.constant 48 : index
        %get3A_1917 = tpu.vector_load %arg21[%get3A_1916] {strides = array<i32>} : memref<256xf32, #tpu.memory_space<vmem>>, vector<16xf32>,
        %add3A_1918 = arith.constant 3072 : i32
        %add3A_1919 = vector.broadcast %add3A_1918 : i32 to vector<16xi32>
        %add3A_1920 = arith.addi %add3A_1900, %add3A_1919 : vector<16xi32>
        tpu.vector_store_idx %arg12[%add3A_1920], %get3A_1917 masked %lt3A_1780 : memref<32768xf32, #tpu.memory_space<vmem>>[vector<16xi32>], vector<16xf32>, vector<16xi1>
        %get3A_1921 = arith.constant 64 : index
        %get3A_1922 = tpu.vector_load %arg21[%get3A_1921] {strides = array<i32>} : memref<256xf32, #tpu.memory_space<vmem>>, vector<16xf32>,
        %add3A_1923 = arith.constant 4096 : i32
        %add3A_1924 = vector.broadcast %add3A_1923 : i32 to vector<16xi32>
        %add3A_1925 = arith.addi %add3A_1900, %add3A_1924 : vector<16xi32>
        tpu.vector_store_idx %arg12[%add3A_1925], %get3A_1922 masked %lt3A_1780 : memref<32768xf32, #tpu.memory_space<vmem>>[vector<16xi32>], vector<16xf32>, vector<16xi1>
        %get3A_1926 = arith.constant 80 : index
        %get3A_1927 = tpu.vector_load %arg21[%get3A_1926] {strides = array<i32>} : memref<256xf32, #tpu.memory_space<vmem>>, vector<16xf32>,
        %add3A_1928 = arith.constant 5120 : i32
        %add3A_1929 = vector.broadcast %add3A_1928 : i32 to vector<16xi32>
        %add3A_1930 = arith.addi %add3A_1900, %add3A_1929 : vector<16xi32>
        tpu.vector_store_idx %arg12[%add3A_1930], %get3A_1927 masked %lt3A_1780 : memref<32768xf32, #tpu.memory_space<vmem>>[vector<16xi32>], vector<16xf32>, vector<16xi1>
        %get3A_1931 = arith.constant 96 : index
        %get3A_1932 = tpu.vector_load %arg21[%get3A_1931] {strides = array<i32>} : memref<256xf32, #tpu.memory_space<vmem>>, vector<16xf32>,
        %add3A_1933 = arith.constant 6144 : i32
        %add3A_1934 = vector.broadcast %add3A_1933 : i32 to vector<16xi32>
        %add3A_1935 = arith.addi %add3A_1900, %add3A_1934 : vector<16xi32>
        tpu.vector_store_idx %arg12[%add3A_1935], %get3A_1932 masked %lt3A_1780 : memref<32768xf32, #tpu.memory_space<vmem>>[vector<16xi32>], vector<16xf32>, vector<16xi1>
        %get3A_1936 = arith.constant 112 : index
        %get3A_1937 = tpu.vector_load %arg21[%get3A_1936] {strides = array<i32>} : memref<256xf32, #tpu.memory_space<vmem>>, vector<16xf32>,
        %add3A_1938 = arith.constant 7168 : i32
        %add3A_1939 = vector.broadcast %add3A_1938 : i32 to vector<16xi32>
        %add3A_1940 = arith.addi %add3A_1900, %add3A_1939 : vector<16xi32>
        tpu.vector_store_idx %arg12[%add3A_1940], %get3A_1937 masked %lt3A_1780 : memref<32768xf32, #tpu.memory_space<vmem>>[vector<16xi32>], vector<16xf32>, vector<16xi1>
        %get3A_1941 = arith.constant 128 : index
        %get3A_1942 = tpu.vector_load %arg21[%get3A_1941] {strides = array<i32>} : memref<256xf32, #tpu.memory_space<vmem>>, vector<16xf32>,
        %add3A_1943 = arith.constant 8192 : i32
        %add3A_1944 = vector.broadcast %add3A_1943 : i32 to vector<16xi32>
        %add3A_1945 = arith.addi %add3A_1900, %add3A_1944 : vector<16xi32>
        tpu.vector_store_idx %arg12[%add3A_1945], %get3A_1942 masked %lt3A_1780 : memref<32768xf32, #tpu.memory_space<vmem>>[vector<16xi32>], vector<16xf32>, vector<16xi1>
        %get3A_1946 = arith.constant 144 : index
        %get3A_1947 = tpu.vector_load %arg21[%get3A_1946] {strides = array<i32>} : memref<256xf32, #tpu.memory_space<vmem>>, vector<16xf32>,
        %add3A_1948 = arith.constant 9216 : i32
        %add3A_1949 = vector.broadcast %add3A_1948 : i32 to vector<16xi32>
        %add3A_1950 = arith.addi %add3A_1900, %add3A_1949 : vector<16xi32>
        tpu.vector_store_idx %arg12[%add3A_1950], %get3A_1947 masked %lt3A_1780 : memref<32768xf32, #tpu.memory_space<vmem>>[vector<16xi32>], vector<16xf32>, vector<16xi1>
        %get3A_1951 = arith.constant 160 : index
        %get3A_1952 = tpu.vector_load %arg21[%get3A_1951] {strides = array<i32>} : memref<256xf32, #tpu.memory_space<vmem>>, vector<16xf32>,
        %add3A_1953 = arith.constant 10240 : i32
        %add3A_1954 = vector.broadcast %add3A_1953 : i32 to vector<16xi32>
        %add3A_1955 = arith.addi %add3A_1900, %add3A_1954 : vector<16xi32>
        tpu.vector_store_idx %arg12[%add3A_1955], %get3A_1952 masked %lt3A_1780 : memref<32768xf32, #tpu.memory_space<vmem>>[vector<16xi32>], vector<16xf32>, vector<16xi1>
        %get3A_1956 = arith.constant 176 : index
        %get3A_1957 = tpu.vector_load %arg21[%get3A_1956] {strides = array<i32>} : memref<256xf32, #tpu.memory_space<vmem>>, vector<16xf32>,
        %add3A_1958 = arith.constant 11264 : i32
        %add3A_1959 = vector.broadcast %add3A_1958 : i32 to vector<16xi32>
        %add3A_1960 = arith.addi %add3A_1900, %add3A_1959 : vector<16xi32>
        tpu.vector_store_idx %arg12[%add3A_1960], %get3A_1957 masked %lt3A_1780 : memref<32768xf32, #tpu.memory_space<vmem>>[vector<16xi32>], vector<16xf32>, vector<16xi1>
        %get3A_1961 = arith.constant 192 : index
        %get3A_1962 = tpu.vector_load %arg21[%get3A_1961] {strides = array<i32>} : memref<256xf32, #tpu.memory_space<vmem>>, vector<16xf32>,
        %add3A_1963 = arith.constant 12288 : i32
        %add3A_1964 = vector.broadcast %add3A_1963 : i32 to vector<16xi32>
        %add3A_1965 = arith.addi %add3A_1900, %add3A_1964 : vector<16xi32>
        tpu.vector_store_idx %arg12[%add3A_1965], %get3A_1962 masked %lt3A_1780 : memref<32768xf32, #tpu.memory_space<vmem>>[vector<16xi32>], vector<16xf32>, vector<16xi1>
        %get3A_1966 = arith.constant 208 : index
        %get3A_1967 = tpu.vector_load %arg21[%get3A_1966] {strides = array<i32>} : memref<256xf32, #tpu.memory_space<vmem>>, vector<16xf32>,
        %add3A_1968 = arith.constant 13312 : i32
        %add3A_1969 = vector.broadcast %add3A_1968 : i32 to vector<16xi32>
        %add3A_1970 = arith.addi %add3A_1900, %add3A_1969 : vector<16xi32>
        tpu.vector_store_idx %arg12[%add3A_1970], %get3A_1967 masked %lt3A_1780 : memref<32768xf32, #tpu.memory_space<vmem>>[vector<16xi32>], vector<16xf32>, vector<16xi1>
        %get3A_1971 = arith.constant 224 : index
        %get3A_1972 = tpu.vector_load %arg21[%get3A_1971] {strides = array<i32>} : memref<256xf32, #tpu.memory_space<vmem>>, vector<16xf32>,
        %add3A_1973 = arith.constant 14336 : i32
        %add3A_1974 = vector.broadcast %add3A_1973 : i32 to vector<16xi32>
        %add3A_1975 = arith.addi %add3A_1900, %add3A_1974 : vector<16xi32>
        tpu.vector_store_idx %arg12[%add3A_1975], %get3A_1972 masked %lt3A_1780 : memref<32768xf32, #tpu.memory_space<vmem>>[vector<16xi32>], vector<16xf32>, vector<16xi1>
        %get3A_1976 = arith.constant 240 : index
        %get3A_1977 = tpu.vector_load %arg21[%get3A_1976] {strides = array<i32>} : memref<256xf32, #tpu.memory_space<vmem>>, vector<16xf32>,
        %add3A_1978 = arith.constant 15360 : i32
        %add3A_1979 = vector.broadcast %add3A_1978 : i32 to vector<16xi32>
        %add3A_1980 = arith.addi %add3A_1900, %add3A_1979 : vector<16xi32>
        tpu.vector_store_idx %arg12[%add3A_1980], %get3A_1977 masked %lt3A_1780 : memref<32768xf32, #tpu.memory_space<vmem>>[vector<16xi32>], vector<16xf32>, vector<16xi1>
        %while3A_1981 = arith.constant 0 : i32
        scf.yield %while3A_1981 : i32
      }
      %barrier3A_1755 = arith.constant 0 : index
      tpu.barrier barrier_id(%barrier3A_1755)
      %lt3A_1756 = arith.constant 30 : i32
      %lt3A_1757 = arith.cmpi slt, %scan3A_1658, %lt3A_1756 : i32
      %convert_element_type3A = arith.extui %lt3A_1757 : i1 to i32
      %cond3A = arith.constant 0 : i32
      %cond3A_1758 = arith.cmpi ne, %convert_element_type3A, %cond3A : i32
      scf.if %cond3A_1758 {
        %mul3A_1770 = arith.constant 2 : i32
        %mul3A_1771 = arith.muli %mul3A_1770, %scan3A_1658 : i32
        %add3A_1772 = arith.constant 2 : i32
        %add3A_1773 = arith.addi %mul3A_1771, %add3A_1772 : i32
        %mul3A_1774 = arith.constant 16384 : i32
        %mul3A_1775 = arith.muli %add3A_1773, %mul3A_1774 : i32
        %jit3A_1776 = arith.constant 8 : i32
        %div3A_1777 = arith.divsi %add3A, %jit3A_1776 : i32
        %sign3A_1778 = arith.constant 0 : i32
        %sign3A_1779 = arith.cmpi sgt, %add3A, %sign3A_1778 : i32
        %sign3A_1780 = arith.extui %sign3A_1779 : i1 to i32
        %sign3A_1781 = arith.constant 0 : i32
        %sign3A_1782 = arith.cmpi slt, %add3A, %sign3A_1781 : i32
        %sign3A_1783 = arith.extui %sign3A_1782 : i1 to i32
        %sign3A_1784 = arith.subi %sign3A_1780, %sign3A_1783 : i32
        %sign3A_1785 = arith.constant 0 : i32
        %sign3A_1786 = arith.cmpi sgt, %jit3A_1776, %sign3A_1785 : i32
        %sign3A_1787 = arith.extui %sign3A_1786 : i1 to i32
        %sign3A_1788 = arith.constant 0 : i32
        %sign3A_1789 = arith.cmpi slt, %jit3A_1776, %sign3A_1788 : i32
        %sign3A_1790 = arith.extui %sign3A_1789 : i1 to i32
        %sign3A_1791 = arith.subi %sign3A_1787, %sign3A_1790 : i32
        %ne3A_1792 = arith.cmpi ne, %sign3A_1784, %sign3A_1791 : i32
        %rem3A_1793 = arith.remsi %add3A, %jit3A_1776 : i32
        %ne3A_1794 = arith.constant 0 : i32
        %ne3A_1795 = arith.cmpi ne, %rem3A_1793, %ne3A_1794 : i32
        %and3A_1796 = arith.andi %ne3A_1792, %ne3A_1795 : i1
        %sub3A_1797 = arith.constant 1 : i32
        %sub3A_1798 = arith.subi %div3A_1777, %sub3A_1797 : i32
        %select_n3A_1799 = arith.select %and3A_1796, %sub3A_1798, %div3A_1777 : i32
        %jit3A_1800 = arith.constant 8 : i32
        %eq3A_1801 = arith.constant 0 : i32
        %eq3A_1802 = arith.cmpi eq, %jit3A_1800, %eq3A_1801 : i32
        %jit3A_1803 = arith.constant 1 : i32
        %select_n3A_1804 = arith.select %eq3A_1802, %jit3A_1803, %jit3A_1800 : i32
        %rem3A_1805 = arith.remsi %add3A, %select_n3A_1804 : i32
        %ne3A_1806 = arith.constant 0 : i32
        %ne3A_1807 = arith.cmpi ne, %rem3A_1805, %ne3A_1806 : i32
        %lt3A_1808 = arith.constant 0 : i32
        %lt3A_1809 = arith.cmpi slt, %rem3A_1805, %lt3A_1808 : i32
        %lt3A_1810 = arith.constant 0 : i32
        %lt3A_1811 = arith.cmpi slt, %select_n3A_1804, %lt3A_1810 : i32
        %ne3A_1812 = arith.xori %lt3A_1809, %lt3A_1811 : i1
        %and3A_1813 = arith.andi %ne3A_1812, %ne3A_1807 : i1
        %add3A_1814 = arith.addi %rem3A_1805, %select_n3A_1804 : i32
        %select_n3A_1815 = arith.select %and3A_1813, %add3A_1814, %rem3A_1805 : i32
        %mul3A_1816 = arith.constant 16384 : i32
        %mul3A_1817 = arith.muli %arg1, %mul3A_1816 : i32
        %dma_start3A_1818 = tpu.memref_slice %arg22[%mul3A_1817] : memref<262144xf32, #tpu.memory_space<vmem_shared>> -> memref<16384xf32, #tpu.memory_space<vmem_shared>>
        %dma_start3A_1819 = tpu.memref_slice %arg5[%select_n3A_1799, %select_n3A_1815, %mul3A_1775] : memref<4x8x1000000xf32, #tpu.memory_space<hbm>> -> memref<1x1x16384xf32, #tpu.memory_space<hbm>>
        %dma_start3A_1820 = tpu.memref_squeeze %dma_start3A_1819 : memref<1x1x16384xf32, #tpu.memory_space<hbm>> -> memref<16384xf32, #tpu.memory_space<hbm>>
        tpu.enqueue_dma source(%dma_start3A_1820 : memref<16384xf32, #tpu.memory_space<hbm>>) target(%dma_start3A_1818 : memref<16384xf32, #tpu.memory_space<vmem_shared>>) target_semaphore(%arg24 : memref<!tpu.dma_semaphore, #tpu.memory_space<semaphore_mem>>)
        %jit3A_1821 = arith.constant 8 : i32
        %div3A_1822 = arith.divsi %add3A, %jit3A_1821 : i32
        %sign3A_1823 = arith.constant 0 : i32
        %sign3A_1824 = arith.cmpi sgt, %add3A, %sign3A_1823 : i32
        %sign3A_1825 = arith.extui %sign3A_1824 : i1 to i32
        %sign3A_1826 = arith.constant 0 : i32
        %sign3A_1827 = arith.cmpi slt, %add3A, %sign3A_1826 : i32
        %sign3A_1828 = arith.extui %sign3A_1827 : i1 to i32
        %sign3A_1829 = arith.subi %sign3A_1825, %sign3A_1828 : i32
        %sign3A_1830 = arith.constant 0 : i32
        %sign3A_1831 = arith.cmpi sgt, %jit3A_1821, %sign3A_1830 : i32
        %sign3A_1832 = arith.extui %sign3A_1831 : i1 to i32
        %sign3A_1833 = arith.constant 0 : i32
        %sign3A_1834 = arith.cmpi slt, %jit3A_1821, %sign3A_1833 : i32
        %sign3A_1835 = arith.extui %sign3A_1834 : i1 to i32
        %sign3A_1836 = arith.subi %sign3A_1832, %sign3A_1835 : i32
        %ne3A_1837 = arith.cmpi ne, %sign3A_1829, %sign3A_1836 : i32
        %rem3A_1838 = arith.remsi %add3A, %jit3A_1821 : i32
        %ne3A_1839 = arith.constant 0 : i32
        %ne3A_1840 = arith.cmpi ne, %rem3A_1838, %ne3A_1839 : i32
        %and3A_1841 = arith.andi %ne3A_1837, %ne3A_1840 : i1
        %sub3A_1842 = arith.constant 1 : i32
        %sub3A_1843 = arith.subi %div3A_1822, %sub3A_1842 : i32
        %select_n3A_1844 = arith.select %and3A_1841, %sub3A_1843, %div3A_1822 : i32
        %jit3A_1845 = arith.constant 8 : i32
        %eq3A_1846 = arith.constant 0 : i32
        %eq3A_1847 = arith.cmpi eq, %jit3A_1845, %eq3A_1846 : i32
        %jit3A_1848 = arith.constant 1 : i32
        %select_n3A_1849 = arith.select %eq3A_1847, %jit3A_1848, %jit3A_1845 : i32
        %rem3A_1850 = arith.remsi %add3A, %select_n3A_1849 : i32
        %ne3A_1851 = arith.constant 0 : i32
        %ne3A_1852 = arith.cmpi ne, %rem3A_1850, %ne3A_1851 : i32
        %lt3A_1853 = arith.constant 0 : i32
        %lt3A_1854 = arith.cmpi slt, %rem3A_1850, %lt3A_1853 : i32
        %lt3A_1855 = arith.constant 0 : i32
        %lt3A_1856 = arith.cmpi slt, %select_n3A_1849, %lt3A_1855 : i32
        %ne3A_1857 = arith.xori %lt3A_1854, %lt3A_1856 : i1
        %and3A_1858 = arith.andi %ne3A_1857, %ne3A_1852 : i1
        %add3A_1859 = arith.addi %rem3A_1850, %select_n3A_1849 : i32
        %select_n3A_1860 = arith.select %and3A_1858, %add3A_1859, %rem3A_1850 : i32
        %mul3A_1861 = arith.constant 16384 : i32
        %mul3A_1862 = arith.muli %arg1, %mul3A_1861 : i32
        %dma_wait3A_1863 = tpu.memref_slice %arg23[%mul3A_1862] : memref<262144xf32, #tpu.memory_space<vmem_shared>> -> memref<16384xf32, #tpu.memory_space<vmem_shared>>
        %dma_wait3A_1864 = arith.constant 0 : i32
        %dma_wait3A_1865 = tpu.memref_slice %arg5[%select_n3A_1844, %select_n3A_1860, %dma_wait3A_1864] : memref<4x8x1000000xf32, #tpu.memory_space<hbm>> -> memref<1x1x16384xf32, #tpu.memory_space<hbm>>
        %dma_wait3A_1866 = tpu.memref_squeeze %dma_wait3A_1865 : memref<1x1x16384xf32, #tpu.memory_space<hbm>> -> memref<16384xf32, #tpu.memory_space<hbm>>
        tpu.wait_dma2 semaphore(%arg25 : memref<!tpu.dma_semaphore, #tpu.memory_space<semaphore_mem>>) src(%dma_wait3A_1866 : memref<16384xf32, #tpu.memory_space<hbm>>) dst(%dma_wait3A_1863 : memref<16384xf32, #tpu.memory_space<vmem_shared>>)
      } else {
      }
      %lt3A_1759 = arith.constant 30 : i32
      %lt3A_1760 = arith.cmpi slt, %scan3A_1658, %lt3A_1759 : i32
      %convert_element_type3A_1761 = arith.extui %lt3A_1760 : i1 to i32
      %cond3A_1762 = arith.constant 0 : i32
      %cond3A_1763 = arith.cmpi ne, %convert_element_type3A_1761, %cond3A_1762 : i32
      scf.if %cond3A_1763 {
        %barrier3A_1770 = arith.constant 0 : index
        tpu.barrier barrier_id(%barrier3A_1770)
        %mul3A_1771 = arith.constant 2 : i32
        %mul3A_1772 = arith.muli %mul3A_1771, %scan3A_1658 : i32
        %add3A_1773 = arith.constant 1 : i32
        %add3A_1774 = arith.addi %mul3A_1772, %add3A_1773 : i32
        %get3A_1775 = arith.index_cast %add3A_1774 : i32 to index
        %get3A_1776 = tpu.vector_load %arg16[%get3A_1775] {strides = array<i32>} : memref<144xi32, #tpu.memory_space<vmem>>, vector<16xi32>,
        %slice3A_1777 = vector.extract_strided_slice %get3A_1776 {offsets = [0], sizes = [1], strides = [1]} : vector<16xi32> to vector<1xi32>
        %squeeze3A_1778 = vector.extract %slice3A_1777[0] : i32 from vector<1xi32>
        %slice3A_1779 = vector.extract_strided_slice %get3A_1776 {offsets = [1], sizes = [1], strides = [1]} : vector<16xi32> to vector<1xi32>
        %squeeze3A_1780 = vector.extract %slice3A_1779[0] : i32 from vector<1xi32>
        %sub3A_1781 = arith.subi %squeeze3A_1780, %squeeze3A_1778 : i32
        %add3A_1782 = arith.constant 16 : i32
        %add3A_1783 = arith.addi %sub3A_1781, %add3A_1782 : i32
        %sub3A_1784 = arith.constant 1 : i32
        %sub3A_1785 = arith.subi %add3A_1783, %sub3A_1784 : i32
        %jit3A_1786 = arith.constant 16 : i32
        %div3A_1787 = arith.divsi %sub3A_1785, %jit3A_1786 : i32
        %sign3A_1788 = arith.constant 0 : i32
        %sign3A_1789 = arith.cmpi sgt, %sub3A_1785, %sign3A_1788 : i32
        %sign3A_1790 = arith.extui %sign3A_1789 : i1 to i32
        %sign3A_1791 = arith.constant 0 : i32
        %sign3A_1792 = arith.cmpi slt, %sub3A_1785, %sign3A_1791 : i32
        %sign3A_1793 = arith.extui %sign3A_1792 : i1 to i32
        %sign3A_1794 = arith.subi %sign3A_1790, %sign3A_1793 : i32
        %sign3A_1795 = arith.constant 0 : i32
        %sign3A_1796 = arith.cmpi sgt, %jit3A_1786, %sign3A_1795 : i32
        %sign3A_1797 = arith.extui %sign3A_1796 : i1 to i32
        %sign3A_1798 = arith.constant 0 : i32
        %sign3A_1799 = arith.cmpi slt, %jit3A_1786, %sign3A_1798 : i32
        %sign3A_1800 = arith.extui %sign3A_1799 : i1 to i32
        %sign3A_1801 = arith.subi %sign3A_1797, %sign3A_1800 : i32
        %ne3A_1802 = arith.cmpi ne, %sign3A_1794, %sign3A_1801 : i32
        %rem3A_1803 = arith.remsi %sub3A_1785, %jit3A_1786 : i32
        %ne3A_1804 = arith.constant 0 : i32
        %ne3A_1805 = arith.cmpi ne, %rem3A_1803, %ne3A_1804 : i32
        %and3A_1806 = arith.andi %ne3A_1802, %ne3A_1805 : i1
        %sub3A_1807 = arith.constant 1 : i32
        %sub3A_1808 = arith.subi %div3A_1787, %sub3A_1807 : i32
        %select_n3A_1809 = arith.select %and3A_1806, %sub3A_1808, %div3A_1787 : i32
        %while3A_1810 = arith.constant 0 : i32
        %while3A_1811 = arith.constant 0 : i32
        %while3A_1812 = arith.subi %select_n3A_1809, %while3A_1810 : i32
        %while3A_1813 = arith.addi %while3A_1810, %while3A_1812 : i32
        %while3A_1814 = arith.constant 1 : i32
        %while3A_1815 = arith.divsi %while3A_1812, %while3A_1814 : i32
        %while3A_1816 = arith.muli %while3A_1815, %while3A_1814 : i32
        %while3A_1817 = arith.addi %while3A_1810, %while3A_1816 : i32
        %while3A_1818 = arith.constant 1 : i32
        %while3A_1819 = scf.for %while3A_1823 = %while3A_1810 to %while3A_1817 step %while3A_1818 iter_args(%while3A_1824 = %while3A_1811) -> (i32)  : i32 {
          %mul3A_1825 = arith.constant 16 : i32
          %mul3A_1826 = arith.muli %while3A_1823, %mul3A_1825 : i32
          %add3A_1827 = arith.addi %squeeze3A_1778, %mul3A_1826 : i32
          %get3A_1828 = arith.index_cast %add3A_1827 : i32 to index
          %get3A_1829 = tpu.vector_load %arg19[%get3A_1828] {strides = array<i32>} : memref<2064xi32, #tpu.memory_space<vmem>>, vector<16xi32>,
          %add3A_1830 = vector.broadcast %add3A_1827 : i32 to vector<16xi32>
          %add3A_1831 = arith.addi %add3A_1830, %iota3A : vector<16xi32>
          %lt3A_1832 = vector.broadcast %squeeze3A_1780 : i32 to vector<16xi32>
          %lt3A_1833 = arith.cmpi slt, %add3A_1831, %lt3A_1832 : vector<16xi32>
          %shift_right_arithmetic3A = arith.constant 11 : i32
          %shift_right_arithmetic3A_1834 = vector.broadcast %shift_right_arithmetic3A : i32 to vector<16xi32>
          %shift_right_arithmetic3A_1835 = arith.shrsi %get3A_1829, %shift_right_arithmetic3A_1834 : vector<16xi32>
          %and3A_1836 = arith.constant 16383 : i32
          %and3A_1837 = vector.broadcast %and3A_1836 : i32 to vector<16xi32>
          %and3A_1838 = arith.andi %shift_right_arithmetic3A_1835, %and3A_1837 : vector<16xi32>
          %and3A_1839 = arith.constant 2047 : i32
          %and3A_1840 = vector.broadcast %and3A_1839 : i32 to vector<16xi32>
          %and3A_1841 = arith.andi %get3A_1829, %and3A_1840 : vector<16xi32>
          %add3A_1842 = arith.constant 0 : i32
          %add3A_1843 = vector.broadcast %add3A_1842 : i32 to vector<16xi32>
          %add3A_1844 = arith.addi %and3A_1838, %add3A_1843 : vector<16xi32>
          %swap3A_1845 = arith.constant 0 : index
          %swap3A_1846 = tpu.vector_load %arg20[%swap3A_1845] {strides = array<i32>} : memref<256xi32, #tpu.memory_space<vmem>>, vector<16xi32>,
          tpu.vector_store %arg20[%swap3A_1845], %add3A_1844 {strides = array<i32>} : memref<256xi32, #tpu.memory_space<vmem>>, vector<16xi32>,
          %add3A_1847 = arith.constant 16384 : i32
          %add3A_1848 = vector.broadcast %add3A_1847 : i32 to vector<16xi32>
          %add3A_1849 = arith.addi %and3A_1838, %add3A_1848 : vector<16xi32>
          %swap3A_1850 = arith.constant 16 : index
          %swap3A_1851 = tpu.vector_load %arg20[%swap3A_1850] {strides = array<i32>} : memref<256xi32, #tpu.memory_space<vmem>>, vector<16xi32>,
          tpu.vector_store %arg20[%swap3A_1850], %add3A_1849 {strides = array<i32>} : memref<256xi32, #tpu.memory_space<vmem>>, vector<16xi32>,
          %add3A_1852 = arith.constant 32768 : i32
          %add3A_1853 = vector.broadcast %add3A_1852 : i32 to vector<16xi32>
          %add3A_1854 = arith.addi %and3A_1838, %add3A_1853 : vector<16xi32>
          %swap3A_1855 = arith.constant 32 : index
          %swap3A_1856 = tpu.vector_load %arg20[%swap3A_1855] {strides = array<i32>} : memref<256xi32, #tpu.memory_space<vmem>>, vector<16xi32>,
          tpu.vector_store %arg20[%swap3A_1855], %add3A_1854 {strides = array<i32>} : memref<256xi32, #tpu.memory_space<vmem>>, vector<16xi32>,
          %add3A_1857 = arith.constant 49152 : i32
          %add3A_1858 = vector.broadcast %add3A_1857 : i32 to vector<16xi32>
          %add3A_1859 = arith.addi %and3A_1838, %add3A_1858 : vector<16xi32>
          %swap3A_1860 = arith.constant 48 : index
          %swap3A_1861 = tpu.vector_load %arg20[%swap3A_1860] {strides = array<i32>} : memref<256xi32, #tpu.memory_space<vmem>>, vector<16xi32>,
          tpu.vector_store %arg20[%swap3A_1860], %add3A_1859 {strides = array<i32>} : memref<256xi32, #tpu.memory_space<vmem>>, vector<16xi32>,
          %add3A_1862 = arith.constant 65536 : i32
          %add3A_1863 = vector.broadcast %add3A_1862 : i32 to vector<16xi32>
          %add3A_1864 = arith.addi %and3A_1838, %add3A_1863 : vector<16xi32>
          %swap3A_1865 = arith.constant 64 : index
          %swap3A_1866 = tpu.vector_load %arg20[%swap3A_1865] {strides = array<i32>} : memref<256xi32, #tpu.memory_space<vmem>>, vector<16xi32>,
          tpu.vector_store %arg20[%swap3A_1865], %add3A_1864 {strides = array<i32>} : memref<256xi32, #tpu.memory_space<vmem>>, vector<16xi32>,
          %add3A_1867 = arith.constant 81920 : i32
          %add3A_1868 = vector.broadcast %add3A_1867 : i32 to vector<16xi32>
          %add3A_1869 = arith.addi %and3A_1838, %add3A_1868 : vector<16xi32>
          %swap3A_1870 = arith.constant 80 : index
          %swap3A_1871 = tpu.vector_load %arg20[%swap3A_1870] {strides = array<i32>} : memref<256xi32, #tpu.memory_space<vmem>>, vector<16xi32>,
          tpu.vector_store %arg20[%swap3A_1870], %add3A_1869 {strides = array<i32>} : memref<256xi32, #tpu.memory_space<vmem>>, vector<16xi32>,
          %add3A_1872 = arith.constant 98304 : i32
          %add3A_1873 = vector.broadcast %add3A_1872 : i32 to vector<16xi32>
          %add3A_1874 = arith.addi %and3A_1838, %add3A_1873 : vector<16xi32>
          %swap3A_1875 = arith.constant 96 : index
          %swap3A_1876 = tpu.vector_load %arg20[%swap3A_1875] {strides = array<i32>} : memref<256xi32, #tpu.memory_space<vmem>>, vector<16xi32>,
          tpu.vector_store %arg20[%swap3A_1875], %add3A_1874 {strides = array<i32>} : memref<256xi32, #tpu.memory_space<vmem>>, vector<16xi32>,
          %add3A_1877 = arith.constant 114688 : i32
          %add3A_1878 = vector.broadcast %add3A_1877 : i32 to vector<16xi32>
          %add3A_1879 = arith.addi %and3A_1838, %add3A_1878 : vector<16xi32>
          %swap3A_1880 = arith.constant 112 : index
          %swap3A_1881 = tpu.vector_load %arg20[%swap3A_1880] {strides = array<i32>} : memref<256xi32, #tpu.memory_space<vmem>>, vector<16xi32>,
          tpu.vector_store %arg20[%swap3A_1880], %add3A_1879 {strides = array<i32>} : memref<256xi32, #tpu.memory_space<vmem>>, vector<16xi32>,
          %add3A_1882 = arith.constant 131072 : i32
          %add3A_1883 = vector.broadcast %add3A_1882 : i32 to vector<16xi32>
          %add3A_1884 = arith.addi %and3A_1838, %add3A_1883 : vector<16xi32>
          %swap3A_1885 = arith.constant 128 : index
          %swap3A_1886 = tpu.vector_load %arg20[%swap3A_1885] {strides = array<i32>} : memref<256xi32, #tpu.memory_space<vmem>>, vector<16xi32>,
          tpu.vector_store %arg20[%swap3A_1885], %add3A_1884 {strides = array<i32>} : memref<256xi32, #tpu.memory_space<vmem>>, vector<16xi32>,
          %add3A_1887 = arith.constant 147456 : i32
          %add3A_1888 = vector.broadcast %add3A_1887 : i32 to vector<16xi32>
          %add3A_1889 = arith.addi %and3A_1838, %add3A_1888 : vector<16xi32>
          %swap3A_1890 = arith.constant 144 : index
          %swap3A_1891 = tpu.vector_load %arg20[%swap3A_1890] {strides = array<i32>} : memref<256xi32, #tpu.memory_space<vmem>>, vector<16xi32>,
          tpu.vector_store %arg20[%swap3A_1890], %add3A_1889 {strides = array<i32>} : memref<256xi32, #tpu.memory_space<vmem>>, vector<16xi32>,
          %add3A_1892 = arith.constant 163840 : i32
          %add3A_1893 = vector.broadcast %add3A_1892 : i32 to vector<16xi32>
          %add3A_1894 = arith.addi %and3A_1838, %add3A_1893 : vector<16xi32>
          %swap3A_1895 = arith.constant 160 : index
          %swap3A_1896 = tpu.vector_load %arg20[%swap3A_1895] {strides = array<i32>} : memref<256xi32, #tpu.memory_space<vmem>>, vector<16xi32>,
          tpu.vector_store %arg20[%swap3A_1895], %add3A_1894 {strides = array<i32>} : memref<256xi32, #tpu.memory_space<vmem>>, vector<16xi32>,
          %add3A_1897 = arith.constant 180224 : i32
          %add3A_1898 = vector.broadcast %add3A_1897 : i32 to vector<16xi32>
          %add3A_1899 = arith.addi %and3A_1838, %add3A_1898 : vector<16xi32>
          %swap3A_1900 = arith.constant 176 : index
          %swap3A_1901 = tpu.vector_load %arg20[%swap3A_1900] {strides = array<i32>} : memref<256xi32, #tpu.memory_space<vmem>>, vector<16xi32>,
          tpu.vector_store %arg20[%swap3A_1900], %add3A_1899 {strides = array<i32>} : memref<256xi32, #tpu.memory_space<vmem>>, vector<16xi32>,
          %add3A_1902 = arith.constant 196608 : i32
          %add3A_1903 = vector.broadcast %add3A_1902 : i32 to vector<16xi32>
          %add3A_1904 = arith.addi %and3A_1838, %add3A_1903 : vector<16xi32>
          %swap3A_1905 = arith.constant 192 : index
          %swap3A_1906 = tpu.vector_load %arg20[%swap3A_1905] {strides = array<i32>} : memref<256xi32, #tpu.memory_space<vmem>>, vector<16xi32>,
          tpu.vector_store %arg20[%swap3A_1905], %add3A_1904 {strides = array<i32>} : memref<256xi32, #tpu.memory_space<vmem>>, vector<16xi32>,
          %add3A_1907 = arith.constant 212992 : i32
          %add3A_1908 = vector.broadcast %add3A_1907 : i32 to vector<16xi32>
          %add3A_1909 = arith.addi %and3A_1838, %add3A_1908 : vector<16xi32>
          %swap3A_1910 = arith.constant 208 : index
          %swap3A_1911 = tpu.vector_load %arg20[%swap3A_1910] {strides = array<i32>} : memref<256xi32, #tpu.memory_space<vmem>>, vector<16xi32>,
          tpu.vector_store %arg20[%swap3A_1910], %add3A_1909 {strides = array<i32>} : memref<256xi32, #tpu.memory_space<vmem>>, vector<16xi32>,
          %add3A_1912 = arith.constant 229376 : i32
          %add3A_1913 = vector.broadcast %add3A_1912 : i32 to vector<16xi32>
          %add3A_1914 = arith.addi %and3A_1838, %add3A_1913 : vector<16xi32>
          %swap3A_1915 = arith.constant 224 : index
          %swap3A_1916 = tpu.vector_load %arg20[%swap3A_1915] {strides = array<i32>} : memref<256xi32, #tpu.memory_space<vmem>>, vector<16xi32>,
          tpu.vector_store %arg20[%swap3A_1915], %add3A_1914 {strides = array<i32>} : memref<256xi32, #tpu.memory_space<vmem>>, vector<16xi32>,
          %add3A_1917 = arith.constant 245760 : i32
          %add3A_1918 = vector.broadcast %add3A_1917 : i32 to vector<16xi32>
          %add3A_1919 = arith.addi %and3A_1838, %add3A_1918 : vector<16xi32>
          %swap3A_1920 = arith.constant 240 : index
          %swap3A_1921 = tpu.vector_load %arg20[%swap3A_1920] {strides = array<i32>} : memref<256xi32, #tpu.memory_space<vmem>>, vector<16xi32>,
          tpu.vector_store %arg20[%swap3A_1920], %add3A_1919 {strides = array<i32>} : memref<256xi32, #tpu.memory_space<vmem>>, vector<16xi32>,
          %dma_start3A_1922 = arith.constant 0 : i32
          %dma_start3A_1923 = tpu.memref_slice %arg21[%dma_start3A_1922] : memref<256xf32, #tpu.memory_space<vmem>> -> memref<128xf32, #tpu.memory_space<vmem>>
          %dma_start3A_1924 = arith.constant 0 : i32
          %dma_start3A_1925 = tpu.memref_slice %arg20[%dma_start3A_1924] : memref<256xi32, #tpu.memory_space<vmem>> -> memref<128xi32, #tpu.memory_space<vmem>>
          %dma_start3A_1926 = arith.constant 0 : i32
          %dma_start3A_1927 = tpu.memref_slice %arg23[%dma_start3A_1926] : memref<262144xf32, #tpu.memory_space<vmem_shared>> -> memref<262144xf32, #tpu.memory_space<vmem_shared>>
          tpu.enqueue_indirect_dma source(%dma_start3A_1927 : memref<262144xf32, #tpu.memory_space<vmem_shared>>) target(%dma_start3A_1923 : memref<128xf32, #tpu.memory_space<vmem>>) offsets(%dma_start3A_1925 : memref<128xi32, #tpu.memory_space<vmem>>) semaphore(%arg26 : memref<!tpu.dma_semaphore, #tpu.memory_space<semaphore_mem>>)
          %dma_start3A_1928 = arith.constant 128 : i32
          %dma_start3A_1929 = tpu.memref_slice %arg21[%dma_start3A_1928] : memref<256xf32, #tpu.memory_space<vmem>> -> memref<128xf32, #tpu.memory_space<vmem>>
          %dma_start3A_1930 = arith.constant 128 : i32
          %dma_start3A_1931 = tpu.memref_slice %arg20[%dma_start3A_1930] : memref<256xi32, #tpu.memory_space<vmem>> -> memref<128xi32, #tpu.memory_space<vmem>>
          %dma_start3A_1932 = arith.constant 0 : i32
          %dma_start3A_1933 = tpu.memref_slice %arg23[%dma_start3A_1932] : memref<262144xf32, #tpu.memory_space<vmem_shared>> -> memref<262144xf32, #tpu.memory_space<vmem_shared>>
          tpu.enqueue_indirect_dma source(%dma_start3A_1933 : memref<262144xf32, #tpu.memory_space<vmem_shared>>) target(%dma_start3A_1929 : memref<128xf32, #tpu.memory_space<vmem>>) offsets(%dma_start3A_1931 : memref<128xi32, #tpu.memory_space<vmem>>) semaphore(%arg26 : memref<!tpu.dma_semaphore, #tpu.memory_space<semaphore_mem>>)
          %dma_wait3A_1934 = arith.constant 0 : i32
          %dma_wait3A_1935 = tpu.memref_slice %arg21[%dma_wait3A_1934] : memref<256xf32, #tpu.memory_space<vmem>> -> memref<128xf32, #tpu.memory_space<vmem>>
          %dma_wait3A_1936 = arith.constant 0 : i32
          %dma_wait3A_1937 = tpu.memref_slice %arg20[%dma_wait3A_1936] : memref<256xi32, #tpu.memory_space<vmem>> -> memref<128xi32, #tpu.memory_space<vmem>>
          %dma_wait3A_1938 = arith.constant 0 : i32
          %dma_wait3A_1939 = tpu.memref_slice %arg23[%dma_wait3A_1938] : memref<262144xf32, #tpu.memory_space<vmem_shared>> -> memref<262144xf32, #tpu.memory_space<vmem_shared>>
          tpu.wait_indirect_dma semaphore(%arg26 : memref<!tpu.dma_semaphore, #tpu.memory_space<semaphore_mem>>) src(%dma_wait3A_1939 : memref<262144xf32, #tpu.memory_space<vmem_shared>>) dst(%dma_wait3A_1935 : memref<128xf32, #tpu.memory_space<vmem>>)
          %dma_wait3A_1940 = arith.constant 128 : i32
          %dma_wait3A_1941 = tpu.memref_slice %arg21[%dma_wait3A_1940] : memref<256xf32, #tpu.memory_space<vmem>> -> memref<128xf32, #tpu.memory_space<vmem>>
          %dma_wait3A_1942 = arith.constant 128 : i32
          %dma_wait3A_1943 = tpu.memref_slice %arg20[%dma_wait3A_1942] : memref<256xi32, #tpu.memory_space<vmem>> -> memref<128xi32, #tpu.memory_space<vmem>>
          %dma_wait3A_1944 = arith.constant 0 : i32
          %dma_wait3A_1945 = tpu.memref_slice %arg23[%dma_wait3A_1944] : memref<262144xf32, #tpu.memory_space<vmem_shared>> -> memref<262144xf32, #tpu.memory_space<vmem_shared>>
          tpu.wait_indirect_dma semaphore(%arg26 : memref<!tpu.dma_semaphore, #tpu.memory_space<semaphore_mem>>) src(%dma_wait3A_1945 : memref<262144xf32, #tpu.memory_space<vmem_shared>>) dst(%dma_wait3A_1941 : memref<128xf32, #tpu.memory_space<vmem>>)
          %ge3A = arith.constant 1024 : i32
          %ge3A_1946 = vector.broadcast %ge3A : i32 to vector<16xi32>
          %ge3A_1947 = arith.cmpi sge, %and3A_1841, %ge3A_1946 : vector<16xi32>
          %jit3A_1948 = arith.constant 15360 : i32
          %jit3A_1949 = arith.constant 0 : i32
          %broadcast_in_dim3A_1950 = vector.broadcast %jit3A_1948 : i32 to vector<16xi32>
          %broadcast_in_dim3A_1951 = vector.broadcast %jit3A_1949 : i32 to vector<16xi32>
          %select_n3A_1952 = arith.select %ge3A_1947, %broadcast_in_dim3A_1950, %broadcast_in_dim3A_1951 : vector<16xi1>, vector<16xi32>
          %add3A_1953 = arith.addi %and3A_1841, %select_n3A_1952 : vector<16xi32>
          %get3A_1954 = arith.constant 0 : index
          %get3A_1955 = tpu.vector_load %arg21[%get3A_1954] {strides = array<i32>} : memref<256xf32, #tpu.memory_space<vmem>>, vector<16xf32>,
          %add3A_1956 = arith.constant 0 : i32
          %add3A_1957 = vector.broadcast %add3A_1956 : i32 to vector<16xi32>
          %add3A_1958 = arith.addi %add3A_1953, %add3A_1957 : vector<16xi32>
          tpu.vector_store_idx %arg12[%add3A_1958], %get3A_1955 masked %lt3A_1833 : memref<32768xf32, #tpu.memory_space<vmem>>[vector<16xi32>], vector<16xf32>, vector<16xi1>
          %get3A_1959 = arith.constant 16 : index
          %get3A_1960 = tpu.vector_load %arg21[%get3A_1959] {strides = array<i32>} : memref<256xf32, #tpu.memory_space<vmem>>, vector<16xf32>,
          %add3A_1961 = arith.constant 1024 : i32
          %add3A_1962 = vector.broadcast %add3A_1961 : i32 to vector<16xi32>
          %add3A_1963 = arith.addi %add3A_1953, %add3A_1962 : vector<16xi32>
          tpu.vector_store_idx %arg12[%add3A_1963], %get3A_1960 masked %lt3A_1833 : memref<32768xf32, #tpu.memory_space<vmem>>[vector<16xi32>], vector<16xf32>, vector<16xi1>
          %get3A_1964 = arith.constant 32 : index
          %get3A_1965 = tpu.vector_load %arg21[%get3A_1964] {strides = array<i32>} : memref<256xf32, #tpu.memory_space<vmem>>, vector<16xf32>,
          %add3A_1966 = arith.constant 2048 : i32
          %add3A_1967 = vector.broadcast %add3A_1966 : i32 to vector<16xi32>
          %add3A_1968 = arith.addi %add3A_1953, %add3A_1967 : vector<16xi32>
          tpu.vector_store_idx %arg12[%add3A_1968], %get3A_1965 masked %lt3A_1833 : memref<32768xf32, #tpu.memory_space<vmem>>[vector<16xi32>], vector<16xf32>, vector<16xi1>
          %get3A_1969 = arith.constant 48 : index
          %get3A_1970 = tpu.vector_load %arg21[%get3A_1969] {strides = array<i32>} : memref<256xf32, #tpu.memory_space<vmem>>, vector<16xf32>,
          %add3A_1971 = arith.constant 3072 : i32
          %add3A_1972 = vector.broadcast %add3A_1971 : i32 to vector<16xi32>
          %add3A_1973 = arith.addi %add3A_1953, %add3A_1972 : vector<16xi32>
          tpu.vector_store_idx %arg12[%add3A_1973], %get3A_1970 masked %lt3A_1833 : memref<32768xf32, #tpu.memory_space<vmem>>[vector<16xi32>], vector<16xf32>, vector<16xi1>
          %get3A_1974 = arith.constant 64 : index
          %get3A_1975 = tpu.vector_load %arg21[%get3A_1974] {strides = array<i32>} : memref<256xf32, #tpu.memory_space<vmem>>, vector<16xf32>,
          %add3A_1976 = arith.constant 4096 : i32
          %add3A_1977 = vector.broadcast %add3A_1976 : i32 to vector<16xi32>
          %add3A_1978 = arith.addi %add3A_1953, %add3A_1977 : vector<16xi32>
          tpu.vector_store_idx %arg12[%add3A_1978], %get3A_1975 masked %lt3A_1833 : memref<32768xf32, #tpu.memory_space<vmem>>[vector<16xi32>], vector<16xf32>, vector<16xi1>
          %get3A_1979 = arith.constant 80 : index
          %get3A_1980 = tpu.vector_load %arg21[%get3A_1979] {strides = array<i32>} : memref<256xf32, #tpu.memory_space<vmem>>, vector<16xf32>,
          %add3A_1981 = arith.constant 5120 : i32
          %add3A_1982 = vector.broadcast %add3A_1981 : i32 to vector<16xi32>
          %add3A_1983 = arith.addi %add3A_1953, %add3A_1982 : vector<16xi32>
          tpu.vector_store_idx %arg12[%add3A_1983], %get3A_1980 masked %lt3A_1833 : memref<32768xf32, #tpu.memory_space<vmem>>[vector<16xi32>], vector<16xf32>, vector<16xi1>
          %get3A_1984 = arith.constant 96 : index
          %get3A_1985 = tpu.vector_load %arg21[%get3A_1984] {strides = array<i32>} : memref<256xf32, #tpu.memory_space<vmem>>, vector<16xf32>,
          %add3A_1986 = arith.constant 6144 : i32
          %add3A_1987 = vector.broadcast %add3A_1986 : i32 to vector<16xi32>
          %add3A_1988 = arith.addi %add3A_1953, %add3A_1987 : vector<16xi32>
          tpu.vector_store_idx %arg12[%add3A_1988], %get3A_1985 masked %lt3A_1833 : memref<32768xf32, #tpu.memory_space<vmem>>[vector<16xi32>], vector<16xf32>, vector<16xi1>
          %get3A_1989 = arith.constant 112 : index
          %get3A_1990 = tpu.vector_load %arg21[%get3A_1989] {strides = array<i32>} : memref<256xf32, #tpu.memory_space<vmem>>, vector<16xf32>,
          %add3A_1991 = arith.constant 7168 : i32
          %add3A_1992 = vector.broadcast %add3A_1991 : i32 to vector<16xi32>
          %add3A_1993 = arith.addi %add3A_1953, %add3A_1992 : vector<16xi32>
          tpu.vector_store_idx %arg12[%add3A_1993], %get3A_1990 masked %lt3A_1833 : memref<32768xf32, #tpu.memory_space<vmem>>[vector<16xi32>], vector<16xf32>, vector<16xi1>
          %get3A_1994 = arith.constant 128 : index
          %get3A_1995 = tpu.vector_load %arg21[%get3A_1994] {strides = array<i32>} : memref<256xf32, #tpu.memory_space<vmem>>, vector<16xf32>,
          %add3A_1996 = arith.constant 8192 : i32
          %add3A_1997 = vector.broadcast %add3A_1996 : i32 to vector<16xi32>
          %add3A_1998 = arith.addi %add3A_1953, %add3A_1997 : vector<16xi32>
          tpu.vector_store_idx %arg12[%add3A_1998], %get3A_1995 masked %lt3A_1833 : memref<32768xf32, #tpu.memory_space<vmem>>[vector<16xi32>], vector<16xf32>, vector<16xi1>
          %get3A_1999 = arith.constant 144 : index
          %get3A_2000 = tpu.vector_load %arg21[%get3A_1999] {strides = array<i32>} : memref<256xf32, #tpu.memory_space<vmem>>, vector<16xf32>,
          %add3A_2001 = arith.constant 9216 : i32
          %add3A_2002 = vector.broadcast %add3A_2001 : i32 to vector<16xi32>
          %add3A_2003 = arith.addi %add3A_1953, %add3A_2002 : vector<16xi32>
          tpu.vector_store_idx %arg12[%add3A_2003], %get3A_2000 masked %lt3A_1833 : memref<32768xf32, #tpu.memory_space<vmem>>[vector<16xi32>], vector<16xf32>, vector<16xi1>
          %get3A_2004 = arith.constant 160 : index
          %get3A_2005 = tpu.vector_load %arg21[%get3A_2004] {strides = array<i32>} : memref<256xf32, #tpu.memory_space<vmem>>, vector<16xf32>,
          %add3A_2006 = arith.constant 10240 : i32
          %add3A_2007 = vector.broadcast %add3A_2006 : i32 to vector<16xi32>
          %add3A_2008 = arith.addi %add3A_1953, %add3A_2007 : vector<16xi32>
          tpu.vector_store_idx %arg12[%add3A_2008], %get3A_2005 masked %lt3A_1833 : memref<32768xf32, #tpu.memory_space<vmem>>[vector<16xi32>], vector<16xf32>, vector<16xi1>
          %get3A_2009 = arith.constant 176 : index
          %get3A_2010 = tpu.vector_load %arg21[%get3A_2009] {strides = array<i32>} : memref<256xf32, #tpu.memory_space<vmem>>, vector<16xf32>,
          %add3A_2011 = arith.constant 11264 : i32
          %add3A_2012 = vector.broadcast %add3A_2011 : i32 to vector<16xi32>
          %add3A_2013 = arith.addi %add3A_1953, %add3A_2012 : vector<16xi32>
          tpu.vector_store_idx %arg12[%add3A_2013], %get3A_2010 masked %lt3A_1833 : memref<32768xf32, #tpu.memory_space<vmem>>[vector<16xi32>], vector<16xf32>, vector<16xi1>
          %get3A_2014 = arith.constant 192 : index
          %get3A_2015 = tpu.vector_load %arg21[%get3A_2014] {strides = array<i32>} : memref<256xf32, #tpu.memory_space<vmem>>, vector<16xf32>,
          %add3A_2016 = arith.constant 12288 : i32
          %add3A_2017 = vector.broadcast %add3A_2016 : i32 to vector<16xi32>
          %add3A_2018 = arith.addi %add3A_1953, %add3A_2017 : vector<16xi32>
          tpu.vector_store_idx %arg12[%add3A_2018], %get3A_2015 masked %lt3A_1833 : memref<32768xf32, #tpu.memory_space<vmem>>[vector<16xi32>], vector<16xf32>, vector<16xi1>
          %get3A_2019 = arith.constant 208 : index
          %get3A_2020 = tpu.vector_load %arg21[%get3A_2019] {strides = array<i32>} : memref<256xf32, #tpu.memory_space<vmem>>, vector<16xf32>,
          %add3A_2021 = arith.constant 13312 : i32
          %add3A_2022 = vector.broadcast %add3A_2021 : i32 to vector<16xi32>
          %add3A_2023 = arith.addi %add3A_1953, %add3A_2022 : vector<16xi32>
          tpu.vector_store_idx %arg12[%add3A_2023], %get3A_2020 masked %lt3A_1833 : memref<32768xf32, #tpu.memory_space<vmem>>[vector<16xi32>], vector<16xf32>, vector<16xi1>
          %get3A_2024 = arith.constant 224 : index
          %get3A_2025 = tpu.vector_load %arg21[%get3A_2024] {strides = array<i32>} : memref<256xf32, #tpu.memory_space<vmem>>, vector<16xf32>,
          %add3A_2026 = arith.constant 14336 : i32
          %add3A_2027 = vector.broadcast %add3A_2026 : i32 to vector<16xi32>
          %add3A_2028 = arith.addi %add3A_1953, %add3A_2027 : vector<16xi32>
          tpu.vector_store_idx %arg12[%add3A_2028], %get3A_2025 masked %lt3A_1833 : memref<32768xf32, #tpu.memory_space<vmem>>[vector<16xi32>], vector<16xf32>, vector<16xi1>
          %get3A_2029 = arith.constant 240 : index
          %get3A_2030 = tpu.vector_load %arg21[%get3A_2029] {strides = array<i32>} : memref<256xf32, #tpu.memory_space<vmem>>, vector<16xf32>,
          %add3A_2031 = arith.constant 15360 : i32
          %add3A_2032 = vector.broadcast %add3A_2031 : i32 to vector<16xi32>
          %add3A_2033 = arith.addi %add3A_1953, %add3A_2032 : vector<16xi32>
          tpu.vector_store_idx %arg12[%add3A_2033], %get3A_2030 masked %lt3A_1833 : memref<32768xf32, #tpu.memory_space<vmem>>[vector<16xi32>], vector<16xf32>, vector<16xi1>
          %while3A_2034 = arith.constant 0 : i32
          scf.yield %while3A_2034 : i32
        }
        %while3A_1820 = arith.constant 1 : i32
        %while3A_1821 = scf.for %while3A_1823 = %while3A_1817 to %while3A_1813 step %while3A_1820 iter_args(%while3A_1824 = %while3A_1819) -> (i32)  : i32 {
          %mul3A_1825 = arith.constant 16 : i32
          %mul3A_1826 = arith.muli %while3A_1823, %mul3A_1825 : i32
          %add3A_1827 = arith.addi %squeeze3A_1778, %mul3A_1826 : i32
          %get3A_1828 = arith.index_cast %add3A_1827 : i32 to index
          %get3A_1829 = tpu.vector_load %arg19[%get3A_1828] {strides = array<i32>} : memref<2064xi32, #tpu.memory_space<vmem>>, vector<16xi32>,
          %add3A_1830 = vector.broadcast %add3A_1827 : i32 to vector<16xi32>
          %add3A_1831 = arith.addi %add3A_1830, %iota3A : vector<16xi32>
          %lt3A_1832 = vector.broadcast %squeeze3A_1780 : i32 to vector<16xi32>
          %lt3A_1833 = arith.cmpi slt, %add3A_1831, %lt3A_1832 : vector<16xi32>
          %shift_right_arithmetic3A = arith.constant 11 : i32
          %shift_right_arithmetic3A_1834 = vector.broadcast %shift_right_arithmetic3A : i32 to vector<16xi32>
          %shift_right_arithmetic3A_1835 = arith.shrsi %get3A_1829, %shift_right_arithmetic3A_1834 : vector<16xi32>
          %and3A_1836 = arith.constant 16383 : i32
          %and3A_1837 = vector.broadcast %and3A_1836 : i32 to vector<16xi32>
          %and3A_1838 = arith.andi %shift_right_arithmetic3A_1835, %and3A_1837 : vector<16xi32>
          %and3A_1839 = arith.constant 2047 : i32
          %and3A_1840 = vector.broadcast %and3A_1839 : i32 to vector<16xi32>
          %and3A_1841 = arith.andi %get3A_1829, %and3A_1840 : vector<16xi32>
          %add3A_1842 = arith.constant 0 : i32
          %add3A_1843 = vector.broadcast %add3A_1842 : i32 to vector<16xi32>
          %add3A_1844 = arith.addi %and3A_1838, %add3A_1843 : vector<16xi32>
          %swap3A_1845 = arith.constant 0 : index
          %swap3A_1846 = tpu.vector_load %arg20[%swap3A_1845] {strides = array<i32>} : memref<256xi32, #tpu.memory_space<vmem>>, vector<16xi32>,
          tpu.vector_store %arg20[%swap3A_1845], %add3A_1844 {strides = array<i32>} : memref<256xi32, #tpu.memory_space<vmem>>, vector<16xi32>,
          %add3A_1847 = arith.constant 16384 : i32
          %add3A_1848 = vector.broadcast %add3A_1847 : i32 to vector<16xi32>
          %add3A_1849 = arith.addi %and3A_1838, %add3A_1848 : vector<16xi32>
          %swap3A_1850 = arith.constant 16 : index
          %swap3A_1851 = tpu.vector_load %arg20[%swap3A_1850] {strides = array<i32>} : memref<256xi32, #tpu.memory_space<vmem>>, vector<16xi32>,
          tpu.vector_store %arg20[%swap3A_1850], %add3A_1849 {strides = array<i32>} : memref<256xi32, #tpu.memory_space<vmem>>, vector<16xi32>,
          %add3A_1852 = arith.constant 32768 : i32
          %add3A_1853 = vector.broadcast %add3A_1852 : i32 to vector<16xi32>
          %add3A_1854 = arith.addi %and3A_1838, %add3A_1853 : vector<16xi32>
          %swap3A_1855 = arith.constant 32 : index
          %swap3A_1856 = tpu.vector_load %arg20[%swap3A_1855] {strides = array<i32>} : memref<256xi32, #tpu.memory_space<vmem>>, vector<16xi32>,
          tpu.vector_store %arg20[%swap3A_1855], %add3A_1854 {strides = array<i32>} : memref<256xi32, #tpu.memory_space<vmem>>, vector<16xi32>,
          %add3A_1857 = arith.constant 49152 : i32
          %add3A_1858 = vector.broadcast %add3A_1857 : i32 to vector<16xi32>
          %add3A_1859 = arith.addi %and3A_1838, %add3A_1858 : vector<16xi32>
          %swap3A_1860 = arith.constant 48 : index
          %swap3A_1861 = tpu.vector_load %arg20[%swap3A_1860] {strides = array<i32>} : memref<256xi32, #tpu.memory_space<vmem>>, vector<16xi32>,
          tpu.vector_store %arg20[%swap3A_1860], %add3A_1859 {strides = array<i32>} : memref<256xi32, #tpu.memory_space<vmem>>, vector<16xi32>,
          %add3A_1862 = arith.constant 65536 : i32
          %add3A_1863 = vector.broadcast %add3A_1862 : i32 to vector<16xi32>
          %add3A_1864 = arith.addi %and3A_1838, %add3A_1863 : vector<16xi32>
          %swap3A_1865 = arith.constant 64 : index
          %swap3A_1866 = tpu.vector_load %arg20[%swap3A_1865] {strides = array<i32>} : memref<256xi32, #tpu.memory_space<vmem>>, vector<16xi32>,
          tpu.vector_store %arg20[%swap3A_1865], %add3A_1864 {strides = array<i32>} : memref<256xi32, #tpu.memory_space<vmem>>, vector<16xi32>,
          %add3A_1867 = arith.constant 81920 : i32
          %add3A_1868 = vector.broadcast %add3A_1867 : i32 to vector<16xi32>
          %add3A_1869 = arith.addi %and3A_1838, %add3A_1868 : vector<16xi32>
          %swap3A_1870 = arith.constant 80 : index
          %swap3A_1871 = tpu.vector_load %arg20[%swap3A_1870] {strides = array<i32>} : memref<256xi32, #tpu.memory_space<vmem>>, vector<16xi32>,
          tpu.vector_store %arg20[%swap3A_1870], %add3A_1869 {strides = array<i32>} : memref<256xi32, #tpu.memory_space<vmem>>, vector<16xi32>,
          %add3A_1872 = arith.constant 98304 : i32
          %add3A_1873 = vector.broadcast %add3A_1872 : i32 to vector<16xi32>
          %add3A_1874 = arith.addi %and3A_1838, %add3A_1873 : vector<16xi32>
          %swap3A_1875 = arith.constant 96 : index
          %swap3A_1876 = tpu.vector_load %arg20[%swap3A_1875] {strides = array<i32>} : memref<256xi32, #tpu.memory_space<vmem>>, vector<16xi32>,
          tpu.vector_store %arg20[%swap3A_1875], %add3A_1874 {strides = array<i32>} : memref<256xi32, #tpu.memory_space<vmem>>, vector<16xi32>,
          %add3A_1877 = arith.constant 114688 : i32
          %add3A_1878 = vector.broadcast %add3A_1877 : i32 to vector<16xi32>
          %add3A_1879 = arith.addi %and3A_1838, %add3A_1878 : vector<16xi32>
          %swap3A_1880 = arith.constant 112 : index
          %swap3A_1881 = tpu.vector_load %arg20[%swap3A_1880] {strides = array<i32>} : memref<256xi32, #tpu.memory_space<vmem>>, vector<16xi32>,
          tpu.vector_store %arg20[%swap3A_1880], %add3A_1879 {strides = array<i32>} : memref<256xi32, #tpu.memory_space<vmem>>, vector<16xi32>,
          %add3A_1882 = arith.constant 131072 : i32
          %add3A_1883 = vector.broadcast %add3A_1882 : i32 to vector<16xi32>
          %add3A_1884 = arith.addi %and3A_1838, %add3A_1883 : vector<16xi32>
          %swap3A_1885 = arith.constant 128 : index
          %swap3A_1886 = tpu.vector_load %arg20[%swap3A_1885] {strides = array<i32>} : memref<256xi32, #tpu.memory_space<vmem>>, vector<16xi32>,
          tpu.vector_store %arg20[%swap3A_1885], %add3A_1884 {strides = array<i32>} : memref<256xi32, #tpu.memory_space<vmem>>, vector<16xi32>,
          %add3A_1887 = arith.constant 147456 : i32
          %add3A_1888 = vector.broadcast %add3A_1887 : i32 to vector<16xi32>
          %add3A_1889 = arith.addi %and3A_1838, %add3A_1888 : vector<16xi32>
          %swap3A_1890 = arith.constant 144 : index
          %swap3A_1891 = tpu.vector_load %arg20[%swap3A_1890] {strides = array<i32>} : memref<256xi32, #tpu.memory_space<vmem>>, vector<16xi32>,
          tpu.vector_store %arg20[%swap3A_1890], %add3A_1889 {strides = array<i32>} : memref<256xi32, #tpu.memory_space<vmem>>, vector<16xi32>,
          %add3A_1892 = arith.constant 163840 : i32
          %add3A_1893 = vector.broadcast %add3A_1892 : i32 to vector<16xi32>
          %add3A_1894 = arith.addi %and3A_1838, %add3A_1893 : vector<16xi32>
          %swap3A_1895 = arith.constant 160 : index
          %swap3A_1896 = tpu.vector_load %arg20[%swap3A_1895] {strides = array<i32>} : memref<256xi32, #tpu.memory_space<vmem>>, vector<16xi32>,
          tpu.vector_store %arg20[%swap3A_1895], %add3A_1894 {strides = array<i32>} : memref<256xi32, #tpu.memory_space<vmem>>, vector<16xi32>,
          %add3A_1897 = arith.constant 180224 : i32
          %add3A_1898 = vector.broadcast %add3A_1897 : i32 to vector<16xi32>
          %add3A_1899 = arith.addi %and3A_1838, %add3A_1898 : vector<16xi32>
          %swap3A_1900 = arith.constant 176 : index
          %swap3A_1901 = tpu.vector_load %arg20[%swap3A_1900] {strides = array<i32>} : memref<256xi32, #tpu.memory_space<vmem>>, vector<16xi32>,
          tpu.vector_store %arg20[%swap3A_1900], %add3A_1899 {strides = array<i32>} : memref<256xi32, #tpu.memory_space<vmem>>, vector<16xi32>,
          %add3A_1902 = arith.constant 196608 : i32
          %add3A_1903 = vector.broadcast %add3A_1902 : i32 to vector<16xi32>
          %add3A_1904 = arith.addi %and3A_1838, %add3A_1903 : vector<16xi32>
          %swap3A_1905 = arith.constant 192 : index
          %swap3A_1906 = tpu.vector_load %arg20[%swap3A_1905] {strides = array<i32>} : memref<256xi32, #tpu.memory_space<vmem>>, vector<16xi32>,
          tpu.vector_store %arg20[%swap3A_1905], %add3A_1904 {strides = array<i32>} : memref<256xi32, #tpu.memory_space<vmem>>, vector<16xi32>,
          %add3A_1907 = arith.constant 212992 : i32
          %add3A_1908 = vector.broadcast %add3A_1907 : i32 to vector<16xi32>
          %add3A_1909 = arith.addi %and3A_1838, %add3A_1908 : vector<16xi32>
          %swap3A_1910 = arith.constant 208 : index
          %swap3A_1911 = tpu.vector_load %arg20[%swap3A_1910] {strides = array<i32>} : memref<256xi32, #tpu.memory_space<vmem>>, vector<16xi32>,
          tpu.vector_store %arg20[%swap3A_1910], %add3A_1909 {strides = array<i32>} : memref<256xi32, #tpu.memory_space<vmem>>, vector<16xi32>,
          %add3A_1912 = arith.constant 229376 : i32
          %add3A_1913 = vector.broadcast %add3A_1912 : i32 to vector<16xi32>
          %add3A_1914 = arith.addi %and3A_1838, %add3A_1913 : vector<16xi32>
          %swap3A_1915 = arith.constant 224 : index
          %swap3A_1916 = tpu.vector_load %arg20[%swap3A_1915] {strides = array<i32>} : memref<256xi32, #tpu.memory_space<vmem>>, vector<16xi32>,
          tpu.vector_store %arg20[%swap3A_1915], %add3A_1914 {strides = array<i32>} : memref<256xi32, #tpu.memory_space<vmem>>, vector<16xi32>,
          %add3A_1917 = arith.constant 245760 : i32
          %add3A_1918 = vector.broadcast %add3A_1917 : i32 to vector<16xi32>
          %add3A_1919 = arith.addi %and3A_1838, %add3A_1918 : vector<16xi32>
          %swap3A_1920 = arith.constant 240 : index
          %swap3A_1921 = tpu.vector_load %arg20[%swap3A_1920] {strides = array<i32>} : memref<256xi32, #tpu.memory_space<vmem>>, vector<16xi32>,
          tpu.vector_store %arg20[%swap3A_1920], %add3A_1919 {strides = array<i32>} : memref<256xi32, #tpu.memory_space<vmem>>, vector<16xi32>,
          %dma_start3A_1922 = arith.constant 0 : i32
          %dma_start3A_1923 = tpu.memref_slice %arg21[%dma_start3A_1922] : memref<256xf32, #tpu.memory_space<vmem>> -> memref<128xf32, #tpu.memory_space<vmem>>
          %dma_start3A_1924 = arith.constant 0 : i32
          %dma_start3A_1925 = tpu.memref_slice %arg20[%dma_start3A_1924] : memref<256xi32, #tpu.memory_space<vmem>> -> memref<128xi32, #tpu.memory_space<vmem>>
          %dma_start3A_1926 = arith.constant 0 : i32
          %dma_start3A_1927 = tpu.memref_slice %arg23[%dma_start3A_1926] : memref<262144xf32, #tpu.memory_space<vmem_shared>> -> memref<262144xf32, #tpu.memory_space<vmem_shared>>
          tpu.enqueue_indirect_dma source(%dma_start3A_1927 : memref<262144xf32, #tpu.memory_space<vmem_shared>>) target(%dma_start3A_1923 : memref<128xf32, #tpu.memory_space<vmem>>) offsets(%dma_start3A_1925 : memref<128xi32, #tpu.memory_space<vmem>>) semaphore(%arg26 : memref<!tpu.dma_semaphore, #tpu.memory_space<semaphore_mem>>)
          %dma_start3A_1928 = arith.constant 128 : i32
          %dma_start3A_1929 = tpu.memref_slice %arg21[%dma_start3A_1928] : memref<256xf32, #tpu.memory_space<vmem>> -> memref<128xf32, #tpu.memory_space<vmem>>
          %dma_start3A_1930 = arith.constant 128 : i32
          %dma_start3A_1931 = tpu.memref_slice %arg20[%dma_start3A_1930] : memref<256xi32, #tpu.memory_space<vmem>> -> memref<128xi32, #tpu.memory_space<vmem>>
          %dma_start3A_1932 = arith.constant 0 : i32
          %dma_start3A_1933 = tpu.memref_slice %arg23[%dma_start3A_1932] : memref<262144xf32, #tpu.memory_space<vmem_shared>> -> memref<262144xf32, #tpu.memory_space<vmem_shared>>
          tpu.enqueue_indirect_dma source(%dma_start3A_1933 : memref<262144xf32, #tpu.memory_space<vmem_shared>>) target(%dma_start3A_1929 : memref<128xf32, #tpu.memory_space<vmem>>) offsets(%dma_start3A_1931 : memref<128xi32, #tpu.memory_space<vmem>>) semaphore(%arg26 : memref<!tpu.dma_semaphore, #tpu.memory_space<semaphore_mem>>)
          %dma_wait3A_1934 = arith.constant 0 : i32
          %dma_wait3A_1935 = tpu.memref_slice %arg21[%dma_wait3A_1934] : memref<256xf32, #tpu.memory_space<vmem>> -> memref<128xf32, #tpu.memory_space<vmem>>
          %dma_wait3A_1936 = arith.constant 0 : i32
          %dma_wait3A_1937 = tpu.memref_slice %arg20[%dma_wait3A_1936] : memref<256xi32, #tpu.memory_space<vmem>> -> memref<128xi32, #tpu.memory_space<vmem>>
          %dma_wait3A_1938 = arith.constant 0 : i32
          %dma_wait3A_1939 = tpu.memref_slice %arg23[%dma_wait3A_1938] : memref<262144xf32, #tpu.memory_space<vmem_shared>> -> memref<262144xf32, #tpu.memory_space<vmem_shared>>
          tpu.wait_indirect_dma semaphore(%arg26 : memref<!tpu.dma_semaphore, #tpu.memory_space<semaphore_mem>>) src(%dma_wait3A_1939 : memref<262144xf32, #tpu.memory_space<vmem_shared>>) dst(%dma_wait3A_1935 : memref<128xf32, #tpu.memory_space<vmem>>)
          %dma_wait3A_1940 = arith.constant 128 : i32
          %dma_wait3A_1941 = tpu.memref_slice %arg21[%dma_wait3A_1940] : memref<256xf32, #tpu.memory_space<vmem>> -> memref<128xf32, #tpu.memory_space<vmem>>
          %dma_wait3A_1942 = arith.constant 128 : i32
          %dma_wait3A_1943 = tpu.memref_slice %arg20[%dma_wait3A_1942] : memref<256xi32, #tpu.memory_space<vmem>> -> memref<128xi32, #tpu.memory_space<vmem>>
          %dma_wait3A_1944 = arith.constant 0 : i32
          %dma_wait3A_1945 = tpu.memref_slice %arg23[%dma_wait3A_1944] : memref<262144xf32, #tpu.memory_space<vmem_shared>> -> memref<262144xf32, #tpu.memory_space<vmem_shared>>
          tpu.wait_indirect_dma semaphore(%arg26 : memref<!tpu.dma_semaphore, #tpu.memory_space<semaphore_mem>>) src(%dma_wait3A_1945 : memref<262144xf32, #tpu.memory_space<vmem_shared>>) dst(%dma_wait3A_1941 : memref<128xf32, #tpu.memory_space<vmem>>)
          %ge3A = arith.constant 1024 : i32
          %ge3A_1946 = vector.broadcast %ge3A : i32 to vector<16xi32>
          %ge3A_1947 = arith.cmpi sge, %and3A_1841, %ge3A_1946 : vector<16xi32>
          %jit3A_1948 = arith.constant 15360 : i32
          %jit3A_1949 = arith.constant 0 : i32
          %broadcast_in_dim3A_1950 = vector.broadcast %jit3A_1948 : i32 to vector<16xi32>
          %broadcast_in_dim3A_1951 = vector.broadcast %jit3A_1949 : i32 to vector<16xi32>
          %select_n3A_1952 = arith.select %ge3A_1947, %broadcast_in_dim3A_1950, %broadcast_in_dim3A_1951 : vector<16xi1>, vector<16xi32>
          %add3A_1953 = arith.addi %and3A_1841, %select_n3A_1952 : vector<16xi32>
          %get3A_1954 = arith.constant 0 : index
          %get3A_1955 = tpu.vector_load %arg21[%get3A_1954] {strides = array<i32>} : memref<256xf32, #tpu.memory_space<vmem>>, vector<16xf32>,
          %add3A_1956 = arith.constant 0 : i32
          %add3A_1957 = vector.broadcast %add3A_1956 : i32 to vector<16xi32>
          %add3A_1958 = arith.addi %add3A_1953, %add3A_1957 : vector<16xi32>
          tpu.vector_store_idx %arg12[%add3A_1958], %get3A_1955 masked %lt3A_1833 : memref<32768xf32, #tpu.memory_space<vmem>>[vector<16xi32>], vector<16xf32>, vector<16xi1>
          %get3A_1959 = arith.constant 16 : index
          %get3A_1960 = tpu.vector_load %arg21[%get3A_1959] {strides = array<i32>} : memref<256xf32, #tpu.memory_space<vmem>>, vector<16xf32>,
          %add3A_1961 = arith.constant 1024 : i32
          %add3A_1962 = vector.broadcast %add3A_1961 : i32 to vector<16xi32>
          %add3A_1963 = arith.addi %add3A_1953, %add3A_1962 : vector<16xi32>
          tpu.vector_store_idx %arg12[%add3A_1963], %get3A_1960 masked %lt3A_1833 : memref<32768xf32, #tpu.memory_space<vmem>>[vector<16xi32>], vector<16xf32>, vector<16xi1>
          %get3A_1964 = arith.constant 32 : index
          %get3A_1965 = tpu.vector_load %arg21[%get3A_1964] {strides = array<i32>} : memref<256xf32, #tpu.memory_space<vmem>>, vector<16xf32>,
          %add3A_1966 = arith.constant 2048 : i32
          %add3A_1967 = vector.broadcast %add3A_1966 : i32 to vector<16xi32>
          %add3A_1968 = arith.addi %add3A_1953, %add3A_1967 : vector<16xi32>
          tpu.vector_store_idx %arg12[%add3A_1968], %get3A_1965 masked %lt3A_1833 : memref<32768xf32, #tpu.memory_space<vmem>>[vector<16xi32>], vector<16xf32>, vector<16xi1>
          %get3A_1969 = arith.constant 48 : index
          %get3A_1970 = tpu.vector_load %arg21[%get3A_1969] {strides = array<i32>} : memref<256xf32, #tpu.memory_space<vmem>>, vector<16xf32>,
          %add3A_1971 = arith.constant 3072 : i32
          %add3A_1972 = vector.broadcast %add3A_1971 : i32 to vector<16xi32>
          %add3A_1973 = arith.addi %add3A_1953, %add3A_1972 : vector<16xi32>
          tpu.vector_store_idx %arg12[%add3A_1973], %get3A_1970 masked %lt3A_1833 : memref<32768xf32, #tpu.memory_space<vmem>>[vector<16xi32>], vector<16xf32>, vector<16xi1>
          %get3A_1974 = arith.constant 64 : index
          %get3A_1975 = tpu.vector_load %arg21[%get3A_1974] {strides = array<i32>} : memref<256xf32, #tpu.memory_space<vmem>>, vector<16xf32>,
          %add3A_1976 = arith.constant 4096 : i32
          %add3A_1977 = vector.broadcast %add3A_1976 : i32 to vector<16xi32>
          %add3A_1978 = arith.addi %add3A_1953, %add3A_1977 : vector<16xi32>
          tpu.vector_store_idx %arg12[%add3A_1978], %get3A_1975 masked %lt3A_1833 : memref<32768xf32, #tpu.memory_space<vmem>>[vector<16xi32>], vector<16xf32>, vector<16xi1>
          %get3A_1979 = arith.constant 80 : index
          %get3A_1980 = tpu.vector_load %arg21[%get3A_1979] {strides = array<i32>} : memref<256xf32, #tpu.memory_space<vmem>>, vector<16xf32>,
          %add3A_1981 = arith.constant 5120 : i32
          %add3A_1982 = vector.broadcast %add3A_1981 : i32 to vector<16xi32>
          %add3A_1983 = arith.addi %add3A_1953, %add3A_1982 : vector<16xi32>
          tpu.vector_store_idx %arg12[%add3A_1983], %get3A_1980 masked %lt3A_1833 : memref<32768xf32, #tpu.memory_space<vmem>>[vector<16xi32>], vector<16xf32>, vector<16xi1>
          %get3A_1984 = arith.constant 96 : index
          %get3A_1985 = tpu.vector_load %arg21[%get3A_1984] {strides = array<i32>} : memref<256xf32, #tpu.memory_space<vmem>>, vector<16xf32>,
          %add3A_1986 = arith.constant 6144 : i32
          %add3A_1987 = vector.broadcast %add3A_1986 : i32 to vector<16xi32>
          %add3A_1988 = arith.addi %add3A_1953, %add3A_1987 : vector<16xi32>
          tpu.vector_store_idx %arg12[%add3A_1988], %get3A_1985 masked %lt3A_1833 : memref<32768xf32, #tpu.memory_space<vmem>>[vector<16xi32>], vector<16xf32>, vector<16xi1>
          %get3A_1989 = arith.constant 112 : index
          %get3A_1990 = tpu.vector_load %arg21[%get3A_1989] {strides = array<i32>} : memref<256xf32, #tpu.memory_space<vmem>>, vector<16xf32>,
          %add3A_1991 = arith.constant 7168 : i32
          %add3A_1992 = vector.broadcast %add3A_1991 : i32 to vector<16xi32>
          %add3A_1993 = arith.addi %add3A_1953, %add3A_1992 : vector<16xi32>
          tpu.vector_store_idx %arg12[%add3A_1993], %get3A_1990 masked %lt3A_1833 : memref<32768xf32, #tpu.memory_space<vmem>>[vector<16xi32>], vector<16xf32>, vector<16xi1>
          %get3A_1994 = arith.constant 128 : index
          %get3A_1995 = tpu.vector_load %arg21[%get3A_1994] {strides = array<i32>} : memref<256xf32, #tpu.memory_space<vmem>>, vector<16xf32>,
          %add3A_1996 = arith.constant 8192 : i32
          %add3A_1997 = vector.broadcast %add3A_1996 : i32 to vector<16xi32>
          %add3A_1998 = arith.addi %add3A_1953, %add3A_1997 : vector<16xi32>
          tpu.vector_store_idx %arg12[%add3A_1998], %get3A_1995 masked %lt3A_1833 : memref<32768xf32, #tpu.memory_space<vmem>>[vector<16xi32>], vector<16xf32>, vector<16xi1>
          %get3A_1999 = arith.constant 144 : index
          %get3A_2000 = tpu.vector_load %arg21[%get3A_1999] {strides = array<i32>} : memref<256xf32, #tpu.memory_space<vmem>>, vector<16xf32>,
          %add3A_2001 = arith.constant 9216 : i32
          %add3A_2002 = vector.broadcast %add3A_2001 : i32 to vector<16xi32>
          %add3A_2003 = arith.addi %add3A_1953, %add3A_2002 : vector<16xi32>
          tpu.vector_store_idx %arg12[%add3A_2003], %get3A_2000 masked %lt3A_1833 : memref<32768xf32, #tpu.memory_space<vmem>>[vector<16xi32>], vector<16xf32>, vector<16xi1>
          %get3A_2004 = arith.constant 160 : index
          %get3A_2005 = tpu.vector_load %arg21[%get3A_2004] {strides = array<i32>} : memref<256xf32, #tpu.memory_space<vmem>>, vector<16xf32>,
          %add3A_2006 = arith.constant 10240 : i32
          %add3A_2007 = vector.broadcast %add3A_2006 : i32 to vector<16xi32>
          %add3A_2008 = arith.addi %add3A_1953, %add3A_2007 : vector<16xi32>
          tpu.vector_store_idx %arg12[%add3A_2008], %get3A_2005 masked %lt3A_1833 : memref<32768xf32, #tpu.memory_space<vmem>>[vector<16xi32>], vector<16xf32>, vector<16xi1>
          %get3A_2009 = arith.constant 176 : index
          %get3A_2010 = tpu.vector_load %arg21[%get3A_2009] {strides = array<i32>} : memref<256xf32, #tpu.memory_space<vmem>>, vector<16xf32>,
          %add3A_2011 = arith.constant 11264 : i32
          %add3A_2012 = vector.broadcast %add3A_2011 : i32 to vector<16xi32>
          %add3A_2013 = arith.addi %add3A_1953, %add3A_2012 : vector<16xi32>
          tpu.vector_store_idx %arg12[%add3A_2013], %get3A_2010 masked %lt3A_1833 : memref<32768xf32, #tpu.memory_space<vmem>>[vector<16xi32>], vector<16xf32>, vector<16xi1>
          %get3A_2014 = arith.constant 192 : index
          %get3A_2015 = tpu.vector_load %arg21[%get3A_2014] {strides = array<i32>} : memref<256xf32, #tpu.memory_space<vmem>>, vector<16xf32>,
          %add3A_2016 = arith.constant 12288 : i32
          %add3A_2017 = vector.broadcast %add3A_2016 : i32 to vector<16xi32>
          %add3A_2018 = arith.addi %add3A_1953, %add3A_2017 : vector<16xi32>
          tpu.vector_store_idx %arg12[%add3A_2018], %get3A_2015 masked %lt3A_1833 : memref<32768xf32, #tpu.memory_space<vmem>>[vector<16xi32>], vector<16xf32>, vector<16xi1>
          %get3A_2019 = arith.constant 208 : index
          %get3A_2020 = tpu.vector_load %arg21[%get3A_2019] {strides = array<i32>} : memref<256xf32, #tpu.memory_space<vmem>>, vector<16xf32>,
          %add3A_2021 = arith.constant 13312 : i32
          %add3A_2022 = vector.broadcast %add3A_2021 : i32 to vector<16xi32>
          %add3A_2023 = arith.addi %add3A_1953, %add3A_2022 : vector<16xi32>
          tpu.vector_store_idx %arg12[%add3A_2023], %get3A_2020 masked %lt3A_1833 : memref<32768xf32, #tpu.memory_space<vmem>>[vector<16xi32>], vector<16xf32>, vector<16xi1>
          %get3A_2024 = arith.constant 224 : index
          %get3A_2025 = tpu.vector_load %arg21[%get3A_2024] {strides = array<i32>} : memref<256xf32, #tpu.memory_space<vmem>>, vector<16xf32>,
          %add3A_2026 = arith.constant 14336 : i32
          %add3A_2027 = vector.broadcast %add3A_2026 : i32 to vector<16xi32>
          %add3A_2028 = arith.addi %add3A_1953, %add3A_2027 : vector<16xi32>
          tpu.vector_store_idx %arg12[%add3A_2028], %get3A_2025 masked %lt3A_1833 : memref<32768xf32, #tpu.memory_space<vmem>>[vector<16xi32>], vector<16xf32>, vector<16xi1>
          %get3A_2029 = arith.constant 240 : index
          %get3A_2030 = tpu.vector_load %arg21[%get3A_2029] {strides = array<i32>} : memref<256xf32, #tpu.memory_space<vmem>>, vector<16xf32>,
          %add3A_2031 = arith.constant 15360 : i32
          %add3A_2032 = vector.broadcast %add3A_2031 : i32 to vector<16xi32>
          %add3A_2033 = arith.addi %add3A_1953, %add3A_2032 : vector<16xi32>
          tpu.vector_store_idx %arg12[%add3A_2033], %get3A_2030 masked %lt3A_1833 : memref<32768xf32, #tpu.memory_space<vmem>>[vector<16xi32>], vector<16xf32>, vector<16xi1>
          %while3A_2034 = arith.constant 0 : i32
          scf.yield %while3A_2034 : i32
        }
        %barrier3A_1822 = arith.constant 0 : index
        tpu.barrier barrier_id(%barrier3A_1822)
      } else {
      }
      %lt3A_1764 = arith.constant 29 : i32
      %lt3A_1765 = arith.cmpi slt, %scan3A_1658, %lt3A_1764 : i32
      %convert_element_type3A_1766 = arith.extui %lt3A_1765 : i1 to i32
      %cond3A_1767 = arith.constant 0 : i32
      %cond3A_1768 = arith.cmpi ne, %convert_element_type3A_1766, %cond3A_1767 : i32
      scf.if %cond3A_1768 {
        %mul3A_1770 = arith.constant 2 : i32
        %mul3A_1771 = arith.muli %mul3A_1770, %scan3A_1658 : i32
        %add3A_1772 = arith.constant 3 : i32
        %add3A_1773 = arith.addi %mul3A_1771, %add3A_1772 : i32
        %mul3A_1774 = arith.constant 16384 : i32
        %mul3A_1775 = arith.muli %add3A_1773, %mul3A_1774 : i32
        %jit3A_1776 = arith.constant 8 : i32
        %div3A_1777 = arith.divsi %add3A, %jit3A_1776 : i32
        %sign3A_1778 = arith.constant 0 : i32
        %sign3A_1779 = arith.cmpi sgt, %add3A, %sign3A_1778 : i32
        %sign3A_1780 = arith.extui %sign3A_1779 : i1 to i32
        %sign3A_1781 = arith.constant 0 : i32
        %sign3A_1782 = arith.cmpi slt, %add3A, %sign3A_1781 : i32
        %sign3A_1783 = arith.extui %sign3A_1782 : i1 to i32
        %sign3A_1784 = arith.subi %sign3A_1780, %sign3A_1783 : i32
        %sign3A_1785 = arith.constant 0 : i32
        %sign3A_1786 = arith.cmpi sgt, %jit3A_1776, %sign3A_1785 : i32
        %sign3A_1787 = arith.extui %sign3A_1786 : i1 to i32
        %sign3A_1788 = arith.constant 0 : i32
        %sign3A_1789 = arith.cmpi slt, %jit3A_1776, %sign3A_1788 : i32
        %sign3A_1790 = arith.extui %sign3A_1789 : i1 to i32
        %sign3A_1791 = arith.subi %sign3A_1787, %sign3A_1790 : i32
        %ne3A_1792 = arith.cmpi ne, %sign3A_1784, %sign3A_1791 : i32
        %rem3A_1793 = arith.remsi %add3A, %jit3A_1776 : i32
        %ne3A_1794 = arith.constant 0 : i32
        %ne3A_1795 = arith.cmpi ne, %rem3A_1793, %ne3A_1794 : i32
        %and3A_1796 = arith.andi %ne3A_1792, %ne3A_1795 : i1
        %sub3A_1797 = arith.constant 1 : i32
        %sub3A_1798 = arith.subi %div3A_1777, %sub3A_1797 : i32
        %select_n3A_1799 = arith.select %and3A_1796, %sub3A_1798, %div3A_1777 : i32
        %jit3A_1800 = arith.constant 8 : i32
        %eq3A_1801 = arith.constant 0 : i32
        %eq3A_1802 = arith.cmpi eq, %jit3A_1800, %eq3A_1801 : i32
        %jit3A_1803 = arith.constant 1 : i32
        %select_n3A_1804 = arith.select %eq3A_1802, %jit3A_1803, %jit3A_1800 : i32
        %rem3A_1805 = arith.remsi %add3A, %select_n3A_1804 : i32
        %ne3A_1806 = arith.constant 0 : i32
        %ne3A_1807 = arith.cmpi ne, %rem3A_1805, %ne3A_1806 : i32
        %lt3A_1808 = arith.constant 0 : i32
        %lt3A_1809 = arith.cmpi slt, %rem3A_1805, %lt3A_1808 : i32
        %lt3A_1810 = arith.constant 0 : i32
        %lt3A_1811 = arith.cmpi slt, %select_n3A_1804, %lt3A_1810 : i32
        %ne3A_1812 = arith.xori %lt3A_1809, %lt3A_1811 : i1
        %and3A_1813 = arith.andi %ne3A_1812, %ne3A_1807 : i1
        %add3A_1814 = arith.addi %rem3A_1805, %select_n3A_1804 : i32
        %select_n3A_1815 = arith.select %and3A_1813, %add3A_1814, %rem3A_1805 : i32
        %mul3A_1816 = arith.constant 16384 : i32
        %mul3A_1817 = arith.muli %arg1, %mul3A_1816 : i32
        %dma_start3A_1818 = tpu.memref_slice %arg23[%mul3A_1817] : memref<262144xf32, #tpu.memory_space<vmem_shared>> -> memref<16384xf32, #tpu.memory_space<vmem_shared>>
        %dma_start3A_1819 = tpu.memref_slice %arg5[%select_n3A_1799, %select_n3A_1815, %mul3A_1775] : memref<4x8x1000000xf32, #tpu.memory_space<hbm>> -> memref<1x1x16384xf32, #tpu.memory_space<hbm>>
        %dma_start3A_1820 = tpu.memref_squeeze %dma_start3A_1819 : memref<1x1x16384xf32, #tpu.memory_space<hbm>> -> memref<16384xf32, #tpu.memory_space<hbm>>
        tpu.enqueue_dma source(%dma_start3A_1820 : memref<16384xf32, #tpu.memory_space<hbm>>) target(%dma_start3A_1818 : memref<16384xf32, #tpu.memory_space<vmem_shared>>) target_semaphore(%arg25 : memref<!tpu.dma_semaphore, #tpu.memory_space<semaphore_mem>>)
      } else {
      }
      %scan3A_1769 = arith.constant 0 : i32
      scf.yield %scan3A_1769 : i32
    }
    %scan3A_1603 = arith.constant 31 : i32
    %get3A_1604 = arith.constant 61 : index
    %get3A_1605 = tpu.vector_load %arg16[%get3A_1604] {strides = array<i32>} : memref<144xi32, #tpu.memory_space<vmem>>, vector<16xi32>,
    %slice3A = vector.extract_strided_slice %get3A_1605 {offsets = [0], sizes = [1], strides = [1]} : vector<16xi32> to vector<1xi32>
    %squeeze3A = vector.extract %slice3A[0] : i32 from vector<1xi32>
    %slice3A_1606 = vector.extract_strided_slice %get3A_1605 {offsets = [1], sizes = [1], strides = [1]} : vector<16xi32> to vector<1xi32>
    %squeeze3A_1607 = vector.extract %slice3A_1606[0] : i32 from vector<1xi32>
    %sub3A_1608 = arith.subi %squeeze3A_1607, %squeeze3A : i32
    %add3A_1609 = arith.constant 16 : i32
    %add3A_1610 = arith.addi %sub3A_1608, %add3A_1609 : i32
    %sub3A_1611 = arith.constant 1 : i32
    %sub3A_1612 = arith.subi %add3A_1610, %sub3A_1611 : i32
    %jit3A_1613 = arith.constant 16 : i32
    %div3A_1614 = arith.divsi %sub3A_1612, %jit3A_1613 : i32
    %sign3A_1615 = arith.constant 0 : i32
    %sign3A_1616 = arith.cmpi sgt, %sub3A_1612, %sign3A_1615 : i32
    %sign3A_1617 = arith.extui %sign3A_1616 : i1 to i32
    %sign3A_1618 = arith.constant 0 : i32
    %sign3A_1619 = arith.cmpi slt, %sub3A_1612, %sign3A_1618 : i32
    %sign3A_1620 = arith.extui %sign3A_1619 : i1 to i32
    %sign3A_1621 = arith.subi %sign3A_1617, %sign3A_1620 : i32
    %sign3A_1622 = arith.constant 0 : i32
    %sign3A_1623 = arith.cmpi sgt, %jit3A_1613, %sign3A_1622 : i32
    %sign3A_1624 = arith.extui %sign3A_1623 : i1 to i32
    %sign3A_1625 = arith.constant 0 : i32
    %sign3A_1626 = arith.cmpi slt, %jit3A_1613, %sign3A_1625 : i32
    %sign3A_1627 = arith.extui %sign3A_1626 : i1 to i32
    %sign3A_1628 = arith.subi %sign3A_1624, %sign3A_1627 : i32
    %ne3A_1629 = arith.cmpi ne, %sign3A_1621, %sign3A_1628 : i32
    %rem3A_1630 = arith.remsi %sub3A_1612, %jit3A_1613 : i32
    %ne3A_1631 = arith.constant 0 : i32
    %ne3A_1632 = arith.cmpi ne, %rem3A_1630, %ne3A_1631 : i32
    %and3A_1633 = arith.andi %ne3A_1629, %ne3A_1632 : i1
    %sub3A_1634 = arith.constant 1 : i32
    %sub3A_1635 = arith.subi %div3A_1614, %sub3A_1634 : i32
    %select_n3A_1636 = arith.select %and3A_1633, %sub3A_1635, %div3A_1614 : i32
    %while3A = arith.constant 0 : i32
    %while3A_1637 = arith.constant 0 : i32
    %while3A_1638 = arith.subi %select_n3A_1636, %while3A : i32
    %while3A_1639 = arith.addi %while3A, %while3A_1638 : i32
    %while3A_1640 = arith.constant 1 : i32
    %while3A_1641 = arith.divsi %while3A_1638, %while3A_1640 : i32
    %while3A_1642 = arith.muli %while3A_1641, %while3A_1640 : i32
    %while3A_1643 = arith.addi %while3A, %while3A_1642 : i32
    %while3A_1644 = arith.constant 1 : i32
    %while3A_1645 = scf.for %while3A_1658 = %while3A to %while3A_1643 step %while3A_1644 iter_args(%while3A_1659 = %while3A_1637) -> (i32)  : i32 {
      %mul3A_1660 = arith.constant 16 : i32
      %mul3A_1661 = arith.muli %while3A_1658, %mul3A_1660 : i32
      %add3A_1662 = arith.addi %squeeze3A, %mul3A_1661 : i32
      %get3A_1663 = arith.index_cast %add3A_1662 : i32 to index
      %get3A_1664 = tpu.vector_load %arg19[%get3A_1663] {strides = array<i32>} : memref<2064xi32, #tpu.memory_space<vmem>>, vector<16xi32>,
      %add3A_1665 = vector.broadcast %add3A_1662 : i32 to vector<16xi32>
      %add3A_1666 = arith.addi %add3A_1665, %iota3A : vector<16xi32>
      %lt3A_1667 = vector.broadcast %squeeze3A_1607 : i32 to vector<16xi32>
      %lt3A_1668 = arith.cmpi slt, %add3A_1666, %lt3A_1667 : vector<16xi32>
      %shift_right_arithmetic3A = arith.constant 11 : i32
      %shift_right_arithmetic3A_1669 = vector.broadcast %shift_right_arithmetic3A : i32 to vector<16xi32>
      %shift_right_arithmetic3A_1670 = arith.shrsi %get3A_1664, %shift_right_arithmetic3A_1669 : vector<16xi32>
      %and3A_1671 = arith.constant 16383 : i32
      %and3A_1672 = vector.broadcast %and3A_1671 : i32 to vector<16xi32>
      %and3A_1673 = arith.andi %shift_right_arithmetic3A_1670, %and3A_1672 : vector<16xi32>
      %min3A = arith.constant 575 : i32
      %min3A_1674 = vector.broadcast %min3A : i32 to vector<16xi32>
      %min3A_1675 = arith.minsi %and3A_1673, %min3A_1674 : vector<16xi32>
      %and3A_1676 = arith.constant 2047 : i32
      %and3A_1677 = vector.broadcast %and3A_1676 : i32 to vector<16xi32>
      %and3A_1678 = arith.andi %get3A_1664, %and3A_1677 : vector<16xi32>
      %ge3A = arith.constant 1024 : i32
      %ge3A_1679 = vector.broadcast %ge3A : i32 to vector<16xi32>
      %ge3A_1680 = arith.cmpi sge, %and3A_1678, %ge3A_1679 : vector<16xi32>
      %jit3A_1681 = arith.constant 15360 : i32
      %jit3A_1682 = arith.constant 0 : i32
      %broadcast_in_dim3A_1683 = vector.broadcast %jit3A_1681 : i32 to vector<16xi32>
      %broadcast_in_dim3A_1684 = vector.broadcast %jit3A_1682 : i32 to vector<16xi32>
      %select_n3A_1685 = arith.select %ge3A_1680, %broadcast_in_dim3A_1683, %broadcast_in_dim3A_1684 : vector<16xi1>, vector<16xi32>
      %add3A_1686 = arith.addi %and3A_1678, %select_n3A_1685 : vector<16xi32>
      %add3A_1687 = arith.constant 0 : i32
      %add3A_1688 = vector.broadcast %add3A_1687 : i32 to vector<16xi32>
      %add3A_1689 = arith.addi %min3A_1675, %add3A_1688 : vector<16xi32>
      %gather3A = tpu.vector_load_idx %arg14[%add3A_1689] : memref<10240xf32, #tpu.memory_space<vmem>>[vector<16xi32>], vector<16xf32>,
      %add3A_1690 = arith.constant 0 : i32
      %add3A_1691 = vector.broadcast %add3A_1690 : i32 to vector<16xi32>
      %add3A_1692 = arith.addi %add3A_1686, %add3A_1691 : vector<16xi32>
      tpu.vector_store_idx %arg12[%add3A_1692], %gather3A masked %lt3A_1668 : memref<32768xf32, #tpu.memory_space<vmem>>[vector<16xi32>], vector<16xf32>, vector<16xi1>
      %add3A_1693 = arith.constant 640 : i32
      %add3A_1694 = vector.broadcast %add3A_1693 : i32 to vector<16xi32>
      %add3A_1695 = arith.addi %min3A_1675, %add3A_1694 : vector<16xi32>
      %gather3A_1696 = tpu.vector_load_idx %arg14[%add3A_1695] : memref<10240xf32, #tpu.memory_space<vmem>>[vector<16xi32>], vector<16xf32>,
      %add3A_1697 = arith.constant 1024 : i32
      %add3A_1698 = vector.broadcast %add3A_1697 : i32 to vector<16xi32>
      %add3A_1699 = arith.addi %add3A_1686, %add3A_1698 : vector<16xi32>
      tpu.vector_store_idx %arg12[%add3A_1699], %gather3A_1696 masked %lt3A_1668 : memref<32768xf32, #tpu.memory_space<vmem>>[vector<16xi32>], vector<16xf32>, vector<16xi1>
      %add3A_1700 = arith.constant 1280 : i32
      %add3A_1701 = vector.broadcast %add3A_1700 : i32 to vector<16xi32>
      %add3A_1702 = arith.addi %min3A_1675, %add3A_1701 : vector<16xi32>
      %gather3A_1703 = tpu.vector_load_idx %arg14[%add3A_1702] : memref<10240xf32, #tpu.memory_space<vmem>>[vector<16xi32>], vector<16xf32>,
      %add3A_1704 = arith.constant 2048 : i32
      %add3A_1705 = vector.broadcast %add3A_1704 : i32 to vector<16xi32>
      %add3A_1706 = arith.addi %add3A_1686, %add3A_1705 : vector<16xi32>
      tpu.vector_store_idx %arg12[%add3A_1706], %gather3A_1703 masked %lt3A_1668 : memref<32768xf32, #tpu.memory_space<vmem>>[vector<16xi32>], vector<16xf32>, vector<16xi1>
      %add3A_1707 = arith.constant 1920 : i32
      %add3A_1708 = vector.broadcast %add3A_1707 : i32 to vector<16xi32>
      %add3A_1709 = arith.addi %min3A_1675, %add3A_1708 : vector<16xi32>
      %gather3A_1710 = tpu.vector_load_idx %arg14[%add3A_1709] : memref<10240xf32, #tpu.memory_space<vmem>>[vector<16xi32>], vector<16xf32>,
      %add3A_1711 = arith.constant 3072 : i32
      %add3A_1712 = vector.broadcast %add3A_1711 : i32 to vector<16xi32>
      %add3A_1713 = arith.addi %add3A_1686, %add3A_1712 : vector<16xi32>
      tpu.vector_store_idx %arg12[%add3A_1713], %gather3A_1710 masked %lt3A_1668 : memref<32768xf32, #tpu.memory_space<vmem>>[vector<16xi32>], vector<16xf32>, vector<16xi1>
      %add3A_1714 = arith.constant 2560 : i32
      %add3A_1715 = vector.broadcast %add3A_1714 : i32 to vector<16xi32>
      %add3A_1716 = arith.addi %min3A_1675, %add3A_1715 : vector<16xi32>
      %gather3A_1717 = tpu.vector_load_idx %arg14[%add3A_1716] : memref<10240xf32, #tpu.memory_space<vmem>>[vector<16xi32>], vector<16xf32>,
      %add3A_1718 = arith.constant 4096 : i32
      %add3A_1719 = vector.broadcast %add3A_1718 : i32 to vector<16xi32>
      %add3A_1720 = arith.addi %add3A_1686, %add3A_1719 : vector<16xi32>
      tpu.vector_store_idx %arg12[%add3A_1720], %gather3A_1717 masked %lt3A_1668 : memref<32768xf32, #tpu.memory_space<vmem>>[vector<16xi32>], vector<16xf32>, vector<16xi1>
      %add3A_1721 = arith.constant 3200 : i32
      %add3A_1722 = vector.broadcast %add3A_1721 : i32 to vector<16xi32>
      %add3A_1723 = arith.addi %min3A_1675, %add3A_1722 : vector<16xi32>
      %gather3A_1724 = tpu.vector_load_idx %arg14[%add3A_1723] : memref<10240xf32, #tpu.memory_space<vmem>>[vector<16xi32>], vector<16xf32>,
      %add3A_1725 = arith.constant 5120 : i32
      %add3A_1726 = vector.broadcast %add3A_1725 : i32 to vector<16xi32>
      %add3A_1727 = arith.addi %add3A_1686, %add3A_1726 : vector<16xi32>
      tpu.vector_store_idx %arg12[%add3A_1727], %gather3A_1724 masked %lt3A_1668 : memref<32768xf32, #tpu.memory_space<vmem>>[vector<16xi32>], vector<16xf32>, vector<16xi1>
      %add3A_1728 = arith.constant 3840 : i32
      %add3A_1729 = vector.broadcast %add3A_1728 : i32 to vector<16xi32>
      %add3A_1730 = arith.addi %min3A_1675, %add3A_1729 : vector<16xi32>
      %gather3A_1731 = tpu.vector_load_idx %arg14[%add3A_1730] : memref<10240xf32, #tpu.memory_space<vmem>>[vector<16xi32>], vector<16xf32>,
      %add3A_1732 = arith.constant 6144 : i32
      %add3A_1733 = vector.broadcast %add3A_1732 : i32 to vector<16xi32>
      %add3A_1734 = arith.addi %add3A_1686, %add3A_1733 : vector<16xi32>
      tpu.vector_store_idx %arg12[%add3A_1734], %gather3A_1731 masked %lt3A_1668 : memref<32768xf32, #tpu.memory_space<vmem>>[vector<16xi32>], vector<16xf32>, vector<16xi1>
      %add3A_1735 = arith.constant 4480 : i32
      %add3A_1736 = vector.broadcast %add3A_1735 : i32 to vector<16xi32>
      %add3A_1737 = arith.addi %min3A_1675, %add3A_1736 : vector<16xi32>
      %gather3A_1738 = tpu.vector_load_idx %arg14[%add3A_1737] : memref<10240xf32, #tpu.memory_space<vmem>>[vector<16xi32>], vector<16xf32>,
      %add3A_1739 = arith.constant 7168 : i32
      %add3A_1740 = vector.broadcast %add3A_1739 : i32 to vector<16xi32>
      %add3A_1741 = arith.addi %add3A_1686, %add3A_1740 : vector<16xi32>
      tpu.vector_store_idx %arg12[%add3A_1741], %gather3A_1738 masked %lt3A_1668 : memref<32768xf32, #tpu.memory_space<vmem>>[vector<16xi32>], vector<16xf32>, vector<16xi1>
      %add3A_1742 = arith.constant 5120 : i32
      %add3A_1743 = vector.broadcast %add3A_1742 : i32 to vector<16xi32>
      %add3A_1744 = arith.addi %min3A_1675, %add3A_1743 : vector<16xi32>
      %gather3A_1745 = tpu.vector_load_idx %arg14[%add3A_1744] : memref<10240xf32, #tpu.memory_space<vmem>>[vector<16xi32>], vector<16xf32>,
      %add3A_1746 = arith.constant 8192 : i32
      %add3A_1747 = vector.broadcast %add3A_1746 : i32 to vector<16xi32>
      %add3A_1748 = arith.addi %add3A_1686, %add3A_1747 : vector<16xi32>
      tpu.vector_store_idx %arg12[%add3A_1748], %gather3A_1745 masked %lt3A_1668 : memref<32768xf32, #tpu.memory_space<vmem>>[vector<16xi32>], vector<16xf32>, vector<16xi1>
      %add3A_1749 = arith.constant 5760 : i32
      %add3A_1750 = vector.broadcast %add3A_1749 : i32 to vector<16xi32>
      %add3A_1751 = arith.addi %min3A_1675, %add3A_1750 : vector<16xi32>
      %gather3A_1752 = tpu.vector_load_idx %arg14[%add3A_1751] : memref<10240xf32, #tpu.memory_space<vmem>>[vector<16xi32>], vector<16xf32>,
      %add3A_1753 = arith.constant 9216 : i32
      %add3A_1754 = vector.broadcast %add3A_1753 : i32 to vector<16xi32>
      %add3A_1755 = arith.addi %add3A_1686, %add3A_1754 : vector<16xi32>
      tpu.vector_store_idx %arg12[%add3A_1755], %gather3A_1752 masked %lt3A_1668 : memref<32768xf32, #tpu.memory_space<vmem>>[vector<16xi32>], vector<16xf32>, vector<16xi1>
      %add3A_1756 = arith.constant 6400 : i32
      %add3A_1757 = vector.broadcast %add3A_1756 : i32 to vector<16xi32>
      %add3A_1758 = arith.addi %min3A_1675, %add3A_1757 : vector<16xi32>
      %gather3A_1759 = tpu.vector_load_idx %arg14[%add3A_1758] : memref<10240xf32, #tpu.memory_space<vmem>>[vector<16xi32>], vector<16xf32>,
      %add3A_1760 = arith.constant 10240 : i32
      %add3A_1761 = vector.broadcast %add3A_1760 : i32 to vector<16xi32>
      %add3A_1762 = arith.addi %add3A_1686, %add3A_1761 : vector<16xi32>
      tpu.vector_store_idx %arg12[%add3A_1762], %gather3A_1759 masked %lt3A_1668 : memref<32768xf32, #tpu.memory_space<vmem>>[vector<16xi32>], vector<16xf32>, vector<16xi1>
      %add3A_1763 = arith.constant 7040 : i32
      %add3A_1764 = vector.broadcast %add3A_1763 : i32 to vector<16xi32>
      %add3A_1765 = arith.addi %min3A_1675, %add3A_1764 : vector<16xi32>
      %gather3A_1766 = tpu.vector_load_idx %arg14[%add3A_1765] : memref<10240xf32, #tpu.memory_space<vmem>>[vector<16xi32>], vector<16xf32>,
      %add3A_1767 = arith.constant 11264 : i32
      %add3A_1768 = vector.broadcast %add3A_1767 : i32 to vector<16xi32>
      %add3A_1769 = arith.addi %add3A_1686, %add3A_1768 : vector<16xi32>
      tpu.vector_store_idx %arg12[%add3A_1769], %gather3A_1766 masked %lt3A_1668 : memref<32768xf32, #tpu.memory_space<vmem>>[vector<16xi32>], vector<16xf32>, vector<16xi1>
      %add3A_1770 = arith.constant 7680 : i32
      %add3A_1771 = vector.broadcast %add3A_1770 : i32 to vector<16xi32>
      %add3A_1772 = arith.addi %min3A_1675, %add3A_1771 : vector<16xi32>
      %gather3A_1773 = tpu.vector_load_idx %arg14[%add3A_1772] : memref<10240xf32, #tpu.memory_space<vmem>>[vector<16xi32>], vector<16xf32>,
      %add3A_1774 = arith.constant 12288 : i32
      %add3A_1775 = vector.broadcast %add3A_1774 : i32 to vector<16xi32>
      %add3A_1776 = arith.addi %add3A_1686, %add3A_1775 : vector<16xi32>
      tpu.vector_store_idx %arg12[%add3A_1776], %gather3A_1773 masked %lt3A_1668 : memref<32768xf32, #tpu.memory_space<vmem>>[vector<16xi32>], vector<16xf32>, vector<16xi1>
      %add3A_1777 = arith.constant 8320 : i32
      %add3A_1778 = vector.broadcast %add3A_1777 : i32 to vector<16xi32>
      %add3A_1779 = arith.addi %min3A_1675, %add3A_1778 : vector<16xi32>
      %gather3A_1780 = tpu.vector_load_idx %arg14[%add3A_1779] : memref<10240xf32, #tpu.memory_space<vmem>>[vector<16xi32>], vector<16xf32>,
      %add3A_1781 = arith.constant 13312 : i32
      %add3A_1782 = vector.broadcast %add3A_1781 : i32 to vector<16xi32>
      %add3A_1783 = arith.addi %add3A_1686, %add3A_1782 : vector<16xi32>
      tpu.vector_store_idx %arg12[%add3A_1783], %gather3A_1780 masked %lt3A_1668 : memref<32768xf32, #tpu.memory_space<vmem>>[vector<16xi32>], vector<16xf32>, vector<16xi1>
      %add3A_1784 = arith.constant 8960 : i32
      %add3A_1785 = vector.broadcast %add3A_1784 : i32 to vector<16xi32>
      %add3A_1786 = arith.addi %min3A_1675, %add3A_1785 : vector<16xi32>
      %gather3A_1787 = tpu.vector_load_idx %arg14[%add3A_1786] : memref<10240xf32, #tpu.memory_space<vmem>>[vector<16xi32>], vector<16xf32>,
      %add3A_1788 = arith.constant 14336 : i32
      %add3A_1789 = vector.broadcast %add3A_1788 : i32 to vector<16xi32>
      %add3A_1790 = arith.addi %add3A_1686, %add3A_1789 : vector<16xi32>
      tpu.vector_store_idx %arg12[%add3A_1790], %gather3A_1787 masked %lt3A_1668 : memref<32768xf32, #tpu.memory_space<vmem>>[vector<16xi32>], vector<16xf32>, vector<16xi1>
      %add3A_1791 = arith.constant 9600 : i32
      %add3A_1792 = vector.broadcast %add3A_1791 : i32 to vector<16xi32>
      %add3A_1793 = arith.addi %min3A_1675, %add3A_1792 : vector<16xi32>
      %gather3A_1794 = tpu.vector_load_idx %arg14[%add3A_1793] : memref<10240xf32, #tpu.memory_space<vmem>>[vector<16xi32>], vector<16xf32>,
      %add3A_1795 = arith.constant 15360 : i32
      %add3A_1796 = vector.broadcast %add3A_1795 : i32 to vector<16xi32>
      %add3A_1797 = arith.addi %add3A_1686, %add3A_1796 : vector<16xi32>
      tpu.vector_store_idx %arg12[%add3A_1797], %gather3A_1794 masked %lt3A_1668 : memref<32768xf32, #tpu.memory_space<vmem>>[vector<16xi32>], vector<16xf32>, vector<16xi1>
      %while3A_1798 = arith.constant 0 : i32
      scf.yield %while3A_1798 : i32
    }
    %while3A_1646 = arith.constant 1 : i32
    %while3A_1647 = scf.for %while3A_1658 = %while3A_1643 to %while3A_1639 step %while3A_1646 iter_args(%while3A_1659 = %while3A_1645) -> (i32)  : i32 {
      %mul3A_1660 = arith.constant 16 : i32
      %mul3A_1661 = arith.muli %while3A_1658, %mul3A_1660 : i32
      %add3A_1662 = arith.addi %squeeze3A, %mul3A_1661 : i32
      %get3A_1663 = arith.index_cast %add3A_1662 : i32 to index
      %get3A_1664 = tpu.vector_load %arg19[%get3A_1663] {strides = array<i32>} : memref<2064xi32, #tpu.memory_space<vmem>>, vector<16xi32>,
      %add3A_1665 = vector.broadcast %add3A_1662 : i32 to vector<16xi32>
      %add3A_1666 = arith.addi %add3A_1665, %iota3A : vector<16xi32>
      %lt3A_1667 = vector.broadcast %squeeze3A_1607 : i32 to vector<16xi32>
      %lt3A_1668 = arith.cmpi slt, %add3A_1666, %lt3A_1667 : vector<16xi32>
      %shift_right_arithmetic3A = arith.constant 11 : i32
      %shift_right_arithmetic3A_1669 = vector.broadcast %shift_right_arithmetic3A : i32 to vector<16xi32>
      %shift_right_arithmetic3A_1670 = arith.shrsi %get3A_1664, %shift_right_arithmetic3A_1669 : vector<16xi32>
      %and3A_1671 = arith.constant 16383 : i32
      %and3A_1672 = vector.broadcast %and3A_1671 : i32 to vector<16xi32>
      %and3A_1673 = arith.andi %shift_right_arithmetic3A_1670, %and3A_1672 : vector<16xi32>
      %min3A = arith.constant 575 : i32
      %min3A_1674 = vector.broadcast %min3A : i32 to vector<16xi32>
      %min3A_1675 = arith.minsi %and3A_1673, %min3A_1674 : vector<16xi32>
      %and3A_1676 = arith.constant 2047 : i32
      %and3A_1677 = vector.broadcast %and3A_1676 : i32 to vector<16xi32>
      %and3A_1678 = arith.andi %get3A_1664, %and3A_1677 : vector<16xi32>
      %ge3A = arith.constant 1024 : i32
      %ge3A_1679 = vector.broadcast %ge3A : i32 to vector<16xi32>
      %ge3A_1680 = arith.cmpi sge, %and3A_1678, %ge3A_1679 : vector<16xi32>
      %jit3A_1681 = arith.constant 15360 : i32
      %jit3A_1682 = arith.constant 0 : i32
      %broadcast_in_dim3A_1683 = vector.broadcast %jit3A_1681 : i32 to vector<16xi32>
      %broadcast_in_dim3A_1684 = vector.broadcast %jit3A_1682 : i32 to vector<16xi32>
      %select_n3A_1685 = arith.select %ge3A_1680, %broadcast_in_dim3A_1683, %broadcast_in_dim3A_1684 : vector<16xi1>, vector<16xi32>
      %add3A_1686 = arith.addi %and3A_1678, %select_n3A_1685 : vector<16xi32>
      %add3A_1687 = arith.constant 0 : i32
      %add3A_1688 = vector.broadcast %add3A_1687 : i32 to vector<16xi32>
      %add3A_1689 = arith.addi %min3A_1675, %add3A_1688 : vector<16xi32>
      %gather3A = tpu.vector_load_idx %arg14[%add3A_1689] : memref<10240xf32, #tpu.memory_space<vmem>>[vector<16xi32>], vector<16xf32>,
      %add3A_1690 = arith.constant 0 : i32
      %add3A_1691 = vector.broadcast %add3A_1690 : i32 to vector<16xi32>
      %add3A_1692 = arith.addi %add3A_1686, %add3A_1691 : vector<16xi32>
      tpu.vector_store_idx %arg12[%add3A_1692], %gather3A masked %lt3A_1668 : memref<32768xf32, #tpu.memory_space<vmem>>[vector<16xi32>], vector<16xf32>, vector<16xi1>
      %add3A_1693 = arith.constant 640 : i32
      %add3A_1694 = vector.broadcast %add3A_1693 : i32 to vector<16xi32>
      %add3A_1695 = arith.addi %min3A_1675, %add3A_1694 : vector<16xi32>
      %gather3A_1696 = tpu.vector_load_idx %arg14[%add3A_1695] : memref<10240xf32, #tpu.memory_space<vmem>>[vector<16xi32>], vector<16xf32>,
      %add3A_1697 = arith.constant 1024 : i32
      %add3A_1698 = vector.broadcast %add3A_1697 : i32 to vector<16xi32>
      %add3A_1699 = arith.addi %add3A_1686, %add3A_1698 : vector<16xi32>
      tpu.vector_store_idx %arg12[%add3A_1699], %gather3A_1696 masked %lt3A_1668 : memref<32768xf32, #tpu.memory_space<vmem>>[vector<16xi32>], vector<16xf32>, vector<16xi1>
      %add3A_1700 = arith.constant 1280 : i32
      %add3A_1701 = vector.broadcast %add3A_1700 : i32 to vector<16xi32>
      %add3A_1702 = arith.addi %min3A_1675, %add3A_1701 : vector<16xi32>
      %gather3A_1703 = tpu.vector_load_idx %arg14[%add3A_1702] : memref<10240xf32, #tpu.memory_space<vmem>>[vector<16xi32>], vector<16xf32>,
      %add3A_1704 = arith.constant 2048 : i32
      %add3A_1705 = vector.broadcast %add3A_1704 : i32 to vector<16xi32>
      %add3A_1706 = arith.addi %add3A_1686, %add3A_1705 : vector<16xi32>
      tpu.vector_store_idx %arg12[%add3A_1706], %gather3A_1703 masked %lt3A_1668 : memref<32768xf32, #tpu.memory_space<vmem>>[vector<16xi32>], vector<16xf32>, vector<16xi1>
      %add3A_1707 = arith.constant 1920 : i32
      %add3A_1708 = vector.broadcast %add3A_1707 : i32 to vector<16xi32>
      %add3A_1709 = arith.addi %min3A_1675, %add3A_1708 : vector<16xi32>
      %gather3A_1710 = tpu.vector_load_idx %arg14[%add3A_1709] : memref<10240xf32, #tpu.memory_space<vmem>>[vector<16xi32>], vector<16xf32>,
      %add3A_1711 = arith.constant 3072 : i32
      %add3A_1712 = vector.broadcast %add3A_1711 : i32 to vector<16xi32>
      %add3A_1713 = arith.addi %add3A_1686, %add3A_1712 : vector<16xi32>
      tpu.vector_store_idx %arg12[%add3A_1713], %gather3A_1710 masked %lt3A_1668 : memref<32768xf32, #tpu.memory_space<vmem>>[vector<16xi32>], vector<16xf32>, vector<16xi1>
      %add3A_1714 = arith.constant 2560 : i32
      %add3A_1715 = vector.broadcast %add3A_1714 : i32 to vector<16xi32>
      %add3A_1716 = arith.addi %min3A_1675, %add3A_1715 : vector<16xi32>
      %gather3A_1717 = tpu.vector_load_idx %arg14[%add3A_1716] : memref<10240xf32, #tpu.memory_space<vmem>>[vector<16xi32>], vector<16xf32>,
      %add3A_1718 = arith.constant 4096 : i32
      %add3A_1719 = vector.broadcast %add3A_1718 : i32 to vector<16xi32>
      %add3A_1720 = arith.addi %add3A_1686, %add3A_1719 : vector<16xi32>
      tpu.vector_store_idx %arg12[%add3A_1720], %gather3A_1717 masked %lt3A_1668 : memref<32768xf32, #tpu.memory_space<vmem>>[vector<16xi32>], vector<16xf32>, vector<16xi1>
      %add3A_1721 = arith.constant 3200 : i32
      %add3A_1722 = vector.broadcast %add3A_1721 : i32 to vector<16xi32>
      %add3A_1723 = arith.addi %min3A_1675, %add3A_1722 : vector<16xi32>
      %gather3A_1724 = tpu.vector_load_idx %arg14[%add3A_1723] : memref<10240xf32, #tpu.memory_space<vmem>>[vector<16xi32>], vector<16xf32>,
      %add3A_1725 = arith.constant 5120 : i32
      %add3A_1726 = vector.broadcast %add3A_1725 : i32 to vector<16xi32>
      %add3A_1727 = arith.addi %add3A_1686, %add3A_1726 : vector<16xi32>
      tpu.vector_store_idx %arg12[%add3A_1727], %gather3A_1724 masked %lt3A_1668 : memref<32768xf32, #tpu.memory_space<vmem>>[vector<16xi32>], vector<16xf32>, vector<16xi1>
      %add3A_1728 = arith.constant 3840 : i32
      %add3A_1729 = vector.broadcast %add3A_1728 : i32 to vector<16xi32>
      %add3A_1730 = arith.addi %min3A_1675, %add3A_1729 : vector<16xi32>
      %gather3A_1731 = tpu.vector_load_idx %arg14[%add3A_1730] : memref<10240xf32, #tpu.memory_space<vmem>>[vector<16xi32>], vector<16xf32>,
      %add3A_1732 = arith.constant 6144 : i32
      %add3A_1733 = vector.broadcast %add3A_1732 : i32 to vector<16xi32>
      %add3A_1734 = arith.addi %add3A_1686, %add3A_1733 : vector<16xi32>
      tpu.vector_store_idx %arg12[%add3A_1734], %gather3A_1731 masked %lt3A_1668 : memref<32768xf32, #tpu.memory_space<vmem>>[vector<16xi32>], vector<16xf32>, vector<16xi1>
      %add3A_1735 = arith.constant 4480 : i32
      %add3A_1736 = vector.broadcast %add3A_1735 : i32 to vector<16xi32>
      %add3A_1737 = arith.addi %min3A_1675, %add3A_1736 : vector<16xi32>
      %gather3A_1738 = tpu.vector_load_idx %arg14[%add3A_1737] : memref<10240xf32, #tpu.memory_space<vmem>>[vector<16xi32>], vector<16xf32>,
      %add3A_1739 = arith.constant 7168 : i32
      %add3A_1740 = vector.broadcast %add3A_1739 : i32 to vector<16xi32>
      %add3A_1741 = arith.addi %add3A_1686, %add3A_1740 : vector<16xi32>
      tpu.vector_store_idx %arg12[%add3A_1741], %gather3A_1738 masked %lt3A_1668 : memref<32768xf32, #tpu.memory_space<vmem>>[vector<16xi32>], vector<16xf32>, vector<16xi1>
      %add3A_1742 = arith.constant 5120 : i32
      %add3A_1743 = vector.broadcast %add3A_1742 : i32 to vector<16xi32>
      %add3A_1744 = arith.addi %min3A_1675, %add3A_1743 : vector<16xi32>
      %gather3A_1745 = tpu.vector_load_idx %arg14[%add3A_1744] : memref<10240xf32, #tpu.memory_space<vmem>>[vector<16xi32>], vector<16xf32>,
      %add3A_1746 = arith.constant 8192 : i32
      %add3A_1747 = vector.broadcast %add3A_1746 : i32 to vector<16xi32>
      %add3A_1748 = arith.addi %add3A_1686, %add3A_1747 : vector<16xi32>
      tpu.vector_store_idx %arg12[%add3A_1748], %gather3A_1745 masked %lt3A_1668 : memref<32768xf32, #tpu.memory_space<vmem>>[vector<16xi32>], vector<16xf32>, vector<16xi1>
      %add3A_1749 = arith.constant 5760 : i32
      %add3A_1750 = vector.broadcast %add3A_1749 : i32 to vector<16xi32>
      %add3A_1751 = arith.addi %min3A_1675, %add3A_1750 : vector<16xi32>
      %gather3A_1752 = tpu.vector_load_idx %arg14[%add3A_1751] : memref<10240xf32, #tpu.memory_space<vmem>>[vector<16xi32>], vector<16xf32>,
      %add3A_1753 = arith.constant 9216 : i32
      %add3A_1754 = vector.broadcast %add3A_1753 : i32 to vector<16xi32>
      %add3A_1755 = arith.addi %add3A_1686, %add3A_1754 : vector<16xi32>
      tpu.vector_store_idx %arg12[%add3A_1755], %gather3A_1752 masked %lt3A_1668 : memref<32768xf32, #tpu.memory_space<vmem>>[vector<16xi32>], vector<16xf32>, vector<16xi1>
      %add3A_1756 = arith.constant 6400 : i32
      %add3A_1757 = vector.broadcast %add3A_1756 : i32 to vector<16xi32>
      %add3A_1758 = arith.addi %min3A_1675, %add3A_1757 : vector<16xi32>
      %gather3A_1759 = tpu.vector_load_idx %arg14[%add3A_1758] : memref<10240xf32, #tpu.memory_space<vmem>>[vector<16xi32>], vector<16xf32>,
      %add3A_1760 = arith.constant 10240 : i32
      %add3A_1761 = vector.broadcast %add3A_1760 : i32 to vector<16xi32>
      %add3A_1762 = arith.addi %add3A_1686, %add3A_1761 : vector<16xi32>
      tpu.vector_store_idx %arg12[%add3A_1762], %gather3A_1759 masked %lt3A_1668 : memref<32768xf32, #tpu.memory_space<vmem>>[vector<16xi32>], vector<16xf32>, vector<16xi1>
      %add3A_1763 = arith.constant 7040 : i32
      %add3A_1764 = vector.broadcast %add3A_1763 : i32 to vector<16xi32>
      %add3A_1765 = arith.addi %min3A_1675, %add3A_1764 : vector<16xi32>
      %gather3A_1766 = tpu.vector_load_idx %arg14[%add3A_1765] : memref<10240xf32, #tpu.memory_space<vmem>>[vector<16xi32>], vector<16xf32>,
      %add3A_1767 = arith.constant 11264 : i32
      %add3A_1768 = vector.broadcast %add3A_1767 : i32 to vector<16xi32>
      %add3A_1769 = arith.addi %add3A_1686, %add3A_1768 : vector<16xi32>
      tpu.vector_store_idx %arg12[%add3A_1769], %gather3A_1766 masked %lt3A_1668 : memref<32768xf32, #tpu.memory_space<vmem>>[vector<16xi32>], vector<16xf32>, vector<16xi1>
      %add3A_1770 = arith.constant 7680 : i32
      %add3A_1771 = vector.broadcast %add3A_1770 : i32 to vector<16xi32>
      %add3A_1772 = arith.addi %min3A_1675, %add3A_1771 : vector<16xi32>
      %gather3A_1773 = tpu.vector_load_idx %arg14[%add3A_1772] : memref<10240xf32, #tpu.memory_space<vmem>>[vector<16xi32>], vector<16xf32>,
      %add3A_1774 = arith.constant 12288 : i32
      %add3A_1775 = vector.broadcast %add3A_1774 : i32 to vector<16xi32>
      %add3A_1776 = arith.addi %add3A_1686, %add3A_1775 : vector<16xi32>
      tpu.vector_store_idx %arg12[%add3A_1776], %gather3A_1773 masked %lt3A_1668 : memref<32768xf32, #tpu.memory_space<vmem>>[vector<16xi32>], vector<16xf32>, vector<16xi1>
      %add3A_1777 = arith.constant 8320 : i32
      %add3A_1778 = vector.broadcast %add3A_1777 : i32 to vector<16xi32>
      %add3A_1779 = arith.addi %min3A_1675, %add3A_1778 : vector<16xi32>
      %gather3A_1780 = tpu.vector_load_idx %arg14[%add3A_1779] : memref<10240xf32, #tpu.memory_space<vmem>>[vector<16xi32>], vector<16xf32>,
      %add3A_1781 = arith.constant 13312 : i32
      %add3A_1782 = vector.broadcast %add3A_1781 : i32 to vector<16xi32>
      %add3A_1783 = arith.addi %add3A_1686, %add3A_1782 : vector<16xi32>
      tpu.vector_store_idx %arg12[%add3A_1783], %gather3A_1780 masked %lt3A_1668 : memref<32768xf32, #tpu.memory_space<vmem>>[vector<16xi32>], vector<16xf32>, vector<16xi1>
      %add3A_1784 = arith.constant 8960 : i32
      %add3A_1785 = vector.broadcast %add3A_1784 : i32 to vector<16xi32>
      %add3A_1786 = arith.addi %min3A_1675, %add3A_1785 : vector<16xi32>
      %gather3A_1787 = tpu.vector_load_idx %arg14[%add3A_1786] : memref<10240xf32, #tpu.memory_space<vmem>>[vector<16xi32>], vector<16xf32>,
      %add3A_1788 = arith.constant 14336 : i32
      %add3A_1789 = vector.broadcast %add3A_1788 : i32 to vector<16xi32>
      %add3A_1790 = arith.addi %add3A_1686, %add3A_1789 : vector<16xi32>
      tpu.vector_store_idx %arg12[%add3A_1790], %gather3A_1787 masked %lt3A_1668 : memref<32768xf32, #tpu.memory_space<vmem>>[vector<16xi32>], vector<16xf32>, vector<16xi1>
      %add3A_1791 = arith.constant 9600 : i32
      %add3A_1792 = vector.broadcast %add3A_1791 : i32 to vector<16xi32>
      %add3A_1793 = arith.addi %min3A_1675, %add3A_1792 : vector<16xi32>
      %gather3A_1794 = tpu.vector_load_idx %arg14[%add3A_1793] : memref<10240xf32, #tpu.memory_space<vmem>>[vector<16xi32>], vector<16xf32>,
      %add3A_1795 = arith.constant 15360 : i32
      %add3A_1796 = vector.broadcast %add3A_1795 : i32 to vector<16xi32>
      %add3A_1797 = arith.addi %add3A_1686, %add3A_1796 : vector<16xi32>
      tpu.vector_store_idx %arg12[%add3A_1797], %gather3A_1794 masked %lt3A_1668 : memref<32768xf32, #tpu.memory_space<vmem>>[vector<16xi32>], vector<16xf32>, vector<16xi1>
      %while3A_1798 = arith.constant 0 : i32
      scf.yield %while3A_1798 : i32
    }
    %scan3A_1648 = arith.constant 0 : i32
    %scan3A_1649 = arith.constant 0 : i32
    %scan3A_1650 = arith.constant 64 : i32
    %scan3A_1651 = arith.addi %scan3A_1649, %scan3A_1650 : i32
    %scan3A_1652 = arith.constant 1 : i32
    %scan3A_1653 = scf.for %scan3A_1658 = %scan3A_1649 to %scan3A_1651 step %scan3A_1652 iter_args(%scan3A_1659 = %scan3A_1648) -> (i32)  : i32 {
      %mul3A_1660 = arith.constant 16 : i32
      %mul3A_1661 = arith.muli %scan3A_1658, %mul3A_1660 : i32
      %get3A_1662 = arith.index_cast %mul3A_1661 : i32 to index
      %get3A_1663 = tpu.vector_load %arg10[%get3A_1662] {strides = array<i32>} : memref<1024xi32, #tpu.memory_space<vmem>>, vector<16xi32>,
      %broadcast_in_dim3A_1664 = arith.constant 0.000000e+00 : f32
      %broadcast_in_dim3A_1665 = vector.broadcast %broadcast_in_dim3A_1664 : f32 to vector<16xf32>
      %add3A_1666 = arith.constant 0 : i32
      %add3A_1667 = arith.addi %add3A_1666, %mul3A_1661 : i32
      %get3A_1668 = arith.index_cast %add3A_1667 : i32 to index
      %get3A_1669 = tpu.vector_load %arg12[%get3A_1668] {strides = array<i32>} : memref<32768xf32, #tpu.memory_space<vmem>>, vector<16xf32>,
      %add3A_1670 = arith.constant 16384 : i32
      %add3A_1671 = arith.addi %add3A_1670, %mul3A_1661 : i32
      %get3A_1672 = arith.index_cast %add3A_1671 : i32 to index
      %get3A_1673 = tpu.vector_load %arg12[%get3A_1672] {strides = array<i32>} : memref<32768xf32, #tpu.memory_space<vmem>>, vector<16xf32>,
      %add3A_1674 = arith.constant 0 : i32
      %add3A_1675 = vector.broadcast %add3A_1674 : i32 to vector<16xi32>
      %add3A_1676 = arith.addi %add3A_1675, %get3A_1663 : vector<16xi32>
      %gather3A = tpu.vector_load_idx %arg13[%add3A_1676] : memref<16000xf32, #tpu.memory_space<vmem>>[vector<16xi32>], vector<16xf32>,
      %mul3A_1677 = arith.mulf %get3A_1669, %get3A_1673 : vector<16xf32>
      %mul3A_1678 = arith.mulf %mul3A_1677, %gather3A : vector<16xf32>
      %add3A_1679 = arith.addf %broadcast_in_dim3A_1665, %mul3A_1678 : vector<16xf32>
      %add3A_1680 = arith.constant 1024 : i32
      %add3A_1681 = arith.addi %add3A_1680, %mul3A_1661 : i32
      %get3A_1682 = arith.index_cast %add3A_1681 : i32 to index
      %get3A_1683 = tpu.vector_load %arg12[%get3A_1682] {strides = array<i32>} : memref<32768xf32, #tpu.memory_space<vmem>>, vector<16xf32>,
      %add3A_1684 = arith.constant 17408 : i32
      %add3A_1685 = arith.addi %add3A_1684, %mul3A_1661 : i32
      %get3A_1686 = arith.index_cast %add3A_1685 : i32 to index
      %get3A_1687 = tpu.vector_load %arg12[%get3A_1686] {strides = array<i32>} : memref<32768xf32, #tpu.memory_space<vmem>>, vector<16xf32>,
      %add3A_1688 = arith.constant 1000 : i32
      %add3A_1689 = vector.broadcast %add3A_1688 : i32 to vector<16xi32>
      %add3A_1690 = arith.addi %add3A_1689, %get3A_1663 : vector<16xi32>
      %gather3A_1691 = tpu.vector_load_idx %arg13[%add3A_1690] : memref<16000xf32, #tpu.memory_space<vmem>>[vector<16xi32>], vector<16xf32>,
      %mul3A_1692 = arith.mulf %get3A_1683, %get3A_1687 : vector<16xf32>
      %mul3A_1693 = arith.mulf %mul3A_1692, %gather3A_1691 : vector<16xf32>
      %add3A_1694 = arith.addf %add3A_1679, %mul3A_1693 : vector<16xf32>
      %add3A_1695 = arith.constant 2048 : i32
      %add3A_1696 = arith.addi %add3A_1695, %mul3A_1661 : i32
      %get3A_1697 = arith.index_cast %add3A_1696 : i32 to index
      %get3A_1698 = tpu.vector_load %arg12[%get3A_1697] {strides = array<i32>} : memref<32768xf32, #tpu.memory_space<vmem>>, vector<16xf32>,
      %add3A_1699 = arith.constant 18432 : i32
      %add3A_1700 = arith.addi %add3A_1699, %mul3A_1661 : i32
      %get3A_1701 = arith.index_cast %add3A_1700 : i32 to index
      %get3A_1702 = tpu.vector_load %arg12[%get3A_1701] {strides = array<i32>} : memref<32768xf32, #tpu.memory_space<vmem>>, vector<16xf32>,
      %add3A_1703 = arith.constant 2000 : i32
      %add3A_1704 = vector.broadcast %add3A_1703 : i32 to vector<16xi32>
      %add3A_1705 = arith.addi %add3A_1704, %get3A_1663 : vector<16xi32>
      %gather3A_1706 = tpu.vector_load_idx %arg13[%add3A_1705] : memref<16000xf32, #tpu.memory_space<vmem>>[vector<16xi32>], vector<16xf32>,
      %mul3A_1707 = arith.mulf %get3A_1698, %get3A_1702 : vector<16xf32>
      %mul3A_1708 = arith.mulf %mul3A_1707, %gather3A_1706 : vector<16xf32>
      %add3A_1709 = arith.addf %add3A_1694, %mul3A_1708 : vector<16xf32>
      %add3A_1710 = arith.constant 3072 : i32
      %add3A_1711 = arith.addi %add3A_1710, %mul3A_1661 : i32
      %get3A_1712 = arith.index_cast %add3A_1711 : i32 to index
      %get3A_1713 = tpu.vector_load %arg12[%get3A_1712] {strides = array<i32>} : memref<32768xf32, #tpu.memory_space<vmem>>, vector<16xf32>,
      %add3A_1714 = arith.constant 19456 : i32
      %add3A_1715 = arith.addi %add3A_1714, %mul3A_1661 : i32
      %get3A_1716 = arith.index_cast %add3A_1715 : i32 to index
      %get3A_1717 = tpu.vector_load %arg12[%get3A_1716] {strides = array<i32>} : memref<32768xf32, #tpu.memory_space<vmem>>, vector<16xf32>,
      %add3A_1718 = arith.constant 3000 : i32
      %add3A_1719 = vector.broadcast %add3A_1718 : i32 to vector<16xi32>
      %add3A_1720 = arith.addi %add3A_1719, %get3A_1663 : vector<16xi32>
      %gather3A_1721 = tpu.vector_load_idx %arg13[%add3A_1720] : memref<16000xf32, #tpu.memory_space<vmem>>[vector<16xi32>], vector<16xf32>,
      %mul3A_1722 = arith.mulf %get3A_1713, %get3A_1717 : vector<16xf32>
      %mul3A_1723 = arith.mulf %mul3A_1722, %gather3A_1721 : vector<16xf32>
      %add3A_1724 = arith.addf %add3A_1709, %mul3A_1723 : vector<16xf32>
      %add3A_1725 = arith.constant 4096 : i32
      %add3A_1726 = arith.addi %add3A_1725, %mul3A_1661 : i32
      %get3A_1727 = arith.index_cast %add3A_1726 : i32 to index
      %get3A_1728 = tpu.vector_load %arg12[%get3A_1727] {strides = array<i32>} : memref<32768xf32, #tpu.memory_space<vmem>>, vector<16xf32>,
      %add3A_1729 = arith.constant 20480 : i32
      %add3A_1730 = arith.addi %add3A_1729, %mul3A_1661 : i32
      %get3A_1731 = arith.index_cast %add3A_1730 : i32 to index
      %get3A_1732 = tpu.vector_load %arg12[%get3A_1731] {strides = array<i32>} : memref<32768xf32, #tpu.memory_space<vmem>>, vector<16xf32>,
      %add3A_1733 = arith.constant 4000 : i32
      %add3A_1734 = vector.broadcast %add3A_1733 : i32 to vector<16xi32>
      %add3A_1735 = arith.addi %add3A_1734, %get3A_1663 : vector<16xi32>
      %gather3A_1736 = tpu.vector_load_idx %arg13[%add3A_1735] : memref<16000xf32, #tpu.memory_space<vmem>>[vector<16xi32>], vector<16xf32>,
      %mul3A_1737 = arith.mulf %get3A_1728, %get3A_1732 : vector<16xf32>
      %mul3A_1738 = arith.mulf %mul3A_1737, %gather3A_1736 : vector<16xf32>
      %add3A_1739 = arith.addf %add3A_1724, %mul3A_1738 : vector<16xf32>
      %add3A_1740 = arith.constant 5120 : i32
      %add3A_1741 = arith.addi %add3A_1740, %mul3A_1661 : i32
      %get3A_1742 = arith.index_cast %add3A_1741 : i32 to index
      %get3A_1743 = tpu.vector_load %arg12[%get3A_1742] {strides = array<i32>} : memref<32768xf32, #tpu.memory_space<vmem>>, vector<16xf32>,
      %add3A_1744 = arith.constant 21504 : i32
      %add3A_1745 = arith.addi %add3A_1744, %mul3A_1661 : i32
      %get3A_1746 = arith.index_cast %add3A_1745 : i32 to index
      %get3A_1747 = tpu.vector_load %arg12[%get3A_1746] {strides = array<i32>} : memref<32768xf32, #tpu.memory_space<vmem>>, vector<16xf32>,
      %add3A_1748 = arith.constant 5000 : i32
      %add3A_1749 = vector.broadcast %add3A_1748 : i32 to vector<16xi32>
      %add3A_1750 = arith.addi %add3A_1749, %get3A_1663 : vector<16xi32>
      %gather3A_1751 = tpu.vector_load_idx %arg13[%add3A_1750] : memref<16000xf32, #tpu.memory_space<vmem>>[vector<16xi32>], vector<16xf32>,
      %mul3A_1752 = arith.mulf %get3A_1743, %get3A_1747 : vector<16xf32>
      %mul3A_1753 = arith.mulf %mul3A_1752, %gather3A_1751 : vector<16xf32>
      %add3A_1754 = arith.addf %add3A_1739, %mul3A_1753 : vector<16xf32>
      %add3A_1755 = arith.constant 6144 : i32
      %add3A_1756 = arith.addi %add3A_1755, %mul3A_1661 : i32
      %get3A_1757 = arith.index_cast %add3A_1756 : i32 to index
      %get3A_1758 = tpu.vector_load %arg12[%get3A_1757] {strides = array<i32>} : memref<32768xf32, #tpu.memory_space<vmem>>, vector<16xf32>,
      %add3A_1759 = arith.constant 22528 : i32
      %add3A_1760 = arith.addi %add3A_1759, %mul3A_1661 : i32
      %get3A_1761 = arith.index_cast %add3A_1760 : i32 to index
      %get3A_1762 = tpu.vector_load %arg12[%get3A_1761] {strides = array<i32>} : memref<32768xf32, #tpu.memory_space<vmem>>, vector<16xf32>,
      %add3A_1763 = arith.constant 6000 : i32
      %add3A_1764 = vector.broadcast %add3A_1763 : i32 to vector<16xi32>
      %add3A_1765 = arith.addi %add3A_1764, %get3A_1663 : vector<16xi32>
      %gather3A_1766 = tpu.vector_load_idx %arg13[%add3A_1765] : memref<16000xf32, #tpu.memory_space<vmem>>[vector<16xi32>], vector<16xf32>,
      %mul3A_1767 = arith.mulf %get3A_1758, %get3A_1762 : vector<16xf32>
      %mul3A_1768 = arith.mulf %mul3A_1767, %gather3A_1766 : vector<16xf32>
      %add3A_1769 = arith.addf %add3A_1754, %mul3A_1768 : vector<16xf32>
      %add3A_1770 = arith.constant 7168 : i32
      %add3A_1771 = arith.addi %add3A_1770, %mul3A_1661 : i32
      %get3A_1772 = arith.index_cast %add3A_1771 : i32 to index
      %get3A_1773 = tpu.vector_load %arg12[%get3A_1772] {strides = array<i32>} : memref<32768xf32, #tpu.memory_space<vmem>>, vector<16xf32>,
      %add3A_1774 = arith.constant 23552 : i32
      %add3A_1775 = arith.addi %add3A_1774, %mul3A_1661 : i32
      %get3A_1776 = arith.index_cast %add3A_1775 : i32 to index
      %get3A_1777 = tpu.vector_load %arg12[%get3A_1776] {strides = array<i32>} : memref<32768xf32, #tpu.memory_space<vmem>>, vector<16xf32>,
      %add3A_1778 = arith.constant 7000 : i32
      %add3A_1779 = vector.broadcast %add3A_1778 : i32 to vector<16xi32>
      %add3A_1780 = arith.addi %add3A_1779, %get3A_1663 : vector<16xi32>
      %gather3A_1781 = tpu.vector_load_idx %arg13[%add3A_1780] : memref<16000xf32, #tpu.memory_space<vmem>>[vector<16xi32>], vector<16xf32>,
      %mul3A_1782 = arith.mulf %get3A_1773, %get3A_1777 : vector<16xf32>
      %mul3A_1783 = arith.mulf %mul3A_1782, %gather3A_1781 : vector<16xf32>
      %add3A_1784 = arith.addf %add3A_1769, %mul3A_1783 : vector<16xf32>
      %add3A_1785 = arith.constant 8192 : i32
      %add3A_1786 = arith.addi %add3A_1785, %mul3A_1661 : i32
      %get3A_1787 = arith.index_cast %add3A_1786 : i32 to index
      %get3A_1788 = tpu.vector_load %arg12[%get3A_1787] {strides = array<i32>} : memref<32768xf32, #tpu.memory_space<vmem>>, vector<16xf32>,
      %add3A_1789 = arith.constant 24576 : i32
      %add3A_1790 = arith.addi %add3A_1789, %mul3A_1661 : i32
      %get3A_1791 = arith.index_cast %add3A_1790 : i32 to index
      %get3A_1792 = tpu.vector_load %arg12[%get3A_1791] {strides = array<i32>} : memref<32768xf32, #tpu.memory_space<vmem>>, vector<16xf32>,
      %add3A_1793 = arith.constant 8000 : i32
      %add3A_1794 = vector.broadcast %add3A_1793 : i32 to vector<16xi32>
      %add3A_1795 = arith.addi %add3A_1794, %get3A_1663 : vector<16xi32>
      %gather3A_1796 = tpu.vector_load_idx %arg13[%add3A_1795] : memref<16000xf32, #tpu.memory_space<vmem>>[vector<16xi32>], vector<16xf32>,
      %mul3A_1797 = arith.mulf %get3A_1788, %get3A_1792 : vector<16xf32>
      %mul3A_1798 = arith.mulf %mul3A_1797, %gather3A_1796 : vector<16xf32>
      %add3A_1799 = arith.addf %add3A_1784, %mul3A_1798 : vector<16xf32>
      %add3A_1800 = arith.constant 9216 : i32
      %add3A_1801 = arith.addi %add3A_1800, %mul3A_1661 : i32
      %get3A_1802 = arith.index_cast %add3A_1801 : i32 to index
      %get3A_1803 = tpu.vector_load %arg12[%get3A_1802] {strides = array<i32>} : memref<32768xf32, #tpu.memory_space<vmem>>, vector<16xf32>,
      %add3A_1804 = arith.constant 25600 : i32
      %add3A_1805 = arith.addi %add3A_1804, %mul3A_1661 : i32
      %get3A_1806 = arith.index_cast %add3A_1805 : i32 to index
      %get3A_1807 = tpu.vector_load %arg12[%get3A_1806] {strides = array<i32>} : memref<32768xf32, #tpu.memory_space<vmem>>, vector<16xf32>,
      %add3A_1808 = arith.constant 9000 : i32
      %add3A_1809 = vector.broadcast %add3A_1808 : i32 to vector<16xi32>
      %add3A_1810 = arith.addi %add3A_1809, %get3A_1663 : vector<16xi32>
      %gather3A_1811 = tpu.vector_load_idx %arg13[%add3A_1810] : memref<16000xf32, #tpu.memory_space<vmem>>[vector<16xi32>], vector<16xf32>,
      %mul3A_1812 = arith.mulf %get3A_1803, %get3A_1807 : vector<16xf32>
      %mul3A_1813 = arith.mulf %mul3A_1812, %gather3A_1811 : vector<16xf32>
      %add3A_1814 = arith.addf %add3A_1799, %mul3A_1813 : vector<16xf32>
      %add3A_1815 = arith.constant 10240 : i32
      %add3A_1816 = arith.addi %add3A_1815, %mul3A_1661 : i32
      %get3A_1817 = arith.index_cast %add3A_1816 : i32 to index
      %get3A_1818 = tpu.vector_load %arg12[%get3A_1817] {strides = array<i32>} : memref<32768xf32, #tpu.memory_space<vmem>>, vector<16xf32>,
      %add3A_1819 = arith.constant 26624 : i32
      %add3A_1820 = arith.addi %add3A_1819, %mul3A_1661 : i32
      %get3A_1821 = arith.index_cast %add3A_1820 : i32 to index
      %get3A_1822 = tpu.vector_load %arg12[%get3A_1821] {strides = array<i32>} : memref<32768xf32, #tpu.memory_space<vmem>>, vector<16xf32>,
      %add3A_1823 = arith.constant 10000 : i32
      %add3A_1824 = vector.broadcast %add3A_1823 : i32 to vector<16xi32>
      %add3A_1825 = arith.addi %add3A_1824, %get3A_1663 : vector<16xi32>
      %gather3A_1826 = tpu.vector_load_idx %arg13[%add3A_1825] : memref<16000xf32, #tpu.memory_space<vmem>>[vector<16xi32>], vector<16xf32>,
      %mul3A_1827 = arith.mulf %get3A_1818, %get3A_1822 : vector<16xf32>
      %mul3A_1828 = arith.mulf %mul3A_1827, %gather3A_1826 : vector<16xf32>
      %add3A_1829 = arith.addf %add3A_1814, %mul3A_1828 : vector<16xf32>
      %add3A_1830 = arith.constant 11264 : i32
      %add3A_1831 = arith.addi %add3A_1830, %mul3A_1661 : i32
      %get3A_1832 = arith.index_cast %add3A_1831 : i32 to index
      %get3A_1833 = tpu.vector_load %arg12[%get3A_1832] {strides = array<i32>} : memref<32768xf32, #tpu.memory_space<vmem>>, vector<16xf32>,
      %add3A_1834 = arith.constant 27648 : i32
      %add3A_1835 = arith.addi %add3A_1834, %mul3A_1661 : i32
      %get3A_1836 = arith.index_cast %add3A_1835 : i32 to index
      %get3A_1837 = tpu.vector_load %arg12[%get3A_1836] {strides = array<i32>} : memref<32768xf32, #tpu.memory_space<vmem>>, vector<16xf32>,
      %add3A_1838 = arith.constant 11000 : i32
      %add3A_1839 = vector.broadcast %add3A_1838 : i32 to vector<16xi32>
      %add3A_1840 = arith.addi %add3A_1839, %get3A_1663 : vector<16xi32>
      %gather3A_1841 = tpu.vector_load_idx %arg13[%add3A_1840] : memref<16000xf32, #tpu.memory_space<vmem>>[vector<16xi32>], vector<16xf32>,
      %mul3A_1842 = arith.mulf %get3A_1833, %get3A_1837 : vector<16xf32>
      %mul3A_1843 = arith.mulf %mul3A_1842, %gather3A_1841 : vector<16xf32>
      %add3A_1844 = arith.addf %add3A_1829, %mul3A_1843 : vector<16xf32>
      %add3A_1845 = arith.constant 12288 : i32
      %add3A_1846 = arith.addi %add3A_1845, %mul3A_1661 : i32
      %get3A_1847 = arith.index_cast %add3A_1846 : i32 to index
      %get3A_1848 = tpu.vector_load %arg12[%get3A_1847] {strides = array<i32>} : memref<32768xf32, #tpu.memory_space<vmem>>, vector<16xf32>,
      %add3A_1849 = arith.constant 28672 : i32
      %add3A_1850 = arith.addi %add3A_1849, %mul3A_1661 : i32
      %get3A_1851 = arith.index_cast %add3A_1850 : i32 to index
      %get3A_1852 = tpu.vector_load %arg12[%get3A_1851] {strides = array<i32>} : memref<32768xf32, #tpu.memory_space<vmem>>, vector<16xf32>,
      %add3A_1853 = arith.constant 12000 : i32
      %add3A_1854 = vector.broadcast %add3A_1853 : i32 to vector<16xi32>
      %add3A_1855 = arith.addi %add3A_1854, %get3A_1663 : vector<16xi32>
      %gather3A_1856 = tpu.vector_load_idx %arg13[%add3A_1855] : memref<16000xf32, #tpu.memory_space<vmem>>[vector<16xi32>], vector<16xf32>,
      %mul3A_1857 = arith.mulf %get3A_1848, %get3A_1852 : vector<16xf32>
      %mul3A_1858 = arith.mulf %mul3A_1857, %gather3A_1856 : vector<16xf32>
      %add3A_1859 = arith.addf %add3A_1844, %mul3A_1858 : vector<16xf32>
      %add3A_1860 = arith.constant 13312 : i32
      %add3A_1861 = arith.addi %add3A_1860, %mul3A_1661 : i32
      %get3A_1862 = arith.index_cast %add3A_1861 : i32 to index
      %get3A_1863 = tpu.vector_load %arg12[%get3A_1862] {strides = array<i32>} : memref<32768xf32, #tpu.memory_space<vmem>>, vector<16xf32>,
      %add3A_1864 = arith.constant 29696 : i32
      %add3A_1865 = arith.addi %add3A_1864, %mul3A_1661 : i32
      %get3A_1866 = arith.index_cast %add3A_1865 : i32 to index
      %get3A_1867 = tpu.vector_load %arg12[%get3A_1866] {strides = array<i32>} : memref<32768xf32, #tpu.memory_space<vmem>>, vector<16xf32>,
      %add3A_1868 = arith.constant 13000 : i32
      %add3A_1869 = vector.broadcast %add3A_1868 : i32 to vector<16xi32>
      %add3A_1870 = arith.addi %add3A_1869, %get3A_1663 : vector<16xi32>
      %gather3A_1871 = tpu.vector_load_idx %arg13[%add3A_1870] : memref<16000xf32, #tpu.memory_space<vmem>>[vector<16xi32>], vector<16xf32>,
      %mul3A_1872 = arith.mulf %get3A_1863, %get3A_1867 : vector<16xf32>
      %mul3A_1873 = arith.mulf %mul3A_1872, %gather3A_1871 : vector<16xf32>
      %add3A_1874 = arith.addf %add3A_1859, %mul3A_1873 : vector<16xf32>
      %add3A_1875 = arith.constant 14336 : i32
      %add3A_1876 = arith.addi %add3A_1875, %mul3A_1661 : i32
      %get3A_1877 = arith.index_cast %add3A_1876 : i32 to index
      %get3A_1878 = tpu.vector_load %arg12[%get3A_1877] {strides = array<i32>} : memref<32768xf32, #tpu.memory_space<vmem>>, vector<16xf32>,
      %add3A_1879 = arith.constant 30720 : i32
      %add3A_1880 = arith.addi %add3A_1879, %mul3A_1661 : i32
      %get3A_1881 = arith.index_cast %add3A_1880 : i32 to index
      %get3A_1882 = tpu.vector_load %arg12[%get3A_1881] {strides = array<i32>} : memref<32768xf32, #tpu.memory_space<vmem>>, vector<16xf32>,
      %add3A_1883 = arith.constant 14000 : i32
      %add3A_1884 = vector.broadcast %add3A_1883 : i32 to vector<16xi32>
      %add3A_1885 = arith.addi %add3A_1884, %get3A_1663 : vector<16xi32>
      %gather3A_1886 = tpu.vector_load_idx %arg13[%add3A_1885] : memref<16000xf32, #tpu.memory_space<vmem>>[vector<16xi32>], vector<16xf32>,
      %mul3A_1887 = arith.mulf %get3A_1878, %get3A_1882 : vector<16xf32>
      %mul3A_1888 = arith.mulf %mul3A_1887, %gather3A_1886 : vector<16xf32>
      %add3A_1889 = arith.addf %add3A_1874, %mul3A_1888 : vector<16xf32>
      %add3A_1890 = arith.constant 15360 : i32
      %add3A_1891 = arith.addi %add3A_1890, %mul3A_1661 : i32
      %get3A_1892 = arith.index_cast %add3A_1891 : i32 to index
      %get3A_1893 = tpu.vector_load %arg12[%get3A_1892] {strides = array<i32>} : memref<32768xf32, #tpu.memory_space<vmem>>, vector<16xf32>,
      %add3A_1894 = arith.constant 31744 : i32
      %add3A_1895 = arith.addi %add3A_1894, %mul3A_1661 : i32
      %get3A_1896 = arith.index_cast %add3A_1895 : i32 to index
      %get3A_1897 = tpu.vector_load %arg12[%get3A_1896] {strides = array<i32>} : memref<32768xf32, #tpu.memory_space<vmem>>, vector<16xf32>,
      %add3A_1898 = arith.constant 15000 : i32
      %add3A_1899 = vector.broadcast %add3A_1898 : i32 to vector<16xi32>
      %add3A_1900 = arith.addi %add3A_1899, %get3A_1663 : vector<16xi32>
      %gather3A_1901 = tpu.vector_load_idx %arg13[%add3A_1900] : memref<16000xf32, #tpu.memory_space<vmem>>[vector<16xi32>], vector<16xf32>,
      %mul3A_1902 = arith.mulf %get3A_1893, %get3A_1897 : vector<16xf32>
      %mul3A_1903 = arith.mulf %mul3A_1902, %gather3A_1901 : vector<16xf32>
      %add3A_1904 = arith.addf %add3A_1889, %mul3A_1903 : vector<16xf32>
      %swap3A_1905 = arith.index_cast %mul3A_1661 : i32 to index
      %swap3A_1906 = tpu.vector_load %arg11[%swap3A_1905] {strides = array<i32>} : memref<1024xf32, #tpu.memory_space<vmem>>, vector<16xf32>,
      tpu.vector_store %arg11[%swap3A_1905], %add3A_1904 {strides = array<i32>} : memref<1024xf32, #tpu.memory_space<vmem>>, vector<16xf32>,
      %scan3A_1907 = arith.constant 0 : i32
      scf.yield %scan3A_1907 : i32
    }
    %scan3A_1654 = arith.constant 64 : i32
    %mul3A_1655 = arith.constant 16384 : i32
    %mul3A_1656 = arith.muli %arg0, %mul3A_1655 : i32
    %add3A_1657 = arith.addi %mul3A_1656, %mul3A_0 : i32
    "tpu.region"() ({
      %run_scoped3A = tpu.sem_alloc : memref<!tpu.dma_semaphore, #tpu.memory_space<semaphore_mem>>
      %dma_start3A_1658 = tpu.memref_slice %arg8[%add3A_1657] : memref<32768xf32, #tpu.memory_space<hbm>> -> memref<1024xf32, #tpu.memory_space<hbm>>
      %dma_start3A_1659 = tpu.memref_slice %arg8[%add3A_1657] : memref<32768xf32, #tpu.memory_space<hbm>> -> memref<1024xf32, #tpu.memory_space<hbm>>
      tpu.enqueue_dma source(%arg11 : memref<1024xf32, #tpu.memory_space<vmem>>) target(%dma_start3A_1659 : memref<1024xf32, #tpu.memory_space<hbm>>) target_semaphore(%run_scoped3A : memref<!tpu.dma_semaphore, #tpu.memory_space<semaphore_mem>>)
      %dma_wait3A_1660 = tpu.memref_slice %arg8[%add3A_1657] : memref<32768xf32, #tpu.memory_space<hbm>> -> memref<1024xf32, #tpu.memory_space<hbm>>
      %dma_wait3A_1661 = tpu.memref_slice %arg8[%add3A_1657] : memref<32768xf32, #tpu.memory_space<hbm>> -> memref<1024xf32, #tpu.memory_space<hbm>>
      tpu.wait_dma2 semaphore(%run_scoped3A : memref<!tpu.dma_semaphore, #tpu.memory_space<semaphore_mem>>) src(%arg11 : memref<1024xf32, #tpu.memory_space<vmem>>) dst(%dma_wait3A_1661 : memref<1024xf32, #tpu.memory_space<hbm>>)
      tpu.yield
    }) : () -> ()
    return
  }
}

</mosaic_0001>

<sc_bundles>
// kernel: kernel.4.cloned.1.call-start
scs
__scs_entry_jumppad:
0x0: {  	(pc) =	sbr.rel $0x88, $3  }
0x1: {  	(tag) =	ssettag $0x0;
	lr =	simm.s32 $0x1  }
0x2: {  	[smem:$0x3F99] =	sst lr;
	_ =	strace $0xD0000000  }
0x3: {  	_ = 	snop  }
0x4: {  	_ = 	snop  }
0x5: {  	_ = 	snop  }
0x6: {  	_ = 	snop  }
0x7: {  	_ = 	snop  }
__scs_overlays_trampoline_lowered:
0x8: {  	[smem:$0x3FA8] =	sst s0  }
0x9: {  	[smem:$0x3FA9] =	sst s1  }
0xa: {  	[smem:$0x3FAA] =	sst s2  }
0xb: {  	[smem:$0x3FAB] =	sst s3  }
0xc: {  	[smem:$0x3FAC] =	sst s4  }
0xd: {  	[smem:$0x3FAD] =	sst s5  }
0xe: {  	[smem:$0x3FAE] =	sst s6  }
0xf: {  	[smem:$0x3FAF] =	sst s7  }
0x10: {  	[smem:$0x3FB0] =	sst s8  }
0x11: {  	[smem:$0x3FB1] =	sst s9;
	s0 =	simm.s32 @!p0 $0x0  }
0x12: {  	s1 =	sld [smem:$0x3F97];
	s0 =	simm.s32 @p0 $0x1  }
0x13: {  	[smem:$0x3FB2] =	sst s0;
	s0 =	simm.s32 @!p1 $0x0  }
0x14: {  	s2 =	sld [smem:$0x3F96];
	s0 =	simm.s32 @p1 $0x1  }
0x15: {  	[smem:$0x3FB3] =	sst s0;
	s0 =	simm.s32 @!p2 $0x0  }
0x16: {  	s3 =	sld [smem:$0x3FDB];
	s0 =	simm.s32 @p2 $0x1  }
0x17: {  	s4 =	simm.s32 $0x1BF5;
	[smem:$0x3FB5] =	sst s0  }
0x18: {  	s0 =	sld [smem:$0x3F98];
	_ =	swait.ge [sflag:s4], $0x0  }
0x19: {  	s7 =	sld [smem:$0x3F99]  }
0x1a: {  	s8 =	sadd.s32 $0xFFFFE003, lr  }
0x1b: {  	s9 =	sadd.s32 $0xFFFFFEF7, lr;
	s5 =	simm.s32 $0xFFFFFFFF;
	p2 =	slt.u32 s8, $0xFFFFF086  }
0x1c: {  	p1 =	slt.u32 s9, $0xF7A;
	s5 =	simm.s32 @!p2 $0x0  }
0x1d: {  	s5 =	simm.s32 @p1 $0x1;
	p0 =	seq.s32 s7, s2  }
0x1e: {  	s7 =	smul.u32 @!p0 $0xF7A, s2;
	p2 =	seq.s32 @!p0 s5, $0x0  }
0x1f: {  	s9 =	smul.u32 $0xF7A, s1;
	s8 =	simm.s32 @!p0 $0x1BF5;
	p2 =	por !p2, p0  }
0x20: {  	[sflag:s8] =	ssyncset.s32 @!p0 $0xFFFFF086;
	s6 =	sadd.s32 @!p0 s3, s7;
	s7 =	simm.s32 @!p0 $0x108  }
0x21: {  	s3 =	sadd.s32 s3, s9;
	s6 =	sadd.s32 @!p0 $0x88, s6;
	s7 =	simm.s32 @p2 $0x1082  }
0x22: {  	[simem:s7], [sflag:s8] =	dma.local @!p0 [hbm:s6], $0xF7A  }
0x23: {  	s9 =	sor.u32 $0xD0000000, s2;
	s6 =	simm.s32 $0x108;
	_ =	swait.ge @!p0 [sflag:s8], $0x0  }
0x24: {  	s3 =	sadd.s32 $0x88, s3;
	s6 =	simm.s32 @!p1 $0x1082;
	[sflag:s4] =	ssyncset.s32 $0xFFFFF086  }
0x25: {  	[simem:s6], [sflag:s4] =	dma.local [hbm:s3], $0xF7A  }
0x26: {  	[smem:$0x3F99] =	sst s1;
	(tag) =	ssettag s2;
	_ =	strace s9  }
0x27: {  	s1 =	sld [smem:$0x3FA9]  }
0x28: {  	s2 =	sld [smem:$0x3FAA]  }
0x29: {  	s4 =	sld [smem:$0x3FAC]  }
0x2a: {  	p0 =	seq.s32 s5, $0x0;
	s5 =	sld [smem:$0x3FAD]  }
0x2b: {  	s6 =	sld [smem:$0x3FAE]  }
0x2c: {  	s7 =	sld [smem:$0x3FAF]  }
0x2d: {  	s3 =	simm.s32 $0x108;
	s8 =	sld [smem:$0x3FB0]  }
0x2e: {  	s3 =	simm.s32 @!p0 $0x1082;
	s9 =	sld [smem:$0x3FB1]  }
0x2f: {  	lr =	sadd.s32 s0, s3;
	s0 =	sld [smem:$0x3FA8]  }
0x30: {  	s3 =	sld [smem:$0x3FAB]  }
0x31: {  	[smem:$0x3FB4] =	sst s10  }
0x32: {  	s10 =	sld [smem:$0x3FB2];
	_ =	sdelay $0x3  }
0x33: {  	p0 =	seq.s32 s10, $0x1;
	s10 =	sld [smem:$0x3FB4];
	_ =	sdelay $0x3  }
0x34: {  	[smem:$0x3FB4] =	sst s10  }
0x35: {  	s10 =	sld [smem:$0x3FB3];
	_ =	sdelay $0x3  }
0x36: {  	p1 =	seq.s32 s10, $0x1;
	s10 =	sld [smem:$0x3FB4];
	_ =	sdelay $0x3  }
0x37: {  	[smem:$0x3FB4] =	sst s10  }
0x38: {  	s10 =	sld [smem:$0x3FB5]  }
0x39: {  	_ = 	snop;
	(pc) =	sbr.ind lr, $3  }
0x3a: {  	_ = 	snop  }
0x3b: {  	_ = 	snop  }
0x3c: {  	p2 =	seq.s32 s10, $0x1;
	s10 =	sld [smem:$0x3FB4]  }
0x3d: {  	_ =	shalt  }
0x3e: {  	_ =	shalt  }
0x3f: {  	_ =	shalt  }
0x40: {  	_ =	shalt  }
0x41: {  	_ =	shalt  }
0x42: {  	_ =	shalt  }
0x43: {  	_ =	shalt  }
0x44: {  	_ =	shalt  }
0x45: {  	_ =	shalt  }
0x46: {  	_ =	shalt  }
0x47: {  	_ =	shalt  }
0x48: {  	_ =	shalt  }
0x49: {  	_ =	shalt  }
0x4a: {  	_ =	shalt  }
0x4b: {  	_ =	shalt  }
0x4c: {  	_ =	shalt  }
0x4d: {  	_ =	shalt  }
0x4e: {  	_ =	shalt  }
0x4f: {  	_ =	shalt  }
0x50: {  	_ =	shalt  }
0x51: {  	_ =	shalt  }
0x52: {  	_ =	shalt  }
0x53: {  	_ =	shalt  }
0x54: {  	_ =	shalt  }
0x55: {  	_ =	shalt  }
0x56: {  	_ =	shalt  }
0x57: {  	_ =	shalt  }
0x58: {  	_ =	shalt  }
0x59: {  	_ =	shalt  }
0x5a: {  	_ =	shalt  }
0x5b: {  	_ =	shalt  }
0x5c: {  	_ =	shalt  }
0x5d: {  	_ =	shalt  }
0x5e: {  	_ =	shalt  }
0x5f: {  	_ =	shalt  }
0x60: {  	_ =	shalt  }
0x61: {  	_ =	shalt  }
0x62: {  	_ =	shalt  }
0x63: {  	_ =	shalt  }
0x64: {  	_ =	shalt  }
0x65: {  	_ =	shalt  }
0x66: {  	_ =	shalt  }
0x67: {  	_ =	shalt  }
0x68: {  	_ =	shalt  }
0x69: {  	_ =	shalt  }
0x6a: {  	_ =	shalt  }
0x6b: {  	_ =	shalt  }
0x6c: {  	_ =	shalt  }
0x6d: {  	_ =	shalt  }
0x6e: {  	_ =	shalt  }
0x6f: {  	_ =	shalt  }
0x70: {  	_ =	shalt  }
0x71: {  	_ =	shalt  }
0x72: {  	_ =	shalt  }
0x73: {  	_ =	shalt  }
0x74: {  	_ =	shalt  }
0x75: {  	_ =	shalt  }
0x76: {  	_ =	shalt  }
0x77: {  	_ =	shalt  }
0x78: {  	_ =	shalt  }
0x79: {  	_ =	shalt  }
0x7a: {  	_ =	shalt  }
0x7b: {  	_ =	shalt  }
0x7c: {  	_ =	shalt  }
0x7d: {  	_ =	shalt  }
0x7e: {  	_ =	shalt  }
0x7f: {  	_ =	shalt  }
0x80: {  	_ =	shalt  }
0x81: {  	_ =	shalt  }
0x82: {  	_ =	shalt  }
0x83: {  	_ =	shalt  }
0x84: {  	_ =	shalt  }
0x85: {  	_ =	shalt  }
0x86: {  	_ =	shalt  }
0x87: {  	_ =	shalt  }
.Lfunc_end0:
.L_simem_size_0:
called_computation_lowered:
.L_overlay_start_0:
0x88: {  	s2 =	sld [smem:$0x3FD9]  }
0x89: {  	s3 =	sld [smem:$0x3FFE];
	_ =	sdelay $0x1  }
0x8a: {  	s1 =	srdreg.scid  }
0x8b: {  	s0 =	sand.u32 $0x1, s1  }
0x8c: {  	s14 =	sshll.u32 s0, $0xA;
	s2 =	sadd.s32 s3, s2  }
0x8d: {  	s2 =	sadd.s32 s2, s14  }
0x8e: {  	[smem:$0x3FC0] =	sst s2  }
0x8f: {  	_ = 	snop  }
0x90: {  	s2 =	sld [smem:$0x3FC9]  }
0x91: {  	s15 =	sld [smem:$0x3FD0]  }
0x92: {  	s4 =	sld [smem:$0x3FC8]  }
0x93: {  	s5 =	sld [smem:$0x3FC7]  }
0x94: {  	s7 =	simm.s32 $0xA;
	s8 =	simm.s32 $0x10;
	s6 =	sld [smem:$0x3FC5]  }
0x95: {  	[smem:s8], [sflag:s7] =	dma.local [hbm:s15], $0x1  }
0x96: {  	_ =	swait.eq [sflag:s7], $0x1  }
0x97: {  	[sflag:s7] =	ssyncset.done $0x0  }
0x98: {  	[sflag:s7] =	ssyncadd.s32 $0xFFFFFFFF  }
0x99: {  	s16 =	sld [smem:$0x10];
	(tm) =	ssettm $0x1  }
0x9a: {  	s17 =	sld [smem:$0x3FFB];
	_ =	sdelay $0x3  }
0x9b: {  	_ =	strace s17  }
0x9c: {  	s7 =	sld [smem:$0x3FFC];
	_ =	sdelay $0x3  }
0x9d: {  	_ =	strace s7  }
0x9e: {  	s7 =	sld [smem:$0x3FFD];
	_ =	sdelay $0x3  }
0x9f: {  	_ =	strace s7  }
0xa0: {  	_ =	strace $0x8FFFFFFF  }
0xa1: {  	s18 =	sld [smem:$0x3FDB];
	_ =	sdelay $0x1  }
0xa2: {  	s19 =	simm.s32 $_scs_section_size  }
0xa3: {  	s9 =	simm.s32 $_size__tile_overlayer_lowered;
	s10 =	simm.s32 $_tile_overlayer_lowered  }
0xa4: {  	s22 =	simm.s32 $0x1BFF;
	s21 =	sshll.u32 s10, $0x1;
	s7 =	sadd.s32 s19, s18  }
0xa5: {  	s11 =	simm.s32 $0x0;
	s20 =	sshll.u32 s9, $0x1;
	s9 =	sadd.s32 s21, s7  }
0xa6: {  	[timem:s11], [sflag:s22] =	dma.local [hbm:s9], s20  }
0xa7: {  	_ =	swait.ge [sflag:s22], s20  }
0xa8: {  	s8 =	ssub.s32 $0x0, s20;
	[sflag:s22] =	ssyncset.done $0x0  }
0xa9: {  	[sflag:s22] =	ssyncadd.s32 s8;
	_ =	sdelay $0x1  }
0xaa: {  	s23 =	simm.s32 $0x1B8B  }
0xab: {  	_ =	swait.ge [sflag:s23], $0x1  }
0xac: {  	[sflag:s23] =	ssyncset.done $0x0  }
0xad: {  	s25 =	simm.s32 $0x1B8E;
	s24 =	sld [smem:$0x3FFE];
	[sflag:s23] =	ssyncadd.s32 $0xFFFFFFFF  }
0xae: {  	s26 =	simm.s32 $execute0_lowered;
	[smem:$0x3FD2] =	sst s25  }
0xaf: {  	s9 =	sshll.u32 s26, $0x1;
	_ =	strace $0x80000046;
	[dreg:$0x1] =	wrdreg $0xFFFFFFFF  }
0xb0: {  	s28 =	simm.s32 $_size_execute0_lowered;
	s7 =	sadd.s32 s7, s9;
	[dreg:$0x0] =	wrdreg $0x0  }
0xb1: {  	s9 =	sshll.u32 s28, $0x1;
	[dreg:$0x2] =	wrdreg s7  }
0xb2: {  	[dreg:$0x3] =	wrdreg s9  }
0xb3: {  	[dreg:$0x4] =	wrdreg $0xC0  }
0xb4: {  	_ =	task [dreg:s11], $0x5FFFF  }
0xb5: {  	[dreg:$0x1] =	wrdreg $0xFFFFFFFF  }
0xb6: {  	[dreg:$0x0] =	wrdreg $0x60  }
0xb7: {  	[dreg:$0x2] =	wrdreg s2  }
0xb8: {  	[dreg:$0x3] =	wrdreg s4  }
0xb9: {  	[dreg:$0x4] =	wrdreg s5  }
0xba: {  	[dreg:$0x5] =	wrdreg s6  }
0xbb: {  	[dreg:$0x6] =	wrdreg s24  }
0xbc: {  	[dreg:$0x7] =	wrdreg s16  }
0xbd: {  	[dreg:$0x8] =	wrdreg $0x103800  }
0xbe: {  	[dreg:$0x9] =	wrdreg $0x143800  }
0xbf: {  	[dreg:$0xa] =	wrdreg $0x9  }
0xc0: {  	_ =	task.clear_ibuf [dreg:s11], $0xBFFFF;
	_ =	strace $0x90000046  }
0xc1: {  	s29 =	simm.s32 $0x9;
	_ =	strace $0x80000048  }
0xc2: {  	_ =	swait.ge [sflag:s29], $0x1  }
0xc3: {  	[sflag:s29] =	ssyncadd.s32 $0xFFFFFFFF  }
0xc4: {  	_ =	strace $0x90000048  }
0xc5: {  	_ =	sfence  }
0xc6: {  	s30 =	sld [smem:$0x0];
	_ =	sdelay $0x2  }
0xc7: {  	s31 =	sshll.u32 s1, $0xD;
	s1 =	sshrl.u32 s1, $0x2  }
0xc8: {  	s3 =	sand.u32 $0x4000, s31;
	s1 =	sadd.s32 s1, s30  }
0xc9: {  	s0 =	sor.u32 s3, s0;
	s1 =	sshll.u32 s1, $0x11  }
0xca: {  	s0 =	sor.u32 s1, s0  }
0xcb: {  	s0 =	sadd.s32 $0x8F2B, s0  }
0xcc: {  	[sflag:s0] =	ssyncadd.remote.s32 $0x1  }
0xcd: {  	_ =	sfence.sel $0xFFFF  }
0xce: {  	[dreg:$0x0] =	wrdreg $0xFFFFFFFF;
	(pc) =	sbr.abs _section_cstart, $3  }
0xcf: {  	[dreg:$0x1] =	wrdreg $0xFFFFFFFF  }
0xd0: {  	_ =	task.clear_ibuf [dreg:s11], $0x2FFFF;
	_ =	strace $0x9FFFFFFF  }
0xd1: {  	(tm) =	ssettm $0x7FFFFFFF  }
tec
execute0_lowered:
.L_overlay_start_1:
0x0: {  	(tag) =	ssettag $0x1  }
0x1: {  	s2 =	rddreg [dreg:$0x0]  }
0x2: {  	s3 =	rddreg [dreg:$0x1]  }
0x3: {  	s4 =	rddreg [dreg:$0x2]  }
0x4: {  	s5 =	rddreg [dreg:$0x4]  }
0x5: {  	s0 =	srdreg.scid;
	s7 =	rddreg [dreg:$0x5]  }
0x6: {  	s20 =	simm.s32 $0x0;
	s1 =	stileid.u32;
	s29 =	simm.s32 $0x9000  }
0x7: {  	s30 =	simm.s32 $0x80;
	s31 =	simm.s32 $0xCE80;
	s6 =	sand.u32 $0x1, s0  }
0x8: {  	[smem:$0x7FF] =	sst s20;
	s9 =	sshll.u32 s1, $0x7;
	s0 =	smul.u32 $0x7D0, s6  }
0x9: {  	s23 =	ssub.s32 $0x2, s6;
	s11 =	sshll.u32 s6, $0x4;
	s2 =	sadd.s32 s2, s9  }
0xa: {  	s25 =	sadd.s32 s4, s9;
	s26 =	sshll.u32 s6, $0x7;
	[dreg:$0x9] =	wrdreg s2  }
0xb: {  	s3 =	sadd.s32 s3, s9;
	s10 =	sshrl.u32 s23, $0x1;
	[dreg:$0xa] =	wrdreg s25  }
0xc: {  	s24 =	sor.u32 s1, s11;
	[dreg:$0xb] =	wrdreg s3;
	s19 =	sadd.s32 s7, s26  }
0xd: {  	s28 =	sor.u32 $0x8, s11;
	s4 =	sor.u32 $0x9, s11;
	s14 =	sor.u32 $0xC, s11  }
0xe: {  	s26 =	smul.u32 $0xF42800, s6;
	s8 =	sadd.s32 s0, s5;
	s5 =	sadd.s32 s9, s5  }
0xf: {  	s0 =	ssub.s32 s23, s10;
	s15 =	sshll.u32 s28, $0x3;
	s9 =	sor.u32 $0xA, s11  }
0x10: {  	s16 =	sshll.u32 s4, $0x3;
	s13 =	sshll.u32 s14, $0x3;
	p0 =	seq.s32 s24, $0x0  }
0x11: {  	s10 =	sshrl.u32 s24, $0x3;
	s3 =	sshrl.u32 s28, $0x3;
	s4 =	sshrl.u32 s4, $0x3  }
0x12: {  	s2 =	sadd.s32 s7, s15;
	s12 =	sshll.u32 s9, $0x3;
	s15 =	sand.u32 $0x7, s1  }
0x13: {  	s21 =	sadd.s32 s7, s13;
	s13 =	rddreg [dreg:$0x3];
	s3 =	smul.u32 $0x7A1400, s3  }
0x14: {  	s28 =	sadd.s32 $0x800, s8;
	s8 =	sshrl.u32 s26, $0x3;
	s4 =	smul.u32 $0x7A1400, s4  }
0x15: {  	s0 =	smax.u32 s0, $0x1;
	[dreg:$0xd] =	wrdreg s2;
	s2 =	sadd.s32 s7, s16  }
0x16: {  	s17 =	sadd.s32 s7, s12;
	s12 =	sor.u32 $0xB, s11;
	[dreg:$0x11] =	wrdreg s21  }
0x17: {  	p1 =	sne.s32 s15, $0x0;
	s25 =	sshll.u32 s15, $0x7;
	[dreg:$0xe] =	wrdreg s2  }
0x18: {  	s15 =	sshrl.u32 s9, $0x3;
	[dreg:$0xf] =	wrdreg s17;
	s18 =	sshll.u32 s12, $0x3  }
0x19: {  	p0 =	por !p1, !p0;
	s17 =	rddreg [dreg:$0x7];
	s3 =	sshrl.u32 s3, $0x3  }
0x1a: {  	s9 =	sshrl.u32 s12, $0x3;
	s2 =	sadd.s32 s7, s18;
	s18 =	sor.u32 $0xD, s11  }
0x1b: {  	p0 =	por !p0, !p0;
	[dreg:$0x10] =	wrdreg s2;
	s2 =	simm.s32 $0x1  }
0x1c: {  	s11 =	sor.u32 $0xE, s11;
	s22 =	sshll.u32 s18, $0x3;
	s2 =	simm.s32 @!p0 $0x0  }
0x1d: {  	s23 =	sshll.u32 s11, $0x3;
	s2 =	ssub.s32 s10, s2;
	s10 =	sadd.s32 s7, s22  }
0x1e: {  	s24 =	sadd.s32 s7, s23;
	[dreg:$0x12] =	wrdreg s10;
	s10 =	sshllo.u32 s6, $0x4  }
0x1f: {  	s3 =	sadd.s32 s13, s3;
	[dreg:$0x13] =	wrdreg s24;
	s16 =	sshll.u32 s10, $0x3  }
0x20: {  	s6 =	sshll.u32 s6, $0xB;
	s7 =	sadd.s32 s7, s16;
	s16 =	rddreg [dreg:$0x6]  }
0x21: {  	s5 =	sadd.s32 s6, s5;
	s6 =	sadd.s32 s13, s8;
	[dreg:$0x14] =	wrdreg s7  }
0x22: {  	s21 =	sadd.s32 $0xF4000, s6;
	_ =	strace $0x80000047;
	[dreg:$0x15] =	wrdreg s28  }
0x23: {  	s2 =	smul.u32 $0x7A1400, s2;
	s22 =	sadd.s32 $0xF4010, s6;
	[dreg:$0x16] =	wrdreg s21  }
0x24: {  	s3 =	sadd.s32 $0xF4000, s3;
	s23 =	sadd.s32 $0xF4020, s6;
	[dreg:$0x17] =	wrdreg s22  }
0x25: {  	s2 =	sor.u32 s25, s2;
	s24 =	sadd.s32 $0xF4030, s6;
	[dreg:$0x18] =	wrdreg s23  }
0x26: {  	s25 =	sadd.s32 $0xF4040, s6;
	s26 =	sadd.s32 $0xF4050, s6;
	[dreg:$0x19] =	wrdreg s24  }
0x27: {  	s7 =	smul.u32 $0x7A1400, s15;
	s15 =	sshrl.u32 s14, $0x3;
	[dreg:$0x1a] =	wrdreg s25  }
0x28: {  	[dreg:$0x1b] =	wrdreg s26;
	s28 =	sadd.s32 $0xF4060, s6;
	s6 =	sadd.s32 $0xF4070, s6  }
0x29: {  	[dreg:$0x1e] =	wrdreg s3;
	s22 =	sshrl.u32 s18, $0x3;
	s23 =	sshrl.u32 s11, $0x3  }
0x2a: {  	s24 =	sshrl.u32 s10, $0x3;
	s10 =	sadd.s32 $0x20000, s2;
	[smem:$0x7F5] =	sst s0  }
0x2b: {  	s18 =	sadd.s32 $0x8, s19;
	[dreg:$0xc] =	wrdreg s19;
	s0 =	simm.s32 $0x4  }
0x2c: {  	[dreg:$0x1c] =	wrdreg s28;
	s8 =	sshrl.u32 s7, $0x3;
	s7 =	smul.u32 $0x7A1400, s23  }
0x2d: {  	[dreg:$0x1d] =	wrdreg s6;
	s6 =	sshrl.u32 s4, $0x3;
	s25 =	smul.u32 $0x7A1400, s24  }
0x2e: {  	s11 =	sshrl.u32 s10, $0x3;
	s10 =	sadd.s32 $0x60000, s2;
	[smem:$0x7F6] =	sst s18  }
0x2f: {  	s23 =	sadd.s32 $0x20, s19;
	s24 =	sadd.s32 $0x28, s19;
	s18 =	simm.s32 $0x3  }
0x30: {  	s3 =	sadd.s32 s13, s6;
	s4 =	sadd.s32 s13, s8;
	[smem:$0x7F9] =	sst s23  }
0x31: {  	s6 =	smul.u32 $0x7A1400, s9;
	[smem:$0x7FA] =	sst s24;
	s3 =	sadd.s32 $0xF4010, s3  }
0x32: {  	s9 =	sshrl.u32 s2, $0x3;
	s12 =	sadd.s32 $0xF4020, s4;
	[dreg:$0x1f] =	wrdreg s3  }
0x33: {  	s28 =	sshrl.u32 s7, $0x3;
	[smem:$0x7EB] =	sst s12;
	s3 =	smul.u32 $0x7A1400, s15  }
0x34: {  	s21 =	sshrl.u32 s6, $0x3;
	s6 =	smul.u32 $0x7A1400, s22;
	s12 =	sshll.u32 s1, $0xE  }
0x35: {  	s15 =	sadd.s32 $0x1800, s5;
	s22 =	sadd.s32 $0x18, s19;
	s4 =	sadd.s32 s13, s21  }
0x36: {  	s14 =	sadd.s32 s12, s16;
	[smem:$0x7F4] =	sst s15;
	s21 =	sadd.s32 $0x10, s19  }
0x37: {  	[smem:$0x7F8] =	sst s22;
	s15 =	simm.s32 $0x0;
	s3 =	sshrl.u32 s3, $0x3  }
0x38: {  	s4 =	sadd.s32 $0xF4030, s4;
	s26 =	sshrl.u32 s6, $0x3;
	[smem:$0x7F2] =	sst s14  }
0x39: {  	s6 =	sadd.s32 s13, s28;
	[smem:$0x7F7] =	sst s21;
	s28 =	sshll.u32 s1, $0x6  }
0x3a: {  	s14 =	simm.s32 $0x10300;
	s21 =	simm.s32 $0x2;
	[smem:$0x7EC] =	sst s4  }
0x3b: {  	s3 =	sadd.s32 s13, s3;
	s4 =	sshrl.u32 s25, $0x3;
	s7 =	sadd.s32 $0xF4060, s6  }
0x3c: {  	s25 =	sadd.s32 $0x30, s19;
	[smem:$0x7FD] =	sst s28;
	s6 =	simm.s32 $0xF900  }
0x3d: {  	s3 =	sadd.s32 $0xF4040, s3;
	[smem:$0x7EF] =	sst s7;
	s8 =	sadd.s32 s13, s4  }
0x3e: {  	s7 =	sadd.s32 s12, s17;
	[smem:$0x7FB] =	sst s25;
	s25 =	simm.s32 $0x1  }
0x3f: {  	v0 =	vimm.s32 $0xEDCBA987;
	s4 =	simm.s32 $0xF800;
	s12 =	simm.s32 $0x10200;
	[smem:$0x7ED] =	sst s3  }
0x40: {  	v1 =	vimm.s32 $0x65432100;
	v0 =	vunpack.c.l.s4.s8 v0;
	s3 =	sadd.s32 s13, s26;
	s26 =	sadd.s32 $0x38, s19;
	s19 =	simm.s32 $0x1000  }
0x41: {  	v1 =	vunpack.c.l.s4.s8 v1;
	s3 =	sadd.s32 $0xF4050, s3;
	[smem:$0x7FC] =	sst s26;
	s26 =	sor.u32 $0x1C01, s28  }
0x42: {  	v3 =	vunpack.c.0.s8.s32 v0;
	[smem:$0x7EE] =	sst s3;
	s3 =	sadd.s32 $0xF4070, s8;
	s8 =	simm.s32 $0x10180  }
0x43: {  	v2 =	vlaneseq.u32;
	v4 =	vunpack.c.0.s8.s32 v1;
	[smem:$0x7F0] =	sst s3;
	s3 =	sadd.s32 s13, s9;
	s9 =	sadd.s32 $0x40000, s2  }
0x44: {  	v5 =	vadd.s32 $0x1, v2;
	v0 =	vimm.s32 $0x0;
	v3 =	vand.u32 $0xF, v3;
	s2 =	simm.s32 $0xF680;
	[smem:$0x7F1] =	sst s3;
	s3 =	sadd.s32 s13, s11  }
0x45: {  	v1 =	vimm.s32 $0x1;
	v3 =	vcombine.low v4, v3;
	v4 =	vor.u32 $0x80000000, v2;
	s11 =	simm.s32 $0x10280;
	[smem:$0x7F3] =	sst s3;
	s3 =	simm.s32 $0xF880  }
.LBB2_1:
0x46: {  	[smem:$0x7EA] =	sst s15  }
0x47: {  	s1 =	rddreg [dreg:$0x9]  }
0x48: {  	s23 =	rddreg [dreg:$0xa]  }
0x49: {  	[tilespmem:s20], [sflag:$0x4] =	stream.linear.gather [hbm4b:s1+s20], $0x400, $0x38;
	[tilespmem:$0x18380] =	vst v63  }
0x4a: {  	s5 =	simm.s32 $0x400;
	s24 =	rddreg [dreg:$0xb]  }
0x4b: {  	[tilespmem:s5], [sflag:$0x4] =	stream.linear.gather [hbm4b:s23+s20], $0x400, $0x38;
	[tilespmem:$0x18380] =	vst v63  }
0x4c: {  	s28 =	simm.s32 $0x800;
	s22 =	rddreg [dreg:$0x15]  }
0x4d: {  	[tilespmem:s28], [sflag:$0x4] =	stream.linear.gather [hbm4b:s24+s20], $0x400, $0x38;
	[tilespmem:$0x18380] =	vst v63  }
0x4e: {  	s23 =	rddreg [dreg:$0x16]  }
0x4f: {  	[tilespmem:s29], [sflag:$0x4] =	stream.linear.gather [hbm4b:s22+s20], $0x3E80, $0x38;
	[tilespmem:$0x18380] =	vst v63  }
0x50: {  	s24 =	rddreg [dreg:$0xc]  }
0x51: {  	[tilespmem:s31], [sflag:$0x4] =	stream.strided.gather [hbm4b:s23+s30], $0x200, s5, s30, $0x38;
	[tilespmem:$0x18380] =	vst v63  }
0x52: {  	s28 =	simm.s32 $0xD080;
	s22 =	rddreg [dreg:$0x17]  }
0x53: {  	[tilespmem:s28], [sflag:$0x4] =	stream.linear.gather [hbm4b:s24+s20], $0x40, $0x38;
	[tilespmem:$0x18380] =	vst v63  }
0x54: {  	s23 =	simm.s32 $0xD100;
	s24 =	sld [smem:$0x7F6]  }
0x55: {  	[tilespmem:s23], [sflag:$0x4] =	stream.strided.gather [hbm4b:s22+s30], $0x200, s5, s30, $0x38;
	[tilespmem:$0x18380] =	vst v63  }
0x56: {  	s28 =	simm.s32 $0xD300;
	s22 =	rddreg [dreg:$0x18]  }
0x57: {  	[tilespmem:s28], [sflag:$0x4] =	stream.linear.gather [hbm4b:s24+s20], $0x40, $0x38;
	[tilespmem:$0x18380] =	vst v63  }
0x58: {  	s23 =	simm.s32 $0xD380;
	s24 =	sld [smem:$0x7F7]  }
0x59: {  	[tilespmem:s23], [sflag:$0x4] =	stream.strided.gather [hbm4b:s22+s30], $0x200, s5, s30, $0x38;
	[tilespmem:$0x18380] =	vst v63  }
0x5a: {  	s28 =	simm.s32 $0xD580;
	s22 =	rddreg [dreg:$0x19]  }
0x5b: {  	[tilespmem:s28], [sflag:$0x4] =	stream.linear.gather [hbm4b:s24+s20], $0x40, $0x38;
	[tilespmem:$0x18380] =	vst v63  }
0x5c: {  	s23 =	simm.s32 $0xD600;
	s24 =	sld [smem:$0x7F8]  }
0x5d: {  	[tilespmem:s23], [sflag:$0x4] =	stream.strided.gather [hbm4b:s22+s30], $0x200, s5, s30, $0x38;
	[tilespmem:$0x18380] =	vst v63  }
0x5e: {  	s28 =	simm.s32 $0xD800;
	s22 =	rddreg [dreg:$0x1a]  }
0x5f: {  	[tilespmem:s28], [sflag:$0x4] =	stream.linear.gather [hbm4b:s24+s20], $0x40, $0x38;
	[tilespmem:$0x18380] =	vst v63  }
0x60: {  	s23 =	simm.s32 $0xD880;
	s24 =	sld [smem:$0x7F9]  }
0x61: {  	[tilespmem:s23], [sflag:$0x4] =	stream.strided.gather [hbm4b:s22+s30], $0x200, s5, s30, $0x38;
	[tilespmem:$0x18380] =	vst v63  }
0x62: {  	s28 =	simm.s32 $0xDA80;
	s22 =	rddreg [dreg:$0x1b]  }
0x63: {  	[tilespmem:s28], [sflag:$0x4] =	stream.linear.gather [hbm4b:s24+s20], $0x40, $0x38;
	[tilespmem:$0x18380] =	vst v63  }
0x64: {  	s23 =	simm.s32 $0xDB00;
	s24 =	sld [smem:$0x7FA]  }
0x65: {  	[tilespmem:s23], [sflag:$0x4] =	stream.strided.gather [hbm4b:s22+s30], $0x200, s5, s30, $0x38;
	[tilespmem:$0x18380] =	vst v63  }
0x66: {  	s28 =	simm.s32 $0xDD00;
	s22 =	rddreg [dreg:$0x1c]  }
0x67: {  	[tilespmem:s28], [sflag:$0x4] =	stream.linear.gather [hbm4b:s24+s20], $0x40, $0x38;
	[tilespmem:$0x18380] =	vst v63  }
0x68: {  	s23 =	simm.s32 $0xDD80;
	s24 =	sld [smem:$0x7FB]  }
0x69: {  	[tilespmem:s23], [sflag:$0x4] =	stream.strided.gather [hbm4b:s22+s30], $0x200, s5, s30, $0x38;
	[tilespmem:$0x18380] =	vst v63  }
0x6a: {  	s28 =	simm.s32 $0xDF80;
	s22 =	rddreg [dreg:$0x1d]  }
0x6b: {  	[tilespmem:s28], [sflag:$0x4] =	stream.linear.gather [hbm4b:s24+s20], $0x40, $0x38;
	[tilespmem:$0x18380] =	vst v63  }
0x6c: {  	s23 =	simm.s32 $0xE000;
	s24 =	sld [smem:$0x7FC]  }
0x6d: {  	[tilespmem:s23], [sflag:$0x4] =	stream.strided.gather [hbm4b:s22+s30], $0x200, s5, s30, $0x38;
	[tilespmem:$0x18380] =	vst v63  }
0x6e: {  	s28 =	simm.s32 $0xE200;
	s22 =	rddreg [dreg:$0x1e]  }
0x6f: {  	[tilespmem:s28], [sflag:$0x4] =	stream.linear.gather [hbm4b:s24+s20], $0x40, $0x38;
	[tilespmem:$0x18380] =	vst v63  }
0x70: {  	s23 =	simm.s32 $0xE280;
	s24 =	rddreg [dreg:$0xd]  }
0x71: {  	[tilespmem:s23], [sflag:$0x4] =	stream.strided.gather [hbm4b:s22+s30], $0x200, s5, s30, $0x38;
	[tilespmem:$0x18380] =	vst v63  }
0x72: {  	s28 =	simm.s32 $0xE480;
	s22 =	rddreg [dreg:$0x1f]  }
0x73: {  	[tilespmem:s28], [sflag:$0x4] =	stream.linear.gather [hbm4b:s24+s20], $0x40, $0x38;
	[tilespmem:$0x18380] =	vst v63  }
0x74: {  	s23 =	simm.s32 $0xE500;
	s24 =	rddreg [dreg:$0xe]  }
0x75: {  	[tilespmem:s23], [sflag:$0x4] =	stream.strided.gather [hbm4b:s22+s30], $0x200, s5, s30, $0x38;
	[tilespmem:$0x18380] =	vst v63  }
0x76: {  	s28 =	simm.s32 $0xE700;
	s22 =	sld [smem:$0x7EB]  }
0x77: {  	[tilespmem:s28], [sflag:$0x4] =	stream.linear.gather [hbm4b:s24+s20], $0x40, $0x38;
	[tilespmem:$0x18380] =	vst v63  }
0x78: {  	s23 =	simm.s32 $0xE780;
	s24 =	rddreg [dreg:$0xf]  }
0x79: {  	[tilespmem:s23], [sflag:$0x4] =	stream.strided.gather [hbm4b:s22+s30], $0x200, s5, s30, $0x38;
	[tilespmem:$0x18380] =	vst v63  }
0x7a: {  	s28 =	simm.s32 $0xE980;
	s22 =	sld [smem:$0x7EC]  }
0x7b: {  	[tilespmem:s28], [sflag:$0x4] =	stream.linear.gather [hbm4b:s24+s20], $0x40, $0x38;
	[tilespmem:$0x18380] =	vst v63  }
0x7c: {  	s23 =	simm.s32 $0xEA00;
	s24 =	rddreg [dreg:$0x10]  }
0x7d: {  	[tilespmem:s23], [sflag:$0x4] =	stream.strided.gather [hbm4b:s22+s30], $0x200, s5, s30, $0x38;
	[tilespmem:$0x18380] =	vst v63  }
0x7e: {  	s28 =	simm.s32 $0xEC00;
	s22 =	sld [smem:$0x7ED]  }
0x7f: {  	[tilespmem:s28], [sflag:$0x4] =	stream.linear.gather [hbm4b:s24+s20], $0x40, $0x38;
	[tilespmem:$0x18380] =	vst v63  }
0x80: {  	s23 =	simm.s32 $0xEC80;
	s24 =	rddreg [dreg:$0x11]  }
0x81: {  	[tilespmem:s23], [sflag:$0x4] =	stream.strided.gather [hbm4b:s22+s30], $0x200, s5, s30, $0x38;
	[tilespmem:$0x18380] =	vst v63  }
0x82: {  	s28 =	simm.s32 $0xEE80;
	s22 =	sld [smem:$0x7EE]  }
0x83: {  	[tilespmem:s28], [sflag:$0x4] =	stream.linear.gather [hbm4b:s24+s20], $0x40, $0x38;
	[tilespmem:$0x18380] =	vst v63  }
0x84: {  	s23 =	simm.s32 $0xEF00;
	s24 =	rddreg [dreg:$0x12]  }
0x85: {  	[tilespmem:s23], [sflag:$0x4] =	stream.strided.gather [hbm4b:s22+s30], $0x200, s5, s30, $0x38;
	[tilespmem:$0x18380] =	vst v63  }
0x86: {  	s28 =	simm.s32 $0xF100;
	s22 =	sld [smem:$0x7EF]  }
0x87: {  	[tilespmem:s28], [sflag:$0x4] =	stream.linear.gather [hbm4b:s24+s20], $0x40, $0x38;
	[tilespmem:$0x18380] =	vst v63  }
0x88: {  	s23 =	simm.s32 $0xF180;
	s24 =	rddreg [dreg:$0x13]  }
0x89: {  	[tilespmem:s23], [sflag:$0x4] =	stream.strided.gather [hbm4b:s22+s30], $0x200, s5, s30, $0x38;
	[tilespmem:$0x18380] =	vst v63  }
0x8a: {  	s28 =	simm.s32 $0xF380;
	s22 =	sld [smem:$0x7F0]  }
0x8b: {  	[tilespmem:s28], [sflag:$0x4] =	stream.linear.gather [hbm4b:s24+s20], $0x40, $0x38;
	[tilespmem:$0x18380] =	vst v63  }
0x8c: {  	s15 =	sld [smem:$0x7F1];
	s23 =	simm.s32 $0xF400  }
0x8d: {  	[tilespmem:s23], [sflag:$0x4] =	stream.strided.gather [hbm4b:s22+s30], $0x200, s5, s30, $0x38;
	[tilespmem:$0x18380] =	vst v63  }
0x8e: {  	s5 =	sld [smem:$0x7F2]  }
0x8f: {  	s24 =	rddreg [dreg:$0x14];
	s28 =	simm.s32 $0xF600  }
0x90: {  	[tilespmem:s28], [sflag:$0x4] =	stream.linear.gather [hbm4b:s24+s20], $0x40, $0x38;
	[tilespmem:$0x18380] =	vst v63  }
0x91: {  	s20 =	simm.s32 $0x10;
	s23 =	sshrl.u32 s5, $0x3  }
0x92: {  	[spmem:s23@s20], [sflag:s26] =	dma.strided [hbm:s15@s30], $0x800, s25, $0x10   }
0x93: {  	s1 =	sld [smem:$0x7FD]  }
0x94: {  	s28 =	sld [smem:$0x7F3];
	_ =	sdelay $0x1  }
0x95: {  	s22 =	sshrl.u32 s7, $0x3;
	s24 =	sor.u32 $0x1C02, s1  }
0x96: {  	[spmem:s22@s20], [sflag:s24] =	dma.strided [hbm:s28@s30], $0x800, s25, $0x10   }
0x97: {  	_ =	swait.ge [sflag:s0], $0x400  }
0x98: {  	[sflag:s0] =	ssyncset.done $0x0  }
0x99: {  	[sflag:s0] =	ssyncadd.s32 $0xFFFFFC00  }
0x9a: {  	_ =	swait.ge [sflag:s0], $0x400  }
0x9b: {  	[sflag:s0] =	ssyncset.done $0x0  }
0x9c: {  	[sflag:s0] =	ssyncadd.s32 $0xFFFFFC00  }
0x9d: {  	_ =	swait.ge [sflag:s0], $0x400  }
0x9e: {  	[sflag:s0] =	ssyncset.done $0x0  }
0x9f: {  	[sflag:s0] =	ssyncadd.s32 $0xFFFFFC00  }
0xa0: {  	_ =	swait.ge [sflag:s0], $0x3E80  }
0xa1: {  	[sflag:s0] =	ssyncset.done $0x0  }
0xa2: {  	[sflag:s0] =	ssyncadd.s32 $0xFFFFC180  }
0xa3: {  	_ =	swait.ge [sflag:s0], $0x200  }
0xa4: {  	[sflag:s0] =	ssyncset.done $0x0  }
0xa5: {  	[sflag:s0] =	ssyncadd.s32 $0xFFFFFE00  }
0xa6: {  	_ =	swait.ge [sflag:s0], $0x40  }
0xa7: {  	[sflag:s0] =	ssyncset.done $0x0  }
0xa8: {  	[sflag:s0] =	ssyncadd.s32 $0xFFFFFFC0  }
0xa9: {  	_ =	swait.ge [sflag:s0], $0x200  }
0xaa: {  	[sflag:s0] =	ssyncset.done $0x0  }
0xab: {  	[sflag:s0] =	ssyncadd.s32 $0xFFFFFE00  }
0xac: {  	_ =	swait.ge [sflag:s0], $0x40  }
0xad: {  	[sflag:s0] =	ssyncset.done $0x0  }
0xae: {  	[sflag:s0] =	ssyncadd.s32 $0xFFFFFFC0  }
0xaf: {  	_ =	swait.ge [sflag:s0], $0x200  }
0xb0: {  	[sflag:s0] =	ssyncset.done $0x0  }
0xb1: {  	[sflag:s0] =	ssyncadd.s32 $0xFFFFFE00  }
0xb2: {  	_ =	swait.ge [sflag:s0], $0x40  }
0xb3: {  	[sflag:s0] =	ssyncset.done $0x0  }
0xb4: {  	[sflag:s0] =	ssyncadd.s32 $0xFFFFFFC0  }
0xb5: {  	_ =	swait.ge [sflag:s0], $0x200  }
0xb6: {  	[sflag:s0] =	ssyncset.done $0x0  }
0xb7: {  	[sflag:s0] =	ssyncadd.s32 $0xFFFFFE00  }
0xb8: {  	_ =	swait.ge [sflag:s0], $0x40  }
0xb9: {  	[sflag:s0] =	ssyncset.done $0x0  }
0xba: {  	[sflag:s0] =	ssyncadd.s32 $0xFFFFFFC0  }
0xbb: {  	_ =	swait.ge [sflag:s0], $0x200  }
0xbc: {  	[sflag:s0] =	ssyncset.done $0x0  }
0xbd: {  	[sflag:s0] =	ssyncadd.s32 $0xFFFFFE00  }
0xbe: {  	_ =	swait.ge [sflag:s0], $0x40  }
0xbf: {  	[sflag:s0] =	ssyncset.done $0x0  }
0xc0: {  	[sflag:s0] =	ssyncadd.s32 $0xFFFFFFC0  }
0xc1: {  	_ =	swait.ge [sflag:s0], $0x200  }
0xc2: {  	[sflag:s0] =	ssyncset.done $0x0  }
0xc3: {  	[sflag:s0] =	ssyncadd.s32 $0xFFFFFE00  }
0xc4: {  	_ =	swait.ge [sflag:s0], $0x40  }
0xc5: {  	[sflag:s0] =	ssyncset.done $0x0  }
0xc6: {  	[sflag:s0] =	ssyncadd.s32 $0xFFFFFFC0  }
0xc7: {  	_ =	swait.ge [sflag:s0], $0x200  }
0xc8: {  	[sflag:s0] =	ssyncset.done $0x0  }
0xc9: {  	[sflag:s0] =	ssyncadd.s32 $0xFFFFFE00  }
0xca: {  	_ =	swait.ge [sflag:s0], $0x40  }
0xcb: {  	[sflag:s0] =	ssyncset.done $0x0  }
0xcc: {  	[sflag:s0] =	ssyncadd.s32 $0xFFFFFFC0  }
0xcd: {  	_ =	swait.ge [sflag:s0], $0x200  }
0xce: {  	[sflag:s0] =	ssyncset.done $0x0  }
0xcf: {  	[sflag:s0] =	ssyncadd.s32 $0xFFFFFE00  }
0xd0: {  	_ =	swait.ge [sflag:s0], $0x40  }
0xd1: {  	[sflag:s0] =	ssyncset.done $0x0  }
0xd2: {  	[sflag:s0] =	ssyncadd.s32 $0xFFFFFFC0  }
0xd3: {  	_ =	swait.ge [sflag:s0], $0x200  }
0xd4: {  	[sflag:s0] =	ssyncset.done $0x0  }
0xd5: {  	[sflag:s0] =	ssyncadd.s32 $0xFFFFFE00  }
0xd6: {  	_ =	swait.ge [sflag:s0], $0x40  }
0xd7: {  	[sflag:s0] =	ssyncset.done $0x0  }
0xd8: {  	[sflag:s0] =	ssyncadd.s32 $0xFFFFFFC0  }
0xd9: {  	_ =	swait.ge [sflag:s0], $0x200  }
0xda: {  	[sflag:s0] =	ssyncset.done $0x0  }
0xdb: {  	[sflag:s0] =	ssyncadd.s32 $0xFFFFFE00  }
0xdc: {  	_ =	swait.ge [sflag:s0], $0x40  }
0xdd: {  	[sflag:s0] =	ssyncset.done $0x0  }
0xde: {  	[sflag:s0] =	ssyncadd.s32 $0xFFFFFFC0  }
0xdf: {  	_ =	swait.ge [sflag:s0], $0x200  }
0xe0: {  	[sflag:s0] =	ssyncset.done $0x0  }
0xe1: {  	[sflag:s0] =	ssyncadd.s32 $0xFFFFFE00  }
0xe2: {  	_ =	swait.ge [sflag:s0], $0x40  }
0xe3: {  	[sflag:s0] =	ssyncset.done $0x0  }
0xe4: {  	[sflag:s0] =	ssyncadd.s32 $0xFFFFFFC0  }
0xe5: {  	_ =	swait.ge [sflag:s0], $0x200  }
0xe6: {  	[sflag:s0] =	ssyncset.done $0x0  }
0xe7: {  	[sflag:s0] =	ssyncadd.s32 $0xFFFFFE00  }
0xe8: {  	_ =	swait.ge [sflag:s0], $0x40  }
0xe9: {  	[sflag:s0] =	ssyncset.done $0x0  }
0xea: {  	[sflag:s0] =	ssyncadd.s32 $0xFFFFFFC0  }
0xeb: {  	_ =	swait.ge [sflag:s0], $0x200  }
0xec: {  	[sflag:s0] =	ssyncset.done $0x0  }
0xed: {  	[sflag:s0] =	ssyncadd.s32 $0xFFFFFE00  }
0xee: {  	_ =	swait.ge [sflag:s0], $0x40  }
0xef: {  	[sflag:s0] =	ssyncset.done $0x0  }
0xf0: {  	[sflag:s0] =	ssyncadd.s32 $0xFFFFFFC0  }
0xf1: {  	_ =	swait.ge [sflag:s0], $0x200  }
0xf2: {  	[sflag:s0] =	ssyncset.done $0x0  }
0xf3: {  	[sflag:s0] =	ssyncadd.s32 $0xFFFFFE00  }
0xf4: {  	_ =	swait.ge [sflag:s0], $0x40  }
0xf5: {  	[sflag:s0] =	ssyncset.done $0x0  }
0xf6: {  	[sflag:s0] =	ssyncadd.s32 $0xFFFFFFC0  }
0xf7: {  	_ =	swait.ge [sflag:s0], $0x200  }
0xf8: {  	[sflag:s0] =	ssyncset.done $0x0  }
0xf9: {  	[sflag:s0] =	ssyncadd.s32 $0xFFFFFE00  }
0xfa: {  	_ =	swait.ge [sflag:s0], $0x40  }
0xfb: {  	[sflag:s0] =	ssyncset.done $0x0  }
0xfc: {  	[sflag:s0] =	ssyncadd.s32 $0xFFFFFFC0  }
0xfd: {  	_ =	swait.ge [sflag:s0], $0x200  }
0xfe: {  	[sflag:s0] =	ssyncset.done $0x0  }
0xff: {  	[sflag:s0] =	ssyncadd.s32 $0xFFFFFE00  }
0x100: {  	_ =	swait.ge [sflag:s0], $0x40  }
0x101: {  	[sflag:s0] =	ssyncset.done $0x0  }
0x102: {  	[sflag:s0] =	ssyncadd.s32 $0xFFFFFFC0  }
0x103: {  	[tilespmem:$0xF680] =	vst v0  }
0x104: {  	[tilespmem:$0xF690] =	vst v0  }
0x105: {  	[tilespmem:$0xF6A0] =	vst v0  }
0x106: {  	[tilespmem:$0xF6B0] =	vst v0  }
0x107: {  	[tilespmem:$0xF6C0] =	vst v0  }
0x108: {  	[tilespmem:$0xF6D0] =	vst v0  }
0x109: {  	[tilespmem:$0xF6E0] =	vst v0  }
0x10a: {  	s5 =	simm.s32 $0x40;
	s15 =	simm.s32 $0x0;
	[tilespmem:$0xF6F0] =	vst v0  }
.LBB2_2:
0x10b: {  	p0 =	sne.s32 s5, $0x1FC0;
	v6 =	vld [tilespmem:s15+$0x0];
	_ =	sdelay $0x4  }
0x10c: {  	v6 =	vshra.s32 v6, $0xE  }
.Ltmp0:
0x10d: {  	(pc) =	sbr.rel @p0 .LBB2_2-.Ltmp0, $2  }
0x10e: {  	_ =	sdelay $0x2  }
0x10f: {  	s15 =	sshra.s32 s5, $0x2;
	s5 =	sadd.s32 $0x40, s5;
	[tilespmem:v6+s2+$0x0] =	vst.idx.add.s32.msk $0xffff, v1  }
0x110: {  	v6 =	vld [tilespmem:s15+$0x0];
	_ =	sdelay $0x4  }
0x111: {  	v6 =	vshra.s32 v6, $0xE;
	_ =	sdelay $0x4  }
0x112: {  	[tilespmem:v6+s2+$0x0] =	vst.idx.add.s32.msk $0xffff, v1  }
0x113: {  	v6 =	vld [tilespmem:$0xF680];
	_ =	sdelay $0x4  }
0x114: {  	(xrf0) =	vadd.scan.msk.s32 $0xffff, v6;
	_ =	sdelay $0x3  }
0x115: {  	v7 =	vld [tilespmem:$0xF690];
	_ =	sdelay $0x1  }
0x116: {  	v8, _, _ =	vpop (xrf0)  }
0x117: {  	v9 =	vxor.u32 $0x80000000, v8  }
0x118: {  	(xrf0) =	vmax.scan.msk.u32 $0xffff, v9  }
0x119: {  	(xrf0) =	vadd.scan.msk.s32 $0xffff, v7;
	_ =	sdelay $0x3  }
0x11a: {  	v54 =	vld [tilespmem:$0xF6A0]  }
0x11b: {  	v10, _, _ =	vpop (xrf0)  }
0x11c: {  	v11, _, _ =	vpop (xrf0)  }
0x11d: {  	v12 =	vxor.u32 $0x80000000, v11  }
0x11e: {  	(xrf0) =	vmax.scan.msk.u32 $0xffff, v12  }
0x11f: {  	(xrf0) =	vadd.scan.msk.s32 $0xffff, v54;
	_ =	sdelay $0x3  }
0x120: {  	v55 =	vld [tilespmem:$0xF6B0]  }
0x121: {  	v13, _, _ =	vpop (xrf0)  }
0x122: {  	v14, _, _ =	vpop (xrf0)  }
0x123: {  	v15 =	vxor.u32 $0x80000000, v14  }
0x124: {  	(xrf0) =	vmax.scan.msk.u32 $0xffff, v15  }
0x125: {  	(xrf0) =	vadd.scan.msk.s32 $0xffff, v55;
	_ =	sdelay $0x3  }
0x126: {  	v56 =	vld [tilespmem:$0xF6C0]  }
0x127: {  	v16, _, _ =	vpop (xrf0)  }
0x128: {  	v17, _, _ =	vpop (xrf0)  }
0x129: {  	v18 =	vxor.u32 $0x80000000, v17  }
0x12a: {  	(xrf0) =	vmax.scan.msk.u32 $0xffff, v18  }
0x12b: {  	(xrf0) =	vadd.scan.msk.s32 $0xffff, v56;
	_ =	sdelay $0x3  }
0x12c: {  	v57 =	vld [tilespmem:$0xF6D0]  }
0x12d: {  	v19, _, _ =	vpop (xrf0)  }
0x12e: {  	v20, _, _ =	vpop (xrf0)  }
0x12f: {  	v21 =	vxor.u32 $0x80000000, v20  }
0x130: {  	(xrf0) =	vmax.scan.msk.u32 $0xffff, v21  }
0x131: {  	(xrf0) =	vadd.scan.msk.s32 $0xffff, v57;
	_ =	sdelay $0x3  }
0x132: {  	v58 =	vld [tilespmem:$0xF6E0]  }
0x133: {  	v22, _, _ =	vpop (xrf0)  }
0x134: {  	v23, _, _ =	vpop (xrf0)  }
0x135: {  	v24 =	vxor.u32 $0x80000000, v23  }
0x136: {  	(xrf0) =	vmax.scan.msk.u32 $0xffff, v24  }
0x137: {  	(xrf0) =	vadd.scan.msk.s32 $0xffff, v58;
	_ =	sdelay $0x2  }
0x138: {  	(v2sf) =	vpush v10, $0xF  }
0x139: {  	(v2sf) =	vpush v13, $0xF  }
0x13a: {  	v59, _, _ =	vpop (xrf0)  }
0x13b: {  	(v2sf) =	vpush v16, $0xF;
	v60, _, _ =	vpop (xrf0)  }
0x13c: {  	v61 =	vxor.u32 $0x80000000, v60  }
0x13d: {  	(v2sf) =	vpush v19, $0xF;
	(xrf0) =	vmax.scan.msk.u32 $0xffff, v61;
	_ =	sdelay $0x1  }
0x13e: {  	(v2sf) =	vpush v22, $0xF;
	_ =	sdelay $0x2  }
0x13f: {  	(v2sf) =	vpush v59, $0xF  }
0x140: {  	v62, _, _ =	vpop (xrf0)  }
0x141: {  	(v2sf) =	vpush v62, $0xF;
	_ =	sdelay $0x2  }
0x142: {  	v6 =	vsub.s32 v8, v6;
	s5 =	spop (v2sf)  }
0x143: {  	[tilespmem:$0xF700] =	vst v6;
	v7 =	vsub.s32 v11, v7;
	s5 =	sxor.u32 $0x80000000, s5;
	s22 =	spop (v2sf)  }
0x144: {  	v8 =	vld [tilespmem:$0xF6F0];
	[tilespmem:$0xF800] =	vst v6;
	v6 =	vadd.s32 s5, v7;
	s5 =	sadd.s32 s22, s5  }
0x145: {  	v7 =	vsub.s32 v14, v54;
	[tilespmem:$0xF710] =	vst v6;
	s5 =	sadd.s32 $0x80000000, s5;
	s28 =	spop (v2sf)  }
0x146: {  	[tilespmem:$0xF810] =	vst v6;
	v6 =	vadd.s32 s5, v7;
	s5 =	sadd.s32 s28, s5  }
0x147: {  	v7 =	vsub.s32 v17, v55;
	[tilespmem:$0xF720] =	vst v6;
	s5 =	sadd.s32 $0x80000000, s5;
	s1 =	spop (v2sf)  }
0x148: {  	[tilespmem:$0xF820] =	vst v6;
	v6 =	vadd.s32 s5, v7;
	s5 =	sadd.s32 s1, s5  }
0x149: {  	v7 =	vsub.s32 v20, v56;
	[tilespmem:$0xF730] =	vst v6;
	s5 =	sadd.s32 $0x80000000, s5;
	s20 =	spop (v2sf);
	(xrf0) =	vadd.scan.msk.s32 $0xffff, v8  }
0x14a: {  	[tilespmem:$0xF830] =	vst v6;
	v6 =	vadd.s32 s5, v7;
	s5 =	sadd.s32 s20, s5  }
0x14b: {  	v7 =	vsub.s32 v23, v57;
	[tilespmem:$0xF740] =	vst v6;
	s5 =	sadd.s32 $0x80000000, s5  }
0x14c: {  	[tilespmem:$0xF840] =	vst v6;
	v6 =	vadd.s32 s5, v7;
	v7 =	vsub.s32 v60, v58;
	s22 =	spop (v2sf)  }
0x14d: {  	s5 =	sadd.s32 s22, s5  }
0x14e: {  	[tilespmem:$0xF750] =	vst v6;
	s5 =	sadd.s32 $0x80000000, s5;
	s28 =	spop (v2sf)  }
0x14f: {  	[tilespmem:$0xF850] =	vst v6;
	v6 =	vadd.s32 s5, v7;
	v7, _, _ =	vpop (xrf0);
	s5 =	sadd.s32 s28, s5  }
0x150: {  	[tilespmem:$0xF760] =	vst v6;
	v7 =	vsub.s32 v7, v8;
	s5 =	sadd.s32 $0x80000000, s5  }
0x151: {  	[tilespmem:$0xF860] =	vst v6;
	v6 =	vadd.s32 s5, v7  }
0x152: {  	[tilespmem:$0xF770] =	vst v6  }
0x153: {  	s5 =	simm.s32 $0x0;
	[tilespmem:$0xF870] =	vst v6  }
0x154: {  	v6 =	vld [tilespmem:s5+$0x0];
	_ =	sdelay $0x4  }
0x155: {  	v7 =	vshll.u32 v6, $0xB  }
0x156: {  	v7 =	vand.u32 $0x1FFF800, v7  }
0x157: {  	v6 =	vshra.s32 v6, $0xE;
	v7 =	vor.u32 s5, v7  }
0x158: {  	v6 =	vxor.u32 $0x80000000, v6;
	v7 =	vor.u32 v2, v7  }
0x159: {  	(xrf1) =	vsort.ascd.msk.u32 $0xffff, v6, v7;
	_ =	sdelay $0xd  }
0x15a: {  	v6, v7, _ =	vpop (xrf1)  }
0x15b: {  	v6 =	vxor.u32 $0x80000000, v6  }
0x15c: {  	[tilespmem:$0xF880] =	vst v6  }
0x15d: {  	v8 =	vld.idx.msk [tilespmem:v3+s3+$0x0], $0xffff;
	_ =	sdelay $0x4  }
0x15e: {  	vm0 =	veq.s32 v6, v8  }
0x15f: {  	v8 =	vsel vm0, $0x80000000, v4  }
0x160: {  	(xrf0) =	vmax.scan.msk.u32 $0xffff, v8;
	_ =	sdelay $0x2  }
0x161: {  	v8 =	vld.idx.msk [tilespmem:v6+s4+$0x0], $0xffff;
	_ =	sdelay $0x2  }
0x162: {  	v63, _, _ =	vpop (xrf0)  }
0x163: {  	v9 =	vxor.u32 $0x7FFFFFFF, v63  }
0x164: {  	v8 =	vadd.s32 v9, v8  }
0x165: {  	v8 =	vadd.s32 v5, v8;
	_ =	sdelay $0x4  }
0x166: {  	s15 =	simm.s32 $0x10;
	s20 =	simm.s32 $0x0;
	[tilespmem:v8+s6+$0x0] =	vst.idx.msk $0xffff, v7  }
.LBB2_4:
0x167: {  	p0 =	sne.s32 s15, $0x7F0  }
0x168: {  	[tilespmem:v6+s4+$0x0] =	vst.idx.add.s32.msk $0xffff, v1;
	s20 =	sadd.s32 $0x10, s20;
	s22 =	smov.u32 s15;
	s15 =	sadd.s32 $0x10, s15  }
0x169: {  	v6 =	vld [tilespmem:s20+$0x0];
	_ =	sdelay $0x4  }
0x16a: {  	v7 =	vshra.s32 v6, $0xE;
	v6 =	vshll.u32 v6, $0xB  }
0x16b: {  	v6 =	vand.u32 $0x1FFF800, v6  }
0x16c: {  	v6 =	vor.u32 s22, v6  }
0x16d: {  	v7 =	vxor.u32 $0x80000000, v7;
	v6 =	vor.u32 v2, v6  }
0x16e: {  	(xrf1) =	vsort.ascd.msk.u32 $0xffff, v7, v6;
	_ =	sdelay $0xd  }
0x16f: {  	v6, v7, _ =	vpop (xrf1)  }
0x170: {  	v6 =	vxor.u32 $0x80000000, v6  }
0x171: {  	[tilespmem:$0xF880] =	vst v6  }
0x172: {  	v8 =	vld.idx.msk [tilespmem:v3+s3+$0x0], $0xffff;
	_ =	sdelay $0x5  }
0x173: {  	vm0 =	veq.s32 v6, v8  }
0x174: {  	v8 =	vsel vm0, $0x80000000, v4  }
0x175: {  	(xrf0) =	vmax.scan.msk.u32 $0xffff, v8;
	_ =	sdelay $0x1  }
0x176: {  	v8 =	vld.idx.msk [tilespmem:v6+s4+$0x0], $0xffff;
	_ =	sdelay $0x3  }
0x177: {  	v9, _, _ =	vpop (xrf0)  }
0x178: {  	v9 =	vxor.u32 $0x7FFFFFFF, v9  }
0x179: {  	v8 =	vadd.s32 v9, v8  }
0x17a: {  	v8 =	vadd.s32 v5, v8  }
.Ltmp1:
0x17b: {  	(pc) =	sbr.rel @p0 .LBB2_4-.Ltmp1, $2  }
0x17c: {  	_ =	sdelay $0x2  }
0x17d: {  	[tilespmem:v8+s6+$0x0] =	vst.idx.msk $0xffff, v7  }
.Ltmp2:
0x17e: {  	_ = 	snop;
	(pc) =	sbr.rel .LBB2_6-.Ltmp2, $2  }
0x17f: {  	_ =	sdelay $0x2  }
0x180: {  	[tilespmem:v6+s4+$0x0] =	vst.idx.add.s32.msk $0xffff, v1  }
.LBB2_14:
0x181: {  	_ =	sdelay $0x4  }
0x182: {  	v6 =	vand.u32 $0xFF80, v9;
	[tilespmem:v10+s19+$0x0] =	vst.idx.msk vm0, v11  }
0x183: {  	v6 =	vor.u32 v7, v6;
	v63 =	vld [tilespmem:$0x10360];
	_ =	sdelay $0x4  }
0x184: {  	v8 =	vand.u32 $0xFF80, v8;
	[tilespmem:v6+s19+$0x0] =	vst.idx.msk vm0, v63  }
0x185: {  	v6 =	vor.u32 v7, v8;
	v7 =	vld [tilespmem:$0x10370];
	_ =	sdelay $0x4  }
0x186: {  	[tilespmem:v6+s19+$0x0] =	vst.idx.msk vm0, v7  }
.LBB2_15:
0x187: {  	p0 =	sgt.u32 s5, $0x1C  }
0x188: {  	[bflag:$0x0] =	sbarrier.arrive $0xFFFF;
	s5 =	sadd.s32 $0x1, s5;
	s15 =	sadd.s32 @!p0 s22, s10  }
0x189: {  	s20 =	sshrl.u32 @!p0 s7, $0x3;
	s22 =	simm.s32 @!p0 $0x1;
	s15 =	sshrl.u32 @!p0 s15, $0x3  }
0x18a: {  	s28 =	simm.s32 @!p0 $0x10;
	s1 =	simm.s32 @!p0 $0x80;
	s15 =	sadd.s32 @!p0 s13, s15  }
0x18b: {  	[spmem:s20@s28], [sflag:s24] =	dma.strided @!p0 [hbm:s15@s1], $0x800, s22, $0x10   }
0x18c: {  	p0 =	sne.s32 s5, $0x1F  }
.Ltmp3:
0x18d: {  	_ = 	snop;
	(pc) =	sbr.rel @!p0 .LBB2_16-.Ltmp3, $1  }
0x18e: {  	_ =	sdelay $0x3  }
.LBB2_6:
0x18f: {  	_ =	swait.ge [sflag:s25], $0x800  }
0x190: {  	[sflag:s25] =	ssyncset.done $0x0  }
0x191: {  	s15 =	sshll.u32 s5, $0x1;
	[sflag:s25] =	ssyncadd.s32 $0xFFFFF800  }
0x192: {  	s20 =	sand.u32 $0x3FFFFFFE, s15;
	[bflag:$0x0] =	sbarrier.arrive $0xFFFF  }
0x193: {  	v6 =	vld [tilespmem:s20+$0xF700];
	_ =	sdelay $0x4  }
0x194: {  	(v2sf) =	vpush v6, $0x0  }
0x195: {  	(v2sf) =	vpush v6, $0x1;
	_ =	sdelay $0xd  }
0x196: {  	s22 =	spop (v2sf)  }
0x197: {  	s28 =	spop (v2sf)  }
0x198: {  	s15 =	ssub.s32 s28, s22  }
0x199: {  	s15 =	sadd.s32 $0xF, s15  }
0x19a: {  	s28 =	sand.u32 $0xF, s15  }
0x19b: {  	s1 =	sshra.s32 s15, $0x1F;
	p1 =	slt.s32 s15, $0x1;
	p0 =	sne.s32 s28, $0x0  }
0x19c: {  	s28 =	sshrl.u32 s1, $0x1C;
	p0 =	por !p1, !p0  }
0x19d: {  	s15 =	sadd.s32 s28, s15;
	s28 =	simm.s32 $0x1;
	p0 =	por !p0, !p0  }
0x19e: {  	s15 =	sshra.s32 s15, $0x4;
	s28 =	simm.s32 @!p0 $0x0  }
0x19f: {  	s15 =	ssub.s32 s15, s28  }
0x1a0: {  	p0 =	slt.s32 s15, $0x1  }
.Ltmp4:
0x1a1: {  	_ = 	snop;
	(pc) =	sbr.rel @p0 .LBB2_10-.Ltmp4, $1  }
0x1a2: {  	_ =	sdelay $0x3  }
0x1a3: {  	s28 =	sshll.u32 s22, $0x2  }
0x1a4: {  	s28 =	sshra.s32 s28, $0x2  }
0x1a5: {  	s28 =	sadd.s32 $0xF900, s28  }
0x1a6: {  	v7 =	vld [tilespmem:s28+$0x0];
	_ =	sdelay $0x4  }
0x1a7: {  	v8 =	vshrl.u32 v7, $0xB  }
0x1a8: {  	v8 =	vand.u32 $0x3FFF, v8  }
0x1a9: {  	[tilespmem:$0x10180] =	vst v8;
	v9 =	vor.u32 $0x3C000, v8  }
0x1aa: {  	v10 =	vor.u32 $0x4000, v8;
	[tilespmem:$0x10270] =	vst v9  }
0x1ab: {  	v9 =	vor.u32 $0x8000, v8;
	[tilespmem:$0x10190] =	vst v10  }
0x1ac: {  	v10 =	vor.u32 $0x14000, v8;
	[tilespmem:$0x101A0] =	vst v9  }
0x1ad: {  	v9 =	vor.u32 $0x20000, v8;
	[tilespmem:$0x101D0] =	vst v10  }
0x1ae: {  	v10 =	vor.u32 $0xC000, v8;
	[tilespmem:$0x10200] =	vst v9  }
0x1af: {  	v9 =	vor.u32 $0x38000, v8;
	[tilespmem:$0x101B0] =	vst v10  }
0x1b0: {  	v10 =	vor.u32 $0x1C000, v8;
	[tilespmem:$0x10260] =	vst v9  }
0x1b1: {  	v9 =	vor.u32 $0x10000, v8;
	[tilespmem:$0x101F0] =	vst v10  }
0x1b2: {  	v10 =	vor.u32 $0x34000, v8;
	[tilespmem:$0x101C0] =	vst v9  }
0x1b3: {  	v9 =	vor.u32 $0x30000, v8;
	[tilespmem:$0x10250] =	vst v10  }
0x1b4: {  	v10 =	vor.u32 $0x18000, v8;
	[tilespmem:$0x10240] =	vst v9  }
0x1b5: {  	v9 =	vor.u32 $0x2C000, v8;
	[tilespmem:$0x101E0] =	vst v10  }
0x1b6: {  	v10 =	vor.u32 $0x28000, v8;
	[tilespmem:$0x10230] =	vst v9  }
0x1b7: {  	v8 =	vor.u32 $0x24000, v8;
	[tilespmem:$0x10220] =	vst v10  }
0x1b8: {  	[tilespmem:$0x10210] =	vst v8  }
0x1b9: {  	[tilespmem:s11], [sflag:$0x3] =	stream.indirect.gather [spmem:s16], $0x1, s8, s30, $0xb8;
	[tilespmem:$0x18380] =	vst v63  }
0x1ba: {  	_ = 	snop  }
0x1bb: {  	[tilespmem:s14], [sflag:$0x3] =	stream.indirect.gather [spmem:s16], $0x1, s12, s30, $0xb8;
	[tilespmem:$0x18380] =	vst v63  }
0x1bc: {  	_ =	swait.ge [sflag:s18], $0x80  }
0x1bd: {  	v8 =	vand.u32 $0x7FF, v7;
	[sflag:s18] =	ssyncset.done $0x0  }
0x1be: {  	vm0 =	vgt.u32 v8, $0x3FF;
	[sflag:s18] =	ssyncadd.s32 $0xFFFFFF80  }
0x1bf: {  	v6 =	vbroadcast v6, $0x1;
	v9 =	vsel vm0, $0x3C00, v0;
	_ =	swait.ge [sflag:s18], $0x80  }
0x1c0: {  	v8 =	vadd.s32 v8, v9;
	v9 =	vadd.s32 s22, v2;
	[sflag:s18] =	ssyncset.done $0x0  }
0x1c1: {  	v7 =	vand.u32 $0x7F, v7;
	v10 =	vand.u32 $0x7F80, v8;
	vm0 =	vlt.s32 v9, v6;
	[sflag:s18] =	ssyncadd.s32 $0xFFFFFF80  }
0x1c2: {  	v9 =	vor.u32 v7, v10;
	v10 =	vld [tilespmem:$0x10280];
	_ =	sdelay $0x3  }
0x1c3: {  	v11 =	vadd.s32 $0x400, v8  }
0x1c4: {  	v11 =	vand.u32 $0xFF80, v11;
	[tilespmem:v9+s19+$0x0] =	vst.idx.msk vm0, v10  }
0x1c5: {  	v9 =	vor.u32 v7, v11;
	v10 =	vld [tilespmem:$0x10290];
	_ =	sdelay $0x3  }
0x1c6: {  	v11 =	vadd.s32 $0x800, v8  }
0x1c7: {  	v11 =	vand.u32 $0xFF80, v11;
	[tilespmem:v9+s19+$0x0] =	vst.idx.msk vm0, v10  }
0x1c8: {  	v9 =	vor.u32 v7, v11;
	v10 =	vld [tilespmem:$0x102A0];
	_ =	sdelay $0x3  }
0x1c9: {  	v11 =	vadd.s32 $0xC00, v8  }
0x1ca: {  	v11 =	vand.u32 $0xFF80, v11;
	[tilespmem:v9+s19+$0x0] =	vst.idx.msk vm0, v10  }
0x1cb: {  	v9 =	vor.u32 v7, v11;
	v10 =	vld [tilespmem:$0x102B0];
	_ =	sdelay $0x3  }
0x1cc: {  	v11 =	vadd.s32 $0x1000, v8  }
0x1cd: {  	v11 =	vand.u32 $0xFF80, v11;
	[tilespmem:v9+s19+$0x0] =	vst.idx.msk vm0, v10  }
0x1ce: {  	v9 =	vor.u32 v7, v11;
	v10 =	vld [tilespmem:$0x102C0];
	_ =	sdelay $0x3  }
0x1cf: {  	v11 =	vadd.s32 $0x1400, v8  }
0x1d0: {  	v11 =	vand.u32 $0xFF80, v11;
	[tilespmem:v9+s19+$0x0] =	vst.idx.msk vm0, v10  }
0x1d1: {  	v9 =	vor.u32 v7, v11;
	v10 =	vld [tilespmem:$0x102D0];
	_ =	sdelay $0x3  }
0x1d2: {  	v11 =	vadd.s32 $0x1800, v8  }
0x1d3: {  	v11 =	vand.u32 $0xFF80, v11;
	[tilespmem:v9+s19+$0x0] =	vst.idx.msk vm0, v10  }
0x1d4: {  	v9 =	vor.u32 v7, v11;
	v10 =	vld [tilespmem:$0x102E0];
	_ =	sdelay $0x3  }
0x1d5: {  	v11 =	vadd.s32 $0x1C00, v8  }
0x1d6: {  	v11 =	vand.u32 $0xFF80, v11;
	[tilespmem:v9+s19+$0x0] =	vst.idx.msk vm0, v10  }
0x1d7: {  	v9 =	vor.u32 v7, v11;
	v10 =	vld [tilespmem:$0x102F0];
	_ =	sdelay $0x3  }
0x1d8: {  	v11 =	vadd.s32 $0x2000, v8  }
0x1d9: {  	v11 =	vand.u32 $0xFF80, v11;
	[tilespmem:v9+s19+$0x0] =	vst.idx.msk vm0, v10  }
0x1da: {  	v9 =	vor.u32 v7, v11;
	v10 =	vld [tilespmem:$0x10300];
	_ =	sdelay $0x3  }
0x1db: {  	v11 =	vadd.s32 $0x2400, v8  }
0x1dc: {  	v11 =	vand.u32 $0xFF80, v11;
	[tilespmem:v9+s19+$0x0] =	vst.idx.msk vm0, v10  }
0x1dd: {  	v9 =	vor.u32 v7, v11;
	v10 =	vld [tilespmem:$0x10310];
	_ =	sdelay $0x3  }
0x1de: {  	v11 =	vadd.s32 $0x2800, v8  }
0x1df: {  	v11 =	vand.u32 $0xFF80, v11;
	[tilespmem:v9+s19+$0x0] =	vst.idx.msk vm0, v10  }
0x1e0: {  	v9 =	vor.u32 v7, v11;
	v10 =	vld [tilespmem:$0x10320];
	_ =	sdelay $0x3  }
0x1e1: {  	v11 =	vadd.s32 $0x2C00, v8  }
0x1e2: {  	v11 =	vand.u32 $0xFF80, v11;
	[tilespmem:v9+s19+$0x0] =	vst.idx.msk vm0, v10  }
0x1e3: {  	v9 =	vor.u32 v7, v11;
	v10 =	vld [tilespmem:$0x10330];
	_ =	sdelay $0x3  }
0x1e4: {  	v11 =	vadd.s32 $0x3000, v8  }
0x1e5: {  	v11 =	vand.u32 $0xFF80, v11;
	[tilespmem:v9+s19+$0x0] =	vst.idx.msk vm0, v10  }
0x1e6: {  	v9 =	vor.u32 v7, v11;
	v10 =	vld [tilespmem:$0x10340]  }
0x1e7: {  	p0 =	sne.s32 s15, $0x1  }
.Ltmp5:
0x1e8: {  	_ = 	snop;
	(pc) =	sbr.rel @!p0 .LBB2_9-.Ltmp5, $4  }
0x1e9: {  	_ = 	snop  }
0x1ea: {  	v11 =	vadd.s32 $0x3400, v8  }
0x1eb: {  	v11 =	vand.u32 $0xFF80, v11;
	[tilespmem:v9+s19+$0x0] =	vst.idx.msk vm0, v10  }
0x1ec: {  	s15 =	sadd.s32 $0xFFFFFFFF, s15;
	v9 =	vadd.s32 $0x3800, v8;
	v8 =	vadd.s32 $0x3C00, v8;
	v10 =	vor.u32 v7, v11;
	v11 =	vld [tilespmem:$0x10350]  }
.LBB2_8:
0x1ed: {  	_ =	sdelay $0x1  }
0x1ee: {  	p0 =	sne.s32 s15, $0x1;
	s28 =	sadd.s32 $0x10, s28;
	s22 =	sadd.s32 $0x10, s22  }
0x1ef: {  	s15 =	sadd.s32 $0xFFFFFFFF, s15;
	v9 =	vand.u32 $0xFF80, v9  }
0x1f0: {  	v9 =	vor.u32 v7, v9;
	[tilespmem:v10+s19+$0x0] =	vst.idx.msk vm0, v11  }
0x1f1: {  	v10 =	vld [tilespmem:$0x10360];
	_ =	sdelay $0x3  }
0x1f2: {  	v8 =	vand.u32 $0xFF80, v8  }
0x1f3: {  	v7 =	vor.u32 v7, v8;
	[tilespmem:v9+s19+$0x0] =	vst.idx.msk vm0, v10  }
0x1f4: {  	v8 =	vld [tilespmem:$0x10370];
	_ =	sdelay $0x4  }
0x1f5: {  	[tilespmem:v7+s19+$0x0] =	vst.idx.msk vm0, v8  }
0x1f6: {  	v7 =	vld [tilespmem:s28+$0x0];
	_ =	sdelay $0x4  }
0x1f7: {  	v8 =	vshrl.u32 v7, $0xB;
	v9 =	vand.u32 $0x7FF, v7  }
0x1f8: {  	v8 =	vand.u32 $0x3FFF, v8;
	vm0 =	vgt.u32 v9, $0x3FF  }
0x1f9: {  	[tilespmem:$0x10180] =	vst v8;
	v10 =	vor.u32 $0x4000, v8;
	v11 =	vor.u32 $0x8000, v8;
	v12 =	vor.u32 $0x3C000, v8  }
0x1fa: {  	v13 =	vor.u32 $0xC000, v8;
	v14 =	vor.u32 $0x10000, v8;
	v15 =	vor.u32 $0x14000, v8;
	[tilespmem:$0x10270] =	vst v12  }
0x1fb: {  	v16 =	vor.u32 $0x20000, v8;
	v12 =	vor.u32 $0x1C000, v8;
	[tilespmem:$0x10190] =	vst v10;
	v10 =	vor.u32 $0x18000, v8  }
0x1fc: {  	v17 =	vor.u32 $0x24000, v8;
	v18 =	vor.u32 $0x28000, v8;
	v19 =	vor.u32 $0x2C000, v8;
	[tilespmem:$0x101A0] =	vst v11  }
0x1fd: {  	v11 =	vor.u32 $0x30000, v8;
	[tilespmem:$0x101D0] =	vst v15;
	v15 =	vor.u32 $0x34000, v8;
	v8 =	vor.u32 $0x38000, v8  }
0x1fe: {  	[tilespmem:$0x10200] =	vst v16;
	v16 =	vsel vm0, $0x3C00, v0  }
0x1ff: {  	[tilespmem:$0x101B0] =	vst v13;
	v13 =	vadd.s32 v9, v16  }
0x200: {  	[tilespmem:$0x10260] =	vst v8;
	v16 =	vand.u32 $0x7F80, v13;
	v20 =	vadd.s32 $0x400, v13;
	v21 =	vadd.s32 $0x800, v13  }
0x201: {  	v8 =	vadd.s32 $0xC00, v13;
	v22 =	vadd.s32 $0x1000, v13;
	v23 =	vadd.s32 $0x1400, v13;
	[tilespmem:$0x101F0] =	vst v12  }
0x202: {  	v24 =	vadd.s32 $0x1800, v13;
	[tilespmem:$0x101C0] =	vst v14;
	v14 =	vand.u32 $0xFF80, v8;
	v8 =	vadd.s32 $0x1C00, v13  }
0x203: {  	v25 =	vadd.s32 $0x2000, v13;
	v26 =	vadd.s32 $0x2400, v13;
	[tilespmem:$0x10250] =	vst v15;
	v15 =	vand.u32 $0xFF80, v8  }
0x204: {  	v12 =	vadd.s32 $0x2C00, v13;
	v8 =	vadd.s32 $0x2800, v13;
	[tilespmem:$0x10240] =	vst v11;
	v11 =	vadd.s32 $0x3000, v13  }
0x205: {  	v9 =	vadd.s32 $0x3800, v13;
	v27 =	vand.u32 $0xFF80, v8;
	[tilespmem:$0x101E0] =	vst v10;
	v10 =	vadd.s32 $0x3400, v13  }
0x206: {  	v8 =	vadd.s32 $0x3C00, v13;
	[tilespmem:$0x10230] =	vst v19  }
0x207: {  	[tilespmem:$0x10220] =	vst v18  }
0x208: {  	[tilespmem:$0x10210] =	vst v17  }
0x209: {  	[tilespmem:s11], [sflag:$0x3] =	stream.indirect.gather [spmem:s16], $0x1, s8, s30, $0xb8;
	[tilespmem:$0x18380] =	vst v63  }
0x20a: {  	_ = 	snop  }
0x20b: {  	[tilespmem:s14], [sflag:$0x3] =	stream.indirect.gather [spmem:s16], $0x1, s12, s30, $0xb8;
	[tilespmem:$0x18380] =	vst v63  }
0x20c: {  	_ =	swait.ge [sflag:s18], $0x80  }
0x20d: {  	[sflag:s18] =	ssyncset.done $0x0  }
0x20e: {  	[sflag:s18] =	ssyncadd.s32 $0xFFFFFF80  }
0x20f: {  	v13 =	vadd.s32 s22, v2;
	_ =	swait.ge [sflag:s18], $0x80  }
0x210: {  	v7 =	vand.u32 $0x7F, v7;
	vm0 =	vlt.s32 v13, v6;
	[sflag:s18] =	ssyncset.done $0x0  }
0x211: {  	v14 =	vor.u32 v7, v14;
	v15 =	vor.u32 v7, v15;
	v13 =	vor.u32 v7, v16;
	[sflag:s18] =	ssyncadd.s32 $0xFFFFFF80  }
0x212: {  	v17 =	vor.u32 v7, v27;
	v16 =	vld [tilespmem:$0x10280];
	_ =	sdelay $0x3  }
0x213: {  	v18 =	vand.u32 $0xFF80, v20  }
0x214: {  	[tilespmem:v13+s19+$0x0] =	vst.idx.msk vm0, v16;
	v13 =	vor.u32 v7, v18  }
0x215: {  	v16 =	vld [tilespmem:$0x10290];
	_ =	sdelay $0x3  }
0x216: {  	v18 =	vand.u32 $0xFF80, v21  }
0x217: {  	[tilespmem:v13+s19+$0x0] =	vst.idx.msk vm0, v16;
	v13 =	vor.u32 v7, v18  }
0x218: {  	v16 =	vld [tilespmem:$0x102A0];
	_ =	sdelay $0x4  }
0x219: {  	[tilespmem:v13+s19+$0x0] =	vst.idx.msk vm0, v16  }
0x21a: {  	v13 =	vld [tilespmem:$0x102B0];
	_ =	sdelay $0x3  }
0x21b: {  	v16 =	vand.u32 $0xFF80, v22  }
0x21c: {  	[tilespmem:v14+s19+$0x0] =	vst.idx.msk vm0, v13;
	v13 =	vor.u32 v7, v16  }
0x21d: {  	v14 =	vld [tilespmem:$0x102C0];
	_ =	sdelay $0x3  }
0x21e: {  	v16 =	vand.u32 $0xFF80, v23  }
0x21f: {  	[tilespmem:v13+s19+$0x0] =	vst.idx.msk vm0, v14;
	v13 =	vor.u32 v7, v16  }
0x220: {  	v14 =	vld [tilespmem:$0x102D0];
	_ =	sdelay $0x3  }
0x221: {  	v16 =	vand.u32 $0xFF80, v24  }
0x222: {  	[tilespmem:v13+s19+$0x0] =	vst.idx.msk vm0, v14;
	v13 =	vor.u32 v7, v16  }
0x223: {  	v14 =	vld [tilespmem:$0x102E0];
	_ =	sdelay $0x4  }
0x224: {  	[tilespmem:v13+s19+$0x0] =	vst.idx.msk vm0, v14  }
0x225: {  	v13 =	vld [tilespmem:$0x102F0];
	_ =	sdelay $0x3  }
0x226: {  	v14 =	vand.u32 $0xFF80, v25  }
0x227: {  	[tilespmem:v15+s19+$0x0] =	vst.idx.msk vm0, v13;
	v13 =	vor.u32 v7, v14  }
0x228: {  	v14 =	vld [tilespmem:$0x10300];
	_ =	sdelay $0x3  }
0x229: {  	v15 =	vand.u32 $0xFF80, v26  }
0x22a: {  	[tilespmem:v13+s19+$0x0] =	vst.idx.msk vm0, v14;
	v13 =	vor.u32 v7, v15  }
0x22b: {  	v14 =	vld [tilespmem:$0x10310];
	_ =	sdelay $0x4  }
0x22c: {  	[tilespmem:v13+s19+$0x0] =	vst.idx.msk vm0, v14  }
0x22d: {  	v13 =	vld [tilespmem:$0x10320];
	_ =	sdelay $0x3  }
0x22e: {  	v12 =	vand.u32 $0xFF80, v12  }
0x22f: {  	v12 =	vor.u32 v7, v12;
	[tilespmem:v17+s19+$0x0] =	vst.idx.msk vm0, v13  }
0x230: {  	v13 =	vld [tilespmem:$0x10330];
	_ =	sdelay $0x3  }
0x231: {  	v11 =	vand.u32 $0xFF80, v11  }
0x232: {  	v11 =	vor.u32 v7, v11;
	[tilespmem:v12+s19+$0x0] =	vst.idx.msk vm0, v13  }
0x233: {  	v12 =	vld [tilespmem:$0x10340];
	_ =	sdelay $0x1  }
.Ltmp6:
0x234: {  	(pc) =	sbr.rel @p0 .LBB2_8-.Ltmp6, $4  }
0x235: {  	_ = 	snop  }
0x236: {  	v10 =	vand.u32 $0xFF80, v10  }
0x237: {  	v10 =	vor.u32 v7, v10;
	[tilespmem:v11+s19+$0x0] =	vst.idx.msk vm0, v12  }
0x238: {  	v11 =	vld [tilespmem:$0x10350]  }
.LBB2_9:
0x239: {  	_ =	sdelay $0x4  }
0x23a: {  	v6 =	vand.u32 $0xFF80, v9;
	[tilespmem:v10+s19+$0x0] =	vst.idx.msk vm0, v11  }
0x23b: {  	v6 =	vor.u32 v7, v6;
	v63 =	vld [tilespmem:$0x10360];
	_ =	sdelay $0x4  }
0x23c: {  	v8 =	vand.u32 $0xFF80, v8;
	[tilespmem:v6+s19+$0x0] =	vst.idx.msk vm0, v63  }
0x23d: {  	v6 =	vor.u32 v7, v8;
	v7 =	vld [tilespmem:$0x10370];
	_ =	sdelay $0x4  }
0x23e: {  	[tilespmem:v6+s19+$0x0] =	vst.idx.msk vm0, v7  }
.LBB2_10:
0x23f: {  	p0 =	seq.s32 s5, $0x1E  }
.Ltmp7:
0x240: {  	_ = 	snop;
	(pc) =	sbr.rel @p0 .LBB2_16-.Ltmp7, $2  }
0x241: {  	_ =	sdelay $0x1  }
0x242: {  	[bflag:$0x0] =	sbarrier.arrive $0xFFFF;
	_ =	sdelay $0x1  }
0x243: {  	s22 =	sshll.u32 s5, $0x12  }
0x244: {  	s15 =	sadd.s32 s22, s9  }
0x245: {  	s15 =	sshrl.u32 s15, $0x3  }
0x246: {  	s1 =	simm.s32 $0x10;
	s15 =	sadd.s32 s13, s15  }
0x247: {  	[spmem:s23@s1], [sflag:s26] =	dma.strided [hbm:s15@s30], $0x800, s25, $0x10   }
0x248: {  	_ =	swait.ge [sflag:s21], $0x800  }
0x249: {  	[sflag:s21] =	ssyncset.done $0x0  }
0x24a: {  	[sflag:s21] =	ssyncadd.s32 $0xFFFFF800  }
0x24b: {  	[bflag:$0x0] =	sbarrier.arrive $0xFFFF  }
0x24c: {  	v6 =	vld [tilespmem:s20+$0xF701];
	_ =	sdelay $0x4  }
0x24d: {  	(v2sf) =	vpush v6, $0x0  }
0x24e: {  	(v2sf) =	vpush v6, $0x1;
	_ =	sdelay $0xd  }
0x24f: {  	s20 =	spop (v2sf)  }
0x250: {  	s28 =	spop (v2sf)  }
0x251: {  	s15 =	ssub.s32 s28, s20  }
0x252: {  	s15 =	sadd.s32 $0xF, s15  }
0x253: {  	s28 =	sand.u32 $0xF, s15  }
0x254: {  	s1 =	sshra.s32 s15, $0x1F;
	p1 =	slt.s32 s15, $0x1;
	p0 =	sne.s32 s28, $0x0  }
0x255: {  	s28 =	sshrl.u32 s1, $0x1C;
	p0 =	por !p1, !p0  }
0x256: {  	s15 =	sadd.s32 s28, s15;
	s28 =	simm.s32 $0x1;
	p0 =	por !p0, !p0  }
0x257: {  	s15 =	sshra.s32 s15, $0x4;
	s28 =	simm.s32 @!p0 $0x0  }
0x258: {  	s15 =	ssub.s32 s15, s28  }
0x259: {  	p0 =	slt.s32 s15, $0x1  }
.Ltmp8:
0x25a: {  	_ = 	snop;
	(pc) =	sbr.rel @p0 .LBB2_15-.Ltmp8, $1  }
0x25b: {  	_ =	sdelay $0x3  }
0x25c: {  	s28 =	sshll.u32 s20, $0x2  }
0x25d: {  	s28 =	sshra.s32 s28, $0x2  }
0x25e: {  	s28 =	sadd.s32 $0xF900, s28  }
0x25f: {  	v7 =	vld [tilespmem:s28+$0x0];
	_ =	sdelay $0x4  }
0x260: {  	v8 =	vshrl.u32 v7, $0xB  }
0x261: {  	v8 =	vand.u32 $0x3FFF, v8  }
0x262: {  	[tilespmem:$0x10180] =	vst v8;
	v9 =	vor.u32 $0x3C000, v8  }
0x263: {  	v10 =	vor.u32 $0x4000, v8;
	[tilespmem:$0x10270] =	vst v9  }
0x264: {  	v9 =	vor.u32 $0x8000, v8;
	[tilespmem:$0x10190] =	vst v10  }
0x265: {  	v10 =	vor.u32 $0x14000, v8;
	[tilespmem:$0x101A0] =	vst v9  }
0x266: {  	v9 =	vor.u32 $0x20000, v8;
	[tilespmem:$0x101D0] =	vst v10  }
0x267: {  	v10 =	vor.u32 $0xC000, v8;
	[tilespmem:$0x10200] =	vst v9  }
0x268: {  	v9 =	vor.u32 $0x38000, v8;
	[tilespmem:$0x101B0] =	vst v10  }
0x269: {  	v10 =	vor.u32 $0x1C000, v8;
	[tilespmem:$0x10260] =	vst v9  }
0x26a: {  	v9 =	vor.u32 $0x10000, v8;
	[tilespmem:$0x101F0] =	vst v10  }
0x26b: {  	v10 =	vor.u32 $0x34000, v8;
	[tilespmem:$0x101C0] =	vst v9  }
0x26c: {  	v9 =	vor.u32 $0x30000, v8;
	[tilespmem:$0x10250] =	vst v10  }
0x26d: {  	v10 =	vor.u32 $0x18000, v8;
	[tilespmem:$0x10240] =	vst v9  }
0x26e: {  	v9 =	vor.u32 $0x2C000, v8;
	[tilespmem:$0x101E0] =	vst v10  }
0x26f: {  	v10 =	vor.u32 $0x28000, v8;
	[tilespmem:$0x10230] =	vst v9  }
0x270: {  	v8 =	vor.u32 $0x24000, v8;
	[tilespmem:$0x10220] =	vst v10  }
0x271: {  	[tilespmem:$0x10210] =	vst v8  }
0x272: {  	[tilespmem:s11], [sflag:$0x3] =	stream.indirect.gather [spmem:s17], $0x1, s8, s30, $0xb8;
	[tilespmem:$0x18380] =	vst v63  }
0x273: {  	_ = 	snop  }
0x274: {  	[tilespmem:s14], [sflag:$0x3] =	stream.indirect.gather [spmem:s17], $0x1, s12, s30, $0xb8;
	[tilespmem:$0x18380] =	vst v63  }
0x275: {  	_ =	swait.ge [sflag:s18], $0x80  }
0x276: {  	v8 =	vand.u32 $0x7FF, v7;
	[sflag:s18] =	ssyncset.done $0x0  }
0x277: {  	vm0 =	vgt.u32 v8, $0x3FF;
	[sflag:s18] =	ssyncadd.s32 $0xFFFFFF80  }
0x278: {  	v6 =	vbroadcast v6, $0x1;
	v9 =	vsel vm0, $0x3C00, v0;
	_ =	swait.ge [sflag:s18], $0x80  }
0x279: {  	v8 =	vadd.s32 v8, v9;
	v9 =	vadd.s32 s20, v2;
	[sflag:s18] =	ssyncset.done $0x0  }
0x27a: {  	v7 =	vand.u32 $0x7F, v7;
	v10 =	vand.u32 $0x7F80, v8;
	vm0 =	vlt.s32 v9, v6;
	[sflag:s18] =	ssyncadd.s32 $0xFFFFFF80  }
0x27b: {  	v9 =	vor.u32 v7, v10;
	v10 =	vld [tilespmem:$0x10280];
	_ =	sdelay $0x3  }
0x27c: {  	v11 =	vadd.s32 $0x400, v8  }
0x27d: {  	v11 =	vand.u32 $0xFF80, v11;
	[tilespmem:v9+s19+$0x0] =	vst.idx.msk vm0, v10  }
0x27e: {  	v9 =	vor.u32 v7, v11;
	v10 =	vld [tilespmem:$0x10290];
	_ =	sdelay $0x3  }
0x27f: {  	v11 =	vadd.s32 $0x800, v8  }
0x280: {  	v11 =	vand.u32 $0xFF80, v11;
	[tilespmem:v9+s19+$0x0] =	vst.idx.msk vm0, v10  }
0x281: {  	v9 =	vor.u32 v7, v11;
	v10 =	vld [tilespmem:$0x102A0];
	_ =	sdelay $0x3  }
0x282: {  	v11 =	vadd.s32 $0xC00, v8  }
0x283: {  	v11 =	vand.u32 $0xFF80, v11;
	[tilespmem:v9+s19+$0x0] =	vst.idx.msk vm0, v10  }
0x284: {  	v9 =	vor.u32 v7, v11;
	v10 =	vld [tilespmem:$0x102B0];
	_ =	sdelay $0x3  }
0x285: {  	v11 =	vadd.s32 $0x1000, v8  }
0x286: {  	v11 =	vand.u32 $0xFF80, v11;
	[tilespmem:v9+s19+$0x0] =	vst.idx.msk vm0, v10  }
0x287: {  	v9 =	vor.u32 v7, v11;
	v10 =	vld [tilespmem:$0x102C0];
	_ =	sdelay $0x3  }
0x288: {  	v11 =	vadd.s32 $0x1400, v8  }
0x289: {  	v11 =	vand.u32 $0xFF80, v11;
	[tilespmem:v9+s19+$0x0] =	vst.idx.msk vm0, v10  }
0x28a: {  	v9 =	vor.u32 v7, v11;
	v10 =	vld [tilespmem:$0x102D0];
	_ =	sdelay $0x3  }
0x28b: {  	v11 =	vadd.s32 $0x1800, v8  }
0x28c: {  	v11 =	vand.u32 $0xFF80, v11;
	[tilespmem:v9+s19+$0x0] =	vst.idx.msk vm0, v10  }
0x28d: {  	v9 =	vor.u32 v7, v11;
	v10 =	vld [tilespmem:$0x102E0];
	_ =	sdelay $0x3  }
0x28e: {  	v11 =	vadd.s32 $0x1C00, v8  }
0x28f: {  	v11 =	vand.u32 $0xFF80, v11;
	[tilespmem:v9+s19+$0x0] =	vst.idx.msk vm0, v10  }
0x290: {  	v9 =	vor.u32 v7, v11;
	v10 =	vld [tilespmem:$0x102F0];
	_ =	sdelay $0x3  }
0x291: {  	v11 =	vadd.s32 $0x2000, v8  }
0x292: {  	v11 =	vand.u32 $0xFF80, v11;
	[tilespmem:v9+s19+$0x0] =	vst.idx.msk vm0, v10  }
0x293: {  	v9 =	vor.u32 v7, v11;
	v10 =	vld [tilespmem:$0x10300];
	_ =	sdelay $0x3  }
0x294: {  	v11 =	vadd.s32 $0x2400, v8  }
0x295: {  	v11 =	vand.u32 $0xFF80, v11;
	[tilespmem:v9+s19+$0x0] =	vst.idx.msk vm0, v10  }
0x296: {  	v9 =	vor.u32 v7, v11;
	v10 =	vld [tilespmem:$0x10310];
	_ =	sdelay $0x3  }
0x297: {  	v11 =	vadd.s32 $0x2800, v8  }
0x298: {  	v11 =	vand.u32 $0xFF80, v11;
	[tilespmem:v9+s19+$0x0] =	vst.idx.msk vm0, v10  }
0x299: {  	v9 =	vor.u32 v7, v11;
	v10 =	vld [tilespmem:$0x10320];
	_ =	sdelay $0x3  }
0x29a: {  	v11 =	vadd.s32 $0x2C00, v8  }
0x29b: {  	v11 =	vand.u32 $0xFF80, v11;
	[tilespmem:v9+s19+$0x0] =	vst.idx.msk vm0, v10  }
0x29c: {  	v9 =	vor.u32 v7, v11;
	v10 =	vld [tilespmem:$0x10330];
	_ =	sdelay $0x3  }
0x29d: {  	v11 =	vadd.s32 $0x3000, v8  }
0x29e: {  	v11 =	vand.u32 $0xFF80, v11;
	[tilespmem:v9+s19+$0x0] =	vst.idx.msk vm0, v10  }
0x29f: {  	v9 =	vor.u32 v7, v11;
	v10 =	vld [tilespmem:$0x10340];
	_ =	sdelay $0x2  }
0x2a0: {  	p0 =	sne.s32 s15, $0x1  }
.Ltmp9:
0x2a1: {  	v11 =	vadd.s32 $0x3400, v8;
	(pc) =	sbr.rel @!p0 .LBB2_14-.Ltmp9, $3  }
0x2a2: {  	v11 =	vand.u32 $0xFF80, v11;
	[tilespmem:v9+s19+$0x0] =	vst.idx.msk vm0, v10  }
0x2a3: {  	v10 =	vor.u32 v7, v11;
	v11 =	vld [tilespmem:$0x10350];
	_ =	sdelay $0x1  }
0x2a4: {  	s15 =	sadd.s32 $0xFFFFFFFF, s15;
	v9 =	vadd.s32 $0x3800, v8;
	v8 =	vadd.s32 $0x3C00, v8  }
.LBB2_13:
0x2a5: {  	p0 =	sne.s32 s15, $0x1;
	s28 =	sadd.s32 $0x10, s28;
	s20 =	sadd.s32 $0x10, s20  }
0x2a6: {  	s15 =	sadd.s32 $0xFFFFFFFF, s15;
	v9 =	vand.u32 $0xFF80, v9  }
0x2a7: {  	v9 =	vor.u32 v7, v9;
	[tilespmem:v10+s19+$0x0] =	vst.idx.msk vm0, v11  }
0x2a8: {  	v10 =	vld [tilespmem:$0x10360];
	_ =	sdelay $0x3  }
0x2a9: {  	v8 =	vand.u32 $0xFF80, v8  }
0x2aa: {  	v7 =	vor.u32 v7, v8;
	[tilespmem:v9+s19+$0x0] =	vst.idx.msk vm0, v10  }
0x2ab: {  	v8 =	vld [tilespmem:$0x10370];
	_ =	sdelay $0x4  }
0x2ac: {  	[tilespmem:v7+s19+$0x0] =	vst.idx.msk vm0, v8  }
0x2ad: {  	v7 =	vld [tilespmem:s28+$0x0];
	_ =	sdelay $0x4  }
0x2ae: {  	v8 =	vshrl.u32 v7, $0xB;
	v9 =	vand.u32 $0x7FF, v7  }
0x2af: {  	v8 =	vand.u32 $0x3FFF, v8;
	vm0 =	vgt.u32 v9, $0x3FF  }
0x2b0: {  	[tilespmem:$0x10180] =	vst v8;
	v10 =	vor.u32 $0x4000, v8;
	v11 =	vor.u32 $0x8000, v8;
	v12 =	vor.u32 $0x3C000, v8  }
0x2b1: {  	v13 =	vor.u32 $0xC000, v8;
	v14 =	vor.u32 $0x10000, v8;
	v15 =	vor.u32 $0x14000, v8;
	[tilespmem:$0x10270] =	vst v12  }
0x2b2: {  	v16 =	vor.u32 $0x20000, v8;
	v12 =	vor.u32 $0x1C000, v8;
	[tilespmem:$0x10190] =	vst v10;
	v10 =	vor.u32 $0x18000, v8  }
0x2b3: {  	v17 =	vor.u32 $0x24000, v8;
	v18 =	vor.u32 $0x28000, v8;
	v19 =	vor.u32 $0x2C000, v8;
	[tilespmem:$0x101A0] =	vst v11  }
0x2b4: {  	v11 =	vor.u32 $0x30000, v8;
	[tilespmem:$0x101D0] =	vst v15;
	v15 =	vor.u32 $0x34000, v8;
	v8 =	vor.u32 $0x38000, v8  }
0x2b5: {  	[tilespmem:$0x10200] =	vst v16;
	v16 =	vsel vm0, $0x3C00, v0  }
0x2b6: {  	[tilespmem:$0x101B0] =	vst v13;
	v13 =	vadd.s32 v9, v16  }
0x2b7: {  	[tilespmem:$0x10260] =	vst v8;
	v16 =	vand.u32 $0x7F80, v13;
	v20 =	vadd.s32 $0x400, v13;
	v21 =	vadd.s32 $0x800, v13  }
0x2b8: {  	v8 =	vadd.s32 $0xC00, v13;
	v22 =	vadd.s32 $0x1000, v13;
	v23 =	vadd.s32 $0x1400, v13;
	[tilespmem:$0x101F0] =	vst v12  }
0x2b9: {  	v24 =	vadd.s32 $0x1800, v13;
	[tilespmem:$0x101C0] =	vst v14;
	v14 =	vand.u32 $0xFF80, v8;
	v8 =	vadd.s32 $0x1C00, v13  }
0x2ba: {  	v25 =	vadd.s32 $0x2000, v13;
	v26 =	vadd.s32 $0x2400, v13;
	[tilespmem:$0x10250] =	vst v15;
	v15 =	vand.u32 $0xFF80, v8  }
0x2bb: {  	v12 =	vadd.s32 $0x2C00, v13;
	v8 =	vadd.s32 $0x2800, v13;
	[tilespmem:$0x10240] =	vst v11;
	v11 =	vadd.s32 $0x3000, v13  }
0x2bc: {  	v9 =	vadd.s32 $0x3800, v13;
	v27 =	vand.u32 $0xFF80, v8;
	[tilespmem:$0x101E0] =	vst v10;
	v10 =	vadd.s32 $0x3400, v13  }
0x2bd: {  	v8 =	vadd.s32 $0x3C00, v13;
	[tilespmem:$0x10230] =	vst v19  }
0x2be: {  	[tilespmem:$0x10220] =	vst v18  }
0x2bf: {  	[tilespmem:$0x10210] =	vst v17  }
0x2c0: {  	[tilespmem:s11], [sflag:$0x3] =	stream.indirect.gather [spmem:s17], $0x1, s8, s30, $0xb8;
	[tilespmem:$0x18380] =	vst v63  }
0x2c1: {  	_ = 	snop  }
0x2c2: {  	[tilespmem:s14], [sflag:$0x3] =	stream.indirect.gather [spmem:s17], $0x1, s12, s30, $0xb8;
	[tilespmem:$0x18380] =	vst v63  }
0x2c3: {  	_ =	swait.ge [sflag:s18], $0x80  }
0x2c4: {  	[sflag:s18] =	ssyncset.done $0x0  }
0x2c5: {  	[sflag:s18] =	ssyncadd.s32 $0xFFFFFF80  }
0x2c6: {  	v13 =	vadd.s32 s20, v2;
	_ =	swait.ge [sflag:s18], $0x80  }
0x2c7: {  	v7 =	vand.u32 $0x7F, v7;
	vm0 =	vlt.s32 v13, v6;
	[sflag:s18] =	ssyncset.done $0x0  }
0x2c8: {  	v14 =	vor.u32 v7, v14;
	v15 =	vor.u32 v7, v15;
	v13 =	vor.u32 v7, v16;
	[sflag:s18] =	ssyncadd.s32 $0xFFFFFF80  }
0x2c9: {  	v17 =	vor.u32 v7, v27;
	v16 =	vld [tilespmem:$0x10280];
	_ =	sdelay $0x3  }
0x2ca: {  	v18 =	vand.u32 $0xFF80, v20  }
0x2cb: {  	[tilespmem:v13+s19+$0x0] =	vst.idx.msk vm0, v16;
	v13 =	vor.u32 v7, v18  }
0x2cc: {  	v16 =	vld [tilespmem:$0x10290];
	_ =	sdelay $0x3  }
0x2cd: {  	v18 =	vand.u32 $0xFF80, v21  }
0x2ce: {  	[tilespmem:v13+s19+$0x0] =	vst.idx.msk vm0, v16;
	v13 =	vor.u32 v7, v18  }
0x2cf: {  	v16 =	vld [tilespmem:$0x102A0];
	_ =	sdelay $0x4  }
0x2d0: {  	[tilespmem:v13+s19+$0x0] =	vst.idx.msk vm0, v16  }
0x2d1: {  	v13 =	vld [tilespmem:$0x102B0];
	_ =	sdelay $0x3  }
0x2d2: {  	v16 =	vand.u32 $0xFF80, v22  }
0x2d3: {  	[tilespmem:v14+s19+$0x0] =	vst.idx.msk vm0, v13;
	v13 =	vor.u32 v7, v16  }
0x2d4: {  	v14 =	vld [tilespmem:$0x102C0];
	_ =	sdelay $0x3  }
0x2d5: {  	v16 =	vand.u32 $0xFF80, v23  }
0x2d6: {  	[tilespmem:v13+s19+$0x0] =	vst.idx.msk vm0, v14;
	v13 =	vor.u32 v7, v16  }
0x2d7: {  	v14 =	vld [tilespmem:$0x102D0];
	_ =	sdelay $0x3  }
0x2d8: {  	v16 =	vand.u32 $0xFF80, v24  }
0x2d9: {  	[tilespmem:v13+s19+$0x0] =	vst.idx.msk vm0, v14;
	v13 =	vor.u32 v7, v16  }
0x2da: {  	v14 =	vld [tilespmem:$0x102E0];
	_ =	sdelay $0x4  }
0x2db: {  	[tilespmem:v13+s19+$0x0] =	vst.idx.msk vm0, v14  }
0x2dc: {  	v13 =	vld [tilespmem:$0x102F0];
	_ =	sdelay $0x3  }
0x2dd: {  	v14 =	vand.u32 $0xFF80, v25  }
0x2de: {  	[tilespmem:v15+s19+$0x0] =	vst.idx.msk vm0, v13;
	v13 =	vor.u32 v7, v14  }
0x2df: {  	v14 =	vld [tilespmem:$0x10300];
	_ =	sdelay $0x3  }
0x2e0: {  	v15 =	vand.u32 $0xFF80, v26  }
0x2e1: {  	[tilespmem:v13+s19+$0x0] =	vst.idx.msk vm0, v14;
	v13 =	vor.u32 v7, v15  }
0x2e2: {  	v14 =	vld [tilespmem:$0x10310];
	_ =	sdelay $0x4  }
0x2e3: {  	[tilespmem:v13+s19+$0x0] =	vst.idx.msk vm0, v14  }
0x2e4: {  	v13 =	vld [tilespmem:$0x10320];
	_ =	sdelay $0x3  }
0x2e5: {  	v12 =	vand.u32 $0xFF80, v12  }
0x2e6: {  	v12 =	vor.u32 v7, v12;
	[tilespmem:v17+s19+$0x0] =	vst.idx.msk vm0, v13  }
0x2e7: {  	v13 =	vld [tilespmem:$0x10330];
	_ =	sdelay $0x3  }
0x2e8: {  	v11 =	vand.u32 $0xFF80, v11  }
0x2e9: {  	v11 =	vor.u32 v7, v11;
	[tilespmem:v12+s19+$0x0] =	vst.idx.msk vm0, v13  }
0x2ea: {  	v12 =	vld [tilespmem:$0x10340];
	_ =	sdelay $0x1  }
.Ltmp10:
0x2eb: {  	(pc) =	sbr.rel @p0 .LBB2_13-.Ltmp10, $4  }
0x2ec: {  	_ = 	snop  }
0x2ed: {  	v10 =	vand.u32 $0xFF80, v10  }
0x2ee: {  	v10 =	vor.u32 v7, v10;
	[tilespmem:v11+s19+$0x0] =	vst.idx.msk vm0, v12  }
0x2ef: {  	v11 =	vld [tilespmem:$0x10350]  }
.Ltmp11:
0x2f0: {  	_ = 	snop;
	(pc) =	sbr.rel .LBB2_14-.Ltmp11, $1  }
0x2f1: {  	_ =	sdelay $0x3  }
.LBB2_16:
0x2f2: {  	v6 =	vld [tilespmem:$0xF73D];
	_ =	sdelay $0x4  }
0x2f3: {  	(v2sf) =	vpush v6, $0x0  }
0x2f4: {  	(v2sf) =	vpush v6, $0x1;
	_ =	sdelay $0xd  }
0x2f5: {  	s5 =	spop (v2sf)  }
0x2f6: {  	s1 =	spop (v2sf)  }
0x2f7: {  	s1 =	ssub.s32 s1, s5  }
0x2f8: {  	s1 =	sadd.s32 $0xF, s1  }
0x2f9: {  	s15 =	sand.u32 $0xF, s1  }
0x2fa: {  	s28 =	sshra.s32 s1, $0x1F;
	p1 =	slt.s32 s1, $0x1;
	p0 =	sne.s32 s15, $0x0  }
0x2fb: {  	s15 =	sshrl.u32 s28, $0x1C;
	p0 =	por !p1, !p0  }
0x2fc: {  	s1 =	sadd.s32 s15, s1;
	s15 =	simm.s32 $0x1;
	p0 =	por !p0, !p0  }
0x2fd: {  	s1 =	sshra.s32 s1, $0x4;
	s15 =	simm.s32 @!p0 $0x0  }
0x2fe: {  	s15 =	ssub.s32 s1, s15  }
0x2ff: {  	p0 =	slt.s32 s15, $0x1  }
.Ltmp12:
0x300: {  	_ = 	snop;
	(pc) =	sbr.rel @p0 .LBB2_20-.Ltmp12, $1  }
0x301: {  	_ =	sdelay $0x3  }
0x302: {  	s1 =	sshll.u32 s5, $0x2  }
0x303: {  	s1 =	sshra.s32 s1, $0x2  }
0x304: {  	s20 =	sadd.s32 $0xF900, s1  }
0x305: {  	v7 =	vld [tilespmem:s20+$0x0];
	_ =	sdelay $0x4  }
0x306: {  	v8 =	vshrl.u32 v7, $0xB  }
0x307: {  	v8 =	vand.u32 $0x3FFF, v8  }
0x308: {  	v9 =	vand.u32 $0x7FF, v7;
	v8 =	vmin.u32 v8, $0x23F  }
0x309: {  	vm0 =	vgt.u32 v9, $0x3FF  }
0x30a: {  	v6 =	vbroadcast v6, $0x1;
	v10 =	vsel vm0, $0x3C00, v0  }
0x30b: {  	v11 =	vadd.s32 s5, v2;
	v7 =	vand.u32 $0x7F, v7;
	v9 =	vadd.s32 v9, v10  }
0x30c: {  	vm0 =	vlt.s32 v11, v6;
	v10 =	vadd.s32 $0x280, v8;
	v12 =	vand.u32 $0x7F80, v9  }
0x30d: {  	v13 =	vand.u32 $0x7F, v8;
	v10 =	vand.u32 $0x780, v10;
	v12 =	vor.u32 v7, v12;
	v11 =	vld.idx.msk [tilespmem:v8+s31+$0x0], $0xffff  }
0x30e: {  	v10 =	vor.u32 v13, v10;
	_ =	sdelay $0x2  }
0x30f: {  	v14 =	vadd.s32 $0x400, v9  }
0x310: {  	v15 =	vadd.s32 $0x500, v8;
	v14 =	vand.u32 $0xFF80, v14;
	[tilespmem:v12+s19+$0x0] =	vst.idx.msk vm0, v11  }
0x311: {  	v29 =	vor.u32 v7, v14;
	v11 =	vand.u32 $0xF80, v15;
	v10 =	vld.idx.msk [tilespmem:v10+s31+$0x0], $0xffff  }
0x312: {  	v11 =	vor.u32 v13, v11;
	_ =	sdelay $0x2  }
0x313: {  	v30 =	vadd.s32 $0x800, v9  }
0x314: {  	v31 =	vadd.s32 $0x780, v8;
	v14 =	vand.u32 $0xFF80, v30;
	[tilespmem:v29+s19+$0x0] =	vst.idx.msk vm0, v10  }
0x315: {  	v32 =	vor.u32 v7, v14;
	v10 =	vand.u32 $0xF80, v31;
	v11 =	vld.idx.msk [tilespmem:v11+s31+$0x0], $0xffff  }
0x316: {  	v10 =	vor.u32 v13, v10;
	_ =	sdelay $0x2  }
0x317: {  	v33 =	vadd.s32 $0xC00, v9  }
0x318: {  	v34 =	vadd.s32 $0xA00, v8;
	v14 =	vand.u32 $0xFF80, v33;
	[tilespmem:v32+s19+$0x0] =	vst.idx.msk vm0, v11  }
0x319: {  	v35 =	vor.u32 v7, v14;
	v11 =	vand.u32 $0xF80, v34;
	v10 =	vld.idx.msk [tilespmem:v10+s31+$0x0], $0xffff  }
0x31a: {  	v11 =	vor.u32 v13, v11;
	_ =	sdelay $0x2  }
0x31b: {  	v36 =	vadd.s32 $0x1000, v9  }
0x31c: {  	v37 =	vadd.s32 $0xC80, v8;
	v14 =	vand.u32 $0xFF80, v36;
	[tilespmem:v35+s19+$0x0] =	vst.idx.msk vm0, v10  }
0x31d: {  	v38 =	vand.u32 $0x1F80, v37;
	v10 =	vor.u32 v7, v14;
	v11 =	vld.idx.msk [tilespmem:v11+s31+$0x0], $0xffff  }
0x31e: {  	v12 =	vor.u32 v13, v38;
	_ =	sdelay $0x2  }
0x31f: {  	v39 =	vadd.s32 $0x1400, v9  }
0x320: {  	v40 =	vadd.s32 $0xF00, v8;
	v14 =	vand.u32 $0xFF80, v39;
	[tilespmem:v10+s19+$0x0] =	vst.idx.msk vm0, v11  }
0x321: {  	v10 =	vor.u32 v7, v14;
	v11 =	vand.u32 $0x1F80, v40;
	v12 =	vld.idx.msk [tilespmem:v12+s31+$0x0], $0xffff  }
0x322: {  	v11 =	vor.u32 v13, v11;
	_ =	sdelay $0x2  }
0x323: {  	v41 =	vadd.s32 $0x1800, v9  }
0x324: {  	v42 =	vadd.s32 $0x1180, v8;
	[tilespmem:v10+s19+$0x0] =	vst.idx.msk vm0, v12;
	v10 =	vand.u32 $0xFF80, v41  }
0x325: {  	v43 =	vand.u32 $0x1780, v42;
	v11 =	vld.idx.msk [tilespmem:v11+s31+$0x0], $0xffff;
	v10 =	vor.u32 v7, v10  }
0x326: {  	v12 =	vor.u32 v13, v43;
	_ =	sdelay $0x2  }
0x327: {  	v44 =	vadd.s32 $0x1C00, v9  }
0x328: {  	[tilespmem:v10+s19+$0x0] =	vst.idx.msk vm0, v11;
	v10 =	vand.u32 $0xFF80, v44  }
0x329: {  	v11 =	vld.idx.msk [tilespmem:v12+s31+$0x0], $0xffff;
	v10 =	vor.u32 v7, v10  }
0x32a: {  	v45 =	vor.u32 $0x1400, v8;
	_ =	sdelay $0x2  }
0x32b: {  	v46 =	vadd.s32 $0x2000, v9  }
0x32c: {  	v47 =	vadd.s32 $0x1680, v8;
	v14 =	vand.u32 $0xFF80, v46;
	[tilespmem:v10+s19+$0x0] =	vst.idx.msk vm0, v11  }
0x32d: {  	v10 =	vand.u32 $0x1F80, v47;
	v11 =	vor.u32 v7, v14;
	v12 =	vld.idx.msk [tilespmem:v45+s31+$0x0], $0xffff  }
0x32e: {  	v10 =	vor.u32 v13, v10;
	_ =	sdelay $0x2  }
0x32f: {  	v48 =	vadd.s32 $0x2400, v9  }
0x330: {  	v49 =	vadd.s32 $0x1900, v8;
	[tilespmem:v11+s19+$0x0] =	vst.idx.msk vm0, v12;
	v11 =	vand.u32 $0xFF80, v48  }
0x331: {  	v50 =	vand.u32 $0x1F80, v49;
	v10 =	vld.idx.msk [tilespmem:v10+s31+$0x0], $0xffff;
	v11 =	vor.u32 v7, v11  }
0x332: {  	v12 =	vor.u32 v13, v50;
	_ =	sdelay $0x2  }
0x333: {  	v51 =	vadd.s32 $0x2800, v9  }
0x334: {  	v52 =	vadd.s32 $0x1B80, v8;
	[tilespmem:v11+s19+$0x0] =	vst.idx.msk vm0, v10;
	v10 =	vand.u32 $0xFF80, v51  }
0x335: {  	v53 =	vand.u32 $0x1F80, v52;
	v11 =	vld.idx.msk [tilespmem:v12+s31+$0x0], $0xffff;
	v10 =	vor.u32 v7, v10  }
0x336: {  	v12 =	vor.u32 v13, v53;
	_ =	sdelay $0x2  }
0x337: {  	v54 =	vadd.s32 $0x2C00, v9  }
0x338: {  	v55 =	vadd.s32 $0x1E00, v8;
	[tilespmem:v10+s19+$0x0] =	vst.idx.msk vm0, v11;
	v10 =	vand.u32 $0xFF80, v54  }
0x339: {  	v56 =	vand.u32 $0x3F80, v55;
	v11 =	vld.idx.msk [tilespmem:v12+s31+$0x0], $0xffff;
	v10 =	vor.u32 v7, v10  }
0x33a: {  	v12 =	vor.u32 v13, v56;
	_ =	sdelay $0x2  }
0x33b: {  	v57 =	vadd.s32 $0x3000, v9  }
0x33c: {  	v58 =	vadd.s32 $0x2080, v8;
	[tilespmem:v10+s19+$0x0] =	vst.idx.msk vm0, v11;
	v10 =	vand.u32 $0xFF80, v57  }
0x33d: {  	v59 =	vand.u32 $0x2780, v58;
	v11 =	vld.idx.msk [tilespmem:v12+s31+$0x0], $0xffff;
	v10 =	vor.u32 v7, v10  }
0x33e: {  	v12 =	vor.u32 v13, v59;
	_ =	sdelay $0x2  }
0x33f: {  	v60 =	vadd.s32 $0x3400, v9  }
0x340: {  	v61 =	vadd.s32 $0x2300, v8;
	[tilespmem:v10+s19+$0x0] =	vst.idx.msk vm0, v11;
	v10 =	vand.u32 $0xFF80, v60  }
0x341: {  	v62 =	vand.u32 $0x2780, v61;
	v11 =	vld.idx.msk [tilespmem:v12+s31+$0x0], $0xffff;
	v10 =	vor.u32 v7, v10  }
0x342: {  	v12 =	vor.u32 v13, v62;
	_ =	sdelay $0x2  }
0x343: {  	v63 =	vadd.s32 $0x3800, v9  }
0x344: {  	v8 =	vadd.s32 $0x2580, v8;
	[tilespmem:v10+s19+$0x0] =	vst.idx.msk vm0, v11;
	v10 =	vand.u32 $0xFF80, v63  }
0x345: {  	v8 =	vand.u32 $0x2F80, v8;
	v11 =	vld.idx.msk [tilespmem:v12+s31+$0x0], $0xffff;
	v10 =	vor.u32 v7, v10  }
0x346: {  	p0 =	sne.s32 s15, $0x1;
	v8 =	vor.u32 v13, v8  }
.Ltmp13:
0x347: {  	_ = 	snop;
	(pc) =	sbr.rel @!p0 .LBB2_19-.Ltmp13, $4  }
0x348: {  	_ = 	snop  }
0x349: {  	v9 =	vadd.s32 $0x3C00, v9  }
0x34a: {  	v9 =	vand.u32 $0xFF80, v9;
	[tilespmem:v10+s19+$0x0] =	vst.idx.msk vm0, v11  }
0x34b: {  	s15 =	sadd.s32 $0xFFFFFFFF, s15;
	v7 =	vor.u32 v7, v9;
	v8 =	vld.idx.msk [tilespmem:v8+s31+$0x0], $0xffff  }
.LBB2_18:
0x34c: {  	_ =	sdelay $0x3  }
0x34d: {  	p0 =	sne.s32 s15, $0x1;
	s20 =	sadd.s32 $0x10, s20;
	s5 =	sadd.s32 $0x10, s5;
	[tilespmem:v7+s19+$0x0] =	vst.idx.msk vm0, v8  }
0x34e: {  	s15 =	sadd.s32 $0xFFFFFFFF, s15;
	v7 =	vld [tilespmem:s20+$0x0];
	_ =	sdelay $0x4  }
0x34f: {  	v8 =	vshrl.u32 v7, $0xB;
	v9 =	vand.u32 $0x7FF, v7  }
0x350: {  	v8 =	vand.u32 $0x3FFF, v8;
	vm0 =	vgt.u32 v9, $0x3FF  }
0x351: {  	v10 =	vmin.u32 v8, $0x23F;
	v8 =	vsel vm0, $0x3C00, v0  }
0x352: {  	v9 =	vadd.s32 v9, v8;
	v8 =	vadd.s32 $0x280, v10;
	v11 =	vadd.s32 $0x500, v10  }
0x353: {  	v12 =	vand.u32 $0x7F80, v9;
	v13 =	vand.u32 $0x780, v8;
	v8 =	vadd.s32 $0x400, v9  }
0x354: {  	v11 =	vand.u32 $0xF80, v11;
	v14 =	vand.u32 $0xFF80, v8;
	v8 =	vadd.s32 $0x800, v9  }
0x355: {  	v15 =	vadd.s32 s5, v2;
	v16 =	vand.u32 $0xFF80, v8;
	v8 =	vadd.s32 $0x780, v10  }
0x356: {  	v7 =	vand.u32 $0x7F, v7;
	vm0 =	vlt.s32 v15, v6;
	v15 =	vld.idx.msk [tilespmem:v10+s31+$0x0], $0xffff;
	v17 =	vand.u32 $0xF80, v8  }
0x357: {  	v12 =	vor.u32 v7, v12;
	v14 =	vor.u32 v7, v14;
	v8 =	vand.u32 $0x7F, v10  }
0x358: {  	v16 =	vor.u32 v7, v16;
	v13 =	vor.u32 v8, v13;
	v11 =	vor.u32 v8, v11  }
0x359: {  	v19 =	vadd.s32 $0xA00, v10;
	v18 =	vadd.s32 $0xC00, v9;
	v17 =	vor.u32 v8, v17  }
0x35a: {  	v19 =	vand.u32 $0xF80, v19;
	v20 =	vadd.s32 $0x1000, v9;
	v18 =	vand.u32 $0xFF80, v18  }
0x35b: {  	v20 =	vand.u32 $0xFF80, v20;
	v18 =	vor.u32 v7, v18;
	v19 =	vor.u32 v8, v19  }
0x35c: {  	[tilespmem:v12+s19+$0x0] =	vst.idx.msk vm0, v15;
	v15 =	vor.u32 v7, v20;
	v12 =	vadd.s32 $0xC80, v10;
	v20 =	vadd.s32 $0x1400, v9  }
0x35d: {  	v21 =	vadd.s32 $0xF00, v10;
	v13 =	vld.idx.msk [tilespmem:v13+s31+$0x0], $0xffff;
	v12 =	vand.u32 $0x1F80, v12;
	v20 =	vand.u32 $0xFF80, v20  }
0x35e: {  	v22 =	vor.u32 v8, v12;
	v20 =	vor.u32 v7, v20;
	v12 =	vand.u32 $0x1F80, v21  }
0x35f: {  	v24 =	vadd.s32 $0x1180, v10;
	v23 =	vadd.s32 $0x1800, v9;
	v21 =	vor.u32 v8, v12  }
0x360: {  	v26 =	vadd.s32 $0x1680, v10;
	v25 =	vadd.s32 $0x1C00, v9;
	v12 =	vadd.s32 $0x2000, v9  }
0x361: {  	v26 =	vand.u32 $0x1F80, v26;
	v27 =	vadd.s32 $0x2400, v9;
	v12 =	vand.u32 $0xFF80, v12  }
0x362: {  	v26 =	vor.u32 v8, v26;
	v28 =	vor.u32 v7, v12;
	v12 =	vadd.s32 $0x1900, v10  }
0x363: {  	v12 =	vand.u32 $0x1F80, v12;
	[tilespmem:v14+s19+$0x0] =	vst.idx.msk vm0, v13;
	v13 =	vadd.s32 $0x2800, v9;
	v14 =	vadd.s32 $0x1B80, v10  }
0x364: {  	v32 =	vadd.s32 $0x1E00, v10;
	v31 =	vadd.s32 $0x2C00, v9;
	v30 =	vor.u32 v8, v12;
	v29 =	vld.idx.msk [tilespmem:v11+s31+$0x0], $0xffff  }
0x365: {  	v34 =	vadd.s32 $0x2080, v10;
	v33 =	vadd.s32 $0x3000, v9;
	v35 =	vadd.s32 $0x3400, v9  }
0x366: {  	v36 =	vadd.s32 $0x2300, v10;
	v12 =	vadd.s32 $0x3800, v9;
	v11 =	vadd.s32 $0x2580, v10  }
0x367: {  	v9 =	vadd.s32 $0x3C00, v9;
	_ =	sdelay $0x2  }
0x368: {  	[tilespmem:v16+s19+$0x0] =	vst.idx.msk vm0, v29  }
0x369: {  	v16 =	vld.idx.msk [tilespmem:v17+s31+$0x0], $0xffff;
	_ =	sdelay $0x5  }
0x36a: {  	[tilespmem:v18+s19+$0x0] =	vst.idx.msk vm0, v16  }
0x36b: {  	v16 =	vld.idx.msk [tilespmem:v19+s31+$0x0], $0xffff;
	_ =	sdelay $0x5  }
0x36c: {  	[tilespmem:v15+s19+$0x0] =	vst.idx.msk vm0, v16  }
0x36d: {  	v15 =	vld.idx.msk [tilespmem:v22+s31+$0x0], $0xffff;
	_ =	sdelay $0x5  }
0x36e: {  	[tilespmem:v20+s19+$0x0] =	vst.idx.msk vm0, v15  }
0x36f: {  	v16 =	vand.u32 $0xFF80, v23;
	v15 =	vld.idx.msk [tilespmem:v21+s31+$0x0], $0xffff  }
0x370: {  	v17 =	vand.u32 $0x1780, v24;
	v16 =	vor.u32 v7, v16  }
0x371: {  	v17 =	vor.u32 v8, v17;
	_ =	sdelay $0x3  }
0x372: {  	[tilespmem:v16+s19+$0x0] =	vst.idx.msk vm0, v15  }
0x373: {  	v16 =	vand.u32 $0xFF80, v25;
	v15 =	vld.idx.msk [tilespmem:v17+s31+$0x0], $0xffff  }
0x374: {  	v16 =	vor.u32 v7, v16  }
0x375: {  	v10 =	vor.u32 $0x1400, v10;
	_ =	sdelay $0x3  }
0x376: {  	[tilespmem:v16+s19+$0x0] =	vst.idx.msk vm0, v15  }
0x377: {  	v10 =	vld.idx.msk [tilespmem:v10+s31+$0x0], $0xffff;
	_ =	sdelay $0x5  }
0x378: {  	[tilespmem:v28+s19+$0x0] =	vst.idx.msk vm0, v10  }
0x379: {  	v15 =	vand.u32 $0xFF80, v27;
	v10 =	vld.idx.msk [tilespmem:v26+s31+$0x0], $0xffff  }
0x37a: {  	v15 =	vor.u32 v7, v15;
	_ =	sdelay $0x4  }
0x37b: {  	[tilespmem:v15+s19+$0x0] =	vst.idx.msk vm0, v10  }
0x37c: {  	v13 =	vand.u32 $0xFF80, v13;
	v10 =	vld.idx.msk [tilespmem:v30+s31+$0x0], $0xffff  }
0x37d: {  	v14 =	vand.u32 $0x1F80, v14;
	v13 =	vor.u32 v7, v13  }
0x37e: {  	v14 =	vor.u32 v8, v14;
	_ =	sdelay $0x3  }
0x37f: {  	[tilespmem:v13+s19+$0x0] =	vst.idx.msk vm0, v10  }
0x380: {  	v13 =	vand.u32 $0xFF80, v31;
	v10 =	vld.idx.msk [tilespmem:v14+s31+$0x0], $0xffff  }
0x381: {  	v13 =	vor.u32 v7, v13;
	v14 =	vand.u32 $0x3F80, v32  }
0x382: {  	v14 =	vor.u32 v8, v14;
	_ =	sdelay $0x3  }
0x383: {  	[tilespmem:v13+s19+$0x0] =	vst.idx.msk vm0, v10  }
0x384: {  	v13 =	vand.u32 $0xFF80, v33;
	v10 =	vld.idx.msk [tilespmem:v14+s31+$0x0], $0xffff  }
0x385: {  	v13 =	vor.u32 v7, v13;
	v14 =	vand.u32 $0x2780, v34  }
0x386: {  	v14 =	vor.u32 v8, v14;
	_ =	sdelay $0x3  }
0x387: {  	[tilespmem:v13+s19+$0x0] =	vst.idx.msk vm0, v10  }
0x388: {  	v13 =	vand.u32 $0xFF80, v35;
	v10 =	vld.idx.msk [tilespmem:v14+s31+$0x0], $0xffff  }
0x389: {  	v13 =	vor.u32 v7, v13;
	v14 =	vand.u32 $0x2780, v36  }
0x38a: {  	v14 =	vor.u32 v8, v14;
	_ =	sdelay $0x3  }
0x38b: {  	[tilespmem:v13+s19+$0x0] =	vst.idx.msk vm0, v10  }
0x38c: {  	v12 =	vand.u32 $0xFF80, v12;
	v10 =	vld.idx.msk [tilespmem:v14+s31+$0x0], $0xffff  }
0x38d: {  	v12 =	vor.u32 v7, v12;
	v11 =	vand.u32 $0x2F80, v11  }
0x38e: {  	v8 =	vor.u32 v8, v11;
	_ =	sdelay $0x1  }
.Ltmp14:
0x38f: {  	(pc) =	sbr.rel @p0 .LBB2_18-.Ltmp14, $4  }
0x390: {  	_ = 	snop  }
0x391: {  	[tilespmem:v12+s19+$0x0] =	vst.idx.msk vm0, v10  }
0x392: {  	v9 =	vand.u32 $0xFF80, v9;
	v8 =	vld.idx.msk [tilespmem:v8+s31+$0x0], $0xffff  }
0x393: {  	v7 =	vor.u32 v7, v9  }
.LBB2_19:
0x394: {  	_ =	sdelay $0x4  }
0x395: {  	[tilespmem:v7+s19+$0x0] =	vst.idx.msk vm0, v8  }
.LBB2_20:
0x396: {  	s24 =	simm.s32 $0x800  }
0x397: {  	s1 =	simm.s32 $0x0;
	s5 =	simm.s32 $0x1000;
	v16 =	vld [tilespmem:s24+$0x0]  }
0x398: {  	s15 =	sand.u32 $0x3F0, s1;
	v23 =	vld [tilespmem:s5+$0x0]  }
0x399: {  	v6 =	vld [tilespmem:s15+$0x4C00]  }
0x39a: {  	v7 =	vld [tilespmem:s15+$0x4800]  }
0x39b: {  	v8 =	vld [tilespmem:s15+$0x4400]  }
0x39c: {  	v9 =	vld [tilespmem:s15+$0x4000]  }
0x39d: {  	v10 =	vld [tilespmem:s15+$0x3C00]  }
0x39e: {  	v11 =	vld [tilespmem:s15+$0x3800]  }
0x39f: {  	v12 =	vld [tilespmem:s15+$0x3400]  }
0x3a0: {  	v13 =	vld [tilespmem:s15+$0x3000]  }
0x3a1: {  	v14 =	vld [tilespmem:s15+$0x2C00]  }
0x3a2: {  	v15 =	vld [tilespmem:s15+$0x2800]  }
0x3a3: {  	v17 =	vld [tilespmem:s15+$0x2400]  }
0x3a4: {  	v18 =	vld [tilespmem:s15+$0x2000]  }
0x3a5: {  	v19 =	vld [tilespmem:s15+$0x1C00]  }
0x3a6: {  	v20 =	vld [tilespmem:s15+$0x1800]  }
0x3a7: {  	v21 =	vld [tilespmem:s15+$0x1400];
	v22 =	vadd.s32 $0x3E8, v16  }
0x3a8: {  	v24 =	vld [tilespmem:s15+$0x5000]  }
0x3a9: {  	v27 =	vld [tilespmem:s15+$0x5400];
	v25 =	vadd.s32 $0x7D0, v16  }
0x3aa: {  	v26 =	vld.idx.msk [tilespmem:v16+s29+$0x0], $0xffff  }
0x3ab: {  	v29 =	vld [tilespmem:s15+$0x5800];
	v28 =	vadd.s32 $0xBB8, v16  }
0x3ac: {  	v22 =	vld.idx.msk [tilespmem:v22+s29+$0x0], $0xffff  }
0x3ad: {  	v41 =	vld [tilespmem:s15+$0x5C00];
	v30 =	vadd.s32 $0xFA0, v16;
	v23 =	vmul.f32 v24, v23  }
0x3ae: {  	v40 =	vld.idx.msk [tilespmem:v25+s29+$0x0], $0xffff  }
0x3af: {  	v43 =	vld [tilespmem:s15+$0x6000];
	v31 =	vadd.s32 $0x1388, v16;
	v21 =	vmul.f32 v27, v21;
	v23 =	vmul.f32 v26, v23  }
0x3b0: {  	v44 =	vadd.s32 $0x1770, v16;
	v42 =	vld.idx.msk [tilespmem:v28+s29+$0x0], $0xffff  }
0x3b1: {  	v46 =	vld [tilespmem:s15+$0x6400];
	v20 =	vmul.f32 v29, v20;
	v23 =	vadd.f32 $0.0e+00, v23;
	v21 =	vmul.f32 v22, v21  }
0x3b2: {  	v47 =	vadd.s32 $0x1B58, v16;
	v45 =	vld.idx.msk [tilespmem:v30+s29+$0x0], $0xffff  }
0x3b3: {  	v49 =	vld [tilespmem:s15+$0x6800];
	v19 =	vmul.f32 v41, v19;
	v20 =	vmul.f32 v40, v20;
	v21 =	vadd.f32 v21, v23  }
0x3b4: {  	v50 =	vadd.s32 $0x1F40, v16;
	v48 =	vld.idx.msk [tilespmem:v31+s29+$0x0], $0xffff  }
0x3b5: {  	v52 =	vld [tilespmem:s15+$0x6C00];
	v18 =	vmul.f32 v43, v18;
	v19 =	vmul.f32 v42, v19;
	v20 =	vadd.f32 v20, v21  }
0x3b6: {  	v53 =	vadd.s32 $0x2328, v16;
	v51 =	vld.idx.msk [tilespmem:v44+s29+$0x0], $0xffff  }
0x3b7: {  	v55 =	vld [tilespmem:s15+$0x7000];
	v17 =	vmul.f32 v46, v17;
	v18 =	vmul.f32 v45, v18;
	v19 =	vadd.f32 v19, v20  }
0x3b8: {  	v56 =	vadd.s32 $0x2710, v16;
	v54 =	vld.idx.msk [tilespmem:v47+s29+$0x0], $0xffff  }
0x3b9: {  	v57 =	vld [tilespmem:s15+$0x7400];
	v15 =	vmul.f32 v49, v15;
	v17 =	vmul.f32 v48, v17;
	v18 =	vadd.f32 v18, v19  }
0x3ba: {  	v58 =	vadd.s32 $0x2AF8, v16;
	v19 =	vld.idx.msk [tilespmem:v50+s29+$0x0], $0xffff  }
0x3bb: {  	v59 =	vld [tilespmem:s15+$0x7800];
	v14 =	vmul.f32 v52, v14;
	v15 =	vmul.f32 v51, v15;
	v17 =	vadd.f32 v17, v18  }
0x3bc: {  	v60 =	vadd.s32 $0x2EE0, v16;
	v18 =	vld.idx.msk [tilespmem:v53+s29+$0x0], $0xffff  }
0x3bd: {  	v61 =	vld [tilespmem:s15+$0x7C00];
	v13 =	vmul.f32 v55, v13;
	v14 =	vmul.f32 v54, v14;
	v15 =	vadd.f32 v15, v17  }
0x3be: {  	v62 =	vadd.s32 $0x32C8, v16;
	v17 =	vld.idx.msk [tilespmem:v56+s29+$0x0], $0xffff  }
0x3bf: {  	v12 =	vmul.f32 v57, v12;
	v13 =	vmul.f32 v19, v13;
	v19 =	vld [tilespmem:s15+$0x8000];
	v14 =	vadd.f32 v14, v15  }
0x3c0: {  	v63 =	vadd.s32 $0x36B0, v16;
	v15 =	vld.idx.msk [tilespmem:v58+s29+$0x0], $0xffff  }
0x3c1: {  	v11 =	vmul.f32 v59, v11;
	v12 =	vmul.f32 v18, v12;
	v18 =	vld [tilespmem:s15+$0x8400];
	v13 =	vadd.f32 v13, v14  }
0x3c2: {  	v10 =	vmul.f32 v61, v10;
	v14 =	vld.idx.msk [tilespmem:v60+s29+$0x0], $0xffff  }
0x3c3: {  	v16 =	vadd.s32 $0x3A98, v16;
	v11 =	vmul.f32 v17, v11;
	v17 =	vld [tilespmem:s15+$0x8800];
	v12 =	vadd.f32 v12, v13  }
0x3c4: {  	v13 =	vld.idx.msk [tilespmem:v62+s29+$0x0], $0xffff  }
0x3c5: {  	v9 =	vmul.f32 v19, v9;
	v10 =	vmul.f32 v15, v10;
	v15 =	vld [tilespmem:s15+$0x8C00];
	v11 =	vadd.f32 v11, v12  }
0x3c6: {  	v12 =	vld.idx.msk [tilespmem:v63+s29+$0x0], $0xffff  }
0x3c7: {  	v8 =	vmul.f32 v18, v8;
	v9 =	vmul.f32 v14, v9;
	v10 =	vadd.f32 v10, v11  }
0x3c8: {  	v11 =	vld.idx.msk [tilespmem:v16+s29+$0x0], $0xffff  }
0x3c9: {  	v7 =	vmul.f32 v17, v7;
	v8 =	vmul.f32 v13, v8;
	v9 =	vadd.f32 v9, v10;
	_ =	sdelay $0x1  }
0x3ca: {  	v6 =	vmul.f32 v15, v6;
	v7 =	vmul.f32 v12, v7;
	v8 =	vadd.f32 v8, v9;
	_ =	sdelay $0x1  }
0x3cb: {  	v6 =	vmul.f32 v11, v6;
	v7 =	vadd.f32 v7, v8;
	_ =	sdelay $0x1  }
0x3cc: {  	v6 =	vadd.f32 v6, v7  }
0x3cd: {  	s20 =	simm.s32 $0xC00;
	s28 =	simm.s32 $0x10  }
0x3ce: {  	s15 =	sand.u32 $0x3F0, s28;
	[tilespmem:s20+$0x0] =	vst v6  }
0x3cf: {  	v6 =	vld [tilespmem:s15+$0x4C00]  }
0x3d0: {  	v7 =	vld [tilespmem:s15+$0x4800]  }
0x3d1: {  	v8 =	vld [tilespmem:s15+$0x4400]  }
0x3d2: {  	v9 =	vld [tilespmem:s15+$0x4000]  }
0x3d3: {  	v10 =	vld [tilespmem:s15+$0x3C00]  }
0x3d4: {  	v11 =	vld [tilespmem:s15+$0x3800]  }
0x3d5: {  	v13 =	vld [tilespmem:s15+$0x3400]  }
0x3d6: {  	v14 =	vld [tilespmem:s15+$0x3000]  }
0x3d7: {  	v15 =	vld [tilespmem:s15+$0x2C00]  }
0x3d8: {  	s22 =	simm.s32 $0x810;
	v16 =	vld [tilespmem:s15+$0x2800]  }
0x3d9: {  	s23 =	simm.s32 $0x20;
	v12 =	vld [tilespmem:s22+$0x0]  }
.LBB2_21:
0x3da: {  	p0 =	sne.s32 s23, $0x3F0;
	v17 =	vld [tilespmem:s15+$0x2400]  }
0x3db: {  	v18 =	vld [tilespmem:s15+$0x2000]  }
0x3dc: {  	v19 =	vld [tilespmem:s15+$0x1C00]  }
0x3dd: {  	v20 =	vld [tilespmem:s15+$0x1800]  }
0x3de: {  	s5 =	sadd.s32 $0x10, s5;
	v21 =	vld [tilespmem:s15+$0x1400];
	v22 =	vadd.s32 $0x3E8, v12  }
0x3df: {  	v23 =	vld [tilespmem:s5+$0x0]  }
0x3e0: {  	v25 =	vadd.s32 $0x7D0, v12;
	v24 =	vld [tilespmem:s15+$0x5000]  }
0x3e1: {  	v26 =	vld.idx.msk [tilespmem:v12+s29+$0x0], $0xffff  }
0x3e2: {  	v28 =	vadd.s32 $0xBB8, v12;
	v27 =	vld [tilespmem:s15+$0x5400]  }
0x3e3: {  	v22 =	vld.idx.msk [tilespmem:v22+s29+$0x0], $0xffff  }
0x3e4: {  	v30 =	vadd.s32 $0xFA0, v12;
	v29 =	vld [tilespmem:s15+$0x5800]  }
0x3e5: {  	v23 =	vmul.f32 v24, v23;
	v24 =	vld.idx.msk [tilespmem:v25+s29+$0x0], $0xffff  }
0x3e6: {  	v31 =	vadd.s32 $0x1388, v12;
	v25 =	vld [tilespmem:s15+$0x5C00]  }
0x3e7: {  	v23 =	vmul.f32 v26, v23;
	v21 =	vmul.f32 v27, v21;
	v26 =	vld.idx.msk [tilespmem:v28+s29+$0x0], $0xffff  }
0x3e8: {  	v28 =	vadd.s32 $0x1770, v12;
	v27 =	vld [tilespmem:s15+$0x6000]  }
0x3e9: {  	v23 =	vadd.f32 $0.0e+00, v23;
	v21 =	vmul.f32 v22, v21;
	v20 =	vmul.f32 v29, v20;
	v22 =	vld.idx.msk [tilespmem:v30+s29+$0x0], $0xffff  }
0x3ea: {  	v30 =	vadd.s32 $0x1B58, v12;
	v29 =	vld [tilespmem:s15+$0x6400]  }
0x3eb: {  	v21 =	vadd.f32 v21, v23;
	v20 =	vmul.f32 v24, v20;
	v19 =	vmul.f32 v25, v19;
	v23 =	vld.idx.msk [tilespmem:v31+s29+$0x0], $0xffff  }
0x3ec: {  	v25 =	vadd.s32 $0x1F40, v12;
	v24 =	vld [tilespmem:s15+$0x6800]  }
0x3ed: {  	v20 =	vadd.f32 v20, v21;
	v19 =	vmul.f32 v26, v19;
	v18 =	vmul.f32 v27, v18;
	v21 =	vld.idx.msk [tilespmem:v28+s29+$0x0], $0xffff  }
0x3ee: {  	v27 =	vadd.s32 $0x2328, v12;
	v26 =	vld [tilespmem:s15+$0x6C00]  }
0x3ef: {  	v19 =	vadd.f32 v19, v20;
	v18 =	vmul.f32 v22, v18;
	v17 =	vmul.f32 v29, v17;
	v20 =	vld.idx.msk [tilespmem:v30+s29+$0x0], $0xffff  }
0x3f0: {  	v28 =	vadd.s32 $0x2710, v12;
	v22 =	vld [tilespmem:s15+$0x7000]  }
0x3f1: {  	v18 =	vadd.f32 v18, v19;
	v17 =	vmul.f32 v23, v17;
	v16 =	vmul.f32 v24, v16;
	v19 =	vld.idx.msk [tilespmem:v25+s29+$0x0], $0xffff  }
0x3f2: {  	v24 =	vadd.s32 $0x2AF8, v12;
	v23 =	vld [tilespmem:s15+$0x7400]  }
0x3f3: {  	v17 =	vadd.f32 v17, v18;
	v16 =	vmul.f32 v21, v16;
	v15 =	vmul.f32 v26, v15;
	v18 =	vld.idx.msk [tilespmem:v27+s29+$0x0], $0xffff  }
0x3f4: {  	v25 =	vadd.s32 $0x2EE0, v12;
	v21 =	vld [tilespmem:s15+$0x7800]  }
0x3f5: {  	v16 =	vadd.f32 v16, v17;
	v15 =	vmul.f32 v20, v15;
	v14 =	vmul.f32 v22, v14;
	v17 =	vld.idx.msk [tilespmem:v28+s29+$0x0], $0xffff  }
0x3f6: {  	v22 =	vadd.s32 $0x32C8, v12;
	v20 =	vld [tilespmem:s15+$0x7C00]  }
0x3f7: {  	v15 =	vadd.f32 v15, v16;
	v14 =	vmul.f32 v19, v14;
	v13 =	vmul.f32 v23, v13;
	v16 =	vld.idx.msk [tilespmem:v24+s29+$0x0], $0xffff  }
0x3f8: {  	v23 =	vadd.s32 $0x36B0, v12;
	v19 =	vld [tilespmem:s15+$0x8000]  }
0x3f9: {  	v14 =	vadd.f32 v14, v15;
	v13 =	vmul.f32 v18, v13;
	v11 =	vmul.f32 v21, v11;
	v15 =	vld.idx.msk [tilespmem:v25+s29+$0x0], $0xffff  }
0x3fa: {  	v12 =	vadd.s32 $0x3A98, v12;
	v18 =	vld [tilespmem:s15+$0x8400]  }
0x3fb: {  	v13 =	vadd.f32 v13, v14;
	v11 =	vmul.f32 v17, v11;
	v10 =	vmul.f32 v20, v10;
	v14 =	vld.idx.msk [tilespmem:v22+s29+$0x0], $0xffff  }
0x3fc: {  	v17 =	vld [tilespmem:s15+$0x8800]  }
0x3fd: {  	v11 =	vadd.f32 v11, v13;
	v10 =	vmul.f32 v16, v10;
	v9 =	vmul.f32 v19, v9;
	v13 =	vld.idx.msk [tilespmem:v23+s29+$0x0], $0xffff  }
0x3fe: {  	v16 =	vld [tilespmem:s15+$0x8C00]  }
0x3ff: {  	v10 =	vadd.f32 v10, v11;
	v9 =	vmul.f32 v15, v9;
	v8 =	vmul.f32 v18, v8;
	v11 =	vld.idx.msk [tilespmem:v12+s29+$0x0], $0xffff;
	_ =	sdelay $0x1  }
0x400: {  	v9 =	vadd.f32 v9, v10;
	v8 =	vmul.f32 v14, v8;
	v7 =	vmul.f32 v17, v7;
	_ =	sdelay $0x1  }
0x401: {  	v8 =	vadd.f32 v8, v9;
	v7 =	vmul.f32 v13, v7;
	v6 =	vmul.f32 v16, v6;
	_ =	sdelay $0x1  }
0x402: {  	v7 =	vadd.f32 v7, v8;
	v6 =	vmul.f32 v11, v6;
	_ =	sdelay $0x1  }
0x403: {  	v6 =	vadd.f32 v6, v7  }
0x404: {  	s20 =	sadd.s32 $0x10, s20  }
0x405: {  	s15 =	sand.u32 $0x3F0, s23;
	[tilespmem:s20+$0x0] =	vst v6  }
0x406: {  	v6 =	vld [tilespmem:s15+$0x4C00]  }
0x407: {  	v7 =	vld [tilespmem:s15+$0x4800]  }
0x408: {  	v8 =	vld [tilespmem:s15+$0x4400]  }
0x409: {  	v9 =	vld [tilespmem:s15+$0x4000]  }
0x40a: {  	v10 =	vld [tilespmem:s15+$0x3C00]  }
0x40b: {  	v11 =	vld [tilespmem:s15+$0x3800]  }
.Ltmp15:
0x40c: {  	v13 =	vld [tilespmem:s15+$0x3400];
	(pc) =	sbr.rel @p0 .LBB2_21-.Ltmp15, $4  }
0x40d: {  	v14 =	vld [tilespmem:s15+$0x3000]  }
0x40e: {  	v15 =	vld [tilespmem:s15+$0x2C00]  }
0x40f: {  	s22 =	sadd.s32 $0x10, s22;
	v16 =	vld [tilespmem:s15+$0x2800]  }
0x410: {  	s23 =	sadd.s32 $0x10, s23;
	v12 =	vld [tilespmem:s22+$0x0]  }
0x411: {  	v17 =	vld [tilespmem:s15+$0x2400]  }
0x412: {  	v18 =	vld [tilespmem:s15+$0x2000]  }
0x413: {  	v19 =	vld [tilespmem:s15+$0x1C00]  }
0x414: {  	v20 =	vld [tilespmem:s15+$0x1800]  }
0x415: {  	v21 =	vld [tilespmem:s15+$0x1400]  }
0x416: {  	s1 =	sadd.s32 $0x10, s5;
	v24 =	vld [tilespmem:s15+$0x5000];
	v22 =	vadd.s32 $0x3E8, v12  }
0x417: {  	v23 =	vld [tilespmem:s1+$0x0]  }
0x418: {  	v27 =	vld [tilespmem:s15+$0x5400];
	v25 =	vadd.s32 $0x7D0, v12  }
0x419: {  	v26 =	vld.idx.msk [tilespmem:v12+s29+$0x0], $0xffff  }
0x41a: {  	v29 =	vld [tilespmem:s15+$0x5800];
	v28 =	vadd.s32 $0xBB8, v12  }
0x41b: {  	v22 =	vld.idx.msk [tilespmem:v22+s29+$0x0], $0xffff  }
0x41c: {  	v59 =	vld [tilespmem:s15+$0x5C00];
	v30 =	vadd.s32 $0xFA0, v12;
	v23 =	vmul.f32 v24, v23  }
0x41d: {  	v58 =	vld.idx.msk [tilespmem:v25+s29+$0x0], $0xffff  }
0x41e: {  	v61 =	vld [tilespmem:s15+$0x6000];
	v31 =	vadd.s32 $0x1388, v12;
	v21 =	vmul.f32 v27, v21;
	v23 =	vmul.f32 v26, v23  }
0x41f: {  	v62 =	vadd.s32 $0x1770, v12;
	v60 =	vld.idx.msk [tilespmem:v28+s29+$0x0], $0xffff  }
0x420: {  	v33 =	vld [tilespmem:s15+$0x6400];
	v20 =	vmul.f32 v29, v20;
	v23 =	vadd.f32 $0.0e+00, v23;
	v21 =	vmul.f32 v22, v21  }
0x421: {  	v34 =	vadd.s32 $0x1B58, v12;
	v63 =	vld.idx.msk [tilespmem:v30+s29+$0x0], $0xffff  }
0x422: {  	v36 =	vld [tilespmem:s15+$0x6800];
	v19 =	vmul.f32 v59, v19;
	v20 =	vmul.f32 v58, v20;
	v21 =	vadd.f32 v21, v23  }
0x423: {  	v37 =	vadd.s32 $0x1F40, v12;
	v35 =	vld.idx.msk [tilespmem:v31+s29+$0x0], $0xffff  }
0x424: {  	v39 =	vld [tilespmem:s15+$0x6C00];
	v18 =	vmul.f32 v61, v18;
	v19 =	vmul.f32 v60, v19;
	v20 =	vadd.f32 v20, v21  }
0x425: {  	v40 =	vadd.s32 $0x2328, v12;
	v38 =	vld.idx.msk [tilespmem:v62+s29+$0x0], $0xffff  }
0x426: {  	v42 =	vld [tilespmem:s15+$0x7000];
	v17 =	vmul.f32 v33, v17;
	v18 =	vmul.f32 v63, v18;
	v19 =	vadd.f32 v19, v20  }
0x427: {  	v43 =	vadd.s32 $0x2710, v12;
	v41 =	vld.idx.msk [tilespmem:v34+s29+$0x0], $0xffff  }
0x428: {  	v45 =	vld [tilespmem:s15+$0x7400];
	v16 =	vmul.f32 v36, v16;
	v17 =	vmul.f32 v35, v17;
	v18 =	vadd.f32 v18, v19  }
0x429: {  	v46 =	vadd.s32 $0x2AF8, v12;
	v44 =	vld.idx.msk [tilespmem:v37+s29+$0x0], $0xffff  }
0x42a: {  	v48 =	vld [tilespmem:s15+$0x7800];
	v15 =	vmul.f32 v39, v15;
	v16 =	vmul.f32 v38, v16;
	v17 =	vadd.f32 v17, v18  }
0x42b: {  	v49 =	vadd.s32 $0x2EE0, v12;
	v47 =	vld.idx.msk [tilespmem:v40+s29+$0x0], $0xffff  }
0x42c: {  	v51 =	vld [tilespmem:s15+$0x7C00];
	v14 =	vmul.f32 v42, v14;
	v15 =	vmul.f32 v41, v15;
	v16 =	vadd.f32 v16, v17  }
0x42d: {  	v52 =	vadd.s32 $0x32C8, v12;
	v50 =	vld.idx.msk [tilespmem:v43+s29+$0x0], $0xffff  }
0x42e: {  	v54 =	vld [tilespmem:s15+$0x8000];
	v13 =	vmul.f32 v45, v13;
	v14 =	vmul.f32 v44, v14;
	v15 =	vadd.f32 v15, v16  }
0x42f: {  	v55 =	vadd.s32 $0x36B0, v12;
	v53 =	vld.idx.msk [tilespmem:v46+s29+$0x0], $0xffff  }
0x430: {  	v57 =	vld [tilespmem:s15+$0x8400];
	v11 =	vmul.f32 v48, v11;
	v13 =	vmul.f32 v47, v13;
	v14 =	vadd.f32 v14, v15  }
0x431: {  	v10 =	vmul.f32 v51, v10;
	v56 =	vld.idx.msk [tilespmem:v49+s29+$0x0], $0xffff  }
0x432: {  	v59 =	vld.idx.msk [tilespmem:v52+s29+$0x0], $0xffff;
	v58 =	vadd.s32 $0x3A98, v12;
	v11 =	vmul.f32 v50, v11;
	v13 =	vadd.f32 v13, v14  }
0x433: {  	v60 =	vld [tilespmem:s15+$0x8800]  }
0x434: {  	v9 =	vmul.f32 v54, v9;
	v61 =	vld.idx.msk [tilespmem:v55+s29+$0x0], $0xffff;
	v10 =	vmul.f32 v53, v10;
	v11 =	vadd.f32 v11, v13  }
0x435: {  	v62 =	vld [tilespmem:s15+$0x8C00]  }
0x436: {  	v8 =	vmul.f32 v57, v8;
	v9 =	vmul.f32 v56, v9;
	v10 =	vadd.f32 v10, v11  }
0x437: {  	v63 =	vld.idx.msk [tilespmem:v58+s29+$0x0], $0xffff  }
0x438: {  	v8 =	vmul.f32 v59, v8;
	v7 =	vmul.f32 v60, v7;
	v9 =	vadd.f32 v9, v10;
	_ =	sdelay $0x1  }
0x439: {  	v6 =	vmul.f32 v62, v6;
	v7 =	vmul.f32 v61, v7;
	v8 =	vadd.f32 v8, v9;
	_ =	sdelay $0x1  }
0x43a: {  	v6 =	vmul.f32 v63, v6;
	v7 =	vadd.f32 v7, v8;
	_ =	sdelay $0x1  }
0x43b: {  	s15 =	sld [smem:$0x7F4];
	v6 =	vadd.f32 v6, v7  }
0x43c: {  	s5 =	sadd.s32 $0x10, s20  }
0x43d: {  	s20 =	simm.s32 $0x0;
	s22 =	simm.s32 $0xC00;
	s23 =	simm.s32 $0x5;
	[tilespmem:s5+$0x0] =	vst v6  }
0x43e: {  	[hbm4b:s15+s20] =	stream.linear.scatter [tilespmem:s22], [sflag:$0x5], $0x400, $0x38;
	[tilespmem:$0x18380] =	vst v63  }
0x43f: {  	_ =	swait.ge [sflag:s23], $0x400  }
0x440: {  	s24 =	sld [smem:$0x7EA]  }
0x441: {  	s28 =	sld [smem:$0x7F5];
	_ =	sdelay $0x1  }
0x442: {  	s15 =	sadd.s32 $0x1, s24  }
0x443: {  	p0 =	sne.s32 s15, s28  }
.Ltmp16:
0x444: {  	_ = 	snop;
	(pc) =	sbr.rel @p0 .LBB2_1-.Ltmp16, $3  }
0x445: {  	_ =	sdelay $0x1  }
0x446: {  	[sflag:s23] =	ssyncset.done $0x0  }
0x447: {  	[sflag:s23] =	ssyncadd.s32 $0xFFFFFC00  }
0x448: {  	_ =	sfence.sel $0x180000  }
0x449: {  	[bflag:$0x0] =	sbarrier.arrive $0xFFFF  }
0x44a: {  	_ =	strace $0x90000047  }
0x44b: {  	s0 =	stileid.u32;
	[bflag:$0x2] =	sbarrier.arrive $0xFFFF  }
0x44c: {  	p0 =	sne.s32 s0, $0x0;
	s0 =	rddreg [dreg:$0x8]  }
0x44d: {  	s0 =	sadd.s32 @!p0 $0x100000, s0  }
0x44e: {  	[sflag:s0] =	ssyncadd.tile.s32 @!p0 $0x1;
	_ =	shalt  }
.Lfunc_end2:
_tile_overlayer_lowered:
.L_overlay_start_2:
0x44f: {  	(tag) =	ssettag $0x2  }
0x450: {  	s0 =	rddreg [dreg:$0x0];
	s2 =	stileid.u32  }
0x451: {  	s1 =	rddreg [dreg:$0x1];
	p0 =	sne.s32 s2, $0x0  }
0x452: {  	s3 =	rddreg [dreg:$0x2];
	[bflag:$0x3] =	sbarrier.arrive $0xFFFF;
	s2 =	simm.s32 @!p0 $0x1C05  }
0x453: {  	[timem:s3], [sflag:s2] =	dma.local @!p0 [hbm:s0], s1  }
0x454: {  	s0 =	simm.s32 @!p0 $0x5  }
0x455: {  	_ =	swait.ge @!p0 [sflag:s0], s1  }
0x456: {  	s1 =	ssub.s32 @!p0 $0x0, s1;
	[sflag:s0] =	ssyncset.done @!p0 $0x0  }
0x457: {  	[sflag:s0] =	ssyncadd.s32 @!p0 s1  }
0x458: {  	[bflag:$0x3] =	sbarrier.arrive $0xFFFF  }
0x459: {  	_ =	shalt  }

// kernel: kernel.7.cloned.1.call-start
scs
__scs_entry_jumppad:
0x0: {  	(pc) =	sbr.rel $0x88, $3  }
0x1: {  	(tag) =	ssettag $0x0;
	lr =	simm.s32 $0x1  }
0x2: {  	[smem:$0x3F99] =	sst lr;
	_ =	strace $0xD0000000  }
0x3: {  	_ = 	snop  }
0x4: {  	_ = 	snop  }
0x5: {  	_ = 	snop  }
0x6: {  	_ = 	snop  }
0x7: {  	_ = 	snop  }
__scs_overlays_trampoline_lowered:
0x8: {  	[smem:$0x3FA8] =	sst s0  }
0x9: {  	[smem:$0x3FA9] =	sst s1  }
0xa: {  	[smem:$0x3FAA] =	sst s2  }
0xb: {  	[smem:$0x3FAB] =	sst s3  }
0xc: {  	[smem:$0x3FAC] =	sst s4  }
0xd: {  	[smem:$0x3FAD] =	sst s5  }
0xe: {  	[smem:$0x3FAE] =	sst s6  }
0xf: {  	[smem:$0x3FAF] =	sst s7  }
0x10: {  	[smem:$0x3FB0] =	sst s8  }
0x11: {  	[smem:$0x3FB1] =	sst s9;
	s0 =	simm.s32 @!p0 $0x0  }
0x12: {  	s1 =	sld [smem:$0x3F97];
	s0 =	simm.s32 @p0 $0x1  }
0x13: {  	[smem:$0x3FB2] =	sst s0;
	s0 =	simm.s32 @!p1 $0x0  }
0x14: {  	s2 =	sld [smem:$0x3F96];
	s0 =	simm.s32 @p1 $0x1  }
0x15: {  	[smem:$0x3FB3] =	sst s0;
	s0 =	simm.s32 @!p2 $0x0  }
0x16: {  	s3 =	sld [smem:$0x3FDB];
	s0 =	simm.s32 @p2 $0x1  }
0x17: {  	s4 =	simm.s32 $0x1BF5;
	[smem:$0x3FB5] =	sst s0  }
0x18: {  	s0 =	sld [smem:$0x3F98];
	_ =	swait.ge [sflag:s4], $0x0  }
0x19: {  	s7 =	sld [smem:$0x3F99]  }
0x1a: {  	s8 =	sadd.s32 $0xFFFFE003, lr  }
0x1b: {  	s9 =	sadd.s32 $0xFFFFFEF7, lr;
	s5 =	simm.s32 $0xFFFFFFFF;
	p2 =	slt.u32 s8, $0xFFFFF086  }
0x1c: {  	p1 =	slt.u32 s9, $0xF7A;
	s5 =	simm.s32 @!p2 $0x0  }
0x1d: {  	s5 =	simm.s32 @p1 $0x1;
	p0 =	seq.s32 s7, s2  }
0x1e: {  	s7 =	smul.u32 @!p0 $0xF7A, s2;
	p2 =	seq.s32 @!p0 s5, $0x0  }
0x1f: {  	s9 =	smul.u32 $0xF7A, s1;
	s8 =	simm.s32 @!p0 $0x1BF5;
	p2 =	por !p2, p0  }
0x20: {  	[sflag:s8] =	ssyncset.s32 @!p0 $0xFFFFF086;
	s6 =	sadd.s32 @!p0 s3, s7;
	s7 =	simm.s32 @!p0 $0x108  }
0x21: {  	s3 =	sadd.s32 s3, s9;
	s6 =	sadd.s32 @!p0 $0x88, s6;
	s7 =	simm.s32 @p2 $0x1082  }
0x22: {  	[simem:s7], [sflag:s8] =	dma.local @!p0 [hbm:s6], $0xF7A  }
0x23: {  	s9 =	sor.u32 $0xD0000000, s2;
	s6 =	simm.s32 $0x108;
	_ =	swait.ge @!p0 [sflag:s8], $0x0  }
0x24: {  	s3 =	sadd.s32 $0x88, s3;
	s6 =	simm.s32 @!p1 $0x1082;
	[sflag:s4] =	ssyncset.s32 $0xFFFFF086  }
0x25: {  	[simem:s6], [sflag:s4] =	dma.local [hbm:s3], $0xF7A  }
0x26: {  	[smem:$0x3F99] =	sst s1;
	(tag) =	ssettag s2;
	_ =	strace s9  }
0x27: {  	s1 =	sld [smem:$0x3FA9]  }
0x28: {  	s2 =	sld [smem:$0x3FAA]  }
0x29: {  	s4 =	sld [smem:$0x3FAC]  }
0x2a: {  	p0 =	seq.s32 s5, $0x0;
	s5 =	sld [smem:$0x3FAD]  }
0x2b: {  	s6 =	sld [smem:$0x3FAE]  }
0x2c: {  	s7 =	sld [smem:$0x3FAF]  }
0x2d: {  	s3 =	simm.s32 $0x108;
	s8 =	sld [smem:$0x3FB0]  }
0x2e: {  	s3 =	simm.s32 @!p0 $0x1082;
	s9 =	sld [smem:$0x3FB1]  }
0x2f: {  	lr =	sadd.s32 s0, s3;
	s0 =	sld [smem:$0x3FA8]  }
0x30: {  	s3 =	sld [smem:$0x3FAB]  }
0x31: {  	[smem:$0x3FB4] =	sst s10  }
0x32: {  	s10 =	sld [smem:$0x3FB2];
	_ =	sdelay $0x3  }
0x33: {  	p0 =	seq.s32 s10, $0x1;
	s10 =	sld [smem:$0x3FB4];
	_ =	sdelay $0x3  }
0x34: {  	[smem:$0x3FB4] =	sst s10  }
0x35: {  	s10 =	sld [smem:$0x3FB3];
	_ =	sdelay $0x3  }
0x36: {  	p1 =	seq.s32 s10, $0x1;
	s10 =	sld [smem:$0x3FB4];
	_ =	sdelay $0x3  }
0x37: {  	[smem:$0x3FB4] =	sst s10  }
0x38: {  	s10 =	sld [smem:$0x3FB5]  }
0x39: {  	_ = 	snop;
	(pc) =	sbr.ind lr, $3  }
0x3a: {  	_ = 	snop  }
0x3b: {  	_ = 	snop  }
0x3c: {  	p2 =	seq.s32 s10, $0x1;
	s10 =	sld [smem:$0x3FB4]  }
0x3d: {  	_ =	shalt  }
0x3e: {  	_ =	shalt  }
0x3f: {  	_ =	shalt  }
0x40: {  	_ =	shalt  }
0x41: {  	_ =	shalt  }
0x42: {  	_ =	shalt  }
0x43: {  	_ =	shalt  }
0x44: {  	_ =	shalt  }
0x45: {  	_ =	shalt  }
0x46: {  	_ =	shalt  }
0x47: {  	_ =	shalt  }
0x48: {  	_ =	shalt  }
0x49: {  	_ =	shalt  }
0x4a: {  	_ =	shalt  }
0x4b: {  	_ =	shalt  }
0x4c: {  	_ =	shalt  }
0x4d: {  	_ =	shalt  }
0x4e: {  	_ =	shalt  }
0x4f: {  	_ =	shalt  }
0x50: {  	_ =	shalt  }
0x51: {  	_ =	shalt  }
0x52: {  	_ =	shalt  }
0x53: {  	_ =	shalt  }
0x54: {  	_ =	shalt  }
0x55: {  	_ =	shalt  }
0x56: {  	_ =	shalt  }
0x57: {  	_ =	shalt  }
0x58: {  	_ =	shalt  }
0x59: {  	_ =	shalt  }
0x5a: {  	_ =	shalt  }
0x5b: {  	_ =	shalt  }
0x5c: {  	_ =	shalt  }
0x5d: {  	_ =	shalt  }
0x5e: {  	_ =	shalt  }
0x5f: {  	_ =	shalt  }
0x60: {  	_ =	shalt  }
0x61: {  	_ =	shalt  }
0x62: {  	_ =	shalt  }
0x63: {  	_ =	shalt  }
0x64: {  	_ =	shalt  }
0x65: {  	_ =	shalt  }
0x66: {  	_ =	shalt  }
0x67: {  	_ =	shalt  }
0x68: {  	_ =	shalt  }
0x69: {  	_ =	shalt  }
0x6a: {  	_ =	shalt  }
0x6b: {  	_ =	shalt  }
0x6c: {  	_ =	shalt  }
0x6d: {  	_ =	shalt  }
0x6e: {  	_ =	shalt  }
0x6f: {  	_ =	shalt  }
0x70: {  	_ =	shalt  }
0x71: {  	_ =	shalt  }
0x72: {  	_ =	shalt  }
0x73: {  	_ =	shalt  }
0x74: {  	_ =	shalt  }
0x75: {  	_ =	shalt  }
0x76: {  	_ =	shalt  }
0x77: {  	_ =	shalt  }
0x78: {  	_ =	shalt  }
0x79: {  	_ =	shalt  }
0x7a: {  	_ =	shalt  }
0x7b: {  	_ =	shalt  }
0x7c: {  	_ =	shalt  }
0x7d: {  	_ =	shalt  }
0x7e: {  	_ =	shalt  }
0x7f: {  	_ =	shalt  }
0x80: {  	_ =	shalt  }
0x81: {  	_ =	shalt  }
0x82: {  	_ =	shalt  }
0x83: {  	_ =	shalt  }
0x84: {  	_ =	shalt  }
0x85: {  	_ =	shalt  }
0x86: {  	_ =	shalt  }
0x87: {  	_ =	shalt  }
.Lfunc_end0:
.L_simem_size_0:
called_computation.1_lowered:
.L_overlay_start_0:
0x88: {  	s2 =	sld [smem:$0x3FD9]  }
0x89: {  	s3 =	sld [smem:$0x3FFE];
	_ =	sdelay $0x1  }
0x8a: {  	s1 =	srdreg.scid  }
0x8b: {  	s0 =	sand.u32 $0x1, s1  }
0x8c: {  	s14 =	sshll.u32 s0, $0xA;
	s2 =	sadd.s32 s3, s2  }
0x8d: {  	s2 =	sadd.s32 s2, s14  }
0x8e: {  	[smem:$0x3FC0] =	sst s2  }
0x8f: {  	_ = 	snop  }
0x90: {  	s2 =	sld [smem:$0x3FD0];
	_ =	sdelay $0x2  }
0x91: {  	s4 =	simm.s32 $0xA;
	s5 =	simm.s32 $0x10;
	s15 =	sld [smem:$0x3FC6]  }
0x92: {  	[smem:s5], [sflag:s4] =	dma.local [hbm:s2], $0x1  }
0x93: {  	_ =	swait.eq [sflag:s4], $0x1  }
0x94: {  	[sflag:s4] =	ssyncset.done $0x0  }
0x95: {  	s16 =	sld [smem:$0x10];
	[sflag:s4] =	ssyncadd.s32 $0xFFFFFFFF  }
0x96: {  	s17 =	sld [smem:$0x11];
	(tm) =	ssettm $0x1  }
0x97: {  	s18 =	sld [smem:$0x3FFB];
	_ =	sdelay $0x3  }
0x98: {  	_ =	strace s18  }
0x99: {  	s5 =	sld [smem:$0x3FFC];
	_ =	sdelay $0x3  }
0x9a: {  	_ =	strace s5  }
0x9b: {  	s5 =	sld [smem:$0x3FFD];
	_ =	sdelay $0x3  }
0x9c: {  	_ =	strace s5  }
0x9d: {  	_ =	strace $0x8FFFFFFF  }
0x9e: {  	s19 =	sld [smem:$0x3FDB];
	_ =	sdelay $0x1  }
0x9f: {  	s6 =	simm.s32 $_scs_section_size  }
0xa0: {  	s7 =	simm.s32 $_size__tile_overlayer_lowered;
	s8 =	simm.s32 $_tile_overlayer_lowered  }
0xa1: {  	s22 =	simm.s32 $0x1BFF;
	s21 =	sshll.u32 s8, $0x1;
	s5 =	sadd.s32 s6, s19  }
0xa2: {  	s9 =	simm.s32 $0x0;
	s20 =	sshll.u32 s7, $0x1;
	s7 =	sadd.s32 s21, s5  }
0xa3: {  	[timem:s9], [sflag:s22] =	dma.local [hbm:s7], s20  }
0xa4: {  	_ =	swait.ge [sflag:s22], s20  }
0xa5: {  	s6 =	ssub.s32 $0x0, s20;
	[sflag:s22] =	ssyncset.done $0x0  }
0xa6: {  	[sflag:s22] =	ssyncadd.s32 s6;
	_ =	sdelay $0x1  }
0xa7: {  	s23 =	simm.s32 $0x1B8B  }
0xa8: {  	_ =	swait.ge [sflag:s23], $0x1  }
0xa9: {  	[sflag:s23] =	ssyncset.done $0x0  }
0xaa: {  	s25 =	simm.s32 $0x1B8E;
	s24 =	sld [smem:$0x3FFE];
	[sflag:s23] =	ssyncadd.s32 $0xFFFFFFFF  }
0xab: {  	s26 =	simm.s32 $execute0_lowered;
	[smem:$0x3FD2] =	sst s25  }
0xac: {  	s7 =	sshll.u32 s26, $0x1;
	_ =	strace $0x80000049;
	[dreg:$0x1] =	wrdreg $0xFFFFFFFF  }
0xad: {  	s28 =	simm.s32 $_size_execute0_lowered;
	s5 =	sadd.s32 s5, s7;
	[dreg:$0x0] =	wrdreg $0x0  }
0xae: {  	s7 =	sshll.u32 s28, $0x1;
	[dreg:$0x2] =	wrdreg s5  }
0xaf: {  	[dreg:$0x3] =	wrdreg s7  }
0xb0: {  	[dreg:$0x4] =	wrdreg $0xC0  }
0xb1: {  	_ =	task [dreg:s9], $0x5FFFF  }
0xb2: {  	[dreg:$0x1] =	wrdreg $0xFFFFFFFF  }
0xb3: {  	[dreg:$0x0] =	wrdreg $0x60  }
0xb4: {  	[dreg:$0x2] =	wrdreg s24  }
0xb5: {  	[dreg:$0x3] =	wrdreg s15  }
0xb6: {  	[dreg:$0x4] =	wrdreg s17  }
0xb7: {  	[dreg:$0x5] =	wrdreg s16  }
0xb8: {  	[dreg:$0x6] =	wrdreg $0x9  }
0xb9: {  	_ =	task.clear_ibuf [dreg:s9], $0x7FFFF;
	_ =	strace $0x90000049  }
0xba: {  	s29 =	simm.s32 $0x9;
	_ =	strace $0x8000004B  }
0xbb: {  	_ =	swait.ge [sflag:s29], $0x1  }
0xbc: {  	[sflag:s29] =	ssyncadd.s32 $0xFFFFFFFF  }
0xbd: {  	_ =	strace $0x9000004B  }
0xbe: {  	_ =	sfence  }
0xbf: {  	s30 =	sld [smem:$0x0];
	_ =	sdelay $0x2  }
0xc0: {  	s31 =	sshll.u32 s1, $0xD;
	s1 =	sshrl.u32 s1, $0x2  }
0xc1: {  	s3 =	sand.u32 $0x4000, s31;
	s1 =	sadd.s32 s1, s30  }
0xc2: {  	s0 =	sor.u32 s3, s0;
	s1 =	sshll.u32 s1, $0x11  }
0xc3: {  	s0 =	sor.u32 s1, s0  }
0xc4: {  	s0 =	sadd.s32 $0x8F2B, s0  }
0xc5: {  	[sflag:s0] =	ssyncadd.remote.s32 $0x1  }
0xc6: {  	_ =	sfence.sel $0xFFFF  }
0xc7: {  	[dreg:$0x0] =	wrdreg $0xFFFFFFFF;
	(pc) =	sbr.abs _section_cstart, $3  }
0xc8: {  	[dreg:$0x1] =	wrdreg $0xFFFFFFFF  }
0xc9: {  	_ =	task.clear_ibuf [dreg:s9], $0x2FFFF;
	_ =	strace $0x9FFFFFFF  }
0xca: {  	(tm) =	ssettm $0x7FFFFFFF  }
0xcb: {  	_ =	shalt  }
tec
execute0_lowered:
.L_overlay_start_1:
0x0: {  	(tag) =	ssettag $0x1  }
0x1: {  	s5 =	rddreg [dreg:$0x0]  }
0x2: {  	s7 =	rddreg [dreg:$0x1]  }
0x3: {  	s2 =	rddreg [dreg:$0x2]  }
0x4: {  	s8 =	rddreg [dreg:$0x3]  }
0x5: {  	s0 =	rddreg [dreg:$0x4];
	s4 =	srdreg.scid  }
0x6: {  	s1 =	stileid.u32;
	s3 =	simm.s32 $0x0;
	s14 =	simm.s32 $0x900  }
0x7: {  	s15 =	simm.s32 $0x1;
	s16 =	simm.s32 $0x600;
	s17 =	simm.s32 $0x2  }
0x8: {  	s18 =	simm.s32 $0x800;
	s4 =	sand.u32 $0x1, s4;
	s6 =	sshll.u32 s1, $0x1  }
0x9: {  	s19 =	simm.s32 $0x0;
	[smem:$0x7FF] =	sst s3;
	s6 =	sor.u32 s4, s6  }
0xa: {  	_ =	strace $0x8000004A;
	s10 =	ssub.s32 $0x2, s4;
	s4 =	sadd.s32 $0x800, s5  }
0xb: {  	s9 =	sshll.u32 s6, $0x6;
	s6 =	sshll.u32 s6, $0x1;
	s12 =	sshrl.u32 s10, $0x1  }
0xc: {  	s11 =	sadd.s32 s9, s5;
	s13 =	sadd.s32 s6, s5;
	s10 =	ssub.s32 s10, s12  }
0xd: {  	s7 =	sadd.s32 s7, s9;
	s8 =	sadd.s32 s8, s9;
	s12 =	simm.s32 $0x400  }
0xe: {  	s5 =	sadd.s32 $0x1800, s11;
	s6 =	sadd.s32 $0x2000, s11;
	s9 =	sadd.s32 $0xA00, s13  }
0xf: {  	s10 =	smax.u32 s10, $0x1;
	s11 =	simm.s32 $0x200;
	s13 =	simm.s32 $0x880  }
.LBB2_1:
0x10: {  	[tilespmem:s3], [sflag:$0x1] =	stream.linear.gather [hbm4b:s5+s3], $0x200, $0x38;
	[tilespmem:$0x980] =	vst v63  }
0x11: {  	_ = 	snop  }
0x12: {  	[tilespmem:s11], [sflag:$0x1] =	stream.linear.gather [hbm4b:s6+s3], $0x200, $0x38;
	[tilespmem:$0x980] =	vst v63  }
0x13: {  	_ = 	snop  }
0x14: {  	[tilespmem:s12], [sflag:$0x1] =	stream.linear.gather [hbm4b:s7+s3], $0x200, $0x38;
	[tilespmem:$0x980] =	vst v63  }
0x15: {  	_ = 	snop  }
0x16: {  	[tilespmem:s13], [sflag:$0x1] =	stream.linear.gather [hbm4b:s4+s3], $0x80, $0x38;
	[tilespmem:$0x980] =	vst v63  }
0x17: {  	_ = 	snop  }
0x18: {  	[tilespmem:s14], [sflag:$0x1] =	stream.linear.gather [hbm4b:s2+s3], $0x80, $0x38;
	[tilespmem:$0x980] =	vst v63  }
0x19: {  	_ =	swait.ge [sflag:s15], $0x200  }
0x1a: {  	[sflag:s15] =	ssyncset.done $0x0  }
0x1b: {  	[sflag:s15] =	ssyncadd.s32 $0xFFFFFE00  }
0x1c: {  	_ =	swait.ge [sflag:s15], $0x200  }
0x1d: {  	[sflag:s15] =	ssyncset.done $0x0  }
0x1e: {  	[sflag:s15] =	ssyncadd.s32 $0xFFFFFE00  }
0x1f: {  	_ =	swait.ge [sflag:s15], $0x200  }
0x20: {  	[sflag:s15] =	ssyncset.done $0x0  }
0x21: {  	[sflag:s15] =	ssyncadd.s32 $0xFFFFFE00  }
0x22: {  	_ =	swait.ge [sflag:s15], $0x80  }
0x23: {  	[sflag:s15] =	ssyncset.done $0x0  }
0x24: {  	[sflag:s15] =	ssyncadd.s32 $0xFFFFFF80  }
0x25: {  	_ =	swait.ge [sflag:s15], $0x80  }
0x26: {  	[sflag:s15] =	ssyncset.done $0x0  }
0x27: {  	s26 =	simm.s32 $0x0;
	[sflag:s15] =	ssyncadd.s32 $0xFFFFFF80  }
0x28: {  	v2 =	vld [tilespmem:s26+$0x0]  }
0x29: {  	v3 =	vld [tilespmem:s26+$0x200];
	_ =	sdelay $0x1  }
0x2a: {  	v1 =	vld [tilespmem:$0x880];
	_ =	sdelay $0x1  }
0x2b: {  	v0 =	vld [tilespmem:$0x900]  }
0x2c: {  	v2 =	vadd.f32 v3, v2;
	_ =	sdelay $0x1  }
0x2d: {  	s20 =	simm.s32 $0x10;
	v2 =	vmul.f32 v2, v1  }
0x2e: {  	v4 =	vld [tilespmem:s20+$0x200]  }
0x2f: {  	v3 =	vld [tilespmem:s20+$0x0];
	v2 =	vadd.f32 v2, v0  }
0x30: {  	s21 =	simm.s32 $0x20  }
0x31: {  	v5 =	vld [tilespmem:s21+$0x0];
	v2 =	vsub.f32 $0.0e+00, v2  }
0x32: {  	v6 =	vld [tilespmem:s21+$0x200]  }
0x33: {  	v2 =	vmul.f32 $1.442695020e+00, v2  }
0x34: {  	v3 =	vadd.f32 v4, v3  }
0x35: {  	(erf) = vpow2.f32 v2  }
0x36: {  	v3 =	vmul.f32 v3, v1  }
0x37: {  	v2 =	vadd.f32 v6, v5  }
0x38: {  	s22 =	simm.s32 $0x30;
	v3 =	vadd.f32 v3, v0  }
0x39: {  	v4 =	vld [tilespmem:s22+$0x0];
	v2 =	vmul.f32 v2, v1  }
0x3a: {  	v5 =	vld [tilespmem:s22+$0x200];
	v3 =	vsub.f32 $0.0e+00, v3  }
0x3b: {  	s24 =	simm.s32 $0x40;
	v2 =	vadd.f32 v2, v0  }
0x3c: {  	v7 =	vld [tilespmem:s24+$0x200];
	v3 =	vmul.f32 $1.442695020e+00, v3  }
0x3d: {  	v6 =	vld [tilespmem:s24+$0x0];
	v2 =	vsub.f32 $0.0e+00, v2  }
0x3e: {  	v8 =	vpop (erf);
	(erf) = vpow2.f32 v3  }
0x3f: {  	v2 =	vmul.f32 $1.442695020e+00, v2;
	v3 =	vadd.f32 v5, v4  }
0x40: {  	v4 =	vadd.f32 $1.000000000e+00, v8  }
0x41: {  	(erf) = vpow2.f32 v2;
	v2 =	vmul.f32 v3, v1  }
0x42: {  	(erf) = vrcp.f32 v4;
	v4 =	vadd.f32 v7, v6  }
0x43: {  	v2 =	vadd.f32 v2, v0  }
0x44: {  	s25 =	simm.s32 $0x50;
	v4 =	vmul.f32 v4, v1  }
0x45: {  	v5 =	vld [tilespmem:s25+$0x200];
	v2 =	vsub.f32 $0.0e+00, v2  }
0x46: {  	v3 =	vld [tilespmem:s25+$0x0];
	v4 =	vadd.f32 v4, v0  }
0x47: {  	v2 =	vmul.f32 $1.442695020e+00, v2;
	v6 =	vpop (erf)  }
0x48: {  	v4 =	vsub.f32 $0.0e+00, v4;
	v7 =	vadd.f32 $1.000000000e+00, v6  }
0x49: {  	v8 =	vld [tilespmem:s26+$0x400];
	(erf) = vpow2.f32 v2  }
0x4a: {  	s23 =	simm.s32 $0x60;
	v9 =	vpop (erf);
	v10 =	vmul.f32 $1.442695020e+00, v4;
	(erf) = vrcp.f32 v7  }
0x4b: {  	v3 =	vadd.f32 v5, v3;
	v5 =	vld [tilespmem:s23+$0x0]  }
0x4c: {  	v6 =	vld [tilespmem:s23+$0x200];
	v4 =	vpop (erf);
	(erf) = vpow2.f32 v10  }
0x4d: {  	v3 =	vmul.f32 v3, v1  }
0x4e: {  	v7 =	vadd.f32 $1.000000000e+00, v9;
	[tilespmem:s26+$0x600] =	vst v4;
	v4 =	vsub.f32 v4, v8  }
0x4f: {  	v2 =	vimm.f32 $0.0e+00;
	s26 =	simm.s32 $0x1C0;
	v8 =	vadd.f32 v3, v0;
	v3 =	vld [tilespmem:s20+$0x400]  }
.LBB2_2:
0x50: {  	s28 =	sshra.s32 s26, $0x2;
	(erf) = vrcp.f32 v7;
	v12 =	vmul.f32 v4, v4;
	p0 =	sne.s32 s26, $0x7C0  }
.Ltmp0:
0x51: {  	v7 =	vadd.f32 v6, v5;
	v5 =	vld [tilespmem:s28+$0x0];
	v8 =	vsub.f32 $0.0e+00, v8;
	(pc) =	sbr.rel @p0 .LBB2_2-.Ltmp0, $4  }
0x52: {  	s26 =	sadd.s32 $0x40, s26;
	v6 =	vld [tilespmem:s28+$0x200];
	v9 =	vpop (erf);
	v2 =	vadd.f32 v12, v2  }
0x53: {  	v10 =	vmul.f32 v7, v1;
	v11 =	vmul.f32 $1.442695020e+00, v8;
	v4 =	vpop (erf)  }
0x54: {  	v7 =	vadd.f32 $1.000000000e+00, v9;
	[tilespmem:s20+$0x600] =	vst v4;
	v4 =	vsub.f32 v4, v3;
	s20 =	smov.u32 s21;
	s21 =	smov.u32 s22;
	s22 =	smov.u32 s24  }
0x55: {  	s24 =	smov.u32 s25;
	s25 =	smov.u32 s23;
	s23 =	smov.u32 s28;
	v8 =	vadd.f32 v10, v0;
	(erf) = vpow2.f32 v11;
	v3 =	vld [tilespmem:s20+$0x400]  }
0x56: {  	_ = 	snop  }
0x57: {  	v5 =	vadd.f32 v6, v5;
	v38 =	vsub.f32 $0.0e+00, v8;
	_ =	sdelay $0x1  }
0x58: {  	v1 =	vmul.f32 v5, v1;
	v39 =	vmul.f32 $1.442695020e+00, v38  }
0x59: {  	(erf) = vrcp.f32 v7  }
0x5a: {  	v0 =	vadd.f32 v1, v0;
	(erf) = vpow2.f32 v39;
	_ =	sdelay $0x1  }
0x5b: {  	v40 =	vpop (erf);
	v0 =	vsub.f32 $0.0e+00, v0  }
0x5c: {  	v1 =	vadd.f32 $1.000000000e+00, v40  }
0x5d: {  	v0 =	vmul.f32 $1.442695020e+00, v0  }
0x5e: {  	(erf) = vrcp.f32 v1  }
0x5f: {  	v41 =	vpop (erf);
	(erf) = vpow2.f32 v0  }
0x60: {  	v42 =	vpop (erf)  }
0x61: {  	v43 =	vpop (erf);
	v0 =	vadd.f32 $1.000000000e+00, v42  }
0x62: {  	v44 =	vpop (erf)  }
0x63: {  	(erf) = vrcp.f32 v0;
	v45 =	vadd.f32 $1.000000000e+00, v44;
	_ =	sdelay $0x1  }
0x64: {  	(erf) = vrcp.f32 v45;
	_ =	sdelay $0x1  }
0x65: {  	[tilespmem:s20+$0x600] =	vst v41;
	v46 =	vpop (erf)  }
0x66: {  	v47 =	vld [tilespmem:s21+$0x400];
	v48 =	vpop (erf)  }
0x67: {  	[tilespmem:s21+$0x600] =	vst v43;
	v7 =	vadd.f32 $1.000000000e+00, v48  }
0x68: {  	v49 =	vld [tilespmem:s22+$0x400]  }
0x69: {  	v4 =	vmul.f32 v4, v4;
	v1 =	vsub.f32 v41, v3;
	[tilespmem:s22+$0x600] =	vst v46;
	(erf) = vrcp.f32 v7  }
0x6a: {  	v50 =	vld [tilespmem:s24+$0x400];
	v51 =	vpop (erf)  }
0x6b: {  	v2 =	vadd.f32 v4, v2;
	v1 =	vmul.f32 v1, v1;
	v52 =	vsub.f32 v43, v47;
	[tilespmem:s24+$0x600] =	vst v51  }
0x6c: {  	v53 =	vld [tilespmem:s25+$0x400];
	v54 =	vpop (erf)  }
0x6d: {  	v1 =	vadd.f32 v1, v2;
	v55 =	vmul.f32 v52, v52;
	v0 =	vsub.f32 v46, v49;
	[tilespmem:s25+$0x600] =	vst v54  }
0x6e: {  	v56 =	vld [tilespmem:s23+$0x400]  }
0x6f: {  	v1 =	vadd.f32 v55, v1;
	v0 =	vmul.f32 v0, v0;
	v57 =	vsub.f32 v51, v50;
	_ =	sdelay $0x1  }
0x70: {  	v0 =	vadd.f32 v0, v1;
	v58 =	vmul.f32 v57, v57;
	v59 =	vsub.f32 v54, v53  }
0x71: {  	v60 =	vpop (erf)  }
0x72: {  	v0 =	vadd.f32 v58, v0;
	v61 =	vmul.f32 v59, v59;
	v62 =	vsub.f32 v60, v56;
	_ =	sdelay $0x1  }
0x73: {  	v0 =	vadd.f32 v61, v0;
	v63 =	vmul.f32 v62, v62;
	_ =	sdelay $0x1  }
0x74: {  	v0 =	vadd.f32 v63, v0  }
0x75: {  	[tilespmem:s23+$0x600] =	vst v60  }
0x76: {  	[tilespmem:$0x800] =	vst v0  }
0x77: {  	[hbm4b:s8+s3] =	stream.linear.scatter [tilespmem:s16], [sflag:$0x2], $0x200, $0x38;
	[tilespmem:$0x980] =	vst v63  }
0x78: {  	s19 =	sadd.s32 $0x1, s19;
	_ =	swait.ge [sflag:s17], $0x200  }
0x79: {  	p0 =	sne.s32 s19, s10;
	[sflag:s17] =	ssyncset.done $0x0  }
.Ltmp1:
0x7a: {  	[sflag:s17] =	ssyncadd.s32 $0xFFFFFE00;
	(pc) =	sbr.rel @p0 .LBB2_1-.Ltmp1, $4  }
0x7b: {  	[hbm4b:s9+s3] =	stream.linear.scatter [tilespmem:s18], [sflag:$0x2], $0x10, $0x38;
	[tilespmem:$0x980] =	vst v63  }
0x7c: {  	_ =	swait.ge [sflag:s17], $0x10  }
0x7d: {  	[sflag:s17] =	ssyncset.done $0x0  }
0x7e: {  	[sflag:s17] =	ssyncadd.s32 $0xFFFFFFF0  }
0x7f: {  	_ =	sfence.sel $0x180000  }
0x80: {  	[bflag:$0x0] =	sbarrier.arrive $0xFFFF  }
0x81: {  	p0 =	sne.s32 s1, $0x0;
	_ =	strace $0x9000004A  }
0x82: {  	s0 =	sadd.s32 @!p0 $0x100000, s0;
	[bflag:$0x2] =	sbarrier.arrive $0xFFFF  }
0x83: {  	[sflag:s0] =	ssyncadd.tile.s32 @!p0 $0x1;
	_ =	shalt  }
.Lfunc_end2:
_tile_overlayer_lowered:
.L_overlay_start_2:
0x84: {  	(tag) =	ssettag $0x2  }
0x85: {  	s0 =	rddreg [dreg:$0x0];
	s2 =	stileid.u32  }
0x86: {  	s1 =	rddreg [dreg:$0x1];
	p0 =	sne.s32 s2, $0x0  }
0x87: {  	s3 =	rddreg [dreg:$0x2];
	[bflag:$0x3] =	sbarrier.arrive $0xFFFF;
	s2 =	simm.s32 @!p0 $0x1C02  }
0x88: {  	[timem:s3], [sflag:s2] =	dma.local @!p0 [hbm:s0], s1  }
0x89: {  	s0 =	simm.s32 @!p0 $0x2  }
0x8a: {  	_ =	swait.ge @!p0 [sflag:s0], s1  }
0x8b: {  	s1 =	ssub.s32 @!p0 $0x0, s1;
	[sflag:s0] =	ssyncset.done @!p0 $0x0  }
0x8c: {  	[sflag:s0] =	ssyncadd.s32 @!p0 s1  }
0x8d: {  	[bflag:$0x3] =	sbarrier.arrive $0xFFFF  }
0x8e: {  	_ =	shalt  }

</sc_bundles>
